<compile_context>
chip_gen: v7x
topology: tpu7x:2x2x1
jax: 0.10.2.dev20260603
libtpu: 0.0.44.dev20260713+nightly
codegen_flags: <defaults>
</compile_context>

<pallas_src>
import jax
import jax.numpy as jnp
from jax.experimental import pallas as pl
from jax.experimental.pallas import tpu as pltpu
from jax.experimental.pallas import tpu_sc as plsc

_CHUNK = 128


def _chunk_sel_kernel(adj_ref, x_ref, w_ref, table_ref, cidx_ref, scol_ref,
                      xw_ref, *, n_total, k_top, rn):
    xv = x_ref[...].astype(jnp.bfloat16)
    wv = w_ref[...]
    n_batch = xv.shape[0]
    for k in range(k_top):
        for b in range(n_batch):
            xw_ref[k * n_batch + b] = jnp.dot(
                xv[b], wv[k], preferred_element_type=jnp.float32)

    a = adj_ref[...]
    n_chunks = a.shape[1] // _CHUNK
    cm = []
    for s in range(n_chunks):
        sl = a[:, s * _CHUNK:(s + 1) * _CHUNK]
        table_ref[s] = sl
        cm.append(jnp.max(sl, axis=1))
    M = jnp.stack(cm, axis=1)
    col = jax.lax.broadcasted_iota(jnp.int32, M.shape, 1)
    row = pl.program_id(0) * rn + jax.lax.broadcasted_iota(
        jnp.int32, (a.shape[0],), 0)
    for j in range(k_top):
        m = jnp.max(M, axis=1, keepdims=True)
        hit = M == m
        s = jnp.min(jnp.where(hit, col, n_chunks), axis=1)
        cidx_ref[j, :] = s * n_total + row
        scol_ref[j, :] = s * _CHUNK
        M = jnp.where(col == s[:, None], -jnp.inf, M)


def _cand_topk_kernel(cand_ref, scol_ref, gidx_ref, *, n_total, k_top,
                      n_batch):
    v = cand_ref[...]
    scol = scol_ref[...]
    colmap = scol[:, :, None] + jax.lax.broadcasted_iota(
        jnp.int32, v.shape, 2)
    for k in range(k_top):
        m = jnp.max(jnp.max(v, axis=0), axis=1)
        hit = v == m[None, :, None]
        idx = jnp.min(jnp.min(jnp.where(hit, colmap, n_total), axis=0),
                      axis=1)
        for b in range(n_batch):
            gidx_ref[b, k, :] = idx + (k * n_batch + b) * n_total
        v = jnp.where(colmap == idx[None, :, None], -jnp.inf, v)


def _combine_kernel(xg_ref, bs_ref, y_ref, *, k_top):
    bsv = bs_ref[...]
    acc = bsv[:, 0:1] * xg_ref[0, 0, :, :]
    for k in range(1, k_top):
        acc = acc + bsv[:, k:k + 1] * xg_ref[0, k, :, :]
    y_ref[0] = acc


def _sc_gather(table, idx, cout, window):
    num_idx = 1
    for d in idx.shape:
        num_idx *= d
    nw = idx.shape[-1] // window
    if idx.ndim == 2:
        idx_spec = pl.BlockSpec((1, window), lambda i: (i // nw, i % nw))
    else:
        mid = idx.shape[1]
        idx_spec = pl.BlockSpec(
            (1, 1, window),
            lambda i: (i // (mid * nw), (i // nw) % mid, i % nw))
    mesh = plsc.VectorSubcoreMesh(core_axis_name="core",
                                  subcore_axis_name="subcore")

    @pl.kernel(out_type=jax.ShapeDtypeStruct((num_idx, cout), table.dtype),
               mesh=mesh)
    def gather_kernel(t_hbm, i_hbm, o_hbm):
        def body(i_vmem, o_vmem):
            iv = i_vmem.at[0] if i_vmem.ndim == 2 else i_vmem.at[0, 0]
            pltpu.sync_copy(t_hbm.at[iv], o_vmem)

        pltpu.emit_pipeline(
            body,
            grid=(num_idx // window,),
            in_specs=[idx_spec],
            out_specs=[pl.BlockSpec((window, cout), lambda i: (i, 0))],
            core_axis_name=("core", "subcore"),
            dimension_semantics=(pltpu.PARALLEL,),
        )(i_hbm, o_hbm)

    return gather_kernel(table, idx)


def kernel(x, adj, bs, ws):
    B, N, CIN = x.shape
    K = bs.shape[1]
    COUT = ws.shape[2]
    NCH = N // _CHUNK

    RN1 = 256
    ws16 = ws.astype(jnp.bfloat16)
    table, cidx, scol, xw = pl.pallas_call(
        lambda a_ref, x_ref, w_ref, t_ref, c_ref, s_ref, o_ref:
        _chunk_sel_kernel(
            a_ref, x_ref, w_ref, t_ref, c_ref, s_ref, o_ref,
            n_total=N, k_top=K, rn=RN1),
        grid=(N // RN1,),
        in_specs=[
            pl.BlockSpec((RN1, N), lambda i: (i, 0)),
            pl.BlockSpec((B, RN1, CIN), lambda i: (0, i, 0)),
            pl.BlockSpec((K, CIN, COUT), lambda i: (0, 0, 0)),
        ],
        out_specs=[
            pl.BlockSpec((NCH, RN1, _CHUNK), lambda i: (0, i, 0)),
            pl.BlockSpec((K, RN1), lambda i: (0, i)),
            pl.BlockSpec((K, RN1), lambda i: (0, i)),
            pl.BlockSpec((K * B, RN1, COUT), lambda i: (0, i, 0)),
        ],
        out_shape=[
            jax.ShapeDtypeStruct((NCH, N, _CHUNK), jnp.float32),
            jax.ShapeDtypeStruct((K, N), jnp.int32),
            jax.ShapeDtypeStruct((K, N), jnp.int32),
            jax.ShapeDtypeStruct((K * B, N, COUT), jnp.float32),
        ],
    )(adj, x, ws16)
    xw = xw.reshape(K * B * N, COUT)

    cand = _sc_gather(table.reshape(NCH * N, _CHUNK), cidx, _CHUNK,
                      window=128)
    cand = cand.reshape(K, N, _CHUNK)

    RN3 = 256
    gidx = pl.pallas_call(
        lambda c_ref, s_ref, g_ref: _cand_topk_kernel(
            c_ref, s_ref, g_ref, n_total=N, k_top=K, n_batch=B),
        grid=(N // RN3,),
        in_specs=[
            pl.BlockSpec((K, RN3, _CHUNK), lambda i: (0, i, 0)),
            pl.BlockSpec((K, RN3), lambda i: (0, i)),
        ],
        out_specs=pl.BlockSpec((B, K, RN3), lambda i: (0, 0, i)),
        out_shape=jax.ShapeDtypeStruct((B, K, N), jnp.int32),
    )(cand, scol)

    xg = _sc_gather(xw, gidx, COUT, window=128)
    xg = xg.reshape(B, K, N, COUT)

    RN_D = 256
    y = pl.pallas_call(
        lambda xg_ref, bs_ref, y_ref: _combine_kernel(
            xg_ref, bs_ref, y_ref, k_top=K),
        grid=(B, N // RN_D),
        in_specs=[
            pl.BlockSpec((1, K, RN_D, COUT), lambda b, nb: (b, 0, nb, 0)),
            pl.BlockSpec((RN_D, K), lambda b, nb: (nb, 0)),
        ],
        out_specs=pl.BlockSpec((1, RN_D, COUT), lambda b, nb: (b, nb, 0)),
        out_shape=jax.ShapeDtypeStruct((B, N, COUT), jnp.float32),
    )(xg, bs)
    return y

# --- scband reference (transcript-rebuilt; emitter-appended) ---
"""Pipeline reference for scband-local-slc-78872779423841 (READ-ONLY COPY).

The authoritative reference and input builder live on the scoring server;
editing this copy changes nothing except your own understanding.
"""

import jax, jax.numpy as jnp
import numpy as np
import math

B, N, CIN, COUT, K = 2, 4096, 256, 256, 8

def generate_knn_ids(adj, k):
    # top-k neighbors per node based on adjacency weights
    _, ids = jax.lax.top_k(adj, k)
    return ids  # [N, k]

def setup_inputs(seed: int = 0) -> dict:
    key = jax.random.key(seed)
    k1, k2, k3, k4 = jax.random.split(key, 4)
    x = jax.random.normal(k1, (B, N, CIN), dtype=jnp.float32)
    adj = jax.random.uniform(k2, (N, N), dtype=jnp.float32)
    # parameters, matching reset_parameters: uniform(-stdv, stdv), stdv = 0.1/sqrt(size(1))
    stdv_bs = 0.1 / math.sqrt(K)
    bs = jax.random.uniform(k3, (N, K), dtype=jnp.float32, minval=-stdv_bs, maxval=stdv_bs)
    stdv_ws = 0.1 / math.sqrt(CIN)
    ws = jax.random.uniform(k4, (K, CIN, COUT), dtype=jnp.float32, minval=-stdv_ws, maxval=stdv_ws)
    return {"x": x, "adj": adj, "bs": bs, "ws": ws}

def reference(x, adj, bs, ws):
    knn_ids = generate_knn_ids(adj, K)            # [N, K] int indices
    xg = x[:, knn_ids, :]                          # gather -> [B, N, K, CIN]
    y = jnp.einsum('nk,kio,bnki->bno', bs, ws, xg)  # [B, N, COUT]
    # act_func is None -> identity
    return y

if __name__ == "__main__":
    import jax
    _d = setup_inputs()
    print(jax.jit(kernel)(*tuple(_d.values())))

</pallas_src>

<mosaic_0001>
#map = affine_map<(d0, d1) -> (0, 0)>
#map1 = affine_map<(d0, d1) -> (0, 0, 0)>
module attributes {stable_mosaic.version = 14 : i64} {
  func.func @gather_kernel(%arg0: i32, %arg1: i32, %arg2: memref<65536x256xf32, #tpu.memory_space<hbm>>, %arg3: memref<2x8x4096xi32, #tpu.memory_space<hbm>>, %arg4: memref<65536x256xf32, #tpu.memory_space<hbm>>) attributes {dimension_semantics = [#tpu.dimension_semantics<core_parallel>, #tpu.dimension_semantics<subcore_parallel>], iteration_bounds = array<i64: 2, 16>, scalar_prefetch = 0 : i64, scratch_operands = 0 : i64, tpu.core_type = #tpu.core_type<sc_vector_subcore>, window_params = [{transform_indices = #map}, {transform_indices = #map1}, {transform_indices = #map}]} {
    %mul3A = arith.constant 1 : i32
    %mul3A_0 = arith.muli %arg1, %mul3A : i32
    %add3A = arith.constant 0 : i32
    %add3A_1 = arith.addi %add3A, %mul3A_0 : i32
    %mul3A_2 = arith.constant 16 : i32
    %mul3A_3 = arith.muli %arg0, %mul3A_2 : i32
    %add3A_4 = arith.addi %add3A_1, %mul3A_3 : i32
    %mul3A_5 = arith.constant 16 : i32
    %mul3A_6 = arith.muli %add3A_4, %mul3A_5 : i32
    "tpu.region"() ({
      %run_scoped3A = memref.alloca() : memref<2x1x1x128xi32, #tpu.memory_space<vmem>>
      %run_scoped3A_7 = tpu.sem_alloc : memref<2x!tpu.dma_semaphore, #tpu.memory_space<semaphore_mem>>
      %run_scoped3A_8 = memref.alloca() : memref<2x128x256xf32, #tpu.memory_space<vmem>>
      %run_scoped3A_9 = tpu.sem_alloc : memref<2x!tpu.dma_semaphore, #tpu.memory_space<semaphore_mem>>
      %add3A_10 = arith.constant 0 : i32
      %add3A_11 = arith.addi %add3A_10, %mul3A_6 : i32
      %select_n3A = arith.constant true
      %select_n3A_12 = arith.constant 0 : i32
      %select_n3A_13 = arith.constant -1 : i32
      %select_n3A_14 = arith.select %select_n3A, %select_n3A_13, %select_n3A_12 : i32
      %eq3A = arith.constant -1 : i32
      %eq3A_15 = arith.cmpi eq, %select_n3A_14, %eq3A : i32
      %select_n3A_16 = arith.constant 15 : i32
      %select_n3A_17 = arith.select %eq3A_15, %select_n3A_16, %select_n3A_14 : i32
      %add3A_18 = arith.addi %select_n3A_17, %mul3A_6 : i32
      %select_n3A_19 = arith.constant true
      %select_n3A_20 = arith.constant 0 : i32
      %select_n3A_21 = arith.constant 1 : i32
      %select_n3A_22 = arith.select %select_n3A_19, %select_n3A_21, %select_n3A_20 : i32
      %eq3A_23 = arith.constant 16 : i32
      %eq3A_24 = arith.cmpi eq, %select_n3A_22, %eq3A_23 : i32
      %select_n3A_25 = arith.constant 0 : i32
      %select_n3A_26 = arith.select %eq3A_24, %select_n3A_25, %select_n3A_22 : i32
      %add3A_27 = arith.addi %select_n3A_26, %mul3A_6 : i32
      %add3A_28 = arith.constant 1 : i32
      %add3A_29 = arith.addi %select_n3A_26, %add3A_28 : i32
      %select_n3A_30 = arith.constant true
      %select_n3A_31 = arith.select %select_n3A_30, %add3A_29, %select_n3A_26 : i32
      %eq3A_32 = arith.constant 16 : i32
      %eq3A_33 = arith.cmpi eq, %select_n3A_31, %eq3A_32 : i32
      %select_n3A_34 = arith.constant 0 : i32
      %select_n3A_35 = arith.select %eq3A_33, %select_n3A_34, %select_n3A_31 : i32
      %add3A_36 = arith.addi %select_n3A_35, %mul3A_6 : i32
      "tpu.trace_start"() <{level = 10 : i32, message = "ep_initialize_0"}> : () -> ()
      %rem3A = arith.constant 0 : i32
      %rem3A_37 = arith.constant 2 : i32
      %rem3A_38 = arith.remui %rem3A, %rem3A_37 : i32
      %jit3A = arith.constant 256 : i32
      %div3A = arith.divsi %add3A_11, %jit3A : i32
      %sign3A = arith.constant 0 : i32
      %sign3A_39 = arith.cmpi sgt, %add3A_11, %sign3A : i32
      %sign3A_40 = arith.extui %sign3A_39 : i1 to i32
      %sign3A_41 = arith.constant 0 : i32
      %sign3A_42 = arith.cmpi slt, %add3A_11, %sign3A_41 : i32
      %sign3A_43 = arith.extui %sign3A_42 : i1 to i32
      %sign3A_44 = arith.subi %sign3A_40, %sign3A_43 : i32
      %sign3A_45 = arith.constant 0 : i32
      %sign3A_46 = arith.cmpi sgt, %jit3A, %sign3A_45 : i32
      %sign3A_47 = arith.extui %sign3A_46 : i1 to i32
      %sign3A_48 = arith.constant 0 : i32
      %sign3A_49 = arith.cmpi slt, %jit3A, %sign3A_48 : i32
      %sign3A_50 = arith.extui %sign3A_49 : i1 to i32
      %sign3A_51 = arith.subi %sign3A_47, %sign3A_50 : i32
      %ne3A = arith.cmpi ne, %sign3A_44, %sign3A_51 : i32
      %rem3A_52 = arith.remsi %add3A_11, %jit3A : i32
      %ne3A_53 = arith.constant 0 : i32
      %ne3A_54 = arith.cmpi ne, %rem3A_52, %ne3A_53 : i32
      %and3A = arith.andi %ne3A, %ne3A_54 : i1
      %sub3A = arith.constant 1 : i32
      %sub3A_55 = arith.subi %div3A, %sub3A : i32
      %select_n3A_56 = arith.select %and3A, %sub3A_55, %div3A : i32
      %jit3A_57 = arith.constant 32 : i32
      %div3A_58 = arith.divsi %add3A_11, %jit3A_57 : i32
      %sign3A_59 = arith.constant 0 : i32
      %sign3A_60 = arith.cmpi sgt, %add3A_11, %sign3A_59 : i32
      %sign3A_61 = arith.extui %sign3A_60 : i1 to i32
      %sign3A_62 = arith.constant 0 : i32
      %sign3A_63 = arith.cmpi slt, %add3A_11, %sign3A_62 : i32
      %sign3A_64 = arith.extui %sign3A_63 : i1 to i32
      %sign3A_65 = arith.subi %sign3A_61, %sign3A_64 : i32
      %sign3A_66 = arith.constant 0 : i32
      %sign3A_67 = arith.cmpi sgt, %jit3A_57, %sign3A_66 : i32
      %sign3A_68 = arith.extui %sign3A_67 : i1 to i32
      %sign3A_69 = arith.constant 0 : i32
      %sign3A_70 = arith.cmpi slt, %jit3A_57, %sign3A_69 : i32
      %sign3A_71 = arith.extui %sign3A_70 : i1 to i32
      %sign3A_72 = arith.subi %sign3A_68, %sign3A_71 : i32
      %ne3A_73 = arith.cmpi ne, %sign3A_65, %sign3A_72 : i32
      %rem3A_74 = arith.remsi %add3A_11, %jit3A_57 : i32
      %ne3A_75 = arith.constant 0 : i32
      %ne3A_76 = arith.cmpi ne, %rem3A_74, %ne3A_75 : i32
      %and3A_77 = arith.andi %ne3A_73, %ne3A_76 : i1
      %sub3A_78 = arith.constant 1 : i32
      %sub3A_79 = arith.subi %div3A_58, %sub3A_78 : i32
      %select_n3A_80 = arith.select %and3A_77, %sub3A_79, %div3A_58 : i32
      %jit3A_81 = arith.constant 8 : i32
      %eq3A_82 = arith.constant 0 : i32
      %eq3A_83 = arith.cmpi eq, %jit3A_81, %eq3A_82 : i32
      %jit3A_84 = arith.constant 1 : i32
      %select_n3A_85 = arith.select %eq3A_83, %jit3A_84, %jit3A_81 : i32
      %rem3A_86 = arith.remsi %select_n3A_80, %select_n3A_85 : i32
      %ne3A_87 = arith.constant 0 : i32
      %ne3A_88 = arith.cmpi ne, %rem3A_86, %ne3A_87 : i32
      %lt3A = arith.constant 0 : i32
      %lt3A_89 = arith.cmpi slt, %rem3A_86, %lt3A : i32
      %lt3A_90 = arith.constant 0 : i32
      %lt3A_91 = arith.cmpi slt, %select_n3A_85, %lt3A_90 : i32
      %ne3A_92 = arith.xori %lt3A_89, %lt3A_91 : i1
      %and3A_93 = arith.andi %ne3A_92, %ne3A_88 : i1
      %add3A_94 = arith.addi %rem3A_86, %select_n3A_85 : i32
      %select_n3A_95 = arith.select %and3A_93, %add3A_94, %rem3A_86 : i32
      %jit3A_96 = arith.constant 32 : i32
      %eq3A_97 = arith.constant 0 : i32
      %eq3A_98 = arith.cmpi eq, %jit3A_96, %eq3A_97 : i32
      %jit3A_99 = arith.constant 1 : i32
      %select_n3A_100 = arith.select %eq3A_98, %jit3A_99, %jit3A_96 : i32
      %rem3A_101 = arith.remsi %add3A_11, %select_n3A_100 : i32
      %ne3A_102 = arith.constant 0 : i32
      %ne3A_103 = arith.cmpi ne, %rem3A_101, %ne3A_102 : i32
      %lt3A_104 = arith.constant 0 : i32
      %lt3A_105 = arith.cmpi slt, %rem3A_101, %lt3A_104 : i32
      %lt3A_106 = arith.constant 0 : i32
      %lt3A_107 = arith.cmpi slt, %select_n3A_100, %lt3A_106 : i32
      %ne3A_108 = arith.xori %lt3A_105, %lt3A_107 : i1
      %and3A_109 = arith.andi %ne3A_108, %ne3A_103 : i1
      %add3A_110 = arith.addi %rem3A_101, %select_n3A_100 : i32
      %select_n3A_111 = arith.select %and3A_109, %add3A_110, %rem3A_101 : i32
      %mul3A_112 = arith.constant 1 : i32
      %mul3A_113 = arith.muli %mul3A_112, %select_n3A_56 : i32
      %mul3A_114 = arith.constant 1 : i32
      %mul3A_115 = arith.muli %mul3A_114, %select_n3A_95 : i32
      %mul3A_116 = arith.constant 128 : i32
      %mul3A_117 = arith.muli %mul3A_116, %select_n3A_111 : i32
      %dma_start3A = arith.constant 0 : i32
      %dma_start3A_118 = arith.constant 0 : i32
      %dma_start3A_119 = arith.constant 0 : i32
      %dma_start3A_120 = tpu.memref_slice %run_scoped3A[%rem3A_38, %dma_start3A, %dma_start3A_118, %dma_start3A_119] : memref<2x1x1x128xi32, #tpu.memory_space<vmem>> -> memref<1x1x1x128xi32, #tpu.memory_space<vmem>>
      %dma_start3A_121 = tpu.memref_squeeze %dma_start3A_120 : memref<1x1x1x128xi32, #tpu.memory_space<vmem>> -> memref<1x1x128xi32, #tpu.memory_space<vmem>>
      %dma_start3A_122 = tpu.memref_slice %arg3[%mul3A_113, %mul3A_115, %mul3A_117] : memref<2x8x4096xi32, #tpu.memory_space<hbm>> -> memref<1x1x128xi32, #tpu.memory_space<hbm>>
      %dma_start3A_123 = tpu.memref_slice %run_scoped3A_7[%rem3A_38] : memref<2x!tpu.dma_semaphore, #tpu.memory_space<semaphore_mem>> -> memref<1x!tpu.dma_semaphore, #tpu.memory_space<semaphore_mem>>
      %dma_start3A_124 = tpu.memref_squeeze %dma_start3A_123 : memref<1x!tpu.dma_semaphore, #tpu.memory_space<semaphore_mem>> -> memref<!tpu.dma_semaphore, #tpu.memory_space<semaphore_mem>>
      %dma_start3A_125 = arith.constant 0 : i32
      %dma_start3A_126 = arith.constant 0 : i32
      %dma_start3A_127 = arith.constant 0 : i32
      %dma_start3A_128 = tpu.memref_slice %run_scoped3A[%rem3A_38, %dma_start3A_125, %dma_start3A_126, %dma_start3A_127] : memref<2x1x1x128xi32, #tpu.memory_space<vmem>> -> memref<1x1x1x128xi32, #tpu.memory_space<vmem>>
      %dma_start3A_129 = tpu.memref_squeeze %dma_start3A_128 : memref<1x1x1x128xi32, #tpu.memory_space<vmem>> -> memref<1x1x128xi32, #tpu.memory_space<vmem>>
      %dma_start3A_130 = tpu.memref_slice %arg3[%mul3A_113, %mul3A_115, %mul3A_117] : memref<2x8x4096xi32, #tpu.memory_space<hbm>> -> memref<1x1x128xi32, #tpu.memory_space<hbm>>
      tpu.enqueue_dma source(%dma_start3A_130 : memref<1x1x128xi32, #tpu.memory_space<hbm>>) target(%dma_start3A_129 : memref<1x1x128xi32, #tpu.memory_space<vmem>>) target_semaphore(%dma_start3A_124 : memref<!tpu.dma_semaphore, #tpu.memory_space<semaphore_mem>>)
      %add3A_131 = arith.constant 0 : i32
      %add3A_132 = arith.constant 1 : i32
      %add3A_133 = arith.addi %add3A_131, %add3A_132 : i32
      %select_n3A_134 = arith.constant true
      %select_n3A_135 = arith.constant 0 : i32
      %select_n3A_136 = arith.select %select_n3A_134, %add3A_133, %select_n3A_135 : i32
      "tpu.trace_stop"() : () -> ()
      %scan3A = arith.constant 0 : i32
      %scan3A_137 = arith.constant 0 : i32
      %scan3A_138 = arith.constant 0 : i32
      %scan3A_139 = arith.constant 0 : i32
      %scan3A_140 = arith.constant 0 : i32
      %scan3A_141 = arith.constant 16 : i32
      %scan3A_142 = arith.addi %scan3A_140, %scan3A_141 : i32
      %scan3A_143 = arith.constant 1 : i32
      %scan3A_144:5 = scf.for %scan3A_199 = %scan3A_140 to %scan3A_142 step %scan3A_143 iter_args(%scan3A_200 = %select_n3A_136, %scan3A_201 = %scan3A, %scan3A_202 = %scan3A_137, %scan3A_203 = %scan3A_138, %scan3A_204 = %scan3A_139) -> (i32, i32, i32, i32, i32)  : i32 {
        %eq3A_205 = arith.constant 0 : i32
        %eq3A_206 = arith.cmpi eq, %scan3A_199, %eq3A_205 : i32
        %eq3A_207 = arith.constant 15 : i32
        %eq3A_208 = arith.cmpi eq, %scan3A_199, %eq3A_207 : i32
        %add3A_209 = arith.addi %scan3A_204, %mul3A_6 : i32
        %sub3A_210 = arith.constant 1 : i32
        %sub3A_211 = arith.subi %scan3A_204, %sub3A_210 : i32
        %select_n3A_212 = arith.constant true
        %select_n3A_213 = arith.select %select_n3A_212, %sub3A_211, %scan3A_204 : i32
        %eq3A_214 = arith.constant -1 : i32
        %eq3A_215 = arith.cmpi eq, %select_n3A_213, %eq3A_214 : i32
        %select_n3A_216 = arith.constant 15 : i32
        %select_n3A_217 = arith.select %eq3A_215, %select_n3A_216, %select_n3A_213 : i32
        %add3A_218 = arith.addi %select_n3A_217, %mul3A_6 : i32
        %add3A_219 = arith.constant 1 : i32
        %add3A_220 = arith.addi %scan3A_204, %add3A_219 : i32
        %select_n3A_221 = arith.constant true
        %select_n3A_222 = arith.select %select_n3A_221, %add3A_220, %scan3A_204 : i32
        %eq3A_223 = arith.constant 16 : i32
        %eq3A_224 = arith.cmpi eq, %select_n3A_222, %eq3A_223 : i32
        %select_n3A_225 = arith.constant 0 : i32
        %select_n3A_226 = arith.select %eq3A_224, %select_n3A_225, %select_n3A_222 : i32
        %add3A_227 = arith.addi %select_n3A_226, %mul3A_6 : i32
        %add3A_228 = arith.constant 1 : i32
        %add3A_229 = arith.addi %select_n3A_226, %add3A_228 : i32
        %select_n3A_230 = arith.constant true
        %select_n3A_231 = arith.select %select_n3A_230, %add3A_229, %select_n3A_226 : i32
        %eq3A_232 = arith.constant 16 : i32
        %eq3A_233 = arith.cmpi eq, %select_n3A_231, %eq3A_232 : i32
        %select_n3A_234 = arith.constant 0 : i32
        %select_n3A_235 = arith.select %eq3A_233, %select_n3A_234, %select_n3A_231 : i32
        %add3A_236 = arith.addi %select_n3A_235, %mul3A_6 : i32
        %jit3A_237 = arith.constant 256 : i32
        %div3A_238 = arith.divsi %add3A_209, %jit3A_237 : i32
        %sign3A_239 = arith.constant 0 : i32
        %sign3A_240 = arith.cmpi sgt, %add3A_209, %sign3A_239 : i32
        %sign3A_241 = arith.extui %sign3A_240 : i1 to i32
        %sign3A_242 = arith.constant 0 : i32
        %sign3A_243 = arith.cmpi slt, %add3A_209, %sign3A_242 : i32
        %sign3A_244 = arith.extui %sign3A_243 : i1 to i32
        %sign3A_245 = arith.subi %sign3A_241, %sign3A_244 : i32
        %sign3A_246 = arith.constant 0 : i32
        %sign3A_247 = arith.cmpi sgt, %jit3A_237, %sign3A_246 : i32
        %sign3A_248 = arith.extui %sign3A_247 : i1 to i32
        %sign3A_249 = arith.constant 0 : i32
        %sign3A_250 = arith.cmpi slt, %jit3A_237, %sign3A_249 : i32
        %sign3A_251 = arith.extui %sign3A_250 : i1 to i32
        %sign3A_252 = arith.subi %sign3A_248, %sign3A_251 : i32
        %ne3A_253 = arith.cmpi ne, %sign3A_245, %sign3A_252 : i32
        %rem3A_254 = arith.remsi %add3A_209, %jit3A_237 : i32
        %ne3A_255 = arith.constant 0 : i32
        %ne3A_256 = arith.cmpi ne, %rem3A_254, %ne3A_255 : i32
        %and3A_257 = arith.andi %ne3A_253, %ne3A_256 : i1
        %sub3A_258 = arith.constant 1 : i32
        %sub3A_259 = arith.subi %div3A_238, %sub3A_258 : i32
        %select_n3A_260 = arith.select %and3A_257, %sub3A_259, %div3A_238 : i32
        %jit3A_261 = arith.constant 32 : i32
        %div3A_262 = arith.divsi %add3A_209, %jit3A_261 : i32
        %sign3A_263 = arith.constant 0 : i32
        %sign3A_264 = arith.cmpi sgt, %add3A_209, %sign3A_263 : i32
        %sign3A_265 = arith.extui %sign3A_264 : i1 to i32
        %sign3A_266 = arith.constant 0 : i32
        %sign3A_267 = arith.cmpi slt, %add3A_209, %sign3A_266 : i32
        %sign3A_268 = arith.extui %sign3A_267 : i1 to i32
        %sign3A_269 = arith.subi %sign3A_265, %sign3A_268 : i32
        %sign3A_270 = arith.constant 0 : i32
        %sign3A_271 = arith.cmpi sgt, %jit3A_261, %sign3A_270 : i32
        %sign3A_272 = arith.extui %sign3A_271 : i1 to i32
        %sign3A_273 = arith.constant 0 : i32
        %sign3A_274 = arith.cmpi slt, %jit3A_261, %sign3A_273 : i32
        %sign3A_275 = arith.extui %sign3A_274 : i1 to i32
        %sign3A_276 = arith.subi %sign3A_272, %sign3A_275 : i32
        %ne3A_277 = arith.cmpi ne, %sign3A_269, %sign3A_276 : i32
        %rem3A_278 = arith.remsi %add3A_209, %jit3A_261 : i32
        %ne3A_279 = arith.constant 0 : i32
        %ne3A_280 = arith.cmpi ne, %rem3A_278, %ne3A_279 : i32
        %and3A_281 = arith.andi %ne3A_277, %ne3A_280 : i1
        %sub3A_282 = arith.constant 1 : i32
        %sub3A_283 = arith.subi %div3A_262, %sub3A_282 : i32
        %select_n3A_284 = arith.select %and3A_281, %sub3A_283, %div3A_262 : i32
        %jit3A_285 = arith.constant 8 : i32
        %eq3A_286 = arith.constant 0 : i32
        %eq3A_287 = arith.cmpi eq, %jit3A_285, %eq3A_286 : i32
        %jit3A_288 = arith.constant 1 : i32
        %select_n3A_289 = arith.select %eq3A_287, %jit3A_288, %jit3A_285 : i32
        %rem3A_290 = arith.remsi %select_n3A_284, %select_n3A_289 : i32
        %ne3A_291 = arith.constant 0 : i32
        %ne3A_292 = arith.cmpi ne, %rem3A_290, %ne3A_291 : i32
        %lt3A_293 = arith.constant 0 : i32
        %lt3A_294 = arith.cmpi slt, %rem3A_290, %lt3A_293 : i32
        %lt3A_295 = arith.constant 0 : i32
        %lt3A_296 = arith.cmpi slt, %select_n3A_289, %lt3A_295 : i32
        %ne3A_297 = arith.xori %lt3A_294, %lt3A_296 : i1
        %and3A_298 = arith.andi %ne3A_297, %ne3A_292 : i1
        %add3A_299 = arith.addi %rem3A_290, %select_n3A_289 : i32
        %select_n3A_300 = arith.select %and3A_298, %add3A_299, %rem3A_290 : i32
        %jit3A_301 = arith.constant 32 : i32
        %eq3A_302 = arith.constant 0 : i32
        %eq3A_303 = arith.cmpi eq, %jit3A_301, %eq3A_302 : i32
        %jit3A_304 = arith.constant 1 : i32
        %select_n3A_305 = arith.select %eq3A_303, %jit3A_304, %jit3A_301 : i32
        %rem3A_306 = arith.remsi %add3A_209, %select_n3A_305 : i32
        %ne3A_307 = arith.constant 0 : i32
        %ne3A_308 = arith.cmpi ne, %rem3A_306, %ne3A_307 : i32
        %lt3A_309 = arith.constant 0 : i32
        %lt3A_310 = arith.cmpi slt, %rem3A_306, %lt3A_309 : i32
        %lt3A_311 = arith.constant 0 : i32
        %lt3A_312 = arith.cmpi slt, %select_n3A_305, %lt3A_311 : i32
        %ne3A_313 = arith.xori %lt3A_310, %lt3A_312 : i1
        %and3A_314 = arith.andi %ne3A_313, %ne3A_308 : i1
        %add3A_315 = arith.addi %rem3A_306, %select_n3A_305 : i32
        %select_n3A_316 = arith.select %and3A_314, %add3A_315, %rem3A_306 : i32
        %jit3A_317 = arith.constant 256 : i32
        %div3A_318 = arith.divsi %add3A_227, %jit3A_317 : i32
        %sign3A_319 = arith.constant 0 : i32
        %sign3A_320 = arith.cmpi sgt, %add3A_227, %sign3A_319 : i32
        %sign3A_321 = arith.extui %sign3A_320 : i1 to i32
        %sign3A_322 = arith.constant 0 : i32
        %sign3A_323 = arith.cmpi slt, %add3A_227, %sign3A_322 : i32
        %sign3A_324 = arith.extui %sign3A_323 : i1 to i32
        %sign3A_325 = arith.subi %sign3A_321, %sign3A_324 : i32
        %sign3A_326 = arith.constant 0 : i32
        %sign3A_327 = arith.cmpi sgt, %jit3A_317, %sign3A_326 : i32
        %sign3A_328 = arith.extui %sign3A_327 : i1 to i32
        %sign3A_329 = arith.constant 0 : i32
        %sign3A_330 = arith.cmpi slt, %jit3A_317, %sign3A_329 : i32
        %sign3A_331 = arith.extui %sign3A_330 : i1 to i32
        %sign3A_332 = arith.subi %sign3A_328, %sign3A_331 : i32
        %ne3A_333 = arith.cmpi ne, %sign3A_325, %sign3A_332 : i32
        %rem3A_334 = arith.remsi %add3A_227, %jit3A_317 : i32
        %ne3A_335 = arith.constant 0 : i32
        %ne3A_336 = arith.cmpi ne, %rem3A_334, %ne3A_335 : i32
        %and3A_337 = arith.andi %ne3A_333, %ne3A_336 : i1
        %sub3A_338 = arith.constant 1 : i32
        %sub3A_339 = arith.subi %div3A_318, %sub3A_338 : i32
        %select_n3A_340 = arith.select %and3A_337, %sub3A_339, %div3A_318 : i32
        %jit3A_341 = arith.constant 32 : i32
        %div3A_342 = arith.divsi %add3A_227, %jit3A_341 : i32
        %sign3A_343 = arith.constant 0 : i32
        %sign3A_344 = arith.cmpi sgt, %add3A_227, %sign3A_343 : i32
        %sign3A_345 = arith.extui %sign3A_344 : i1 to i32
        %sign3A_346 = arith.constant 0 : i32
        %sign3A_347 = arith.cmpi slt, %add3A_227, %sign3A_346 : i32
        %sign3A_348 = arith.extui %sign3A_347 : i1 to i32
        %sign3A_349 = arith.subi %sign3A_345, %sign3A_348 : i32
        %sign3A_350 = arith.constant 0 : i32
        %sign3A_351 = arith.cmpi sgt, %jit3A_341, %sign3A_350 : i32
        %sign3A_352 = arith.extui %sign3A_351 : i1 to i32
        %sign3A_353 = arith.constant 0 : i32
        %sign3A_354 = arith.cmpi slt, %jit3A_341, %sign3A_353 : i32
        %sign3A_355 = arith.extui %sign3A_354 : i1 to i32
        %sign3A_356 = arith.subi %sign3A_352, %sign3A_355 : i32
        %ne3A_357 = arith.cmpi ne, %sign3A_349, %sign3A_356 : i32
        %rem3A_358 = arith.remsi %add3A_227, %jit3A_341 : i32
        %ne3A_359 = arith.constant 0 : i32
        %ne3A_360 = arith.cmpi ne, %rem3A_358, %ne3A_359 : i32
        %and3A_361 = arith.andi %ne3A_357, %ne3A_360 : i1
        %sub3A_362 = arith.constant 1 : i32
        %sub3A_363 = arith.subi %div3A_342, %sub3A_362 : i32
        %select_n3A_364 = arith.select %and3A_361, %sub3A_363, %div3A_342 : i32
        %jit3A_365 = arith.constant 8 : i32
        %eq3A_366 = arith.constant 0 : i32
        %eq3A_367 = arith.cmpi eq, %jit3A_365, %eq3A_366 : i32
        %jit3A_368 = arith.constant 1 : i32
        %select_n3A_369 = arith.select %eq3A_367, %jit3A_368, %jit3A_365 : i32
        %rem3A_370 = arith.remsi %select_n3A_364, %select_n3A_369 : i32
        %ne3A_371 = arith.constant 0 : i32
        %ne3A_372 = arith.cmpi ne, %rem3A_370, %ne3A_371 : i32
        %lt3A_373 = arith.constant 0 : i32
        %lt3A_374 = arith.cmpi slt, %rem3A_370, %lt3A_373 : i32
        %lt3A_375 = arith.constant 0 : i32
        %lt3A_376 = arith.cmpi slt, %select_n3A_369, %lt3A_375 : i32
        %ne3A_377 = arith.xori %lt3A_374, %lt3A_376 : i1
        %and3A_378 = arith.andi %ne3A_377, %ne3A_372 : i1
        %add3A_379 = arith.addi %rem3A_370, %select_n3A_369 : i32
        %select_n3A_380 = arith.select %and3A_378, %add3A_379, %rem3A_370 : i32
        %jit3A_381 = arith.constant 32 : i32
        %eq3A_382 = arith.constant 0 : i32
        %eq3A_383 = arith.cmpi eq, %jit3A_381, %eq3A_382 : i32
        %jit3A_384 = arith.constant 1 : i32
        %select_n3A_385 = arith.select %eq3A_383, %jit3A_384, %jit3A_381 : i32
        %rem3A_386 = arith.remsi %add3A_227, %select_n3A_385 : i32
        %ne3A_387 = arith.constant 0 : i32
        %ne3A_388 = arith.cmpi ne, %rem3A_386, %ne3A_387 : i32
        %lt3A_389 = arith.constant 0 : i32
        %lt3A_390 = arith.cmpi slt, %rem3A_386, %lt3A_389 : i32
        %lt3A_391 = arith.constant 0 : i32
        %lt3A_392 = arith.cmpi slt, %select_n3A_385, %lt3A_391 : i32
        %ne3A_393 = arith.xori %lt3A_390, %lt3A_392 : i1
        %and3A_394 = arith.andi %ne3A_393, %ne3A_388 : i1
        %add3A_395 = arith.addi %rem3A_386, %select_n3A_385 : i32
        %select_n3A_396 = arith.select %and3A_394, %add3A_395, %rem3A_386 : i32
        %ne3A_397 = arith.cmpi ne, %select_n3A_260, %select_n3A_340 : i32
        %ne3A_398 = arith.cmpi ne, %select_n3A_300, %select_n3A_380 : i32
        %ne3A_399 = arith.cmpi ne, %select_n3A_316, %select_n3A_396 : i32
        %or3A = arith.constant false
        %or3A_400 = arith.ori %or3A, %ne3A_397 : i1
        %or3A_401 = arith.ori %or3A_400, %ne3A_398 : i1
        %or3A_402 = arith.ori %or3A_401, %ne3A_399 : i1
        %ge3A = arith.constant 15 : i32
        %ge3A_403 = arith.cmpi sge, %scan3A_199, %ge3A : i32
        %not3A = arith.constant true
        %not3A_404 = arith.xori %ge3A_403, %not3A : i1
        %and3A_405 = arith.andi %or3A_402, %not3A_404 : i1
        %convert_element_type3A = arith.extui %and3A_405 : i1 to i32
        %cond3A = arith.constant 0 : i32
        %cond3A_406 = arith.cmpi ne, %convert_element_type3A, %cond3A : i32
        scf.if %cond3A_406 {
          "tpu.trace_start"() <{level = 10 : i32, message = "ep_copy_in"}> : () -> ()
          %rem3A_1165 = arith.constant 2 : i32
          %rem3A_1166 = arith.remui %scan3A_200, %rem3A_1165 : i32
          %jit3A_1167 = arith.constant 256 : i32
          %div3A_1168 = arith.divsi %add3A_227, %jit3A_1167 : i32
          %sign3A_1169 = arith.constant 0 : i32
          %sign3A_1170 = arith.cmpi sgt, %add3A_227, %sign3A_1169 : i32
          %sign3A_1171 = arith.extui %sign3A_1170 : i1 to i32
          %sign3A_1172 = arith.constant 0 : i32
          %sign3A_1173 = arith.cmpi slt, %add3A_227, %sign3A_1172 : i32
          %sign3A_1174 = arith.extui %sign3A_1173 : i1 to i32
          %sign3A_1175 = arith.subi %sign3A_1171, %sign3A_1174 : i32
          %sign3A_1176 = arith.constant 0 : i32
          %sign3A_1177 = arith.cmpi sgt, %jit3A_1167, %sign3A_1176 : i32
          %sign3A_1178 = arith.extui %sign3A_1177 : i1 to i32
          %sign3A_1179 = arith.constant 0 : i32
          %sign3A_1180 = arith.cmpi slt, %jit3A_1167, %sign3A_1179 : i32
          %sign3A_1181 = arith.extui %sign3A_1180 : i1 to i32
          %sign3A_1182 = arith.subi %sign3A_1178, %sign3A_1181 : i32
          %ne3A_1183 = arith.cmpi ne, %sign3A_1175, %sign3A_1182 : i32
          %rem3A_1184 = arith.remsi %add3A_227, %jit3A_1167 : i32
          %ne3A_1185 = arith.constant 0 : i32
          %ne3A_1186 = arith.cmpi ne, %rem3A_1184, %ne3A_1185 : i32
          %and3A_1187 = arith.andi %ne3A_1183, %ne3A_1186 : i1
          %sub3A_1188 = arith.constant 1 : i32
          %sub3A_1189 = arith.subi %div3A_1168, %sub3A_1188 : i32
          %select_n3A_1190 = arith.select %and3A_1187, %sub3A_1189, %div3A_1168 : i32
          %jit3A_1191 = arith.constant 32 : i32
          %div3A_1192 = arith.divsi %add3A_227, %jit3A_1191 : i32
          %sign3A_1193 = arith.constant 0 : i32
          %sign3A_1194 = arith.cmpi sgt, %add3A_227, %sign3A_1193 : i32
          %sign3A_1195 = arith.extui %sign3A_1194 : i1 to i32
          %sign3A_1196 = arith.constant 0 : i32
          %sign3A_1197 = arith.cmpi slt, %add3A_227, %sign3A_1196 : i32
          %sign3A_1198 = arith.extui %sign3A_1197 : i1 to i32
          %sign3A_1199 = arith.subi %sign3A_1195, %sign3A_1198 : i32
          %sign3A_1200 = arith.constant 0 : i32
          %sign3A_1201 = arith.cmpi sgt, %jit3A_1191, %sign3A_1200 : i32
          %sign3A_1202 = arith.extui %sign3A_1201 : i1 to i32
          %sign3A_1203 = arith.constant 0 : i32
          %sign3A_1204 = arith.cmpi slt, %jit3A_1191, %sign3A_1203 : i32
          %sign3A_1205 = arith.extui %sign3A_1204 : i1 to i32
          %sign3A_1206 = arith.subi %sign3A_1202, %sign3A_1205 : i32
          %ne3A_1207 = arith.cmpi ne, %sign3A_1199, %sign3A_1206 : i32
          %rem3A_1208 = arith.remsi %add3A_227, %jit3A_1191 : i32
          %ne3A_1209 = arith.constant 0 : i32
          %ne3A_1210 = arith.cmpi ne, %rem3A_1208, %ne3A_1209 : i32
          %and3A_1211 = arith.andi %ne3A_1207, %ne3A_1210 : i1
          %sub3A_1212 = arith.constant 1 : i32
          %sub3A_1213 = arith.subi %div3A_1192, %sub3A_1212 : i32
          %select_n3A_1214 = arith.select %and3A_1211, %sub3A_1213, %div3A_1192 : i32
          %jit3A_1215 = arith.constant 8 : i32
          %eq3A_1216 = arith.constant 0 : i32
          %eq3A_1217 = arith.cmpi eq, %jit3A_1215, %eq3A_1216 : i32
          %jit3A_1218 = arith.constant 1 : i32
          %select_n3A_1219 = arith.select %eq3A_1217, %jit3A_1218, %jit3A_1215 : i32
          %rem3A_1220 = arith.remsi %select_n3A_1214, %select_n3A_1219 : i32
          %ne3A_1221 = arith.constant 0 : i32
          %ne3A_1222 = arith.cmpi ne, %rem3A_1220, %ne3A_1221 : i32
          %lt3A_1223 = arith.constant 0 : i32
          %lt3A_1224 = arith.cmpi slt, %rem3A_1220, %lt3A_1223 : i32
          %lt3A_1225 = arith.constant 0 : i32
          %lt3A_1226 = arith.cmpi slt, %select_n3A_1219, %lt3A_1225 : i32
          %ne3A_1227 = arith.xori %lt3A_1224, %lt3A_1226 : i1
          %and3A_1228 = arith.andi %ne3A_1227, %ne3A_1222 : i1
          %add3A_1229 = arith.addi %rem3A_1220, %select_n3A_1219 : i32
          %select_n3A_1230 = arith.select %and3A_1228, %add3A_1229, %rem3A_1220 : i32
          %jit3A_1231 = arith.constant 32 : i32
          %eq3A_1232 = arith.constant 0 : i32
          %eq3A_1233 = arith.cmpi eq, %jit3A_1231, %eq3A_1232 : i32
          %jit3A_1234 = arith.constant 1 : i32
          %select_n3A_1235 = arith.select %eq3A_1233, %jit3A_1234, %jit3A_1231 : i32
          %rem3A_1236 = arith.remsi %add3A_227, %select_n3A_1235 : i32
          %ne3A_1237 = arith.constant 0 : i32
          %ne3A_1238 = arith.cmpi ne, %rem3A_1236, %ne3A_1237 : i32
          %lt3A_1239 = arith.constant 0 : i32
          %lt3A_1240 = arith.cmpi slt, %rem3A_1236, %lt3A_1239 : i32
          %lt3A_1241 = arith.constant 0 : i32
          %lt3A_1242 = arith.cmpi slt, %select_n3A_1235, %lt3A_1241 : i32
          %ne3A_1243 = arith.xori %lt3A_1240, %lt3A_1242 : i1
          %and3A_1244 = arith.andi %ne3A_1243, %ne3A_1238 : i1
          %add3A_1245 = arith.addi %rem3A_1236, %select_n3A_1235 : i32
          %select_n3A_1246 = arith.select %and3A_1244, %add3A_1245, %rem3A_1236 : i32
          %mul3A_1247 = arith.constant 1 : i32
          %mul3A_1248 = arith.muli %mul3A_1247, %select_n3A_1190 : i32
          %mul3A_1249 = arith.constant 1 : i32
          %mul3A_1250 = arith.muli %mul3A_1249, %select_n3A_1230 : i32
          %mul3A_1251 = arith.constant 128 : i32
          %mul3A_1252 = arith.muli %mul3A_1251, %select_n3A_1246 : i32
          %dma_start3A_1253 = arith.constant 0 : i32
          %dma_start3A_1254 = arith.constant 0 : i32
          %dma_start3A_1255 = arith.constant 0 : i32
          %dma_start3A_1256 = tpu.memref_slice %run_scoped3A[%rem3A_1166, %dma_start3A_1253, %dma_start3A_1254, %dma_start3A_1255] : memref<2x1x1x128xi32, #tpu.memory_space<vmem>> -> memref<1x1x1x128xi32, #tpu.memory_space<vmem>>
          %dma_start3A_1257 = tpu.memref_squeeze %dma_start3A_1256 : memref<1x1x1x128xi32, #tpu.memory_space<vmem>> -> memref<1x1x128xi32, #tpu.memory_space<vmem>>
          %dma_start3A_1258 = tpu.memref_slice %arg3[%mul3A_1248, %mul3A_1250, %mul3A_1252] : memref<2x8x4096xi32, #tpu.memory_space<hbm>> -> memref<1x1x128xi32, #tpu.memory_space<hbm>>
          %dma_start3A_1259 = tpu.memref_slice %run_scoped3A_7[%rem3A_1166] : memref<2x!tpu.dma_semaphore, #tpu.memory_space<semaphore_mem>> -> memref<1x!tpu.dma_semaphore, #tpu.memory_space<semaphore_mem>>
          %dma_start3A_1260 = tpu.memref_squeeze %dma_start3A_1259 : memref<1x!tpu.dma_semaphore, #tpu.memory_space<semaphore_mem>> -> memref<!tpu.dma_semaphore, #tpu.memory_space<semaphore_mem>>
          %dma_start3A_1261 = arith.constant 0 : i32
          %dma_start3A_1262 = arith.constant 0 : i32
          %dma_start3A_1263 = arith.constant 0 : i32
          %dma_start3A_1264 = tpu.memref_slice %run_scoped3A[%rem3A_1166, %dma_start3A_1261, %dma_start3A_1262, %dma_start3A_1263] : memref<2x1x1x128xi32, #tpu.memory_space<vmem>> -> memref<1x1x1x128xi32, #tpu.memory_space<vmem>>
          %dma_start3A_1265 = tpu.memref_squeeze %dma_start3A_1264 : memref<1x1x1x128xi32, #tpu.memory_space<vmem>> -> memref<1x1x128xi32, #tpu.memory_space<vmem>>
          %dma_start3A_1266 = tpu.memref_slice %arg3[%mul3A_1248, %mul3A_1250, %mul3A_1252] : memref<2x8x4096xi32, #tpu.memory_space<hbm>> -> memref<1x1x128xi32, #tpu.memory_space<hbm>>
          tpu.enqueue_dma source(%dma_start3A_1266 : memref<1x1x128xi32, #tpu.memory_space<hbm>>) target(%dma_start3A_1265 : memref<1x1x128xi32, #tpu.memory_space<vmem>>) target_semaphore(%dma_start3A_1260 : memref<!tpu.dma_semaphore, #tpu.memory_space<semaphore_mem>>)
          "tpu.trace_stop"() : () -> ()
        } else {
        }
        %and3A_407 = arith.constant true
        %and3A_408 = arith.andi %and3A_405, %and3A_407 : i1
        %add3A_409 = arith.constant 1 : i32
        %add3A_410 = arith.addi %scan3A_200, %add3A_409 : i32
        %select_n3A_411 = arith.select %and3A_408, %add3A_410, %scan3A_200 : i32
        %ne3A_412 = arith.cmpi ne, %add3A_209, %add3A_227 : i32
        %or3A_413 = arith.constant false
        %or3A_414 = arith.ori %or3A_413, %ne3A_412 : i1
        %or3A_415 = arith.constant false
        %or3A_416 = arith.ori %or3A_414, %or3A_415 : i1
        %ge3A_417 = arith.constant 15 : i32
        %ge3A_418 = arith.cmpi sge, %scan3A_199, %ge3A_417 : i32
        %not3A_419 = arith.constant true
        %not3A_420 = arith.xori %ge3A_418, %not3A_419 : i1
        %and3A_421 = arith.andi %or3A_416, %not3A_420 : i1
        %jit3A_422 = arith.constant 256 : i32
        %div3A_423 = arith.divsi %add3A_209, %jit3A_422 : i32
        %sign3A_424 = arith.constant 0 : i32
        %sign3A_425 = arith.cmpi sgt, %add3A_209, %sign3A_424 : i32
        %sign3A_426 = arith.extui %sign3A_425 : i1 to i32
        %sign3A_427 = arith.constant 0 : i32
        %sign3A_428 = arith.cmpi slt, %add3A_209, %sign3A_427 : i32
        %sign3A_429 = arith.extui %sign3A_428 : i1 to i32
        %sign3A_430 = arith.subi %sign3A_426, %sign3A_429 : i32
        %sign3A_431 = arith.constant 0 : i32
        %sign3A_432 = arith.cmpi sgt, %jit3A_422, %sign3A_431 : i32
        %sign3A_433 = arith.extui %sign3A_432 : i1 to i32
        %sign3A_434 = arith.constant 0 : i32
        %sign3A_435 = arith.cmpi slt, %jit3A_422, %sign3A_434 : i32
        %sign3A_436 = arith.extui %sign3A_435 : i1 to i32
        %sign3A_437 = arith.subi %sign3A_433, %sign3A_436 : i32
        %ne3A_438 = arith.cmpi ne, %sign3A_430, %sign3A_437 : i32
        %rem3A_439 = arith.remsi %add3A_209, %jit3A_422 : i32
        %ne3A_440 = arith.constant 0 : i32
        %ne3A_441 = arith.cmpi ne, %rem3A_439, %ne3A_440 : i32
        %and3A_442 = arith.andi %ne3A_438, %ne3A_441 : i1
        %sub3A_443 = arith.constant 1 : i32
        %sub3A_444 = arith.subi %div3A_423, %sub3A_443 : i32
        %select_n3A_445 = arith.select %and3A_442, %sub3A_444, %div3A_423 : i32
        %jit3A_446 = arith.constant 32 : i32
        %div3A_447 = arith.divsi %add3A_209, %jit3A_446 : i32
        %sign3A_448 = arith.constant 0 : i32
        %sign3A_449 = arith.cmpi sgt, %add3A_209, %sign3A_448 : i32
        %sign3A_450 = arith.extui %sign3A_449 : i1 to i32
        %sign3A_451 = arith.constant 0 : i32
        %sign3A_452 = arith.cmpi slt, %add3A_209, %sign3A_451 : i32
        %sign3A_453 = arith.extui %sign3A_452 : i1 to i32
        %sign3A_454 = arith.subi %sign3A_450, %sign3A_453 : i32
        %sign3A_455 = arith.constant 0 : i32
        %sign3A_456 = arith.cmpi sgt, %jit3A_446, %sign3A_455 : i32
        %sign3A_457 = arith.extui %sign3A_456 : i1 to i32
        %sign3A_458 = arith.constant 0 : i32
        %sign3A_459 = arith.cmpi slt, %jit3A_446, %sign3A_458 : i32
        %sign3A_460 = arith.extui %sign3A_459 : i1 to i32
        %sign3A_461 = arith.subi %sign3A_457, %sign3A_460 : i32
        %ne3A_462 = arith.cmpi ne, %sign3A_454, %sign3A_461 : i32
        %rem3A_463 = arith.remsi %add3A_209, %jit3A_446 : i32
        %ne3A_464 = arith.constant 0 : i32
        %ne3A_465 = arith.cmpi ne, %rem3A_463, %ne3A_464 : i32
        %and3A_466 = arith.andi %ne3A_462, %ne3A_465 : i1
        %sub3A_467 = arith.constant 1 : i32
        %sub3A_468 = arith.subi %div3A_447, %sub3A_467 : i32
        %select_n3A_469 = arith.select %and3A_466, %sub3A_468, %div3A_447 : i32
        %jit3A_470 = arith.constant 8 : i32
        %eq3A_471 = arith.constant 0 : i32
        %eq3A_472 = arith.cmpi eq, %jit3A_470, %eq3A_471 : i32
        %jit3A_473 = arith.constant 1 : i32
        %select_n3A_474 = arith.select %eq3A_472, %jit3A_473, %jit3A_470 : i32
        %rem3A_475 = arith.remsi %select_n3A_469, %select_n3A_474 : i32
        %ne3A_476 = arith.constant 0 : i32
        %ne3A_477 = arith.cmpi ne, %rem3A_475, %ne3A_476 : i32
        %lt3A_478 = arith.constant 0 : i32
        %lt3A_479 = arith.cmpi slt, %rem3A_475, %lt3A_478 : i32
        %lt3A_480 = arith.constant 0 : i32
        %lt3A_481 = arith.cmpi slt, %select_n3A_474, %lt3A_480 : i32
        %ne3A_482 = arith.xori %lt3A_479, %lt3A_481 : i1
        %and3A_483 = arith.andi %ne3A_482, %ne3A_477 : i1
        %add3A_484 = arith.addi %rem3A_475, %select_n3A_474 : i32
        %select_n3A_485 = arith.select %and3A_483, %add3A_484, %rem3A_475 : i32
        %jit3A_486 = arith.constant 32 : i32
        %eq3A_487 = arith.constant 0 : i32
        %eq3A_488 = arith.cmpi eq, %jit3A_486, %eq3A_487 : i32
        %jit3A_489 = arith.constant 1 : i32
        %select_n3A_490 = arith.select %eq3A_488, %jit3A_489, %jit3A_486 : i32
        %rem3A_491 = arith.remsi %add3A_209, %select_n3A_490 : i32
        %ne3A_492 = arith.constant 0 : i32
        %ne3A_493 = arith.cmpi ne, %rem3A_491, %ne3A_492 : i32
        %lt3A_494 = arith.constant 0 : i32
        %lt3A_495 = arith.cmpi slt, %rem3A_491, %lt3A_494 : i32
        %lt3A_496 = arith.constant 0 : i32
        %lt3A_497 = arith.cmpi slt, %select_n3A_490, %lt3A_496 : i32
        %ne3A_498 = arith.xori %lt3A_495, %lt3A_497 : i1
        %and3A_499 = arith.andi %ne3A_498, %ne3A_493 : i1
        %add3A_500 = arith.addi %rem3A_491, %select_n3A_490 : i32
        %select_n3A_501 = arith.select %and3A_499, %add3A_500, %rem3A_491 : i32
        %jit3A_502 = arith.constant 256 : i32
        %div3A_503 = arith.divsi %add3A_218, %jit3A_502 : i32
        %sign3A_504 = arith.constant 0 : i32
        %sign3A_505 = arith.cmpi sgt, %add3A_218, %sign3A_504 : i32
        %sign3A_506 = arith.extui %sign3A_505 : i1 to i32
        %sign3A_507 = arith.constant 0 : i32
        %sign3A_508 = arith.cmpi slt, %add3A_218, %sign3A_507 : i32
        %sign3A_509 = arith.extui %sign3A_508 : i1 to i32
        %sign3A_510 = arith.subi %sign3A_506, %sign3A_509 : i32
        %sign3A_511 = arith.constant 0 : i32
        %sign3A_512 = arith.cmpi sgt, %jit3A_502, %sign3A_511 : i32
        %sign3A_513 = arith.extui %sign3A_512 : i1 to i32
        %sign3A_514 = arith.constant 0 : i32
        %sign3A_515 = arith.cmpi slt, %jit3A_502, %sign3A_514 : i32
        %sign3A_516 = arith.extui %sign3A_515 : i1 to i32
        %sign3A_517 = arith.subi %sign3A_513, %sign3A_516 : i32
        %ne3A_518 = arith.cmpi ne, %sign3A_510, %sign3A_517 : i32
        %rem3A_519 = arith.remsi %add3A_218, %jit3A_502 : i32
        %ne3A_520 = arith.constant 0 : i32
        %ne3A_521 = arith.cmpi ne, %rem3A_519, %ne3A_520 : i32
        %and3A_522 = arith.andi %ne3A_518, %ne3A_521 : i1
        %sub3A_523 = arith.constant 1 : i32
        %sub3A_524 = arith.subi %div3A_503, %sub3A_523 : i32
        %select_n3A_525 = arith.select %and3A_522, %sub3A_524, %div3A_503 : i32
        %jit3A_526 = arith.constant 32 : i32
        %div3A_527 = arith.divsi %add3A_218, %jit3A_526 : i32
        %sign3A_528 = arith.constant 0 : i32
        %sign3A_529 = arith.cmpi sgt, %add3A_218, %sign3A_528 : i32
        %sign3A_530 = arith.extui %sign3A_529 : i1 to i32
        %sign3A_531 = arith.constant 0 : i32
        %sign3A_532 = arith.cmpi slt, %add3A_218, %sign3A_531 : i32
        %sign3A_533 = arith.extui %sign3A_532 : i1 to i32
        %sign3A_534 = arith.subi %sign3A_530, %sign3A_533 : i32
        %sign3A_535 = arith.constant 0 : i32
        %sign3A_536 = arith.cmpi sgt, %jit3A_526, %sign3A_535 : i32
        %sign3A_537 = arith.extui %sign3A_536 : i1 to i32
        %sign3A_538 = arith.constant 0 : i32
        %sign3A_539 = arith.cmpi slt, %jit3A_526, %sign3A_538 : i32
        %sign3A_540 = arith.extui %sign3A_539 : i1 to i32
        %sign3A_541 = arith.subi %sign3A_537, %sign3A_540 : i32
        %ne3A_542 = arith.cmpi ne, %sign3A_534, %sign3A_541 : i32
        %rem3A_543 = arith.remsi %add3A_218, %jit3A_526 : i32
        %ne3A_544 = arith.constant 0 : i32
        %ne3A_545 = arith.cmpi ne, %rem3A_543, %ne3A_544 : i32
        %and3A_546 = arith.andi %ne3A_542, %ne3A_545 : i1
        %sub3A_547 = arith.constant 1 : i32
        %sub3A_548 = arith.subi %div3A_527, %sub3A_547 : i32
        %select_n3A_549 = arith.select %and3A_546, %sub3A_548, %div3A_527 : i32
        %jit3A_550 = arith.constant 8 : i32
        %eq3A_551 = arith.constant 0 : i32
        %eq3A_552 = arith.cmpi eq, %jit3A_550, %eq3A_551 : i32
        %jit3A_553 = arith.constant 1 : i32
        %select_n3A_554 = arith.select %eq3A_552, %jit3A_553, %jit3A_550 : i32
        %rem3A_555 = arith.remsi %select_n3A_549, %select_n3A_554 : i32
        %ne3A_556 = arith.constant 0 : i32
        %ne3A_557 = arith.cmpi ne, %rem3A_555, %ne3A_556 : i32
        %lt3A_558 = arith.constant 0 : i32
        %lt3A_559 = arith.cmpi slt, %rem3A_555, %lt3A_558 : i32
        %lt3A_560 = arith.constant 0 : i32
        %lt3A_561 = arith.cmpi slt, %select_n3A_554, %lt3A_560 : i32
        %ne3A_562 = arith.xori %lt3A_559, %lt3A_561 : i1
        %and3A_563 = arith.andi %ne3A_562, %ne3A_557 : i1
        %add3A_564 = arith.addi %rem3A_555, %select_n3A_554 : i32
        %select_n3A_565 = arith.select %and3A_563, %add3A_564, %rem3A_555 : i32
        %jit3A_566 = arith.constant 32 : i32
        %eq3A_567 = arith.constant 0 : i32
        %eq3A_568 = arith.cmpi eq, %jit3A_566, %eq3A_567 : i32
        %jit3A_569 = arith.constant 1 : i32
        %select_n3A_570 = arith.select %eq3A_568, %jit3A_569, %jit3A_566 : i32
        %rem3A_571 = arith.remsi %add3A_218, %select_n3A_570 : i32
        %ne3A_572 = arith.constant 0 : i32
        %ne3A_573 = arith.cmpi ne, %rem3A_571, %ne3A_572 : i32
        %lt3A_574 = arith.constant 0 : i32
        %lt3A_575 = arith.cmpi slt, %rem3A_571, %lt3A_574 : i32
        %lt3A_576 = arith.constant 0 : i32
        %lt3A_577 = arith.cmpi slt, %select_n3A_570, %lt3A_576 : i32
        %ne3A_578 = arith.xori %lt3A_575, %lt3A_577 : i1
        %and3A_579 = arith.andi %ne3A_578, %ne3A_573 : i1
        %add3A_580 = arith.addi %rem3A_571, %select_n3A_570 : i32
        %select_n3A_581 = arith.select %and3A_579, %add3A_580, %rem3A_571 : i32
        %ne3A_582 = arith.cmpi ne, %select_n3A_445, %select_n3A_525 : i32
        %ne3A_583 = arith.cmpi ne, %select_n3A_485, %select_n3A_565 : i32
        %ne3A_584 = arith.cmpi ne, %select_n3A_501, %select_n3A_581 : i32
        %or3A_585 = arith.constant false
        %or3A_586 = arith.ori %or3A_585, %ne3A_582 : i1
        %or3A_587 = arith.ori %or3A_586, %ne3A_583 : i1
        %or3A_588 = arith.ori %or3A_587, %ne3A_584 : i1
        %or3A_589 = arith.ori %or3A_588, %eq3A_206 : i1
        %convert_element_type3A_590 = arith.extui %or3A_589 : i1 to i32
        %cond3A_591 = arith.constant 0 : i32
        %cond3A_592 = arith.cmpi ne, %convert_element_type3A_590, %cond3A_591 : i32
        scf.if %cond3A_592 {
          %jit3A_1165 = arith.constant 256 : i32
          "tpu.trace_start"() <{level = 10 : i32, message = "ep_wait_in"}> : () -> ()
          %div3A_1166 = arith.divsi %add3A_209, %jit3A_1165 : i32
          %sign3A_1167 = arith.constant 0 : i32
          %sign3A_1168 = arith.cmpi sgt, %add3A_209, %sign3A_1167 : i32
          %sign3A_1169 = arith.extui %sign3A_1168 : i1 to i32
          %sign3A_1170 = arith.constant 0 : i32
          %sign3A_1171 = arith.cmpi slt, %add3A_209, %sign3A_1170 : i32
          %sign3A_1172 = arith.extui %sign3A_1171 : i1 to i32
          %sign3A_1173 = arith.subi %sign3A_1169, %sign3A_1172 : i32
          %sign3A_1174 = arith.constant 0 : i32
          %sign3A_1175 = arith.cmpi sgt, %jit3A_1165, %sign3A_1174 : i32
          %sign3A_1176 = arith.extui %sign3A_1175 : i1 to i32
          %sign3A_1177 = arith.constant 0 : i32
          %sign3A_1178 = arith.cmpi slt, %jit3A_1165, %sign3A_1177 : i32
          %sign3A_1179 = arith.extui %sign3A_1178 : i1 to i32
          %sign3A_1180 = arith.subi %sign3A_1176, %sign3A_1179 : i32
          %ne3A_1181 = arith.cmpi ne, %sign3A_1173, %sign3A_1180 : i32
          %rem3A_1182 = arith.remsi %add3A_209, %jit3A_1165 : i32
          %ne3A_1183 = arith.constant 0 : i32
          %ne3A_1184 = arith.cmpi ne, %rem3A_1182, %ne3A_1183 : i32
          %and3A_1185 = arith.andi %ne3A_1181, %ne3A_1184 : i1
          %sub3A_1186 = arith.constant 1 : i32
          %sub3A_1187 = arith.subi %div3A_1166, %sub3A_1186 : i32
          %select_n3A_1188 = arith.select %and3A_1185, %sub3A_1187, %div3A_1166 : i32
          %jit3A_1189 = arith.constant 32 : i32
          %div3A_1190 = arith.divsi %add3A_209, %jit3A_1189 : i32
          %sign3A_1191 = arith.constant 0 : i32
          %sign3A_1192 = arith.cmpi sgt, %add3A_209, %sign3A_1191 : i32
          %sign3A_1193 = arith.extui %sign3A_1192 : i1 to i32
          %sign3A_1194 = arith.constant 0 : i32
          %sign3A_1195 = arith.cmpi slt, %add3A_209, %sign3A_1194 : i32
          %sign3A_1196 = arith.extui %sign3A_1195 : i1 to i32
          %sign3A_1197 = arith.subi %sign3A_1193, %sign3A_1196 : i32
          %sign3A_1198 = arith.constant 0 : i32
          %sign3A_1199 = arith.cmpi sgt, %jit3A_1189, %sign3A_1198 : i32
          %sign3A_1200 = arith.extui %sign3A_1199 : i1 to i32
          %sign3A_1201 = arith.constant 0 : i32
          %sign3A_1202 = arith.cmpi slt, %jit3A_1189, %sign3A_1201 : i32
          %sign3A_1203 = arith.extui %sign3A_1202 : i1 to i32
          %sign3A_1204 = arith.subi %sign3A_1200, %sign3A_1203 : i32
          %ne3A_1205 = arith.cmpi ne, %sign3A_1197, %sign3A_1204 : i32
          %rem3A_1206 = arith.remsi %add3A_209, %jit3A_1189 : i32
          %ne3A_1207 = arith.constant 0 : i32
          %ne3A_1208 = arith.cmpi ne, %rem3A_1206, %ne3A_1207 : i32
          %and3A_1209 = arith.andi %ne3A_1205, %ne3A_1208 : i1
          %sub3A_1210 = arith.constant 1 : i32
          %sub3A_1211 = arith.subi %div3A_1190, %sub3A_1210 : i32
          %select_n3A_1212 = arith.select %and3A_1209, %sub3A_1211, %div3A_1190 : i32
          %jit3A_1213 = arith.constant 8 : i32
          %eq3A_1214 = arith.constant 0 : i32
          %eq3A_1215 = arith.cmpi eq, %jit3A_1213, %eq3A_1214 : i32
          %jit3A_1216 = arith.constant 1 : i32
          %select_n3A_1217 = arith.select %eq3A_1215, %jit3A_1216, %jit3A_1213 : i32
          %rem3A_1218 = arith.remsi %select_n3A_1212, %select_n3A_1217 : i32
          %ne3A_1219 = arith.constant 0 : i32
          %ne3A_1220 = arith.cmpi ne, %rem3A_1218, %ne3A_1219 : i32
          %lt3A_1221 = arith.constant 0 : i32
          %lt3A_1222 = arith.cmpi slt, %rem3A_1218, %lt3A_1221 : i32
          %lt3A_1223 = arith.constant 0 : i32
          %lt3A_1224 = arith.cmpi slt, %select_n3A_1217, %lt3A_1223 : i32
          %ne3A_1225 = arith.xori %lt3A_1222, %lt3A_1224 : i1
          %and3A_1226 = arith.andi %ne3A_1225, %ne3A_1220 : i1
          %add3A_1227 = arith.addi %rem3A_1218, %select_n3A_1217 : i32
          %select_n3A_1228 = arith.select %and3A_1226, %add3A_1227, %rem3A_1218 : i32
          %jit3A_1229 = arith.constant 32 : i32
          %eq3A_1230 = arith.constant 0 : i32
          %eq3A_1231 = arith.cmpi eq, %jit3A_1229, %eq3A_1230 : i32
          %jit3A_1232 = arith.constant 1 : i32
          %select_n3A_1233 = arith.select %eq3A_1231, %jit3A_1232, %jit3A_1229 : i32
          %rem3A_1234 = arith.remsi %add3A_209, %select_n3A_1233 : i32
          %ne3A_1235 = arith.constant 0 : i32
          %ne3A_1236 = arith.cmpi ne, %rem3A_1234, %ne3A_1235 : i32
          %lt3A_1237 = arith.constant 0 : i32
          %lt3A_1238 = arith.cmpi slt, %rem3A_1234, %lt3A_1237 : i32
          %lt3A_1239 = arith.constant 0 : i32
          %lt3A_1240 = arith.cmpi slt, %select_n3A_1233, %lt3A_1239 : i32
          %ne3A_1241 = arith.xori %lt3A_1238, %lt3A_1240 : i1
          %and3A_1242 = arith.andi %ne3A_1241, %ne3A_1236 : i1
          %add3A_1243 = arith.addi %rem3A_1234, %select_n3A_1233 : i32
          %select_n3A_1244 = arith.select %and3A_1242, %add3A_1243, %rem3A_1234 : i32
          %mul3A_1245 = arith.constant 1 : i32
          %mul3A_1246 = arith.muli %mul3A_1245, %select_n3A_1188 : i32
          %mul3A_1247 = arith.constant 1 : i32
          %mul3A_1248 = arith.muli %mul3A_1247, %select_n3A_1228 : i32
          %mul3A_1249 = arith.constant 128 : i32
          %mul3A_1250 = arith.muli %mul3A_1249, %select_n3A_1244 : i32
          %rem3A_1251 = arith.constant 2 : i32
          %rem3A_1252 = arith.remui %scan3A_201, %rem3A_1251 : i32
          %dma_wait3A_1253 = arith.constant 0 : i32
          %dma_wait3A_1254 = arith.constant 0 : i32
          %dma_wait3A_1255 = arith.constant 0 : i32
          %dma_wait3A_1256 = tpu.memref_slice %run_scoped3A[%rem3A_1252, %dma_wait3A_1253, %dma_wait3A_1254, %dma_wait3A_1255] : memref<2x1x1x128xi32, #tpu.memory_space<vmem>> -> memref<1x1x1x128xi32, #tpu.memory_space<vmem>>
          %dma_wait3A_1257 = tpu.memref_squeeze %dma_wait3A_1256 : memref<1x1x1x128xi32, #tpu.memory_space<vmem>> -> memref<1x1x128xi32, #tpu.memory_space<vmem>>
          %dma_wait3A_1258 = tpu.memref_slice %arg3[%mul3A_1246, %mul3A_1248, %mul3A_1250] : memref<2x8x4096xi32, #tpu.memory_space<hbm>> -> memref<1x1x128xi32, #tpu.memory_space<hbm>>
          %dma_wait3A_1259 = tpu.memref_slice %run_scoped3A_7[%rem3A_1252] : memref<2x!tpu.dma_semaphore, #tpu.memory_space<semaphore_mem>> -> memref<1x!tpu.dma_semaphore, #tpu.memory_space<semaphore_mem>>
          %dma_wait3A_1260 = tpu.memref_squeeze %dma_wait3A_1259 : memref<1x!tpu.dma_semaphore, #tpu.memory_space<semaphore_mem>> -> memref<!tpu.dma_semaphore, #tpu.memory_space<semaphore_mem>>
          %dma_wait3A_1261 = arith.constant 0 : i32
          %dma_wait3A_1262 = arith.constant 0 : i32
          %dma_wait3A_1263 = arith.constant 0 : i32
          %dma_wait3A_1264 = tpu.memref_slice %run_scoped3A[%rem3A_1252, %dma_wait3A_1261, %dma_wait3A_1262, %dma_wait3A_1263] : memref<2x1x1x128xi32, #tpu.memory_space<vmem>> -> memref<1x1x1x128xi32, #tpu.memory_space<vmem>>
          %dma_wait3A_1265 = tpu.memref_squeeze %dma_wait3A_1264 : memref<1x1x1x128xi32, #tpu.memory_space<vmem>> -> memref<1x1x128xi32, #tpu.memory_space<vmem>>
          %dma_wait3A_1266 = tpu.memref_slice %arg3[%mul3A_1246, %mul3A_1248, %mul3A_1250] : memref<2x8x4096xi32, #tpu.memory_space<hbm>> -> memref<1x1x128xi32, #tpu.memory_space<hbm>>
          tpu.wait_dma2 semaphore(%dma_wait3A_1260 : memref<!tpu.dma_semaphore, #tpu.memory_space<semaphore_mem>>) src(%dma_wait3A_1266 : memref<1x1x128xi32, #tpu.memory_space<hbm>>) dst(%dma_wait3A_1265 : memref<1x1x128xi32, #tpu.memory_space<vmem>>)
          "tpu.trace_stop"() : () -> ()
        } else {
        }
        %ne3A_593 = arith.cmpi ne, %add3A_209, %add3A_218 : i32
        %or3A_594 = arith.constant false
        %or3A_595 = arith.ori %or3A_594, %ne3A_593 : i1
        %or3A_596 = arith.constant false
        %or3A_597 = arith.ori %or3A_595, %or3A_596 : i1
        %or3A_598 = arith.ori %or3A_597, %eq3A_206 : i1
        %convert_element_type3A_599 = arith.extui %or3A_598 : i1 to i32
        %cond3A_600 = arith.constant 0 : i32
        %cond3A_601 = arith.cmpi ne, %convert_element_type3A_599, %cond3A_600 : i32
        scf.if %cond3A_601 {
        } else {
        }
        %rem3A_602 = arith.constant 2 : i32
        %rem3A_603 = arith.remui %scan3A_201, %rem3A_602 : i32
        %rem3A_604 = arith.constant 2 : i32
        %rem3A_605 = arith.remui %scan3A_202, %rem3A_604 : i32
        %run_scoped3A_606 = arith.constant 0 : i32
        %run_scoped3A_607 = arith.constant 0 : i32
        "tpu.trace_start"() <{level = 10 : i32, message = "ep_run_kernel"}> : () -> ()
        "tpu.region"() ({
          %run_scoped3A_1165 = tpu.sem_alloc : memref<!tpu.dma_semaphore, #tpu.memory_space<semaphore_mem>>
          %dma_start3A_1166 = arith.constant 0 : i32
          %dma_start3A_1167 = arith.constant 0 : i32
          %dma_start3A_1168 = tpu.memref_slice %run_scoped3A_8[%rem3A_605, %dma_start3A_1166, %dma_start3A_1167] : memref<2x128x256xf32, #tpu.memory_space<vmem>> -> memref<1x128x256xf32, #tpu.memory_space<vmem>>
          %dma_start3A_1169 = tpu.memref_squeeze %dma_start3A_1168 : memref<1x128x256xf32, #tpu.memory_space<vmem>> -> memref<128x256xf32, #tpu.memory_space<vmem>>
          %dma_start3A_1170 = arith.constant 0 : i32
          %dma_start3A_1171 = arith.constant 0 : i32
          %dma_start3A_1172 = arith.constant 0 : i32
          %dma_start3A_1173 = tpu.memref_slice %run_scoped3A[%rem3A_603, %dma_start3A_1170, %dma_start3A_1171, %dma_start3A_1172] : memref<2x1x1x128xi32, #tpu.memory_space<vmem>> -> memref<1x1x1x128xi32, #tpu.memory_space<vmem>>
          %dma_start3A_1174 = tpu.memref_squeeze %dma_start3A_1173 : memref<1x1x1x128xi32, #tpu.memory_space<vmem>> -> memref<1x1x128xi32, #tpu.memory_space<vmem>>
          %dma_start3A_1175 = arith.constant 0 : i32
          %dma_start3A_1176 = tpu.memref_slice %dma_start3A_1174[%run_scoped3A_606, %run_scoped3A_607, %dma_start3A_1175] : memref<1x1x128xi32, #tpu.memory_space<vmem>> -> memref<1x1x128xi32, #tpu.memory_space<vmem>>
          %dma_start3A_1177 = tpu.memref_squeeze %dma_start3A_1176 : memref<1x1x128xi32, #tpu.memory_space<vmem>> -> memref<128xi32, #tpu.memory_space<vmem>>
          %dma_start3A_1178 = arith.constant 0 : i32
          %dma_start3A_1179 = arith.constant 0 : i32
          %dma_start3A_1180 = tpu.memref_slice %arg2[%dma_start3A_1178, %dma_start3A_1179] : memref<65536x256xf32, #tpu.memory_space<hbm>> -> memref<65536x256xf32, #tpu.memory_space<hbm>>
          tpu.enqueue_indirect_dma source(%dma_start3A_1180 : memref<65536x256xf32, #tpu.memory_space<hbm>>) target(%dma_start3A_1169 : memref<128x256xf32, #tpu.memory_space<vmem>>) offsets(%dma_start3A_1177 : memref<128xi32, #tpu.memory_space<vmem>>) semaphore(%run_scoped3A_1165 : memref<!tpu.dma_semaphore, #tpu.memory_space<semaphore_mem>>)
          %dma_wait3A_1181 = arith.constant 0 : i32
          %dma_wait3A_1182 = arith.constant 0 : i32
          %dma_wait3A_1183 = tpu.memref_slice %run_scoped3A_8[%rem3A_605, %dma_wait3A_1181, %dma_wait3A_1182] : memref<2x128x256xf32, #tpu.memory_space<vmem>> -> memref<1x128x256xf32, #tpu.memory_space<vmem>>
          %dma_wait3A_1184 = tpu.memref_squeeze %dma_wait3A_1183 : memref<1x128x256xf32, #tpu.memory_space<vmem>> -> memref<128x256xf32, #tpu.memory_space<vmem>>
          %dma_wait3A_1185 = arith.constant 0 : i32
          %dma_wait3A_1186 = arith.constant 0 : i32
          %dma_wait3A_1187 = arith.constant 0 : i32
          %dma_wait3A_1188 = tpu.memref_slice %run_scoped3A[%rem3A_603, %dma_wait3A_1185, %dma_wait3A_1186, %dma_wait3A_1187] : memref<2x1x1x128xi32, #tpu.memory_space<vmem>> -> memref<1x1x1x128xi32, #tpu.memory_space<vmem>>
          %dma_wait3A_1189 = tpu.memref_squeeze %dma_wait3A_1188 : memref<1x1x1x128xi32, #tpu.memory_space<vmem>> -> memref<1x1x128xi32, #tpu.memory_space<vmem>>
          %dma_wait3A_1190 = arith.constant 0 : i32
          %dma_wait3A_1191 = tpu.memref_slice %dma_wait3A_1189[%run_scoped3A_606, %run_scoped3A_607, %dma_wait3A_1190] : memref<1x1x128xi32, #tpu.memory_space<vmem>> -> memref<1x1x128xi32, #tpu.memory_space<vmem>>
          %dma_wait3A_1192 = tpu.memref_squeeze %dma_wait3A_1191 : memref<1x1x128xi32, #tpu.memory_space<vmem>> -> memref<128xi32, #tpu.memory_space<vmem>>
          %dma_wait3A_1193 = arith.constant 0 : i32
          %dma_wait3A_1194 = arith.constant 0 : i32
          %dma_wait3A_1195 = tpu.memref_slice %arg2[%dma_wait3A_1193, %dma_wait3A_1194] : memref<65536x256xf32, #tpu.memory_space<hbm>> -> memref<65536x256xf32, #tpu.memory_space<hbm>>
          tpu.wait_indirect_dma semaphore(%run_scoped3A_1165 : memref<!tpu.dma_semaphore, #tpu.memory_space<semaphore_mem>>) src(%dma_wait3A_1195 : memref<65536x256xf32, #tpu.memory_space<hbm>>) dst(%dma_wait3A_1184 : memref<128x256xf32, #tpu.memory_space<vmem>>)
          tpu.yield
        }) : () -> ()
        %jit3A_608 = arith.constant 256 : i32
        "tpu.trace_stop"() : () -> ()
        %div3A_609 = arith.divsi %add3A_209, %jit3A_608 : i32
        %sign3A_610 = arith.constant 0 : i32
        %sign3A_611 = arith.cmpi sgt, %add3A_209, %sign3A_610 : i32
        %sign3A_612 = arith.extui %sign3A_611 : i1 to i32
        %sign3A_613 = arith.constant 0 : i32
        %sign3A_614 = arith.cmpi slt, %add3A_209, %sign3A_613 : i32
        %sign3A_615 = arith.extui %sign3A_614 : i1 to i32
        %sign3A_616 = arith.subi %sign3A_612, %sign3A_615 : i32
        %sign3A_617 = arith.constant 0 : i32
        %sign3A_618 = arith.cmpi sgt, %jit3A_608, %sign3A_617 : i32
        %sign3A_619 = arith.extui %sign3A_618 : i1 to i32
        %sign3A_620 = arith.constant 0 : i32
        %sign3A_621 = arith.cmpi slt, %jit3A_608, %sign3A_620 : i32
        %sign3A_622 = arith.extui %sign3A_621 : i1 to i32
        %sign3A_623 = arith.subi %sign3A_619, %sign3A_622 : i32
        %ne3A_624 = arith.cmpi ne, %sign3A_616, %sign3A_623 : i32
        %rem3A_625 = arith.remsi %add3A_209, %jit3A_608 : i32
        %ne3A_626 = arith.constant 0 : i32
        %ne3A_627 = arith.cmpi ne, %rem3A_625, %ne3A_626 : i32
        %and3A_628 = arith.andi %ne3A_624, %ne3A_627 : i1
        %sub3A_629 = arith.constant 1 : i32
        %sub3A_630 = arith.subi %div3A_609, %sub3A_629 : i32
        %select_n3A_631 = arith.select %and3A_628, %sub3A_630, %div3A_609 : i32
        %jit3A_632 = arith.constant 32 : i32
        %div3A_633 = arith.divsi %add3A_209, %jit3A_632 : i32
        %sign3A_634 = arith.constant 0 : i32
        %sign3A_635 = arith.cmpi sgt, %add3A_209, %sign3A_634 : i32
        %sign3A_636 = arith.extui %sign3A_635 : i1 to i32
        %sign3A_637 = arith.constant 0 : i32
        %sign3A_638 = arith.cmpi slt, %add3A_209, %sign3A_637 : i32
        %sign3A_639 = arith.extui %sign3A_638 : i1 to i32
        %sign3A_640 = arith.subi %sign3A_636, %sign3A_639 : i32
        %sign3A_641 = arith.constant 0 : i32
        %sign3A_642 = arith.cmpi sgt, %jit3A_632, %sign3A_641 : i32
        %sign3A_643 = arith.extui %sign3A_642 : i1 to i32
        %sign3A_644 = arith.constant 0 : i32
        %sign3A_645 = arith.cmpi slt, %jit3A_632, %sign3A_644 : i32
        %sign3A_646 = arith.extui %sign3A_645 : i1 to i32
        %sign3A_647 = arith.subi %sign3A_643, %sign3A_646 : i32
        %ne3A_648 = arith.cmpi ne, %sign3A_640, %sign3A_647 : i32
        %rem3A_649 = arith.remsi %add3A_209, %jit3A_632 : i32
        %ne3A_650 = arith.constant 0 : i32
        %ne3A_651 = arith.cmpi ne, %rem3A_649, %ne3A_650 : i32
        %and3A_652 = arith.andi %ne3A_648, %ne3A_651 : i1
        %sub3A_653 = arith.constant 1 : i32
        %sub3A_654 = arith.subi %div3A_633, %sub3A_653 : i32
        %select_n3A_655 = arith.select %and3A_652, %sub3A_654, %div3A_633 : i32
        %jit3A_656 = arith.constant 8 : i32
        %eq3A_657 = arith.constant 0 : i32
        %eq3A_658 = arith.cmpi eq, %jit3A_656, %eq3A_657 : i32
        %jit3A_659 = arith.constant 1 : i32
        %select_n3A_660 = arith.select %eq3A_658, %jit3A_659, %jit3A_656 : i32
        %rem3A_661 = arith.remsi %select_n3A_655, %select_n3A_660 : i32
        %ne3A_662 = arith.constant 0 : i32
        %ne3A_663 = arith.cmpi ne, %rem3A_661, %ne3A_662 : i32
        %lt3A_664 = arith.constant 0 : i32
        %lt3A_665 = arith.cmpi slt, %rem3A_661, %lt3A_664 : i32
        %lt3A_666 = arith.constant 0 : i32
        %lt3A_667 = arith.cmpi slt, %select_n3A_660, %lt3A_666 : i32
        %ne3A_668 = arith.xori %lt3A_665, %lt3A_667 : i1
        %and3A_669 = arith.andi %ne3A_668, %ne3A_663 : i1
        %add3A_670 = arith.addi %rem3A_661, %select_n3A_660 : i32
        %select_n3A_671 = arith.select %and3A_669, %add3A_670, %rem3A_661 : i32
        %jit3A_672 = arith.constant 32 : i32
        %eq3A_673 = arith.constant 0 : i32
        %eq3A_674 = arith.cmpi eq, %jit3A_672, %eq3A_673 : i32
        %jit3A_675 = arith.constant 1 : i32
        %select_n3A_676 = arith.select %eq3A_674, %jit3A_675, %jit3A_672 : i32
        %rem3A_677 = arith.remsi %add3A_209, %select_n3A_676 : i32
        %ne3A_678 = arith.constant 0 : i32
        %ne3A_679 = arith.cmpi ne, %rem3A_677, %ne3A_678 : i32
        %lt3A_680 = arith.constant 0 : i32
        %lt3A_681 = arith.cmpi slt, %rem3A_677, %lt3A_680 : i32
        %lt3A_682 = arith.constant 0 : i32
        %lt3A_683 = arith.cmpi slt, %select_n3A_676, %lt3A_682 : i32
        %ne3A_684 = arith.xori %lt3A_681, %lt3A_683 : i1
        %and3A_685 = arith.andi %ne3A_684, %ne3A_679 : i1
        %add3A_686 = arith.addi %rem3A_677, %select_n3A_676 : i32
        %select_n3A_687 = arith.select %and3A_685, %add3A_686, %rem3A_677 : i32
        %jit3A_688 = arith.constant 256 : i32
        %div3A_689 = arith.divsi %add3A_227, %jit3A_688 : i32
        %sign3A_690 = arith.constant 0 : i32
        %sign3A_691 = arith.cmpi sgt, %add3A_227, %sign3A_690 : i32
        %sign3A_692 = arith.extui %sign3A_691 : i1 to i32
        %sign3A_693 = arith.constant 0 : i32
        %sign3A_694 = arith.cmpi slt, %add3A_227, %sign3A_693 : i32
        %sign3A_695 = arith.extui %sign3A_694 : i1 to i32
        %sign3A_696 = arith.subi %sign3A_692, %sign3A_695 : i32
        %sign3A_697 = arith.constant 0 : i32
        %sign3A_698 = arith.cmpi sgt, %jit3A_688, %sign3A_697 : i32
        %sign3A_699 = arith.extui %sign3A_698 : i1 to i32
        %sign3A_700 = arith.constant 0 : i32
        %sign3A_701 = arith.cmpi slt, %jit3A_688, %sign3A_700 : i32
        %sign3A_702 = arith.extui %sign3A_701 : i1 to i32
        %sign3A_703 = arith.subi %sign3A_699, %sign3A_702 : i32
        %ne3A_704 = arith.cmpi ne, %sign3A_696, %sign3A_703 : i32
        %rem3A_705 = arith.remsi %add3A_227, %jit3A_688 : i32
        %ne3A_706 = arith.constant 0 : i32
        %ne3A_707 = arith.cmpi ne, %rem3A_705, %ne3A_706 : i32
        %and3A_708 = arith.andi %ne3A_704, %ne3A_707 : i1
        %sub3A_709 = arith.constant 1 : i32
        %sub3A_710 = arith.subi %div3A_689, %sub3A_709 : i32
        %select_n3A_711 = arith.select %and3A_708, %sub3A_710, %div3A_689 : i32
        %jit3A_712 = arith.constant 32 : i32
        %div3A_713 = arith.divsi %add3A_227, %jit3A_712 : i32
        %sign3A_714 = arith.constant 0 : i32
        %sign3A_715 = arith.cmpi sgt, %add3A_227, %sign3A_714 : i32
        %sign3A_716 = arith.extui %sign3A_715 : i1 to i32
        %sign3A_717 = arith.constant 0 : i32
        %sign3A_718 = arith.cmpi slt, %add3A_227, %sign3A_717 : i32
        %sign3A_719 = arith.extui %sign3A_718 : i1 to i32
        %sign3A_720 = arith.subi %sign3A_716, %sign3A_719 : i32
        %sign3A_721 = arith.constant 0 : i32
        %sign3A_722 = arith.cmpi sgt, %jit3A_712, %sign3A_721 : i32
        %sign3A_723 = arith.extui %sign3A_722 : i1 to i32
        %sign3A_724 = arith.constant 0 : i32
        %sign3A_725 = arith.cmpi slt, %jit3A_712, %sign3A_724 : i32
        %sign3A_726 = arith.extui %sign3A_725 : i1 to i32
        %sign3A_727 = arith.subi %sign3A_723, %sign3A_726 : i32
        %ne3A_728 = arith.cmpi ne, %sign3A_720, %sign3A_727 : i32
        %rem3A_729 = arith.remsi %add3A_227, %jit3A_712 : i32
        %ne3A_730 = arith.constant 0 : i32
        %ne3A_731 = arith.cmpi ne, %rem3A_729, %ne3A_730 : i32
        %and3A_732 = arith.andi %ne3A_728, %ne3A_731 : i1
        %sub3A_733 = arith.constant 1 : i32
        %sub3A_734 = arith.subi %div3A_713, %sub3A_733 : i32
        %select_n3A_735 = arith.select %and3A_732, %sub3A_734, %div3A_713 : i32
        %jit3A_736 = arith.constant 8 : i32
        %eq3A_737 = arith.constant 0 : i32
        %eq3A_738 = arith.cmpi eq, %jit3A_736, %eq3A_737 : i32
        %jit3A_739 = arith.constant 1 : i32
        %select_n3A_740 = arith.select %eq3A_738, %jit3A_739, %jit3A_736 : i32
        %rem3A_741 = arith.remsi %select_n3A_735, %select_n3A_740 : i32
        %ne3A_742 = arith.constant 0 : i32
        %ne3A_743 = arith.cmpi ne, %rem3A_741, %ne3A_742 : i32
        %lt3A_744 = arith.constant 0 : i32
        %lt3A_745 = arith.cmpi slt, %rem3A_741, %lt3A_744 : i32
        %lt3A_746 = arith.constant 0 : i32
        %lt3A_747 = arith.cmpi slt, %select_n3A_740, %lt3A_746 : i32
        %ne3A_748 = arith.xori %lt3A_745, %lt3A_747 : i1
        %and3A_749 = arith.andi %ne3A_748, %ne3A_743 : i1
        %add3A_750 = arith.addi %rem3A_741, %select_n3A_740 : i32
        %select_n3A_751 = arith.select %and3A_749, %add3A_750, %rem3A_741 : i32
        %jit3A_752 = arith.constant 32 : i32
        %eq3A_753 = arith.constant 0 : i32
        %eq3A_754 = arith.cmpi eq, %jit3A_752, %eq3A_753 : i32
        %jit3A_755 = arith.constant 1 : i32
        %select_n3A_756 = arith.select %eq3A_754, %jit3A_755, %jit3A_752 : i32
        %rem3A_757 = arith.remsi %add3A_227, %select_n3A_756 : i32
        %ne3A_758 = arith.constant 0 : i32
        %ne3A_759 = arith.cmpi ne, %rem3A_757, %ne3A_758 : i32
        %lt3A_760 = arith.constant 0 : i32
        %lt3A_761 = arith.cmpi slt, %rem3A_757, %lt3A_760 : i32
        %lt3A_762 = arith.constant 0 : i32
        %lt3A_763 = arith.cmpi slt, %select_n3A_756, %lt3A_762 : i32
        %ne3A_764 = arith.xori %lt3A_761, %lt3A_763 : i1
        %and3A_765 = arith.andi %ne3A_764, %ne3A_759 : i1
        %add3A_766 = arith.addi %rem3A_757, %select_n3A_756 : i32
        %select_n3A_767 = arith.select %and3A_765, %add3A_766, %rem3A_757 : i32
        %ne3A_768 = arith.cmpi ne, %select_n3A_631, %select_n3A_711 : i32
        %ne3A_769 = arith.cmpi ne, %select_n3A_671, %select_n3A_751 : i32
        %ne3A_770 = arith.cmpi ne, %select_n3A_687, %select_n3A_767 : i32
        %or3A_771 = arith.constant false
        %or3A_772 = arith.ori %or3A_771, %ne3A_768 : i1
        %or3A_773 = arith.ori %or3A_772, %ne3A_769 : i1
        %or3A_774 = arith.ori %or3A_773, %ne3A_770 : i1
        %or3A_775 = arith.ori %or3A_774, %eq3A_208 : i1
        %convert_element_type3A_776 = arith.extui %or3A_775 : i1 to i32
        %cond3A_777 = arith.constant 0 : i32
        %cond3A_778 = arith.cmpi ne, %convert_element_type3A_776, %cond3A_777 : i32
        scf.if %cond3A_778 {
        } else {
        }
        %and3A_779 = arith.constant false
        %and3A_780 = arith.andi %or3A_775, %and3A_779 : i1
        %ne3A_781 = arith.cmpi ne, %add3A_209, %add3A_227 : i32
        %or3A_782 = arith.constant false
        %or3A_783 = arith.ori %or3A_782, %ne3A_781 : i1
        %or3A_784 = arith.constant false
        %or3A_785 = arith.ori %or3A_783, %or3A_784 : i1
        %or3A_786 = arith.ori %or3A_785, %eq3A_208 : i1
        %convert_element_type3A_787 = arith.extui %or3A_786 : i1 to i32
        %cond3A_788 = arith.constant 0 : i32
        %cond3A_789 = arith.cmpi ne, %convert_element_type3A_787, %cond3A_788 : i32
        scf.if %cond3A_789 {
          "tpu.trace_start"() <{level = 10 : i32, message = "ep_copy_out"}> : () -> ()
          %rem3A_1165 = arith.constant 2 : i32
          %rem3A_1166 = arith.remui %scan3A_202, %rem3A_1165 : i32
          %mul3A_1167 = arith.constant 128 : i32
          %mul3A_1168 = arith.muli %mul3A_1167, %add3A_209 : i32
          %dma_start3A_1169 = arith.constant 0 : i32
          %dma_start3A_1170 = arith.constant 0 : i32
          %dma_start3A_1171 = tpu.memref_slice %run_scoped3A_8[%rem3A_1166, %dma_start3A_1169, %dma_start3A_1170] : memref<2x128x256xf32, #tpu.memory_space<vmem>> -> memref<1x128x256xf32, #tpu.memory_space<vmem>>
          %dma_start3A_1172 = tpu.memref_squeeze %dma_start3A_1171 : memref<1x128x256xf32, #tpu.memory_space<vmem>> -> memref<128x256xf32, #tpu.memory_space<vmem>>
          %dma_start3A_1173 = arith.constant 0 : i32
          %dma_start3A_1174 = tpu.memref_slice %arg4[%mul3A_1168, %dma_start3A_1173] : memref<65536x256xf32, #tpu.memory_space<hbm>> -> memref<128x256xf32, #tpu.memory_space<hbm>>
          %dma_start3A_1175 = tpu.memref_slice %run_scoped3A_9[%rem3A_1166] : memref<2x!tpu.dma_semaphore, #tpu.memory_space<semaphore_mem>> -> memref<1x!tpu.dma_semaphore, #tpu.memory_space<semaphore_mem>>
          %dma_start3A_1176 = tpu.memref_squeeze %dma_start3A_1175 : memref<1x!tpu.dma_semaphore, #tpu.memory_space<semaphore_mem>> -> memref<!tpu.dma_semaphore, #tpu.memory_space<semaphore_mem>>
          %dma_start3A_1177 = arith.constant 0 : i32
          %dma_start3A_1178 = tpu.memref_slice %arg4[%mul3A_1168, %dma_start3A_1177] : memref<65536x256xf32, #tpu.memory_space<hbm>> -> memref<128x256xf32, #tpu.memory_space<hbm>>
          %dma_start3A_1179 = arith.constant 0 : i32
          %dma_start3A_1180 = arith.constant 0 : i32
          %dma_start3A_1181 = tpu.memref_slice %run_scoped3A_8[%rem3A_1166, %dma_start3A_1179, %dma_start3A_1180] : memref<2x128x256xf32, #tpu.memory_space<vmem>> -> memref<1x128x256xf32, #tpu.memory_space<vmem>>
          %dma_start3A_1182 = tpu.memref_squeeze %dma_start3A_1181 : memref<1x128x256xf32, #tpu.memory_space<vmem>> -> memref<128x256xf32, #tpu.memory_space<vmem>>
          tpu.enqueue_dma source(%dma_start3A_1182 : memref<128x256xf32, #tpu.memory_space<vmem>>) target(%dma_start3A_1178 : memref<128x256xf32, #tpu.memory_space<hbm>>) target_semaphore(%dma_start3A_1176 : memref<!tpu.dma_semaphore, #tpu.memory_space<semaphore_mem>>)
          "tpu.trace_stop"() : () -> ()
        } else {
        }
        %and3A_790 = arith.constant true
        %and3A_791 = arith.andi %or3A_786, %and3A_790 : i1
        %add3A_792 = arith.constant 1 : i32
        %add3A_793 = arith.addi %scan3A_202, %add3A_792 : i32
        %select_n3A_794 = arith.select %and3A_791, %add3A_793, %scan3A_202 : i32
        %jit3A_795 = arith.constant 256 : i32
        %div3A_796 = arith.divsi %add3A_209, %jit3A_795 : i32
        %sign3A_797 = arith.constant 0 : i32
        %sign3A_798 = arith.cmpi sgt, %add3A_209, %sign3A_797 : i32
        %sign3A_799 = arith.extui %sign3A_798 : i1 to i32
        %sign3A_800 = arith.constant 0 : i32
        %sign3A_801 = arith.cmpi slt, %add3A_209, %sign3A_800 : i32
        %sign3A_802 = arith.extui %sign3A_801 : i1 to i32
        %sign3A_803 = arith.subi %sign3A_799, %sign3A_802 : i32
        %sign3A_804 = arith.constant 0 : i32
        %sign3A_805 = arith.cmpi sgt, %jit3A_795, %sign3A_804 : i32
        %sign3A_806 = arith.extui %sign3A_805 : i1 to i32
        %sign3A_807 = arith.constant 0 : i32
        %sign3A_808 = arith.cmpi slt, %jit3A_795, %sign3A_807 : i32
        %sign3A_809 = arith.extui %sign3A_808 : i1 to i32
        %sign3A_810 = arith.subi %sign3A_806, %sign3A_809 : i32
        %ne3A_811 = arith.cmpi ne, %sign3A_803, %sign3A_810 : i32
        %rem3A_812 = arith.remsi %add3A_209, %jit3A_795 : i32
        %ne3A_813 = arith.constant 0 : i32
        %ne3A_814 = arith.cmpi ne, %rem3A_812, %ne3A_813 : i32
        %and3A_815 = arith.andi %ne3A_811, %ne3A_814 : i1
        %sub3A_816 = arith.constant 1 : i32
        %sub3A_817 = arith.subi %div3A_796, %sub3A_816 : i32
        %select_n3A_818 = arith.select %and3A_815, %sub3A_817, %div3A_796 : i32
        %jit3A_819 = arith.constant 32 : i32
        %div3A_820 = arith.divsi %add3A_209, %jit3A_819 : i32
        %sign3A_821 = arith.constant 0 : i32
        %sign3A_822 = arith.cmpi sgt, %add3A_209, %sign3A_821 : i32
        %sign3A_823 = arith.extui %sign3A_822 : i1 to i32
        %sign3A_824 = arith.constant 0 : i32
        %sign3A_825 = arith.cmpi slt, %add3A_209, %sign3A_824 : i32
        %sign3A_826 = arith.extui %sign3A_825 : i1 to i32
        %sign3A_827 = arith.subi %sign3A_823, %sign3A_826 : i32
        %sign3A_828 = arith.constant 0 : i32
        %sign3A_829 = arith.cmpi sgt, %jit3A_819, %sign3A_828 : i32
        %sign3A_830 = arith.extui %sign3A_829 : i1 to i32
        %sign3A_831 = arith.constant 0 : i32
        %sign3A_832 = arith.cmpi slt, %jit3A_819, %sign3A_831 : i32
        %sign3A_833 = arith.extui %sign3A_832 : i1 to i32
        %sign3A_834 = arith.subi %sign3A_830, %sign3A_833 : i32
        %ne3A_835 = arith.cmpi ne, %sign3A_827, %sign3A_834 : i32
        %rem3A_836 = arith.remsi %add3A_209, %jit3A_819 : i32
        %ne3A_837 = arith.constant 0 : i32
        %ne3A_838 = arith.cmpi ne, %rem3A_836, %ne3A_837 : i32
        %and3A_839 = arith.andi %ne3A_835, %ne3A_838 : i1
        %sub3A_840 = arith.constant 1 : i32
        %sub3A_841 = arith.subi %div3A_820, %sub3A_840 : i32
        %select_n3A_842 = arith.select %and3A_839, %sub3A_841, %div3A_820 : i32
        %jit3A_843 = arith.constant 8 : i32
        %eq3A_844 = arith.constant 0 : i32
        %eq3A_845 = arith.cmpi eq, %jit3A_843, %eq3A_844 : i32
        %jit3A_846 = arith.constant 1 : i32
        %select_n3A_847 = arith.select %eq3A_845, %jit3A_846, %jit3A_843 : i32
        %rem3A_848 = arith.remsi %select_n3A_842, %select_n3A_847 : i32
        %ne3A_849 = arith.constant 0 : i32
        %ne3A_850 = arith.cmpi ne, %rem3A_848, %ne3A_849 : i32
        %lt3A_851 = arith.constant 0 : i32
        %lt3A_852 = arith.cmpi slt, %rem3A_848, %lt3A_851 : i32
        %lt3A_853 = arith.constant 0 : i32
        %lt3A_854 = arith.cmpi slt, %select_n3A_847, %lt3A_853 : i32
        %ne3A_855 = arith.xori %lt3A_852, %lt3A_854 : i1
        %and3A_856 = arith.andi %ne3A_855, %ne3A_850 : i1
        %add3A_857 = arith.addi %rem3A_848, %select_n3A_847 : i32
        %select_n3A_858 = arith.select %and3A_856, %add3A_857, %rem3A_848 : i32
        %jit3A_859 = arith.constant 32 : i32
        %eq3A_860 = arith.constant 0 : i32
        %eq3A_861 = arith.cmpi eq, %jit3A_859, %eq3A_860 : i32
        %jit3A_862 = arith.constant 1 : i32
        %select_n3A_863 = arith.select %eq3A_861, %jit3A_862, %jit3A_859 : i32
        %rem3A_864 = arith.remsi %add3A_209, %select_n3A_863 : i32
        %ne3A_865 = arith.constant 0 : i32
        %ne3A_866 = arith.cmpi ne, %rem3A_864, %ne3A_865 : i32
        %lt3A_867 = arith.constant 0 : i32
        %lt3A_868 = arith.cmpi slt, %rem3A_864, %lt3A_867 : i32
        %lt3A_869 = arith.constant 0 : i32
        %lt3A_870 = arith.cmpi slt, %select_n3A_863, %lt3A_869 : i32
        %ne3A_871 = arith.xori %lt3A_868, %lt3A_870 : i1
        %and3A_872 = arith.andi %ne3A_871, %ne3A_866 : i1
        %add3A_873 = arith.addi %rem3A_864, %select_n3A_863 : i32
        %select_n3A_874 = arith.select %and3A_872, %add3A_873, %rem3A_864 : i32
        %jit3A_875 = arith.constant 256 : i32
        %div3A_876 = arith.divsi %add3A_218, %jit3A_875 : i32
        %sign3A_877 = arith.constant 0 : i32
        %sign3A_878 = arith.cmpi sgt, %add3A_218, %sign3A_877 : i32
        %sign3A_879 = arith.extui %sign3A_878 : i1 to i32
        %sign3A_880 = arith.constant 0 : i32
        %sign3A_881 = arith.cmpi slt, %add3A_218, %sign3A_880 : i32
        %sign3A_882 = arith.extui %sign3A_881 : i1 to i32
        %sign3A_883 = arith.subi %sign3A_879, %sign3A_882 : i32
        %sign3A_884 = arith.constant 0 : i32
        %sign3A_885 = arith.cmpi sgt, %jit3A_875, %sign3A_884 : i32
        %sign3A_886 = arith.extui %sign3A_885 : i1 to i32
        %sign3A_887 = arith.constant 0 : i32
        %sign3A_888 = arith.cmpi slt, %jit3A_875, %sign3A_887 : i32
        %sign3A_889 = arith.extui %sign3A_888 : i1 to i32
        %sign3A_890 = arith.subi %sign3A_886, %sign3A_889 : i32
        %ne3A_891 = arith.cmpi ne, %sign3A_883, %sign3A_890 : i32
        %rem3A_892 = arith.remsi %add3A_218, %jit3A_875 : i32
        %ne3A_893 = arith.constant 0 : i32
        %ne3A_894 = arith.cmpi ne, %rem3A_892, %ne3A_893 : i32
        %and3A_895 = arith.andi %ne3A_891, %ne3A_894 : i1
        %sub3A_896 = arith.constant 1 : i32
        %sub3A_897 = arith.subi %div3A_876, %sub3A_896 : i32
        %select_n3A_898 = arith.select %and3A_895, %sub3A_897, %div3A_876 : i32
        %jit3A_899 = arith.constant 32 : i32
        %div3A_900 = arith.divsi %add3A_218, %jit3A_899 : i32
        %sign3A_901 = arith.constant 0 : i32
        %sign3A_902 = arith.cmpi sgt, %add3A_218, %sign3A_901 : i32
        %sign3A_903 = arith.extui %sign3A_902 : i1 to i32
        %sign3A_904 = arith.constant 0 : i32
        %sign3A_905 = arith.cmpi slt, %add3A_218, %sign3A_904 : i32
        %sign3A_906 = arith.extui %sign3A_905 : i1 to i32
        %sign3A_907 = arith.subi %sign3A_903, %sign3A_906 : i32
        %sign3A_908 = arith.constant 0 : i32
        %sign3A_909 = arith.cmpi sgt, %jit3A_899, %sign3A_908 : i32
        %sign3A_910 = arith.extui %sign3A_909 : i1 to i32
        %sign3A_911 = arith.constant 0 : i32
        %sign3A_912 = arith.cmpi slt, %jit3A_899, %sign3A_911 : i32
        %sign3A_913 = arith.extui %sign3A_912 : i1 to i32
        %sign3A_914 = arith.subi %sign3A_910, %sign3A_913 : i32
        %ne3A_915 = arith.cmpi ne, %sign3A_907, %sign3A_914 : i32
        %rem3A_916 = arith.remsi %add3A_218, %jit3A_899 : i32
        %ne3A_917 = arith.constant 0 : i32
        %ne3A_918 = arith.cmpi ne, %rem3A_916, %ne3A_917 : i32
        %and3A_919 = arith.andi %ne3A_915, %ne3A_918 : i1
        %sub3A_920 = arith.constant 1 : i32
        %sub3A_921 = arith.subi %div3A_900, %sub3A_920 : i32
        %select_n3A_922 = arith.select %and3A_919, %sub3A_921, %div3A_900 : i32
        %jit3A_923 = arith.constant 8 : i32
        %eq3A_924 = arith.constant 0 : i32
        %eq3A_925 = arith.cmpi eq, %jit3A_923, %eq3A_924 : i32
        %jit3A_926 = arith.constant 1 : i32
        %select_n3A_927 = arith.select %eq3A_925, %jit3A_926, %jit3A_923 : i32
        %rem3A_928 = arith.remsi %select_n3A_922, %select_n3A_927 : i32
        %ne3A_929 = arith.constant 0 : i32
        %ne3A_930 = arith.cmpi ne, %rem3A_928, %ne3A_929 : i32
        %lt3A_931 = arith.constant 0 : i32
        %lt3A_932 = arith.cmpi slt, %rem3A_928, %lt3A_931 : i32
        %lt3A_933 = arith.constant 0 : i32
        %lt3A_934 = arith.cmpi slt, %select_n3A_927, %lt3A_933 : i32
        %ne3A_935 = arith.xori %lt3A_932, %lt3A_934 : i1
        %and3A_936 = arith.andi %ne3A_935, %ne3A_930 : i1
        %add3A_937 = arith.addi %rem3A_928, %select_n3A_927 : i32
        %select_n3A_938 = arith.select %and3A_936, %add3A_937, %rem3A_928 : i32
        %jit3A_939 = arith.constant 32 : i32
        %eq3A_940 = arith.constant 0 : i32
        %eq3A_941 = arith.cmpi eq, %jit3A_939, %eq3A_940 : i32
        %jit3A_942 = arith.constant 1 : i32
        %select_n3A_943 = arith.select %eq3A_941, %jit3A_942, %jit3A_939 : i32
        %rem3A_944 = arith.remsi %add3A_218, %select_n3A_943 : i32
        %ne3A_945 = arith.constant 0 : i32
        %ne3A_946 = arith.cmpi ne, %rem3A_944, %ne3A_945 : i32
        %lt3A_947 = arith.constant 0 : i32
        %lt3A_948 = arith.cmpi slt, %rem3A_944, %lt3A_947 : i32
        %lt3A_949 = arith.constant 0 : i32
        %lt3A_950 = arith.cmpi slt, %select_n3A_943, %lt3A_949 : i32
        %ne3A_951 = arith.xori %lt3A_948, %lt3A_950 : i1
        %and3A_952 = arith.andi %ne3A_951, %ne3A_946 : i1
        %add3A_953 = arith.addi %rem3A_944, %select_n3A_943 : i32
        %select_n3A_954 = arith.select %and3A_952, %add3A_953, %rem3A_944 : i32
        %ne3A_955 = arith.cmpi ne, %select_n3A_818, %select_n3A_898 : i32
        %ne3A_956 = arith.cmpi ne, %select_n3A_858, %select_n3A_938 : i32
        %ne3A_957 = arith.cmpi ne, %select_n3A_874, %select_n3A_954 : i32
        %or3A_958 = arith.constant false
        %or3A_959 = arith.ori %or3A_958, %ne3A_955 : i1
        %or3A_960 = arith.ori %or3A_959, %ne3A_956 : i1
        %or3A_961 = arith.ori %or3A_960, %ne3A_957 : i1
        %not3A_962 = arith.constant true
        %not3A_963 = arith.xori %eq3A_206, %not3A_962 : i1
        %and3A_964 = arith.andi %or3A_961, %not3A_963 : i1
        %convert_element_type3A_965 = arith.extui %and3A_964 : i1 to i32
        %cond3A_966 = arith.constant 0 : i32
        %cond3A_967 = arith.cmpi ne, %convert_element_type3A_965, %cond3A_966 : i32
        scf.if %cond3A_967 {
        } else {
        }
        %and3A_968 = arith.constant false
        %and3A_969 = arith.andi %and3A_964, %and3A_968 : i1
        %ne3A_970 = arith.cmpi ne, %add3A_209, %add3A_218 : i32
        %or3A_971 = arith.constant false
        %or3A_972 = arith.ori %or3A_971, %ne3A_970 : i1
        %or3A_973 = arith.constant false
        %or3A_974 = arith.ori %or3A_972, %or3A_973 : i1
        %not3A_975 = arith.constant true
        %not3A_976 = arith.xori %eq3A_206, %not3A_975 : i1
        %and3A_977 = arith.andi %or3A_974, %not3A_976 : i1
        %convert_element_type3A_978 = arith.extui %and3A_977 : i1 to i32
        %cond3A_979 = arith.constant 0 : i32
        %cond3A_980 = arith.cmpi ne, %convert_element_type3A_978, %cond3A_979 : i32
        scf.if %cond3A_980 {
          "tpu.trace_start"() <{level = 10 : i32, message = "ep_wait_out"}> : () -> ()
          %rem3A_1165 = arith.constant 2 : i32
          %rem3A_1166 = arith.remui %scan3A_203, %rem3A_1165 : i32
          %mul3A_1167 = arith.constant 128 : i32
          %mul3A_1168 = arith.muli %mul3A_1167, %add3A_218 : i32
          %dma_wait3A_1169 = arith.constant 0 : i32
          %dma_wait3A_1170 = arith.constant 0 : i32
          %dma_wait3A_1171 = tpu.memref_slice %run_scoped3A_8[%rem3A_1166, %dma_wait3A_1169, %dma_wait3A_1170] : memref<2x128x256xf32, #tpu.memory_space<vmem>> -> memref<1x128x256xf32, #tpu.memory_space<vmem>>
          %dma_wait3A_1172 = tpu.memref_squeeze %dma_wait3A_1171 : memref<1x128x256xf32, #tpu.memory_space<vmem>> -> memref<128x256xf32, #tpu.memory_space<vmem>>
          %dma_wait3A_1173 = arith.constant 0 : i32
          %dma_wait3A_1174 = tpu.memref_slice %arg4[%mul3A_1168, %dma_wait3A_1173] : memref<65536x256xf32, #tpu.memory_space<hbm>> -> memref<128x256xf32, #tpu.memory_space<hbm>>
          %dma_wait3A_1175 = tpu.memref_slice %run_scoped3A_9[%rem3A_1166] : memref<2x!tpu.dma_semaphore, #tpu.memory_space<semaphore_mem>> -> memref<1x!tpu.dma_semaphore, #tpu.memory_space<semaphore_mem>>
          %dma_wait3A_1176 = tpu.memref_squeeze %dma_wait3A_1175 : memref<1x!tpu.dma_semaphore, #tpu.memory_space<semaphore_mem>> -> memref<!tpu.dma_semaphore, #tpu.memory_space<semaphore_mem>>
          %dma_wait3A_1177 = arith.constant 0 : i32
          %dma_wait3A_1178 = tpu.memref_slice %arg4[%mul3A_1168, %dma_wait3A_1177] : memref<65536x256xf32, #tpu.memory_space<hbm>> -> memref<128x256xf32, #tpu.memory_space<hbm>>
          %dma_wait3A_1179 = arith.constant 0 : i32
          %dma_wait3A_1180 = arith.constant 0 : i32
          %dma_wait3A_1181 = tpu.memref_slice %run_scoped3A_8[%rem3A_1166, %dma_wait3A_1179, %dma_wait3A_1180] : memref<2x128x256xf32, #tpu.memory_space<vmem>> -> memref<1x128x256xf32, #tpu.memory_space<vmem>>
          %dma_wait3A_1182 = tpu.memref_squeeze %dma_wait3A_1181 : memref<1x128x256xf32, #tpu.memory_space<vmem>> -> memref<128x256xf32, #tpu.memory_space<vmem>>
          tpu.wait_dma2 semaphore(%dma_wait3A_1176 : memref<!tpu.dma_semaphore, #tpu.memory_space<semaphore_mem>>) src(%dma_wait3A_1182 : memref<128x256xf32, #tpu.memory_space<vmem>>) dst(%dma_wait3A_1178 : memref<128x256xf32, #tpu.memory_space<hbm>>)
          "tpu.trace_stop"() : () -> ()
        } else {
        }
        %and3A_981 = arith.constant true
        %and3A_982 = arith.andi %and3A_977, %and3A_981 : i1
        %add3A_983 = arith.constant 1 : i32
        %add3A_984 = arith.addi %scan3A_203, %add3A_983 : i32
        %select_n3A_985 = arith.select %and3A_982, %add3A_984, %scan3A_203 : i32
        %jit3A_986 = arith.constant 256 : i32
        %div3A_987 = arith.divsi %add3A_209, %jit3A_986 : i32
        %sign3A_988 = arith.constant 0 : i32
        %sign3A_989 = arith.cmpi sgt, %add3A_209, %sign3A_988 : i32
        %sign3A_990 = arith.extui %sign3A_989 : i1 to i32
        %sign3A_991 = arith.constant 0 : i32
        %sign3A_992 = arith.cmpi slt, %add3A_209, %sign3A_991 : i32
        %sign3A_993 = arith.extui %sign3A_992 : i1 to i32
        %sign3A_994 = arith.subi %sign3A_990, %sign3A_993 : i32
        %sign3A_995 = arith.constant 0 : i32
        %sign3A_996 = arith.cmpi sgt, %jit3A_986, %sign3A_995 : i32
        %sign3A_997 = arith.extui %sign3A_996 : i1 to i32
        %sign3A_998 = arith.constant 0 : i32
        %sign3A_999 = arith.cmpi slt, %jit3A_986, %sign3A_998 : i32
        %sign3A_1000 = arith.extui %sign3A_999 : i1 to i32
        %sign3A_1001 = arith.subi %sign3A_997, %sign3A_1000 : i32
        %ne3A_1002 = arith.cmpi ne, %sign3A_994, %sign3A_1001 : i32
        %rem3A_1003 = arith.remsi %add3A_209, %jit3A_986 : i32
        %ne3A_1004 = arith.constant 0 : i32
        %ne3A_1005 = arith.cmpi ne, %rem3A_1003, %ne3A_1004 : i32
        %and3A_1006 = arith.andi %ne3A_1002, %ne3A_1005 : i1
        %sub3A_1007 = arith.constant 1 : i32
        %sub3A_1008 = arith.subi %div3A_987, %sub3A_1007 : i32
        %select_n3A_1009 = arith.select %and3A_1006, %sub3A_1008, %div3A_987 : i32
        %jit3A_1010 = arith.constant 32 : i32
        %div3A_1011 = arith.divsi %add3A_209, %jit3A_1010 : i32
        %sign3A_1012 = arith.constant 0 : i32
        %sign3A_1013 = arith.cmpi sgt, %add3A_209, %sign3A_1012 : i32
        %sign3A_1014 = arith.extui %sign3A_1013 : i1 to i32
        %sign3A_1015 = arith.constant 0 : i32
        %sign3A_1016 = arith.cmpi slt, %add3A_209, %sign3A_1015 : i32
        %sign3A_1017 = arith.extui %sign3A_1016 : i1 to i32
        %sign3A_1018 = arith.subi %sign3A_1014, %sign3A_1017 : i32
        %sign3A_1019 = arith.constant 0 : i32
        %sign3A_1020 = arith.cmpi sgt, %jit3A_1010, %sign3A_1019 : i32
        %sign3A_1021 = arith.extui %sign3A_1020 : i1 to i32
        %sign3A_1022 = arith.constant 0 : i32
        %sign3A_1023 = arith.cmpi slt, %jit3A_1010, %sign3A_1022 : i32
        %sign3A_1024 = arith.extui %sign3A_1023 : i1 to i32
        %sign3A_1025 = arith.subi %sign3A_1021, %sign3A_1024 : i32
        %ne3A_1026 = arith.cmpi ne, %sign3A_1018, %sign3A_1025 : i32
        %rem3A_1027 = arith.remsi %add3A_209, %jit3A_1010 : i32
        %ne3A_1028 = arith.constant 0 : i32
        %ne3A_1029 = arith.cmpi ne, %rem3A_1027, %ne3A_1028 : i32
        %and3A_1030 = arith.andi %ne3A_1026, %ne3A_1029 : i1
        %sub3A_1031 = arith.constant 1 : i32
        %sub3A_1032 = arith.subi %div3A_1011, %sub3A_1031 : i32
        %select_n3A_1033 = arith.select %and3A_1030, %sub3A_1032, %div3A_1011 : i32
        %jit3A_1034 = arith.constant 8 : i32
        %eq3A_1035 = arith.constant 0 : i32
        %eq3A_1036 = arith.cmpi eq, %jit3A_1034, %eq3A_1035 : i32
        %jit3A_1037 = arith.constant 1 : i32
        %select_n3A_1038 = arith.select %eq3A_1036, %jit3A_1037, %jit3A_1034 : i32
        %rem3A_1039 = arith.remsi %select_n3A_1033, %select_n3A_1038 : i32
        %ne3A_1040 = arith.constant 0 : i32
        %ne3A_1041 = arith.cmpi ne, %rem3A_1039, %ne3A_1040 : i32
        %lt3A_1042 = arith.constant 0 : i32
        %lt3A_1043 = arith.cmpi slt, %rem3A_1039, %lt3A_1042 : i32
        %lt3A_1044 = arith.constant 0 : i32
        %lt3A_1045 = arith.cmpi slt, %select_n3A_1038, %lt3A_1044 : i32
        %ne3A_1046 = arith.xori %lt3A_1043, %lt3A_1045 : i1
        %and3A_1047 = arith.andi %ne3A_1046, %ne3A_1041 : i1
        %add3A_1048 = arith.addi %rem3A_1039, %select_n3A_1038 : i32
        %select_n3A_1049 = arith.select %and3A_1047, %add3A_1048, %rem3A_1039 : i32
        %jit3A_1050 = arith.constant 32 : i32
        %eq3A_1051 = arith.constant 0 : i32
        %eq3A_1052 = arith.cmpi eq, %jit3A_1050, %eq3A_1051 : i32
        %jit3A_1053 = arith.constant 1 : i32
        %select_n3A_1054 = arith.select %eq3A_1052, %jit3A_1053, %jit3A_1050 : i32
        %rem3A_1055 = arith.remsi %add3A_209, %select_n3A_1054 : i32
        %ne3A_1056 = arith.constant 0 : i32
        %ne3A_1057 = arith.cmpi ne, %rem3A_1055, %ne3A_1056 : i32
        %lt3A_1058 = arith.constant 0 : i32
        %lt3A_1059 = arith.cmpi slt, %rem3A_1055, %lt3A_1058 : i32
        %lt3A_1060 = arith.constant 0 : i32
        %lt3A_1061 = arith.cmpi slt, %select_n3A_1054, %lt3A_1060 : i32
        %ne3A_1062 = arith.xori %lt3A_1059, %lt3A_1061 : i1
        %and3A_1063 = arith.andi %ne3A_1062, %ne3A_1057 : i1
        %add3A_1064 = arith.addi %rem3A_1055, %select_n3A_1054 : i32
        %select_n3A_1065 = arith.select %and3A_1063, %add3A_1064, %rem3A_1055 : i32
        %jit3A_1066 = arith.constant 256 : i32
        %div3A_1067 = arith.divsi %add3A_227, %jit3A_1066 : i32
        %sign3A_1068 = arith.constant 0 : i32
        %sign3A_1069 = arith.cmpi sgt, %add3A_227, %sign3A_1068 : i32
        %sign3A_1070 = arith.extui %sign3A_1069 : i1 to i32
        %sign3A_1071 = arith.constant 0 : i32
        %sign3A_1072 = arith.cmpi slt, %add3A_227, %sign3A_1071 : i32
        %sign3A_1073 = arith.extui %sign3A_1072 : i1 to i32
        %sign3A_1074 = arith.subi %sign3A_1070, %sign3A_1073 : i32
        %sign3A_1075 = arith.constant 0 : i32
        %sign3A_1076 = arith.cmpi sgt, %jit3A_1066, %sign3A_1075 : i32
        %sign3A_1077 = arith.extui %sign3A_1076 : i1 to i32
        %sign3A_1078 = arith.constant 0 : i32
        %sign3A_1079 = arith.cmpi slt, %jit3A_1066, %sign3A_1078 : i32
        %sign3A_1080 = arith.extui %sign3A_1079 : i1 to i32
        %sign3A_1081 = arith.subi %sign3A_1077, %sign3A_1080 : i32
        %ne3A_1082 = arith.cmpi ne, %sign3A_1074, %sign3A_1081 : i32
        %rem3A_1083 = arith.remsi %add3A_227, %jit3A_1066 : i32
        %ne3A_1084 = arith.constant 0 : i32
        %ne3A_1085 = arith.cmpi ne, %rem3A_1083, %ne3A_1084 : i32
        %and3A_1086 = arith.andi %ne3A_1082, %ne3A_1085 : i1
        %sub3A_1087 = arith.constant 1 : i32
        %sub3A_1088 = arith.subi %div3A_1067, %sub3A_1087 : i32
        %select_n3A_1089 = arith.select %and3A_1086, %sub3A_1088, %div3A_1067 : i32
        %jit3A_1090 = arith.constant 32 : i32
        %div3A_1091 = arith.divsi %add3A_227, %jit3A_1090 : i32
        %sign3A_1092 = arith.constant 0 : i32
        %sign3A_1093 = arith.cmpi sgt, %add3A_227, %sign3A_1092 : i32
        %sign3A_1094 = arith.extui %sign3A_1093 : i1 to i32
        %sign3A_1095 = arith.constant 0 : i32
        %sign3A_1096 = arith.cmpi slt, %add3A_227, %sign3A_1095 : i32
        %sign3A_1097 = arith.extui %sign3A_1096 : i1 to i32
        %sign3A_1098 = arith.subi %sign3A_1094, %sign3A_1097 : i32
        %sign3A_1099 = arith.constant 0 : i32
        %sign3A_1100 = arith.cmpi sgt, %jit3A_1090, %sign3A_1099 : i32
        %sign3A_1101 = arith.extui %sign3A_1100 : i1 to i32
        %sign3A_1102 = arith.constant 0 : i32
        %sign3A_1103 = arith.cmpi slt, %jit3A_1090, %sign3A_1102 : i32
        %sign3A_1104 = arith.extui %sign3A_1103 : i1 to i32
        %sign3A_1105 = arith.subi %sign3A_1101, %sign3A_1104 : i32
        %ne3A_1106 = arith.cmpi ne, %sign3A_1098, %sign3A_1105 : i32
        %rem3A_1107 = arith.remsi %add3A_227, %jit3A_1090 : i32
        %ne3A_1108 = arith.constant 0 : i32
        %ne3A_1109 = arith.cmpi ne, %rem3A_1107, %ne3A_1108 : i32
        %and3A_1110 = arith.andi %ne3A_1106, %ne3A_1109 : i1
        %sub3A_1111 = arith.constant 1 : i32
        %sub3A_1112 = arith.subi %div3A_1091, %sub3A_1111 : i32
        %select_n3A_1113 = arith.select %and3A_1110, %sub3A_1112, %div3A_1091 : i32
        %jit3A_1114 = arith.constant 8 : i32
        %eq3A_1115 = arith.constant 0 : i32
        %eq3A_1116 = arith.cmpi eq, %jit3A_1114, %eq3A_1115 : i32
        %jit3A_1117 = arith.constant 1 : i32
        %select_n3A_1118 = arith.select %eq3A_1116, %jit3A_1117, %jit3A_1114 : i32
        %rem3A_1119 = arith.remsi %select_n3A_1113, %select_n3A_1118 : i32
        %ne3A_1120 = arith.constant 0 : i32
        %ne3A_1121 = arith.cmpi ne, %rem3A_1119, %ne3A_1120 : i32
        %lt3A_1122 = arith.constant 0 : i32
        %lt3A_1123 = arith.cmpi slt, %rem3A_1119, %lt3A_1122 : i32
        %lt3A_1124 = arith.constant 0 : i32
        %lt3A_1125 = arith.cmpi slt, %select_n3A_1118, %lt3A_1124 : i32
        %ne3A_1126 = arith.xori %lt3A_1123, %lt3A_1125 : i1
        %and3A_1127 = arith.andi %ne3A_1126, %ne3A_1121 : i1
        %add3A_1128 = arith.addi %rem3A_1119, %select_n3A_1118 : i32
        %select_n3A_1129 = arith.select %and3A_1127, %add3A_1128, %rem3A_1119 : i32
        %jit3A_1130 = arith.constant 32 : i32
        %eq3A_1131 = arith.constant 0 : i32
        %eq3A_1132 = arith.cmpi eq, %jit3A_1130, %eq3A_1131 : i32
        %jit3A_1133 = arith.constant 1 : i32
        %select_n3A_1134 = arith.select %eq3A_1132, %jit3A_1133, %jit3A_1130 : i32
        %rem3A_1135 = arith.remsi %add3A_227, %select_n3A_1134 : i32
        %ne3A_1136 = arith.constant 0 : i32
        %ne3A_1137 = arith.cmpi ne, %rem3A_1135, %ne3A_1136 : i32
        %lt3A_1138 = arith.constant 0 : i32
        %lt3A_1139 = arith.cmpi slt, %rem3A_1135, %lt3A_1138 : i32
        %lt3A_1140 = arith.constant 0 : i32
        %lt3A_1141 = arith.cmpi slt, %select_n3A_1134, %lt3A_1140 : i32
        %ne3A_1142 = arith.xori %lt3A_1139, %lt3A_1141 : i1
        %and3A_1143 = arith.andi %ne3A_1142, %ne3A_1137 : i1
        %add3A_1144 = arith.addi %rem3A_1135, %select_n3A_1134 : i32
        %select_n3A_1145 = arith.select %and3A_1143, %add3A_1144, %rem3A_1135 : i32
        %ne3A_1146 = arith.cmpi ne, %select_n3A_1009, %select_n3A_1089 : i32
        %ne3A_1147 = arith.cmpi ne, %select_n3A_1049, %select_n3A_1129 : i32
        %ne3A_1148 = arith.cmpi ne, %select_n3A_1065, %select_n3A_1145 : i32
        %or3A_1149 = arith.constant false
        %or3A_1150 = arith.ori %or3A_1149, %ne3A_1146 : i1
        %or3A_1151 = arith.ori %or3A_1150, %ne3A_1147 : i1
        %or3A_1152 = arith.ori %or3A_1151, %ne3A_1148 : i1
        %or3A_1153 = arith.ori %or3A_1152, %eq3A_208 : i1
        %add3A_1154 = arith.constant 1 : i32
        %add3A_1155 = arith.addi %scan3A_201, %add3A_1154 : i32
        %select_n3A_1156 = arith.select %or3A_1153, %add3A_1155, %scan3A_201 : i32
        %add3A_1157 = arith.constant 1 : i32
        %add3A_1158 = arith.addi %scan3A_204, %add3A_1157 : i32
        %select_n3A_1159 = arith.constant true
        %select_n3A_1160 = arith.select %select_n3A_1159, %add3A_1158, %scan3A_204 : i32
        %eq3A_1161 = arith.constant 16 : i32
        %eq3A_1162 = arith.cmpi eq, %select_n3A_1160, %eq3A_1161 : i32
        %select_n3A_1163 = arith.constant 0 : i32
        %select_n3A_1164 = arith.select %eq3A_1162, %select_n3A_1163, %select_n3A_1160 : i32
        scf.yield %select_n3A_411, %select_n3A_1156, %select_n3A_794, %select_n3A_985, %select_n3A_1164 : i32, i32, i32, i32, i32
      }
      %scan3A_145 = arith.constant 16 : i32
      %sub3A_146 = arith.constant 1 : i32
      %sub3A_147 = arith.subi %scan3A_144#4, %sub3A_146 : i32
      %select_n3A_148 = arith.constant true
      %select_n3A_149 = arith.select %select_n3A_148, %sub3A_147, %scan3A_144#4 : i32
      %eq3A_150 = arith.constant -1 : i32
      %eq3A_151 = arith.cmpi eq, %select_n3A_149, %eq3A_150 : i32
      %select_n3A_152 = arith.constant 15 : i32
      %select_n3A_153 = arith.select %eq3A_151, %select_n3A_152, %select_n3A_149 : i32
      %add3A_154 = arith.addi %select_n3A_153, %mul3A_6 : i32
      %sub3A_155 = arith.constant 1 : i32
      %sub3A_156 = arith.subi %select_n3A_153, %sub3A_155 : i32
      %select_n3A_157 = arith.constant true
      %select_n3A_158 = arith.select %select_n3A_157, %sub3A_156, %select_n3A_153 : i32
      %eq3A_159 = arith.constant -1 : i32
      %eq3A_160 = arith.cmpi eq, %select_n3A_158, %eq3A_159 : i32
      %select_n3A_161 = arith.constant 15 : i32
      %select_n3A_162 = arith.select %eq3A_160, %select_n3A_161, %select_n3A_158 : i32
      %add3A_163 = arith.addi %select_n3A_162, %mul3A_6 : i32
      %add3A_164 = arith.constant 1 : i32
      %add3A_165 = arith.addi %select_n3A_153, %add3A_164 : i32
      %select_n3A_166 = arith.constant true
      %select_n3A_167 = arith.select %select_n3A_166, %add3A_165, %select_n3A_153 : i32
      %eq3A_168 = arith.constant 16 : i32
      %eq3A_169 = arith.cmpi eq, %select_n3A_167, %eq3A_168 : i32
      %select_n3A_170 = arith.constant 0 : i32
      %select_n3A_171 = arith.select %eq3A_169, %select_n3A_170, %select_n3A_167 : i32
      %add3A_172 = arith.addi %select_n3A_171, %mul3A_6 : i32
      %add3A_173 = arith.constant 1 : i32
      %add3A_174 = arith.addi %select_n3A_171, %add3A_173 : i32
      %select_n3A_175 = arith.constant true
      %select_n3A_176 = arith.select %select_n3A_175, %add3A_174, %select_n3A_171 : i32
      %eq3A_177 = arith.constant 16 : i32
      %eq3A_178 = arith.cmpi eq, %select_n3A_176, %eq3A_177 : i32
      %select_n3A_179 = arith.constant 0 : i32
      %select_n3A_180 = arith.select %eq3A_178, %select_n3A_179, %select_n3A_176 : i32
      %add3A_181 = arith.addi %select_n3A_180, %mul3A_6 : i32
      "tpu.trace_start"() <{level = 10 : i32, message = "ep_finalize"}> : () -> ()
      %rem3A_182 = arith.constant 2 : i32
      %rem3A_183 = arith.remui %scan3A_144#3, %rem3A_182 : i32
      %mul3A_184 = arith.constant 128 : i32
      %mul3A_185 = arith.muli %mul3A_184, %add3A_154 : i32
      %dma_wait3A = arith.constant 0 : i32
      %dma_wait3A_186 = arith.constant 0 : i32
      %dma_wait3A_187 = tpu.memref_slice %run_scoped3A_8[%rem3A_183, %dma_wait3A, %dma_wait3A_186] : memref<2x128x256xf32, #tpu.memory_space<vmem>> -> memref<1x128x256xf32, #tpu.memory_space<vmem>>
      %dma_wait3A_188 = tpu.memref_squeeze %dma_wait3A_187 : memref<1x128x256xf32, #tpu.memory_space<vmem>> -> memref<128x256xf32, #tpu.memory_space<vmem>>
      %dma_wait3A_189 = arith.constant 0 : i32
      %dma_wait3A_190 = tpu.memref_slice %arg4[%mul3A_185, %dma_wait3A_189] : memref<65536x256xf32, #tpu.memory_space<hbm>> -> memref<128x256xf32, #tpu.memory_space<hbm>>
      %dma_wait3A_191 = tpu.memref_slice %run_scoped3A_9[%rem3A_183] : memref<2x!tpu.dma_semaphore, #tpu.memory_space<semaphore_mem>> -> memref<1x!tpu.dma_semaphore, #tpu.memory_space<semaphore_mem>>
      %dma_wait3A_192 = tpu.memref_squeeze %dma_wait3A_191 : memref<1x!tpu.dma_semaphore, #tpu.memory_space<semaphore_mem>> -> memref<!tpu.dma_semaphore, #tpu.memory_space<semaphore_mem>>
      %dma_wait3A_193 = arith.constant 0 : i32
      %dma_wait3A_194 = tpu.memref_slice %arg4[%mul3A_185, %dma_wait3A_193] : memref<65536x256xf32, #tpu.memory_space<hbm>> -> memref<128x256xf32, #tpu.memory_space<hbm>>
      %dma_wait3A_195 = arith.constant 0 : i32
      %dma_wait3A_196 = arith.constant 0 : i32
      %dma_wait3A_197 = tpu.memref_slice %run_scoped3A_8[%rem3A_183, %dma_wait3A_195, %dma_wait3A_196] : memref<2x128x256xf32, #tpu.memory_space<vmem>> -> memref<1x128x256xf32, #tpu.memory_space<vmem>>
      %dma_wait3A_198 = tpu.memref_squeeze %dma_wait3A_197 : memref<1x128x256xf32, #tpu.memory_space<vmem>> -> memref<128x256xf32, #tpu.memory_space<vmem>>
      tpu.wait_dma2 semaphore(%dma_wait3A_192 : memref<!tpu.dma_semaphore, #tpu.memory_space<semaphore_mem>>) src(%dma_wait3A_198 : memref<128x256xf32, #tpu.memory_space<vmem>>) dst(%dma_wait3A_194 : memref<128x256xf32, #tpu.memory_space<hbm>>)
      "tpu.trace_stop"() : () -> ()
      tpu.yield
    }) : () -> ()
    return
  }
}

#map = affine_map<(d0, d1) -> (0, 0)>
module attributes {stable_mosaic.version = 14 : i64} {
  func.func @gather_kernel(%arg0: i32, %arg1: i32, %arg2: memref<131072x128xf32, #tpu.memory_space<hbm>>, %arg3: memref<8x4096xi32, #tpu.memory_space<hbm>>, %arg4: memref<32768x128xf32, #tpu.memory_space<hbm>>) attributes {dimension_semantics = [#tpu.dimension_semantics<core_parallel>, #tpu.dimension_semantics<subcore_parallel>], iteration_bounds = array<i64: 2, 16>, scalar_prefetch = 0 : i64, scratch_operands = 0 : i64, tpu.core_type = #tpu.core_type<sc_vector_subcore>, window_params = [{transform_indices = #map}, {transform_indices = #map}, {transform_indices = #map}]} {
    %mul3A = arith.constant 1 : i32
    %mul3A_0 = arith.muli %arg1, %mul3A : i32
    %add3A = arith.constant 0 : i32
    %add3A_1 = arith.addi %add3A, %mul3A_0 : i32
    %mul3A_2 = arith.constant 16 : i32
    %mul3A_3 = arith.muli %arg0, %mul3A_2 : i32
    %add3A_4 = arith.addi %add3A_1, %mul3A_3 : i32
    %mul3A_5 = arith.constant 8 : i32
    %mul3A_6 = arith.muli %add3A_4, %mul3A_5 : i32
    "tpu.region"() ({
      %run_scoped3A = memref.alloca() : memref<2x1x128xi32, #tpu.memory_space<vmem>>
      %run_scoped3A_7 = tpu.sem_alloc : memref<2x!tpu.dma_semaphore, #tpu.memory_space<semaphore_mem>>
      %run_scoped3A_8 = memref.alloca() : memref<2x128x128xf32, #tpu.memory_space<vmem>>
      %run_scoped3A_9 = tpu.sem_alloc : memref<2x!tpu.dma_semaphore, #tpu.memory_space<semaphore_mem>>
      %add3A_10 = arith.constant 0 : i32
      %add3A_11 = arith.addi %add3A_10, %mul3A_6 : i32
      %select_n3A = arith.constant true
      %select_n3A_12 = arith.constant 0 : i32
      %select_n3A_13 = arith.constant -1 : i32
      %select_n3A_14 = arith.select %select_n3A, %select_n3A_13, %select_n3A_12 : i32
      %eq3A = arith.constant -1 : i32
      %eq3A_15 = arith.cmpi eq, %select_n3A_14, %eq3A : i32
      %select_n3A_16 = arith.constant 7 : i32
      %select_n3A_17 = arith.select %eq3A_15, %select_n3A_16, %select_n3A_14 : i32
      %add3A_18 = arith.addi %select_n3A_17, %mul3A_6 : i32
      %select_n3A_19 = arith.constant true
      %select_n3A_20 = arith.constant 0 : i32
      %select_n3A_21 = arith.constant 1 : i32
      %select_n3A_22 = arith.select %select_n3A_19, %select_n3A_21, %select_n3A_20 : i32
      %eq3A_23 = arith.constant 8 : i32
      %eq3A_24 = arith.cmpi eq, %select_n3A_22, %eq3A_23 : i32
      %select_n3A_25 = arith.constant 0 : i32
      %select_n3A_26 = arith.select %eq3A_24, %select_n3A_25, %select_n3A_22 : i32
      %add3A_27 = arith.addi %select_n3A_26, %mul3A_6 : i32
      %add3A_28 = arith.constant 1 : i32
      %add3A_29 = arith.addi %select_n3A_26, %add3A_28 : i32
      %select_n3A_30 = arith.constant true
      %select_n3A_31 = arith.select %select_n3A_30, %add3A_29, %select_n3A_26 : i32
      %eq3A_32 = arith.constant 8 : i32
      %eq3A_33 = arith.cmpi eq, %select_n3A_31, %eq3A_32 : i32
      %select_n3A_34 = arith.constant 0 : i32
      %select_n3A_35 = arith.select %eq3A_33, %select_n3A_34, %select_n3A_31 : i32
      %add3A_36 = arith.addi %select_n3A_35, %mul3A_6 : i32
      "tpu.trace_start"() <{level = 10 : i32, message = "ep_initialize_0"}> : () -> ()
      %rem3A = arith.constant 0 : i32
      %rem3A_37 = arith.constant 2 : i32
      %rem3A_38 = arith.remui %rem3A, %rem3A_37 : i32
      %jit3A = arith.constant 32 : i32
      %div3A = arith.divsi %add3A_11, %jit3A : i32
      %sign3A = arith.constant 0 : i32
      %sign3A_39 = arith.cmpi sgt, %add3A_11, %sign3A : i32
      %sign3A_40 = arith.extui %sign3A_39 : i1 to i32
      %sign3A_41 = arith.constant 0 : i32
      %sign3A_42 = arith.cmpi slt, %add3A_11, %sign3A_41 : i32
      %sign3A_43 = arith.extui %sign3A_42 : i1 to i32
      %sign3A_44 = arith.subi %sign3A_40, %sign3A_43 : i32
      %sign3A_45 = arith.constant 0 : i32
      %sign3A_46 = arith.cmpi sgt, %jit3A, %sign3A_45 : i32
      %sign3A_47 = arith.extui %sign3A_46 : i1 to i32
      %sign3A_48 = arith.constant 0 : i32
      %sign3A_49 = arith.cmpi slt, %jit3A, %sign3A_48 : i32
      %sign3A_50 = arith.extui %sign3A_49 : i1 to i32
      %sign3A_51 = arith.subi %sign3A_47, %sign3A_50 : i32
      %ne3A = arith.cmpi ne, %sign3A_44, %sign3A_51 : i32
      %rem3A_52 = arith.remsi %add3A_11, %jit3A : i32
      %ne3A_53 = arith.constant 0 : i32
      %ne3A_54 = arith.cmpi ne, %rem3A_52, %ne3A_53 : i32
      %and3A = arith.andi %ne3A, %ne3A_54 : i1
      %sub3A = arith.constant 1 : i32
      %sub3A_55 = arith.subi %div3A, %sub3A : i32
      %select_n3A_56 = arith.select %and3A, %sub3A_55, %div3A : i32
      %jit3A_57 = arith.constant 32 : i32
      %eq3A_58 = arith.constant 0 : i32
      %eq3A_59 = arith.cmpi eq, %jit3A_57, %eq3A_58 : i32
      %jit3A_60 = arith.constant 1 : i32
      %select_n3A_61 = arith.select %eq3A_59, %jit3A_60, %jit3A_57 : i32
      %rem3A_62 = arith.remsi %add3A_11, %select_n3A_61 : i32
      %ne3A_63 = arith.constant 0 : i32
      %ne3A_64 = arith.cmpi ne, %rem3A_62, %ne3A_63 : i32
      %lt3A = arith.constant 0 : i32
      %lt3A_65 = arith.cmpi slt, %rem3A_62, %lt3A : i32
      %lt3A_66 = arith.constant 0 : i32
      %lt3A_67 = arith.cmpi slt, %select_n3A_61, %lt3A_66 : i32
      %ne3A_68 = arith.xori %lt3A_65, %lt3A_67 : i1
      %and3A_69 = arith.andi %ne3A_68, %ne3A_64 : i1
      %add3A_70 = arith.addi %rem3A_62, %select_n3A_61 : i32
      %select_n3A_71 = arith.select %and3A_69, %add3A_70, %rem3A_62 : i32
      %mul3A_72 = arith.constant 1 : i32
      %mul3A_73 = arith.muli %mul3A_72, %select_n3A_56 : i32
      %mul3A_74 = arith.constant 128 : i32
      %mul3A_75 = arith.muli %mul3A_74, %select_n3A_71 : i32
      %dma_start3A = arith.constant 0 : i32
      %dma_start3A_76 = arith.constant 0 : i32
      %dma_start3A_77 = tpu.memref_slice %run_scoped3A[%rem3A_38, %dma_start3A, %dma_start3A_76] : memref<2x1x128xi32, #tpu.memory_space<vmem>> -> memref<1x1x128xi32, #tpu.memory_space<vmem>>
      %dma_start3A_78 = tpu.memref_squeeze %dma_start3A_77 : memref<1x1x128xi32, #tpu.memory_space<vmem>> -> memref<1x128xi32, #tpu.memory_space<vmem>>
      %dma_start3A_79 = tpu.memref_slice %arg3[%mul3A_73, %mul3A_75] : memref<8x4096xi32, #tpu.memory_space<hbm>> -> memref<1x128xi32, #tpu.memory_space<hbm>>
      %dma_start3A_80 = tpu.memref_slice %run_scoped3A_7[%rem3A_38] : memref<2x!tpu.dma_semaphore, #tpu.memory_space<semaphore_mem>> -> memref<1x!tpu.dma_semaphore, #tpu.memory_space<semaphore_mem>>
      %dma_start3A_81 = tpu.memref_squeeze %dma_start3A_80 : memref<1x!tpu.dma_semaphore, #tpu.memory_space<semaphore_mem>> -> memref<!tpu.dma_semaphore, #tpu.memory_space<semaphore_mem>>
      %dma_start3A_82 = arith.constant 0 : i32
      %dma_start3A_83 = arith.constant 0 : i32
      %dma_start3A_84 = tpu.memref_slice %run_scoped3A[%rem3A_38, %dma_start3A_82, %dma_start3A_83] : memref<2x1x128xi32, #tpu.memory_space<vmem>> -> memref<1x1x128xi32, #tpu.memory_space<vmem>>
      %dma_start3A_85 = tpu.memref_squeeze %dma_start3A_84 : memref<1x1x128xi32, #tpu.memory_space<vmem>> -> memref<1x128xi32, #tpu.memory_space<vmem>>
      %dma_start3A_86 = tpu.memref_slice %arg3[%mul3A_73, %mul3A_75] : memref<8x4096xi32, #tpu.memory_space<hbm>> -> memref<1x128xi32, #tpu.memory_space<hbm>>
      tpu.enqueue_dma source(%dma_start3A_86 : memref<1x128xi32, #tpu.memory_space<hbm>>) target(%dma_start3A_85 : memref<1x128xi32, #tpu.memory_space<vmem>>) target_semaphore(%dma_start3A_81 : memref<!tpu.dma_semaphore, #tpu.memory_space<semaphore_mem>>)
      %add3A_87 = arith.constant 0 : i32
      %add3A_88 = arith.constant 1 : i32
      %add3A_89 = arith.addi %add3A_87, %add3A_88 : i32
      %select_n3A_90 = arith.constant true
      %select_n3A_91 = arith.constant 0 : i32
      %select_n3A_92 = arith.select %select_n3A_90, %add3A_89, %select_n3A_91 : i32
      "tpu.trace_stop"() : () -> ()
      %scan3A = arith.constant 0 : i32
      %scan3A_93 = arith.constant 0 : i32
      %scan3A_94 = arith.constant 0 : i32
      %scan3A_95 = arith.constant 0 : i32
      %scan3A_96 = arith.constant 0 : i32
      %scan3A_97 = arith.constant 8 : i32
      %scan3A_98 = arith.addi %scan3A_96, %scan3A_97 : i32
      %scan3A_99 = arith.constant 1 : i32
      %scan3A_100:5 = scf.for %scan3A_155 = %scan3A_96 to %scan3A_98 step %scan3A_99 iter_args(%scan3A_156 = %select_n3A_92, %scan3A_157 = %scan3A, %scan3A_158 = %scan3A_93, %scan3A_159 = %scan3A_94, %scan3A_160 = %scan3A_95) -> (i32, i32, i32, i32, i32)  : i32 {
        %eq3A_161 = arith.constant 0 : i32
        %eq3A_162 = arith.cmpi eq, %scan3A_155, %eq3A_161 : i32
        %eq3A_163 = arith.constant 7 : i32
        %eq3A_164 = arith.cmpi eq, %scan3A_155, %eq3A_163 : i32
        %add3A_165 = arith.addi %scan3A_160, %mul3A_6 : i32
        %sub3A_166 = arith.constant 1 : i32
        %sub3A_167 = arith.subi %scan3A_160, %sub3A_166 : i32
        %select_n3A_168 = arith.constant true
        %select_n3A_169 = arith.select %select_n3A_168, %sub3A_167, %scan3A_160 : i32
        %eq3A_170 = arith.constant -1 : i32
        %eq3A_171 = arith.cmpi eq, %select_n3A_169, %eq3A_170 : i32
        %select_n3A_172 = arith.constant 7 : i32
        %select_n3A_173 = arith.select %eq3A_171, %select_n3A_172, %select_n3A_169 : i32
        %add3A_174 = arith.addi %select_n3A_173, %mul3A_6 : i32
        %add3A_175 = arith.constant 1 : i32
        %add3A_176 = arith.addi %scan3A_160, %add3A_175 : i32
        %select_n3A_177 = arith.constant true
        %select_n3A_178 = arith.select %select_n3A_177, %add3A_176, %scan3A_160 : i32
        %eq3A_179 = arith.constant 8 : i32
        %eq3A_180 = arith.cmpi eq, %select_n3A_178, %eq3A_179 : i32
        %select_n3A_181 = arith.constant 0 : i32
        %select_n3A_182 = arith.select %eq3A_180, %select_n3A_181, %select_n3A_178 : i32
        %add3A_183 = arith.addi %select_n3A_182, %mul3A_6 : i32
        %add3A_184 = arith.constant 1 : i32
        %add3A_185 = arith.addi %select_n3A_182, %add3A_184 : i32
        %select_n3A_186 = arith.constant true
        %select_n3A_187 = arith.select %select_n3A_186, %add3A_185, %select_n3A_182 : i32
        %eq3A_188 = arith.constant 8 : i32
        %eq3A_189 = arith.cmpi eq, %select_n3A_187, %eq3A_188 : i32
        %select_n3A_190 = arith.constant 0 : i32
        %select_n3A_191 = arith.select %eq3A_189, %select_n3A_190, %select_n3A_187 : i32
        %add3A_192 = arith.addi %select_n3A_191, %mul3A_6 : i32
        %jit3A_193 = arith.constant 32 : i32
        %div3A_194 = arith.divsi %add3A_165, %jit3A_193 : i32
        %sign3A_195 = arith.constant 0 : i32
        %sign3A_196 = arith.cmpi sgt, %add3A_165, %sign3A_195 : i32
        %sign3A_197 = arith.extui %sign3A_196 : i1 to i32
        %sign3A_198 = arith.constant 0 : i32
        %sign3A_199 = arith.cmpi slt, %add3A_165, %sign3A_198 : i32
        %sign3A_200 = arith.extui %sign3A_199 : i1 to i32
        %sign3A_201 = arith.subi %sign3A_197, %sign3A_200 : i32
        %sign3A_202 = arith.constant 0 : i32
        %sign3A_203 = arith.cmpi sgt, %jit3A_193, %sign3A_202 : i32
        %sign3A_204 = arith.extui %sign3A_203 : i1 to i32
        %sign3A_205 = arith.constant 0 : i32
        %sign3A_206 = arith.cmpi slt, %jit3A_193, %sign3A_205 : i32
        %sign3A_207 = arith.extui %sign3A_206 : i1 to i32
        %sign3A_208 = arith.subi %sign3A_204, %sign3A_207 : i32
        %ne3A_209 = arith.cmpi ne, %sign3A_201, %sign3A_208 : i32
        %rem3A_210 = arith.remsi %add3A_165, %jit3A_193 : i32
        %ne3A_211 = arith.constant 0 : i32
        %ne3A_212 = arith.cmpi ne, %rem3A_210, %ne3A_211 : i32
        %and3A_213 = arith.andi %ne3A_209, %ne3A_212 : i1
        %sub3A_214 = arith.constant 1 : i32
        %sub3A_215 = arith.subi %div3A_194, %sub3A_214 : i32
        %select_n3A_216 = arith.select %and3A_213, %sub3A_215, %div3A_194 : i32
        %jit3A_217 = arith.constant 32 : i32
        %eq3A_218 = arith.constant 0 : i32
        %eq3A_219 = arith.cmpi eq, %jit3A_217, %eq3A_218 : i32
        %jit3A_220 = arith.constant 1 : i32
        %select_n3A_221 = arith.select %eq3A_219, %jit3A_220, %jit3A_217 : i32
        %rem3A_222 = arith.remsi %add3A_165, %select_n3A_221 : i32
        %ne3A_223 = arith.constant 0 : i32
        %ne3A_224 = arith.cmpi ne, %rem3A_222, %ne3A_223 : i32
        %lt3A_225 = arith.constant 0 : i32
        %lt3A_226 = arith.cmpi slt, %rem3A_222, %lt3A_225 : i32
        %lt3A_227 = arith.constant 0 : i32
        %lt3A_228 = arith.cmpi slt, %select_n3A_221, %lt3A_227 : i32
        %ne3A_229 = arith.xori %lt3A_226, %lt3A_228 : i1
        %and3A_230 = arith.andi %ne3A_229, %ne3A_224 : i1
        %add3A_231 = arith.addi %rem3A_222, %select_n3A_221 : i32
        %select_n3A_232 = arith.select %and3A_230, %add3A_231, %rem3A_222 : i32
        %jit3A_233 = arith.constant 32 : i32
        %div3A_234 = arith.divsi %add3A_183, %jit3A_233 : i32
        %sign3A_235 = arith.constant 0 : i32
        %sign3A_236 = arith.cmpi sgt, %add3A_183, %sign3A_235 : i32
        %sign3A_237 = arith.extui %sign3A_236 : i1 to i32
        %sign3A_238 = arith.constant 0 : i32
        %sign3A_239 = arith.cmpi slt, %add3A_183, %sign3A_238 : i32
        %sign3A_240 = arith.extui %sign3A_239 : i1 to i32
        %sign3A_241 = arith.subi %sign3A_237, %sign3A_240 : i32
        %sign3A_242 = arith.constant 0 : i32
        %sign3A_243 = arith.cmpi sgt, %jit3A_233, %sign3A_242 : i32
        %sign3A_244 = arith.extui %sign3A_243 : i1 to i32
        %sign3A_245 = arith.constant 0 : i32
        %sign3A_246 = arith.cmpi slt, %jit3A_233, %sign3A_245 : i32
        %sign3A_247 = arith.extui %sign3A_246 : i1 to i32
        %sign3A_248 = arith.subi %sign3A_244, %sign3A_247 : i32
        %ne3A_249 = arith.cmpi ne, %sign3A_241, %sign3A_248 : i32
        %rem3A_250 = arith.remsi %add3A_183, %jit3A_233 : i32
        %ne3A_251 = arith.constant 0 : i32
        %ne3A_252 = arith.cmpi ne, %rem3A_250, %ne3A_251 : i32
        %and3A_253 = arith.andi %ne3A_249, %ne3A_252 : i1
        %sub3A_254 = arith.constant 1 : i32
        %sub3A_255 = arith.subi %div3A_234, %sub3A_254 : i32
        %select_n3A_256 = arith.select %and3A_253, %sub3A_255, %div3A_234 : i32
        %jit3A_257 = arith.constant 32 : i32
        %eq3A_258 = arith.constant 0 : i32
        %eq3A_259 = arith.cmpi eq, %jit3A_257, %eq3A_258 : i32
        %jit3A_260 = arith.constant 1 : i32
        %select_n3A_261 = arith.select %eq3A_259, %jit3A_260, %jit3A_257 : i32
        %rem3A_262 = arith.remsi %add3A_183, %select_n3A_261 : i32
        %ne3A_263 = arith.constant 0 : i32
        %ne3A_264 = arith.cmpi ne, %rem3A_262, %ne3A_263 : i32
        %lt3A_265 = arith.constant 0 : i32
        %lt3A_266 = arith.cmpi slt, %rem3A_262, %lt3A_265 : i32
        %lt3A_267 = arith.constant 0 : i32
        %lt3A_268 = arith.cmpi slt, %select_n3A_261, %lt3A_267 : i32
        %ne3A_269 = arith.xori %lt3A_266, %lt3A_268 : i1
        %and3A_270 = arith.andi %ne3A_269, %ne3A_264 : i1
        %add3A_271 = arith.addi %rem3A_262, %select_n3A_261 : i32
        %select_n3A_272 = arith.select %and3A_270, %add3A_271, %rem3A_262 : i32
        %ne3A_273 = arith.cmpi ne, %select_n3A_216, %select_n3A_256 : i32
        %ne3A_274 = arith.cmpi ne, %select_n3A_232, %select_n3A_272 : i32
        %or3A = arith.constant false
        %or3A_275 = arith.ori %or3A, %ne3A_273 : i1
        %or3A_276 = arith.ori %or3A_275, %ne3A_274 : i1
        %ge3A = arith.constant 7 : i32
        %ge3A_277 = arith.cmpi sge, %scan3A_155, %ge3A : i32
        %not3A = arith.constant true
        %not3A_278 = arith.xori %ge3A_277, %not3A : i1
        %and3A_279 = arith.andi %or3A_276, %not3A_278 : i1
        %convert_element_type3A = arith.extui %and3A_279 : i1 to i32
        %cond3A = arith.constant 0 : i32
        %cond3A_280 = arith.cmpi ne, %convert_element_type3A, %cond3A : i32
        scf.if %cond3A_280 {
          "tpu.trace_start"() <{level = 10 : i32, message = "ep_copy_in"}> : () -> ()
          %rem3A_710 = arith.constant 2 : i32
          %rem3A_711 = arith.remui %scan3A_156, %rem3A_710 : i32
          %jit3A_712 = arith.constant 32 : i32
          %div3A_713 = arith.divsi %add3A_183, %jit3A_712 : i32
          %sign3A_714 = arith.constant 0 : i32
          %sign3A_715 = arith.cmpi sgt, %add3A_183, %sign3A_714 : i32
          %sign3A_716 = arith.extui %sign3A_715 : i1 to i32
          %sign3A_717 = arith.constant 0 : i32
          %sign3A_718 = arith.cmpi slt, %add3A_183, %sign3A_717 : i32
          %sign3A_719 = arith.extui %sign3A_718 : i1 to i32
          %sign3A_720 = arith.subi %sign3A_716, %sign3A_719 : i32
          %sign3A_721 = arith.constant 0 : i32
          %sign3A_722 = arith.cmpi sgt, %jit3A_712, %sign3A_721 : i32
          %sign3A_723 = arith.extui %sign3A_722 : i1 to i32
          %sign3A_724 = arith.constant 0 : i32
          %sign3A_725 = arith.cmpi slt, %jit3A_712, %sign3A_724 : i32
          %sign3A_726 = arith.extui %sign3A_725 : i1 to i32
          %sign3A_727 = arith.subi %sign3A_723, %sign3A_726 : i32
          %ne3A_728 = arith.cmpi ne, %sign3A_720, %sign3A_727 : i32
          %rem3A_729 = arith.remsi %add3A_183, %jit3A_712 : i32
          %ne3A_730 = arith.constant 0 : i32
          %ne3A_731 = arith.cmpi ne, %rem3A_729, %ne3A_730 : i32
          %and3A_732 = arith.andi %ne3A_728, %ne3A_731 : i1
          %sub3A_733 = arith.constant 1 : i32
          %sub3A_734 = arith.subi %div3A_713, %sub3A_733 : i32
          %select_n3A_735 = arith.select %and3A_732, %sub3A_734, %div3A_713 : i32
          %jit3A_736 = arith.constant 32 : i32
          %eq3A_737 = arith.constant 0 : i32
          %eq3A_738 = arith.cmpi eq, %jit3A_736, %eq3A_737 : i32
          %jit3A_739 = arith.constant 1 : i32
          %select_n3A_740 = arith.select %eq3A_738, %jit3A_739, %jit3A_736 : i32
          %rem3A_741 = arith.remsi %add3A_183, %select_n3A_740 : i32
          %ne3A_742 = arith.constant 0 : i32
          %ne3A_743 = arith.cmpi ne, %rem3A_741, %ne3A_742 : i32
          %lt3A_744 = arith.constant 0 : i32
          %lt3A_745 = arith.cmpi slt, %rem3A_741, %lt3A_744 : i32
          %lt3A_746 = arith.constant 0 : i32
          %lt3A_747 = arith.cmpi slt, %select_n3A_740, %lt3A_746 : i32
          %ne3A_748 = arith.xori %lt3A_745, %lt3A_747 : i1
          %and3A_749 = arith.andi %ne3A_748, %ne3A_743 : i1
          %add3A_750 = arith.addi %rem3A_741, %select_n3A_740 : i32
          %select_n3A_751 = arith.select %and3A_749, %add3A_750, %rem3A_741 : i32
          %mul3A_752 = arith.constant 1 : i32
          %mul3A_753 = arith.muli %mul3A_752, %select_n3A_735 : i32
          %mul3A_754 = arith.constant 128 : i32
          %mul3A_755 = arith.muli %mul3A_754, %select_n3A_751 : i32
          %dma_start3A_756 = arith.constant 0 : i32
          %dma_start3A_757 = arith.constant 0 : i32
          %dma_start3A_758 = tpu.memref_slice %run_scoped3A[%rem3A_711, %dma_start3A_756, %dma_start3A_757] : memref<2x1x128xi32, #tpu.memory_space<vmem>> -> memref<1x1x128xi32, #tpu.memory_space<vmem>>
          %dma_start3A_759 = tpu.memref_squeeze %dma_start3A_758 : memref<1x1x128xi32, #tpu.memory_space<vmem>> -> memref<1x128xi32, #tpu.memory_space<vmem>>
          %dma_start3A_760 = tpu.memref_slice %arg3[%mul3A_753, %mul3A_755] : memref<8x4096xi32, #tpu.memory_space<hbm>> -> memref<1x128xi32, #tpu.memory_space<hbm>>
          %dma_start3A_761 = tpu.memref_slice %run_scoped3A_7[%rem3A_711] : memref<2x!tpu.dma_semaphore, #tpu.memory_space<semaphore_mem>> -> memref<1x!tpu.dma_semaphore, #tpu.memory_space<semaphore_mem>>
          %dma_start3A_762 = tpu.memref_squeeze %dma_start3A_761 : memref<1x!tpu.dma_semaphore, #tpu.memory_space<semaphore_mem>> -> memref<!tpu.dma_semaphore, #tpu.memory_space<semaphore_mem>>
          %dma_start3A_763 = arith.constant 0 : i32
          %dma_start3A_764 = arith.constant 0 : i32
          %dma_start3A_765 = tpu.memref_slice %run_scoped3A[%rem3A_711, %dma_start3A_763, %dma_start3A_764] : memref<2x1x128xi32, #tpu.memory_space<vmem>> -> memref<1x1x128xi32, #tpu.memory_space<vmem>>
          %dma_start3A_766 = tpu.memref_squeeze %dma_start3A_765 : memref<1x1x128xi32, #tpu.memory_space<vmem>> -> memref<1x128xi32, #tpu.memory_space<vmem>>
          %dma_start3A_767 = tpu.memref_slice %arg3[%mul3A_753, %mul3A_755] : memref<8x4096xi32, #tpu.memory_space<hbm>> -> memref<1x128xi32, #tpu.memory_space<hbm>>
          tpu.enqueue_dma source(%dma_start3A_767 : memref<1x128xi32, #tpu.memory_space<hbm>>) target(%dma_start3A_766 : memref<1x128xi32, #tpu.memory_space<vmem>>) target_semaphore(%dma_start3A_762 : memref<!tpu.dma_semaphore, #tpu.memory_space<semaphore_mem>>)
          "tpu.trace_stop"() : () -> ()
        } else {
        }
        %and3A_281 = arith.constant true
        %and3A_282 = arith.andi %and3A_279, %and3A_281 : i1
        %add3A_283 = arith.constant 1 : i32
        %add3A_284 = arith.addi %scan3A_156, %add3A_283 : i32
        %select_n3A_285 = arith.select %and3A_282, %add3A_284, %scan3A_156 : i32
        %ne3A_286 = arith.cmpi ne, %add3A_165, %add3A_183 : i32
        %or3A_287 = arith.constant false
        %or3A_288 = arith.ori %or3A_287, %ne3A_286 : i1
        %or3A_289 = arith.constant false
        %or3A_290 = arith.ori %or3A_288, %or3A_289 : i1
        %ge3A_291 = arith.constant 7 : i32
        %ge3A_292 = arith.cmpi sge, %scan3A_155, %ge3A_291 : i32
        %not3A_293 = arith.constant true
        %not3A_294 = arith.xori %ge3A_292, %not3A_293 : i1
        %and3A_295 = arith.andi %or3A_290, %not3A_294 : i1
        %jit3A_296 = arith.constant 32 : i32
        %div3A_297 = arith.divsi %add3A_165, %jit3A_296 : i32
        %sign3A_298 = arith.constant 0 : i32
        %sign3A_299 = arith.cmpi sgt, %add3A_165, %sign3A_298 : i32
        %sign3A_300 = arith.extui %sign3A_299 : i1 to i32
        %sign3A_301 = arith.constant 0 : i32
        %sign3A_302 = arith.cmpi slt, %add3A_165, %sign3A_301 : i32
        %sign3A_303 = arith.extui %sign3A_302 : i1 to i32
        %sign3A_304 = arith.subi %sign3A_300, %sign3A_303 : i32
        %sign3A_305 = arith.constant 0 : i32
        %sign3A_306 = arith.cmpi sgt, %jit3A_296, %sign3A_305 : i32
        %sign3A_307 = arith.extui %sign3A_306 : i1 to i32
        %sign3A_308 = arith.constant 0 : i32
        %sign3A_309 = arith.cmpi slt, %jit3A_296, %sign3A_308 : i32
        %sign3A_310 = arith.extui %sign3A_309 : i1 to i32
        %sign3A_311 = arith.subi %sign3A_307, %sign3A_310 : i32
        %ne3A_312 = arith.cmpi ne, %sign3A_304, %sign3A_311 : i32
        %rem3A_313 = arith.remsi %add3A_165, %jit3A_296 : i32
        %ne3A_314 = arith.constant 0 : i32
        %ne3A_315 = arith.cmpi ne, %rem3A_313, %ne3A_314 : i32
        %and3A_316 = arith.andi %ne3A_312, %ne3A_315 : i1
        %sub3A_317 = arith.constant 1 : i32
        %sub3A_318 = arith.subi %div3A_297, %sub3A_317 : i32
        %select_n3A_319 = arith.select %and3A_316, %sub3A_318, %div3A_297 : i32
        %jit3A_320 = arith.constant 32 : i32
        %eq3A_321 = arith.constant 0 : i32
        %eq3A_322 = arith.cmpi eq, %jit3A_320, %eq3A_321 : i32
        %jit3A_323 = arith.constant 1 : i32
        %select_n3A_324 = arith.select %eq3A_322, %jit3A_323, %jit3A_320 : i32
        %rem3A_325 = arith.remsi %add3A_165, %select_n3A_324 : i32
        %ne3A_326 = arith.constant 0 : i32
        %ne3A_327 = arith.cmpi ne, %rem3A_325, %ne3A_326 : i32
        %lt3A_328 = arith.constant 0 : i32
        %lt3A_329 = arith.cmpi slt, %rem3A_325, %lt3A_328 : i32
        %lt3A_330 = arith.constant 0 : i32
        %lt3A_331 = arith.cmpi slt, %select_n3A_324, %lt3A_330 : i32
        %ne3A_332 = arith.xori %lt3A_329, %lt3A_331 : i1
        %and3A_333 = arith.andi %ne3A_332, %ne3A_327 : i1
        %add3A_334 = arith.addi %rem3A_325, %select_n3A_324 : i32
        %select_n3A_335 = arith.select %and3A_333, %add3A_334, %rem3A_325 : i32
        %jit3A_336 = arith.constant 32 : i32
        %div3A_337 = arith.divsi %add3A_174, %jit3A_336 : i32
        %sign3A_338 = arith.constant 0 : i32
        %sign3A_339 = arith.cmpi sgt, %add3A_174, %sign3A_338 : i32
        %sign3A_340 = arith.extui %sign3A_339 : i1 to i32
        %sign3A_341 = arith.constant 0 : i32
        %sign3A_342 = arith.cmpi slt, %add3A_174, %sign3A_341 : i32
        %sign3A_343 = arith.extui %sign3A_342 : i1 to i32
        %sign3A_344 = arith.subi %sign3A_340, %sign3A_343 : i32
        %sign3A_345 = arith.constant 0 : i32
        %sign3A_346 = arith.cmpi sgt, %jit3A_336, %sign3A_345 : i32
        %sign3A_347 = arith.extui %sign3A_346 : i1 to i32
        %sign3A_348 = arith.constant 0 : i32
        %sign3A_349 = arith.cmpi slt, %jit3A_336, %sign3A_348 : i32
        %sign3A_350 = arith.extui %sign3A_349 : i1 to i32
        %sign3A_351 = arith.subi %sign3A_347, %sign3A_350 : i32
        %ne3A_352 = arith.cmpi ne, %sign3A_344, %sign3A_351 : i32
        %rem3A_353 = arith.remsi %add3A_174, %jit3A_336 : i32
        %ne3A_354 = arith.constant 0 : i32
        %ne3A_355 = arith.cmpi ne, %rem3A_353, %ne3A_354 : i32
        %and3A_356 = arith.andi %ne3A_352, %ne3A_355 : i1
        %sub3A_357 = arith.constant 1 : i32
        %sub3A_358 = arith.subi %div3A_337, %sub3A_357 : i32
        %select_n3A_359 = arith.select %and3A_356, %sub3A_358, %div3A_337 : i32
        %jit3A_360 = arith.constant 32 : i32
        %eq3A_361 = arith.constant 0 : i32
        %eq3A_362 = arith.cmpi eq, %jit3A_360, %eq3A_361 : i32
        %jit3A_363 = arith.constant 1 : i32
        %select_n3A_364 = arith.select %eq3A_362, %jit3A_363, %jit3A_360 : i32
        %rem3A_365 = arith.remsi %add3A_174, %select_n3A_364 : i32
        %ne3A_366 = arith.constant 0 : i32
        %ne3A_367 = arith.cmpi ne, %rem3A_365, %ne3A_366 : i32
        %lt3A_368 = arith.constant 0 : i32
        %lt3A_369 = arith.cmpi slt, %rem3A_365, %lt3A_368 : i32
        %lt3A_370 = arith.constant 0 : i32
        %lt3A_371 = arith.cmpi slt, %select_n3A_364, %lt3A_370 : i32
        %ne3A_372 = arith.xori %lt3A_369, %lt3A_371 : i1
        %and3A_373 = arith.andi %ne3A_372, %ne3A_367 : i1
        %add3A_374 = arith.addi %rem3A_365, %select_n3A_364 : i32
        %select_n3A_375 = arith.select %and3A_373, %add3A_374, %rem3A_365 : i32
        %ne3A_376 = arith.cmpi ne, %select_n3A_319, %select_n3A_359 : i32
        %ne3A_377 = arith.cmpi ne, %select_n3A_335, %select_n3A_375 : i32
        %or3A_378 = arith.constant false
        %or3A_379 = arith.ori %or3A_378, %ne3A_376 : i1
        %or3A_380 = arith.ori %or3A_379, %ne3A_377 : i1
        %or3A_381 = arith.ori %or3A_380, %eq3A_162 : i1
        %convert_element_type3A_382 = arith.extui %or3A_381 : i1 to i32
        %cond3A_383 = arith.constant 0 : i32
        %cond3A_384 = arith.cmpi ne, %convert_element_type3A_382, %cond3A_383 : i32
        scf.if %cond3A_384 {
          %jit3A_710 = arith.constant 32 : i32
          "tpu.trace_start"() <{level = 10 : i32, message = "ep_wait_in"}> : () -> ()
          %div3A_711 = arith.divsi %add3A_165, %jit3A_710 : i32
          %sign3A_712 = arith.constant 0 : i32
          %sign3A_713 = arith.cmpi sgt, %add3A_165, %sign3A_712 : i32
          %sign3A_714 = arith.extui %sign3A_713 : i1 to i32
          %sign3A_715 = arith.constant 0 : i32
          %sign3A_716 = arith.cmpi slt, %add3A_165, %sign3A_715 : i32
          %sign3A_717 = arith.extui %sign3A_716 : i1 to i32
          %sign3A_718 = arith.subi %sign3A_714, %sign3A_717 : i32
          %sign3A_719 = arith.constant 0 : i32
          %sign3A_720 = arith.cmpi sgt, %jit3A_710, %sign3A_719 : i32
          %sign3A_721 = arith.extui %sign3A_720 : i1 to i32
          %sign3A_722 = arith.constant 0 : i32
          %sign3A_723 = arith.cmpi slt, %jit3A_710, %sign3A_722 : i32
          %sign3A_724 = arith.extui %sign3A_723 : i1 to i32
          %sign3A_725 = arith.subi %sign3A_721, %sign3A_724 : i32
          %ne3A_726 = arith.cmpi ne, %sign3A_718, %sign3A_725 : i32
          %rem3A_727 = arith.remsi %add3A_165, %jit3A_710 : i32
          %ne3A_728 = arith.constant 0 : i32
          %ne3A_729 = arith.cmpi ne, %rem3A_727, %ne3A_728 : i32
          %and3A_730 = arith.andi %ne3A_726, %ne3A_729 : i1
          %sub3A_731 = arith.constant 1 : i32
          %sub3A_732 = arith.subi %div3A_711, %sub3A_731 : i32
          %select_n3A_733 = arith.select %and3A_730, %sub3A_732, %div3A_711 : i32
          %jit3A_734 = arith.constant 32 : i32
          %eq3A_735 = arith.constant 0 : i32
          %eq3A_736 = arith.cmpi eq, %jit3A_734, %eq3A_735 : i32
          %jit3A_737 = arith.constant 1 : i32
          %select_n3A_738 = arith.select %eq3A_736, %jit3A_737, %jit3A_734 : i32
          %rem3A_739 = arith.remsi %add3A_165, %select_n3A_738 : i32
          %ne3A_740 = arith.constant 0 : i32
          %ne3A_741 = arith.cmpi ne, %rem3A_739, %ne3A_740 : i32
          %lt3A_742 = arith.constant 0 : i32
          %lt3A_743 = arith.cmpi slt, %rem3A_739, %lt3A_742 : i32
          %lt3A_744 = arith.constant 0 : i32
          %lt3A_745 = arith.cmpi slt, %select_n3A_738, %lt3A_744 : i32
          %ne3A_746 = arith.xori %lt3A_743, %lt3A_745 : i1
          %and3A_747 = arith.andi %ne3A_746, %ne3A_741 : i1
          %add3A_748 = arith.addi %rem3A_739, %select_n3A_738 : i32
          %select_n3A_749 = arith.select %and3A_747, %add3A_748, %rem3A_739 : i32
          %mul3A_750 = arith.constant 1 : i32
          %mul3A_751 = arith.muli %mul3A_750, %select_n3A_733 : i32
          %mul3A_752 = arith.constant 128 : i32
          %mul3A_753 = arith.muli %mul3A_752, %select_n3A_749 : i32
          %rem3A_754 = arith.constant 2 : i32
          %rem3A_755 = arith.remui %scan3A_157, %rem3A_754 : i32
          %dma_wait3A_756 = arith.constant 0 : i32
          %dma_wait3A_757 = arith.constant 0 : i32
          %dma_wait3A_758 = tpu.memref_slice %run_scoped3A[%rem3A_755, %dma_wait3A_756, %dma_wait3A_757] : memref<2x1x128xi32, #tpu.memory_space<vmem>> -> memref<1x1x128xi32, #tpu.memory_space<vmem>>
          %dma_wait3A_759 = tpu.memref_squeeze %dma_wait3A_758 : memref<1x1x128xi32, #tpu.memory_space<vmem>> -> memref<1x128xi32, #tpu.memory_space<vmem>>
          %dma_wait3A_760 = tpu.memref_slice %arg3[%mul3A_751, %mul3A_753] : memref<8x4096xi32, #tpu.memory_space<hbm>> -> memref<1x128xi32, #tpu.memory_space<hbm>>
          %dma_wait3A_761 = tpu.memref_slice %run_scoped3A_7[%rem3A_755] : memref<2x!tpu.dma_semaphore, #tpu.memory_space<semaphore_mem>> -> memref<1x!tpu.dma_semaphore, #tpu.memory_space<semaphore_mem>>
          %dma_wait3A_762 = tpu.memref_squeeze %dma_wait3A_761 : memref<1x!tpu.dma_semaphore, #tpu.memory_space<semaphore_mem>> -> memref<!tpu.dma_semaphore, #tpu.memory_space<semaphore_mem>>
          %dma_wait3A_763 = arith.constant 0 : i32
          %dma_wait3A_764 = arith.constant 0 : i32
          %dma_wait3A_765 = tpu.memref_slice %run_scoped3A[%rem3A_755, %dma_wait3A_763, %dma_wait3A_764] : memref<2x1x128xi32, #tpu.memory_space<vmem>> -> memref<1x1x128xi32, #tpu.memory_space<vmem>>
          %dma_wait3A_766 = tpu.memref_squeeze %dma_wait3A_765 : memref<1x1x128xi32, #tpu.memory_space<vmem>> -> memref<1x128xi32, #tpu.memory_space<vmem>>
          %dma_wait3A_767 = tpu.memref_slice %arg3[%mul3A_751, %mul3A_753] : memref<8x4096xi32, #tpu.memory_space<hbm>> -> memref<1x128xi32, #tpu.memory_space<hbm>>
          tpu.wait_dma2 semaphore(%dma_wait3A_762 : memref<!tpu.dma_semaphore, #tpu.memory_space<semaphore_mem>>) src(%dma_wait3A_767 : memref<1x128xi32, #tpu.memory_space<hbm>>) dst(%dma_wait3A_766 : memref<1x128xi32, #tpu.memory_space<vmem>>)
          "tpu.trace_stop"() : () -> ()
        } else {
        }
        %ne3A_385 = arith.cmpi ne, %add3A_165, %add3A_174 : i32
        %or3A_386 = arith.constant false
        %or3A_387 = arith.ori %or3A_386, %ne3A_385 : i1
        %or3A_388 = arith.constant false
        %or3A_389 = arith.ori %or3A_387, %or3A_388 : i1
        %or3A_390 = arith.ori %or3A_389, %eq3A_162 : i1
        %convert_element_type3A_391 = arith.extui %or3A_390 : i1 to i32
        %cond3A_392 = arith.constant 0 : i32
        %cond3A_393 = arith.cmpi ne, %convert_element_type3A_391, %cond3A_392 : i32
        scf.if %cond3A_393 {
        } else {
        }
        %rem3A_394 = arith.constant 2 : i32
        %rem3A_395 = arith.remui %scan3A_157, %rem3A_394 : i32
        %rem3A_396 = arith.constant 2 : i32
        %rem3A_397 = arith.remui %scan3A_158, %rem3A_396 : i32
        %run_scoped3A_398 = arith.constant 0 : i32
        "tpu.trace_start"() <{level = 10 : i32, message = "ep_run_kernel"}> : () -> ()
        "tpu.region"() ({
          %run_scoped3A_710 = tpu.sem_alloc : memref<!tpu.dma_semaphore, #tpu.memory_space<semaphore_mem>>
          %dma_start3A_711 = arith.constant 0 : i32
          %dma_start3A_712 = arith.constant 0 : i32
          %dma_start3A_713 = tpu.memref_slice %run_scoped3A_8[%rem3A_397, %dma_start3A_711, %dma_start3A_712] : memref<2x128x128xf32, #tpu.memory_space<vmem>> -> memref<1x128x128xf32, #tpu.memory_space<vmem>>
          %dma_start3A_714 = tpu.memref_squeeze %dma_start3A_713 : memref<1x128x128xf32, #tpu.memory_space<vmem>> -> memref<128x128xf32, #tpu.memory_space<vmem>>
          %dma_start3A_715 = arith.constant 0 : i32
          %dma_start3A_716 = arith.constant 0 : i32
          %dma_start3A_717 = tpu.memref_slice %run_scoped3A[%rem3A_395, %dma_start3A_715, %dma_start3A_716] : memref<2x1x128xi32, #tpu.memory_space<vmem>> -> memref<1x1x128xi32, #tpu.memory_space<vmem>>
          %dma_start3A_718 = tpu.memref_squeeze %dma_start3A_717 : memref<1x1x128xi32, #tpu.memory_space<vmem>> -> memref<1x128xi32, #tpu.memory_space<vmem>>
          %dma_start3A_719 = arith.constant 0 : i32
          %dma_start3A_720 = tpu.memref_slice %dma_start3A_718[%run_scoped3A_398, %dma_start3A_719] : memref<1x128xi32, #tpu.memory_space<vmem>> -> memref<1x128xi32, #tpu.memory_space<vmem>>
          %dma_start3A_721 = tpu.memref_squeeze %dma_start3A_720 : memref<1x128xi32, #tpu.memory_space<vmem>> -> memref<128xi32, #tpu.memory_space<vmem>>
          %dma_start3A_722 = arith.constant 0 : i32
          %dma_start3A_723 = arith.constant 0 : i32
          %dma_start3A_724 = tpu.memref_slice %arg2[%dma_start3A_722, %dma_start3A_723] : memref<131072x128xf32, #tpu.memory_space<hbm>> -> memref<131072x128xf32, #tpu.memory_space<hbm>>
          tpu.enqueue_indirect_dma source(%dma_start3A_724 : memref<131072x128xf32, #tpu.memory_space<hbm>>) target(%dma_start3A_714 : memref<128x128xf32, #tpu.memory_space<vmem>>) offsets(%dma_start3A_721 : memref<128xi32, #tpu.memory_space<vmem>>) semaphore(%run_scoped3A_710 : memref<!tpu.dma_semaphore, #tpu.memory_space<semaphore_mem>>)
          %dma_wait3A_725 = arith.constant 0 : i32
          %dma_wait3A_726 = arith.constant 0 : i32
          %dma_wait3A_727 = tpu.memref_slice %run_scoped3A_8[%rem3A_397, %dma_wait3A_725, %dma_wait3A_726] : memref<2x128x128xf32, #tpu.memory_space<vmem>> -> memref<1x128x128xf32, #tpu.memory_space<vmem>>
          %dma_wait3A_728 = tpu.memref_squeeze %dma_wait3A_727 : memref<1x128x128xf32, #tpu.memory_space<vmem>> -> memref<128x128xf32, #tpu.memory_space<vmem>>
          %dma_wait3A_729 = arith.constant 0 : i32
          %dma_wait3A_730 = arith.constant 0 : i32
          %dma_wait3A_731 = tpu.memref_slice %run_scoped3A[%rem3A_395, %dma_wait3A_729, %dma_wait3A_730] : memref<2x1x128xi32, #tpu.memory_space<vmem>> -> memref<1x1x128xi32, #tpu.memory_space<vmem>>
          %dma_wait3A_732 = tpu.memref_squeeze %dma_wait3A_731 : memref<1x1x128xi32, #tpu.memory_space<vmem>> -> memref<1x128xi32, #tpu.memory_space<vmem>>
          %dma_wait3A_733 = arith.constant 0 : i32
          %dma_wait3A_734 = tpu.memref_slice %dma_wait3A_732[%run_scoped3A_398, %dma_wait3A_733] : memref<1x128xi32, #tpu.memory_space<vmem>> -> memref<1x128xi32, #tpu.memory_space<vmem>>
          %dma_wait3A_735 = tpu.memref_squeeze %dma_wait3A_734 : memref<1x128xi32, #tpu.memory_space<vmem>> -> memref<128xi32, #tpu.memory_space<vmem>>
          %dma_wait3A_736 = arith.constant 0 : i32
          %dma_wait3A_737 = arith.constant 0 : i32
          %dma_wait3A_738 = tpu.memref_slice %arg2[%dma_wait3A_736, %dma_wait3A_737] : memref<131072x128xf32, #tpu.memory_space<hbm>> -> memref<131072x128xf32, #tpu.memory_space<hbm>>
          tpu.wait_indirect_dma semaphore(%run_scoped3A_710 : memref<!tpu.dma_semaphore, #tpu.memory_space<semaphore_mem>>) src(%dma_wait3A_738 : memref<131072x128xf32, #tpu.memory_space<hbm>>) dst(%dma_wait3A_728 : memref<128x128xf32, #tpu.memory_space<vmem>>)
          tpu.yield
        }) : () -> ()
        %jit3A_399 = arith.constant 32 : i32
        "tpu.trace_stop"() : () -> ()
        %div3A_400 = arith.divsi %add3A_165, %jit3A_399 : i32
        %sign3A_401 = arith.constant 0 : i32
        %sign3A_402 = arith.cmpi sgt, %add3A_165, %sign3A_401 : i32
        %sign3A_403 = arith.extui %sign3A_402 : i1 to i32
        %sign3A_404 = arith.constant 0 : i32
        %sign3A_405 = arith.cmpi slt, %add3A_165, %sign3A_404 : i32
        %sign3A_406 = arith.extui %sign3A_405 : i1 to i32
        %sign3A_407 = arith.subi %sign3A_403, %sign3A_406 : i32
        %sign3A_408 = arith.constant 0 : i32
        %sign3A_409 = arith.cmpi sgt, %jit3A_399, %sign3A_408 : i32
        %sign3A_410 = arith.extui %sign3A_409 : i1 to i32
        %sign3A_411 = arith.constant 0 : i32
        %sign3A_412 = arith.cmpi slt, %jit3A_399, %sign3A_411 : i32
        %sign3A_413 = arith.extui %sign3A_412 : i1 to i32
        %sign3A_414 = arith.subi %sign3A_410, %sign3A_413 : i32
        %ne3A_415 = arith.cmpi ne, %sign3A_407, %sign3A_414 : i32
        %rem3A_416 = arith.remsi %add3A_165, %jit3A_399 : i32
        %ne3A_417 = arith.constant 0 : i32
        %ne3A_418 = arith.cmpi ne, %rem3A_416, %ne3A_417 : i32
        %and3A_419 = arith.andi %ne3A_415, %ne3A_418 : i1
        %sub3A_420 = arith.constant 1 : i32
        %sub3A_421 = arith.subi %div3A_400, %sub3A_420 : i32
        %select_n3A_422 = arith.select %and3A_419, %sub3A_421, %div3A_400 : i32
        %jit3A_423 = arith.constant 32 : i32
        %eq3A_424 = arith.constant 0 : i32
        %eq3A_425 = arith.cmpi eq, %jit3A_423, %eq3A_424 : i32
        %jit3A_426 = arith.constant 1 : i32
        %select_n3A_427 = arith.select %eq3A_425, %jit3A_426, %jit3A_423 : i32
        %rem3A_428 = arith.remsi %add3A_165, %select_n3A_427 : i32
        %ne3A_429 = arith.constant 0 : i32
        %ne3A_430 = arith.cmpi ne, %rem3A_428, %ne3A_429 : i32
        %lt3A_431 = arith.constant 0 : i32
        %lt3A_432 = arith.cmpi slt, %rem3A_428, %lt3A_431 : i32
        %lt3A_433 = arith.constant 0 : i32
        %lt3A_434 = arith.cmpi slt, %select_n3A_427, %lt3A_433 : i32
        %ne3A_435 = arith.xori %lt3A_432, %lt3A_434 : i1
        %and3A_436 = arith.andi %ne3A_435, %ne3A_430 : i1
        %add3A_437 = arith.addi %rem3A_428, %select_n3A_427 : i32
        %select_n3A_438 = arith.select %and3A_436, %add3A_437, %rem3A_428 : i32
        %jit3A_439 = arith.constant 32 : i32
        %div3A_440 = arith.divsi %add3A_183, %jit3A_439 : i32
        %sign3A_441 = arith.constant 0 : i32
        %sign3A_442 = arith.cmpi sgt, %add3A_183, %sign3A_441 : i32
        %sign3A_443 = arith.extui %sign3A_442 : i1 to i32
        %sign3A_444 = arith.constant 0 : i32
        %sign3A_445 = arith.cmpi slt, %add3A_183, %sign3A_444 : i32
        %sign3A_446 = arith.extui %sign3A_445 : i1 to i32
        %sign3A_447 = arith.subi %sign3A_443, %sign3A_446 : i32
        %sign3A_448 = arith.constant 0 : i32
        %sign3A_449 = arith.cmpi sgt, %jit3A_439, %sign3A_448 : i32
        %sign3A_450 = arith.extui %sign3A_449 : i1 to i32
        %sign3A_451 = arith.constant 0 : i32
        %sign3A_452 = arith.cmpi slt, %jit3A_439, %sign3A_451 : i32
        %sign3A_453 = arith.extui %sign3A_452 : i1 to i32
        %sign3A_454 = arith.subi %sign3A_450, %sign3A_453 : i32
        %ne3A_455 = arith.cmpi ne, %sign3A_447, %sign3A_454 : i32
        %rem3A_456 = arith.remsi %add3A_183, %jit3A_439 : i32
        %ne3A_457 = arith.constant 0 : i32
        %ne3A_458 = arith.cmpi ne, %rem3A_456, %ne3A_457 : i32
        %and3A_459 = arith.andi %ne3A_455, %ne3A_458 : i1
        %sub3A_460 = arith.constant 1 : i32
        %sub3A_461 = arith.subi %div3A_440, %sub3A_460 : i32
        %select_n3A_462 = arith.select %and3A_459, %sub3A_461, %div3A_440 : i32
        %jit3A_463 = arith.constant 32 : i32
        %eq3A_464 = arith.constant 0 : i32
        %eq3A_465 = arith.cmpi eq, %jit3A_463, %eq3A_464 : i32
        %jit3A_466 = arith.constant 1 : i32
        %select_n3A_467 = arith.select %eq3A_465, %jit3A_466, %jit3A_463 : i32
        %rem3A_468 = arith.remsi %add3A_183, %select_n3A_467 : i32
        %ne3A_469 = arith.constant 0 : i32
        %ne3A_470 = arith.cmpi ne, %rem3A_468, %ne3A_469 : i32
        %lt3A_471 = arith.constant 0 : i32
        %lt3A_472 = arith.cmpi slt, %rem3A_468, %lt3A_471 : i32
        %lt3A_473 = arith.constant 0 : i32
        %lt3A_474 = arith.cmpi slt, %select_n3A_467, %lt3A_473 : i32
        %ne3A_475 = arith.xori %lt3A_472, %lt3A_474 : i1
        %and3A_476 = arith.andi %ne3A_475, %ne3A_470 : i1
        %add3A_477 = arith.addi %rem3A_468, %select_n3A_467 : i32
        %select_n3A_478 = arith.select %and3A_476, %add3A_477, %rem3A_468 : i32
        %ne3A_479 = arith.cmpi ne, %select_n3A_422, %select_n3A_462 : i32
        %ne3A_480 = arith.cmpi ne, %select_n3A_438, %select_n3A_478 : i32
        %or3A_481 = arith.constant false
        %or3A_482 = arith.ori %or3A_481, %ne3A_479 : i1
        %or3A_483 = arith.ori %or3A_482, %ne3A_480 : i1
        %or3A_484 = arith.ori %or3A_483, %eq3A_164 : i1
        %convert_element_type3A_485 = arith.extui %or3A_484 : i1 to i32
        %cond3A_486 = arith.constant 0 : i32
        %cond3A_487 = arith.cmpi ne, %convert_element_type3A_485, %cond3A_486 : i32
        scf.if %cond3A_487 {
        } else {
        }
        %and3A_488 = arith.constant false
        %and3A_489 = arith.andi %or3A_484, %and3A_488 : i1
        %ne3A_490 = arith.cmpi ne, %add3A_165, %add3A_183 : i32
        %or3A_491 = arith.constant false
        %or3A_492 = arith.ori %or3A_491, %ne3A_490 : i1
        %or3A_493 = arith.constant false
        %or3A_494 = arith.ori %or3A_492, %or3A_493 : i1
        %or3A_495 = arith.ori %or3A_494, %eq3A_164 : i1
        %convert_element_type3A_496 = arith.extui %or3A_495 : i1 to i32
        %cond3A_497 = arith.constant 0 : i32
        %cond3A_498 = arith.cmpi ne, %convert_element_type3A_496, %cond3A_497 : i32
        scf.if %cond3A_498 {
          "tpu.trace_start"() <{level = 10 : i32, message = "ep_copy_out"}> : () -> ()
          %rem3A_710 = arith.constant 2 : i32
          %rem3A_711 = arith.remui %scan3A_158, %rem3A_710 : i32
          %mul3A_712 = arith.constant 128 : i32
          %mul3A_713 = arith.muli %mul3A_712, %add3A_165 : i32
          %dma_start3A_714 = arith.constant 0 : i32
          %dma_start3A_715 = arith.constant 0 : i32
          %dma_start3A_716 = tpu.memref_slice %run_scoped3A_8[%rem3A_711, %dma_start3A_714, %dma_start3A_715] : memref<2x128x128xf32, #tpu.memory_space<vmem>> -> memref<1x128x128xf32, #tpu.memory_space<vmem>>
          %dma_start3A_717 = tpu.memref_squeeze %dma_start3A_716 : memref<1x128x128xf32, #tpu.memory_space<vmem>> -> memref<128x128xf32, #tpu.memory_space<vmem>>
          %dma_start3A_718 = arith.constant 0 : i32
          %dma_start3A_719 = tpu.memref_slice %arg4[%mul3A_713, %dma_start3A_718] : memref<32768x128xf32, #tpu.memory_space<hbm>> -> memref<128x128xf32, #tpu.memory_space<hbm>>
          %dma_start3A_720 = tpu.memref_slice %run_scoped3A_9[%rem3A_711] : memref<2x!tpu.dma_semaphore, #tpu.memory_space<semaphore_mem>> -> memref<1x!tpu.dma_semaphore, #tpu.memory_space<semaphore_mem>>
          %dma_start3A_721 = tpu.memref_squeeze %dma_start3A_720 : memref<1x!tpu.dma_semaphore, #tpu.memory_space<semaphore_mem>> -> memref<!tpu.dma_semaphore, #tpu.memory_space<semaphore_mem>>
          %dma_start3A_722 = arith.constant 0 : i32
          %dma_start3A_723 = tpu.memref_slice %arg4[%mul3A_713, %dma_start3A_722] : memref<32768x128xf32, #tpu.memory_space<hbm>> -> memref<128x128xf32, #tpu.memory_space<hbm>>
          %dma_start3A_724 = arith.constant 0 : i32
          %dma_start3A_725 = arith.constant 0 : i32
          %dma_start3A_726 = tpu.memref_slice %run_scoped3A_8[%rem3A_711, %dma_start3A_724, %dma_start3A_725] : memref<2x128x128xf32, #tpu.memory_space<vmem>> -> memref<1x128x128xf32, #tpu.memory_space<vmem>>
          %dma_start3A_727 = tpu.memref_squeeze %dma_start3A_726 : memref<1x128x128xf32, #tpu.memory_space<vmem>> -> memref<128x128xf32, #tpu.memory_space<vmem>>
          tpu.enqueue_dma source(%dma_start3A_727 : memref<128x128xf32, #tpu.memory_space<vmem>>) target(%dma_start3A_723 : memref<128x128xf32, #tpu.memory_space<hbm>>) target_semaphore(%dma_start3A_721 : memref<!tpu.dma_semaphore, #tpu.memory_space<semaphore_mem>>)
          "tpu.trace_stop"() : () -> ()
        } else {
        }
        %and3A_499 = arith.constant true
        %and3A_500 = arith.andi %or3A_495, %and3A_499 : i1
        %add3A_501 = arith.constant 1 : i32
        %add3A_502 = arith.addi %scan3A_158, %add3A_501 : i32
        %select_n3A_503 = arith.select %and3A_500, %add3A_502, %scan3A_158 : i32
        %jit3A_504 = arith.constant 32 : i32
        %div3A_505 = arith.divsi %add3A_165, %jit3A_504 : i32
        %sign3A_506 = arith.constant 0 : i32
        %sign3A_507 = arith.cmpi sgt, %add3A_165, %sign3A_506 : i32
        %sign3A_508 = arith.extui %sign3A_507 : i1 to i32
        %sign3A_509 = arith.constant 0 : i32
        %sign3A_510 = arith.cmpi slt, %add3A_165, %sign3A_509 : i32
        %sign3A_511 = arith.extui %sign3A_510 : i1 to i32
        %sign3A_512 = arith.subi %sign3A_508, %sign3A_511 : i32
        %sign3A_513 = arith.constant 0 : i32
        %sign3A_514 = arith.cmpi sgt, %jit3A_504, %sign3A_513 : i32
        %sign3A_515 = arith.extui %sign3A_514 : i1 to i32
        %sign3A_516 = arith.constant 0 : i32
        %sign3A_517 = arith.cmpi slt, %jit3A_504, %sign3A_516 : i32
        %sign3A_518 = arith.extui %sign3A_517 : i1 to i32
        %sign3A_519 = arith.subi %sign3A_515, %sign3A_518 : i32
        %ne3A_520 = arith.cmpi ne, %sign3A_512, %sign3A_519 : i32
        %rem3A_521 = arith.remsi %add3A_165, %jit3A_504 : i32
        %ne3A_522 = arith.constant 0 : i32
        %ne3A_523 = arith.cmpi ne, %rem3A_521, %ne3A_522 : i32
        %and3A_524 = arith.andi %ne3A_520, %ne3A_523 : i1
        %sub3A_525 = arith.constant 1 : i32
        %sub3A_526 = arith.subi %div3A_505, %sub3A_525 : i32
        %select_n3A_527 = arith.select %and3A_524, %sub3A_526, %div3A_505 : i32
        %jit3A_528 = arith.constant 32 : i32
        %eq3A_529 = arith.constant 0 : i32
        %eq3A_530 = arith.cmpi eq, %jit3A_528, %eq3A_529 : i32
        %jit3A_531 = arith.constant 1 : i32
        %select_n3A_532 = arith.select %eq3A_530, %jit3A_531, %jit3A_528 : i32
        %rem3A_533 = arith.remsi %add3A_165, %select_n3A_532 : i32
        %ne3A_534 = arith.constant 0 : i32
        %ne3A_535 = arith.cmpi ne, %rem3A_533, %ne3A_534 : i32
        %lt3A_536 = arith.constant 0 : i32
        %lt3A_537 = arith.cmpi slt, %rem3A_533, %lt3A_536 : i32
        %lt3A_538 = arith.constant 0 : i32
        %lt3A_539 = arith.cmpi slt, %select_n3A_532, %lt3A_538 : i32
        %ne3A_540 = arith.xori %lt3A_537, %lt3A_539 : i1
        %and3A_541 = arith.andi %ne3A_540, %ne3A_535 : i1
        %add3A_542 = arith.addi %rem3A_533, %select_n3A_532 : i32
        %select_n3A_543 = arith.select %and3A_541, %add3A_542, %rem3A_533 : i32
        %jit3A_544 = arith.constant 32 : i32
        %div3A_545 = arith.divsi %add3A_174, %jit3A_544 : i32
        %sign3A_546 = arith.constant 0 : i32
        %sign3A_547 = arith.cmpi sgt, %add3A_174, %sign3A_546 : i32
        %sign3A_548 = arith.extui %sign3A_547 : i1 to i32
        %sign3A_549 = arith.constant 0 : i32
        %sign3A_550 = arith.cmpi slt, %add3A_174, %sign3A_549 : i32
        %sign3A_551 = arith.extui %sign3A_550 : i1 to i32
        %sign3A_552 = arith.subi %sign3A_548, %sign3A_551 : i32
        %sign3A_553 = arith.constant 0 : i32
        %sign3A_554 = arith.cmpi sgt, %jit3A_544, %sign3A_553 : i32
        %sign3A_555 = arith.extui %sign3A_554 : i1 to i32
        %sign3A_556 = arith.constant 0 : i32
        %sign3A_557 = arith.cmpi slt, %jit3A_544, %sign3A_556 : i32
        %sign3A_558 = arith.extui %sign3A_557 : i1 to i32
        %sign3A_559 = arith.subi %sign3A_555, %sign3A_558 : i32
        %ne3A_560 = arith.cmpi ne, %sign3A_552, %sign3A_559 : i32
        %rem3A_561 = arith.remsi %add3A_174, %jit3A_544 : i32
        %ne3A_562 = arith.constant 0 : i32
        %ne3A_563 = arith.cmpi ne, %rem3A_561, %ne3A_562 : i32
        %and3A_564 = arith.andi %ne3A_560, %ne3A_563 : i1
        %sub3A_565 = arith.constant 1 : i32
        %sub3A_566 = arith.subi %div3A_545, %sub3A_565 : i32
        %select_n3A_567 = arith.select %and3A_564, %sub3A_566, %div3A_545 : i32
        %jit3A_568 = arith.constant 32 : i32
        %eq3A_569 = arith.constant 0 : i32
        %eq3A_570 = arith.cmpi eq, %jit3A_568, %eq3A_569 : i32
        %jit3A_571 = arith.constant 1 : i32
        %select_n3A_572 = arith.select %eq3A_570, %jit3A_571, %jit3A_568 : i32
        %rem3A_573 = arith.remsi %add3A_174, %select_n3A_572 : i32
        %ne3A_574 = arith.constant 0 : i32
        %ne3A_575 = arith.cmpi ne, %rem3A_573, %ne3A_574 : i32
        %lt3A_576 = arith.constant 0 : i32
        %lt3A_577 = arith.cmpi slt, %rem3A_573, %lt3A_576 : i32
        %lt3A_578 = arith.constant 0 : i32
        %lt3A_579 = arith.cmpi slt, %select_n3A_572, %lt3A_578 : i32
        %ne3A_580 = arith.xori %lt3A_577, %lt3A_579 : i1
        %and3A_581 = arith.andi %ne3A_580, %ne3A_575 : i1
        %add3A_582 = arith.addi %rem3A_573, %select_n3A_572 : i32
        %select_n3A_583 = arith.select %and3A_581, %add3A_582, %rem3A_573 : i32
        %ne3A_584 = arith.cmpi ne, %select_n3A_527, %select_n3A_567 : i32
        %ne3A_585 = arith.cmpi ne, %select_n3A_543, %select_n3A_583 : i32
        %or3A_586 = arith.constant false
        %or3A_587 = arith.ori %or3A_586, %ne3A_584 : i1
        %or3A_588 = arith.ori %or3A_587, %ne3A_585 : i1
        %not3A_589 = arith.constant true
        %not3A_590 = arith.xori %eq3A_162, %not3A_589 : i1
        %and3A_591 = arith.andi %or3A_588, %not3A_590 : i1
        %convert_element_type3A_592 = arith.extui %and3A_591 : i1 to i32
        %cond3A_593 = arith.constant 0 : i32
        %cond3A_594 = arith.cmpi ne, %convert_element_type3A_592, %cond3A_593 : i32
        scf.if %cond3A_594 {
        } else {
        }
        %and3A_595 = arith.constant false
        %and3A_596 = arith.andi %and3A_591, %and3A_595 : i1
        %ne3A_597 = arith.cmpi ne, %add3A_165, %add3A_174 : i32
        %or3A_598 = arith.constant false
        %or3A_599 = arith.ori %or3A_598, %ne3A_597 : i1
        %or3A_600 = arith.constant false
        %or3A_601 = arith.ori %or3A_599, %or3A_600 : i1
        %not3A_602 = arith.constant true
        %not3A_603 = arith.xori %eq3A_162, %not3A_602 : i1
        %and3A_604 = arith.andi %or3A_601, %not3A_603 : i1
        %convert_element_type3A_605 = arith.extui %and3A_604 : i1 to i32
        %cond3A_606 = arith.constant 0 : i32
        %cond3A_607 = arith.cmpi ne, %convert_element_type3A_605, %cond3A_606 : i32
        scf.if %cond3A_607 {
          "tpu.trace_start"() <{level = 10 : i32, message = "ep_wait_out"}> : () -> ()
          %rem3A_710 = arith.constant 2 : i32
          %rem3A_711 = arith.remui %scan3A_159, %rem3A_710 : i32
          %mul3A_712 = arith.constant 128 : i32
          %mul3A_713 = arith.muli %mul3A_712, %add3A_174 : i32
          %dma_wait3A_714 = arith.constant 0 : i32
          %dma_wait3A_715 = arith.constant 0 : i32
          %dma_wait3A_716 = tpu.memref_slice %run_scoped3A_8[%rem3A_711, %dma_wait3A_714, %dma_wait3A_715] : memref<2x128x128xf32, #tpu.memory_space<vmem>> -> memref<1x128x128xf32, #tpu.memory_space<vmem>>
          %dma_wait3A_717 = tpu.memref_squeeze %dma_wait3A_716 : memref<1x128x128xf32, #tpu.memory_space<vmem>> -> memref<128x128xf32, #tpu.memory_space<vmem>>
          %dma_wait3A_718 = arith.constant 0 : i32
          %dma_wait3A_719 = tpu.memref_slice %arg4[%mul3A_713, %dma_wait3A_718] : memref<32768x128xf32, #tpu.memory_space<hbm>> -> memref<128x128xf32, #tpu.memory_space<hbm>>
          %dma_wait3A_720 = tpu.memref_slice %run_scoped3A_9[%rem3A_711] : memref<2x!tpu.dma_semaphore, #tpu.memory_space<semaphore_mem>> -> memref<1x!tpu.dma_semaphore, #tpu.memory_space<semaphore_mem>>
          %dma_wait3A_721 = tpu.memref_squeeze %dma_wait3A_720 : memref<1x!tpu.dma_semaphore, #tpu.memory_space<semaphore_mem>> -> memref<!tpu.dma_semaphore, #tpu.memory_space<semaphore_mem>>
          %dma_wait3A_722 = arith.constant 0 : i32
          %dma_wait3A_723 = tpu.memref_slice %arg4[%mul3A_713, %dma_wait3A_722] : memref<32768x128xf32, #tpu.memory_space<hbm>> -> memref<128x128xf32, #tpu.memory_space<hbm>>
          %dma_wait3A_724 = arith.constant 0 : i32
          %dma_wait3A_725 = arith.constant 0 : i32
          %dma_wait3A_726 = tpu.memref_slice %run_scoped3A_8[%rem3A_711, %dma_wait3A_724, %dma_wait3A_725] : memref<2x128x128xf32, #tpu.memory_space<vmem>> -> memref<1x128x128xf32, #tpu.memory_space<vmem>>
          %dma_wait3A_727 = tpu.memref_squeeze %dma_wait3A_726 : memref<1x128x128xf32, #tpu.memory_space<vmem>> -> memref<128x128xf32, #tpu.memory_space<vmem>>
          tpu.wait_dma2 semaphore(%dma_wait3A_721 : memref<!tpu.dma_semaphore, #tpu.memory_space<semaphore_mem>>) src(%dma_wait3A_727 : memref<128x128xf32, #tpu.memory_space<vmem>>) dst(%dma_wait3A_723 : memref<128x128xf32, #tpu.memory_space<hbm>>)
          "tpu.trace_stop"() : () -> ()
        } else {
        }
        %and3A_608 = arith.constant true
        %and3A_609 = arith.andi %and3A_604, %and3A_608 : i1
        %add3A_610 = arith.constant 1 : i32
        %add3A_611 = arith.addi %scan3A_159, %add3A_610 : i32
        %select_n3A_612 = arith.select %and3A_609, %add3A_611, %scan3A_159 : i32
        %jit3A_613 = arith.constant 32 : i32
        %div3A_614 = arith.divsi %add3A_165, %jit3A_613 : i32
        %sign3A_615 = arith.constant 0 : i32
        %sign3A_616 = arith.cmpi sgt, %add3A_165, %sign3A_615 : i32
        %sign3A_617 = arith.extui %sign3A_616 : i1 to i32
        %sign3A_618 = arith.constant 0 : i32
        %sign3A_619 = arith.cmpi slt, %add3A_165, %sign3A_618 : i32
        %sign3A_620 = arith.extui %sign3A_619 : i1 to i32
        %sign3A_621 = arith.subi %sign3A_617, %sign3A_620 : i32
        %sign3A_622 = arith.constant 0 : i32
        %sign3A_623 = arith.cmpi sgt, %jit3A_613, %sign3A_622 : i32
        %sign3A_624 = arith.extui %sign3A_623 : i1 to i32
        %sign3A_625 = arith.constant 0 : i32
        %sign3A_626 = arith.cmpi slt, %jit3A_613, %sign3A_625 : i32
        %sign3A_627 = arith.extui %sign3A_626 : i1 to i32
        %sign3A_628 = arith.subi %sign3A_624, %sign3A_627 : i32
        %ne3A_629 = arith.cmpi ne, %sign3A_621, %sign3A_628 : i32
        %rem3A_630 = arith.remsi %add3A_165, %jit3A_613 : i32
        %ne3A_631 = arith.constant 0 : i32
        %ne3A_632 = arith.cmpi ne, %rem3A_630, %ne3A_631 : i32
        %and3A_633 = arith.andi %ne3A_629, %ne3A_632 : i1
        %sub3A_634 = arith.constant 1 : i32
        %sub3A_635 = arith.subi %div3A_614, %sub3A_634 : i32
        %select_n3A_636 = arith.select %and3A_633, %sub3A_635, %div3A_614 : i32
        %jit3A_637 = arith.constant 32 : i32
        %eq3A_638 = arith.constant 0 : i32
        %eq3A_639 = arith.cmpi eq, %jit3A_637, %eq3A_638 : i32
        %jit3A_640 = arith.constant 1 : i32
        %select_n3A_641 = arith.select %eq3A_639, %jit3A_640, %jit3A_637 : i32
        %rem3A_642 = arith.remsi %add3A_165, %select_n3A_641 : i32
        %ne3A_643 = arith.constant 0 : i32
        %ne3A_644 = arith.cmpi ne, %rem3A_642, %ne3A_643 : i32
        %lt3A_645 = arith.constant 0 : i32
        %lt3A_646 = arith.cmpi slt, %rem3A_642, %lt3A_645 : i32
        %lt3A_647 = arith.constant 0 : i32
        %lt3A_648 = arith.cmpi slt, %select_n3A_641, %lt3A_647 : i32
        %ne3A_649 = arith.xori %lt3A_646, %lt3A_648 : i1
        %and3A_650 = arith.andi %ne3A_649, %ne3A_644 : i1
        %add3A_651 = arith.addi %rem3A_642, %select_n3A_641 : i32
        %select_n3A_652 = arith.select %and3A_650, %add3A_651, %rem3A_642 : i32
        %jit3A_653 = arith.constant 32 : i32
        %div3A_654 = arith.divsi %add3A_183, %jit3A_653 : i32
        %sign3A_655 = arith.constant 0 : i32
        %sign3A_656 = arith.cmpi sgt, %add3A_183, %sign3A_655 : i32
        %sign3A_657 = arith.extui %sign3A_656 : i1 to i32
        %sign3A_658 = arith.constant 0 : i32
        %sign3A_659 = arith.cmpi slt, %add3A_183, %sign3A_658 : i32
        %sign3A_660 = arith.extui %sign3A_659 : i1 to i32
        %sign3A_661 = arith.subi %sign3A_657, %sign3A_660 : i32
        %sign3A_662 = arith.constant 0 : i32
        %sign3A_663 = arith.cmpi sgt, %jit3A_653, %sign3A_662 : i32
        %sign3A_664 = arith.extui %sign3A_663 : i1 to i32
        %sign3A_665 = arith.constant 0 : i32
        %sign3A_666 = arith.cmpi slt, %jit3A_653, %sign3A_665 : i32
        %sign3A_667 = arith.extui %sign3A_666 : i1 to i32
        %sign3A_668 = arith.subi %sign3A_664, %sign3A_667 : i32
        %ne3A_669 = arith.cmpi ne, %sign3A_661, %sign3A_668 : i32
        %rem3A_670 = arith.remsi %add3A_183, %jit3A_653 : i32
        %ne3A_671 = arith.constant 0 : i32
        %ne3A_672 = arith.cmpi ne, %rem3A_670, %ne3A_671 : i32
        %and3A_673 = arith.andi %ne3A_669, %ne3A_672 : i1
        %sub3A_674 = arith.constant 1 : i32
        %sub3A_675 = arith.subi %div3A_654, %sub3A_674 : i32
        %select_n3A_676 = arith.select %and3A_673, %sub3A_675, %div3A_654 : i32
        %jit3A_677 = arith.constant 32 : i32
        %eq3A_678 = arith.constant 0 : i32
        %eq3A_679 = arith.cmpi eq, %jit3A_677, %eq3A_678 : i32
        %jit3A_680 = arith.constant 1 : i32
        %select_n3A_681 = arith.select %eq3A_679, %jit3A_680, %jit3A_677 : i32
        %rem3A_682 = arith.remsi %add3A_183, %select_n3A_681 : i32
        %ne3A_683 = arith.constant 0 : i32
        %ne3A_684 = arith.cmpi ne, %rem3A_682, %ne3A_683 : i32
        %lt3A_685 = arith.constant 0 : i32
        %lt3A_686 = arith.cmpi slt, %rem3A_682, %lt3A_685 : i32
        %lt3A_687 = arith.constant 0 : i32
        %lt3A_688 = arith.cmpi slt, %select_n3A_681, %lt3A_687 : i32
        %ne3A_689 = arith.xori %lt3A_686, %lt3A_688 : i1
        %and3A_690 = arith.andi %ne3A_689, %ne3A_684 : i1
        %add3A_691 = arith.addi %rem3A_682, %select_n3A_681 : i32
        %select_n3A_692 = arith.select %and3A_690, %add3A_691, %rem3A_682 : i32
        %ne3A_693 = arith.cmpi ne, %select_n3A_636, %select_n3A_676 : i32
        %ne3A_694 = arith.cmpi ne, %select_n3A_652, %select_n3A_692 : i32
        %or3A_695 = arith.constant false
        %or3A_696 = arith.ori %or3A_695, %ne3A_693 : i1
        %or3A_697 = arith.ori %or3A_696, %ne3A_694 : i1
        %or3A_698 = arith.ori %or3A_697, %eq3A_164 : i1
        %add3A_699 = arith.constant 1 : i32
        %add3A_700 = arith.addi %scan3A_157, %add3A_699 : i32
        %select_n3A_701 = arith.select %or3A_698, %add3A_700, %scan3A_157 : i32
        %add3A_702 = arith.constant 1 : i32
        %add3A_703 = arith.addi %scan3A_160, %add3A_702 : i32
        %select_n3A_704 = arith.constant true
        %select_n3A_705 = arith.select %select_n3A_704, %add3A_703, %scan3A_160 : i32
        %eq3A_706 = arith.constant 8 : i32
        %eq3A_707 = arith.cmpi eq, %select_n3A_705, %eq3A_706 : i32
        %select_n3A_708 = arith.constant 0 : i32
        %select_n3A_709 = arith.select %eq3A_707, %select_n3A_708, %select_n3A_705 : i32
        scf.yield %select_n3A_285, %select_n3A_701, %select_n3A_503, %select_n3A_612, %select_n3A_709 : i32, i32, i32, i32, i32
      }
      %scan3A_101 = arith.constant 8 : i32
      %sub3A_102 = arith.constant 1 : i32
      %sub3A_103 = arith.subi %scan3A_100#4, %sub3A_102 : i32
      %select_n3A_104 = arith.constant true
      %select_n3A_105 = arith.select %select_n3A_104, %sub3A_103, %scan3A_100#4 : i32
      %eq3A_106 = arith.constant -1 : i32
      %eq3A_107 = arith.cmpi eq, %select_n3A_105, %eq3A_106 : i32
      %select_n3A_108 = arith.constant 7 : i32
      %select_n3A_109 = arith.select %eq3A_107, %select_n3A_108, %select_n3A_105 : i32
      %add3A_110 = arith.addi %select_n3A_109, %mul3A_6 : i32
      %sub3A_111 = arith.constant 1 : i32
      %sub3A_112 = arith.subi %select_n3A_109, %sub3A_111 : i32
      %select_n3A_113 = arith.constant true
      %select_n3A_114 = arith.select %select_n3A_113, %sub3A_112, %select_n3A_109 : i32
      %eq3A_115 = arith.constant -1 : i32
      %eq3A_116 = arith.cmpi eq, %select_n3A_114, %eq3A_115 : i32
      %select_n3A_117 = arith.constant 7 : i32
      %select_n3A_118 = arith.select %eq3A_116, %select_n3A_117, %select_n3A_114 : i32
      %add3A_119 = arith.addi %select_n3A_118, %mul3A_6 : i32
      %add3A_120 = arith.constant 1 : i32
      %add3A_121 = arith.addi %select_n3A_109, %add3A_120 : i32
      %select_n3A_122 = arith.constant true
      %select_n3A_123 = arith.select %select_n3A_122, %add3A_121, %select_n3A_109 : i32
      %eq3A_124 = arith.constant 8 : i32
      %eq3A_125 = arith.cmpi eq, %select_n3A_123, %eq3A_124 : i32
      %select_n3A_126 = arith.constant 0 : i32
      %select_n3A_127 = arith.select %eq3A_125, %select_n3A_126, %select_n3A_123 : i32
      %add3A_128 = arith.addi %select_n3A_127, %mul3A_6 : i32
      %add3A_129 = arith.constant 1 : i32
      %add3A_130 = arith.addi %select_n3A_127, %add3A_129 : i32
      %select_n3A_131 = arith.constant true
      %select_n3A_132 = arith.select %select_n3A_131, %add3A_130, %select_n3A_127 : i32
      %eq3A_133 = arith.constant 8 : i32
      %eq3A_134 = arith.cmpi eq, %select_n3A_132, %eq3A_133 : i32
      %select_n3A_135 = arith.constant 0 : i32
      %select_n3A_136 = arith.select %eq3A_134, %select_n3A_135, %select_n3A_132 : i32
      %add3A_137 = arith.addi %select_n3A_136, %mul3A_6 : i32
      "tpu.trace_start"() <{level = 10 : i32, message = "ep_finalize"}> : () -> ()
      %rem3A_138 = arith.constant 2 : i32
      %rem3A_139 = arith.remui %scan3A_100#3, %rem3A_138 : i32
      %mul3A_140 = arith.constant 128 : i32
      %mul3A_141 = arith.muli %mul3A_140, %add3A_110 : i32
      %dma_wait3A = arith.constant 0 : i32
      %dma_wait3A_142 = arith.constant 0 : i32
      %dma_wait3A_143 = tpu.memref_slice %run_scoped3A_8[%rem3A_139, %dma_wait3A, %dma_wait3A_142] : memref<2x128x128xf32, #tpu.memory_space<vmem>> -> memref<1x128x128xf32, #tpu.memory_space<vmem>>
      %dma_wait3A_144 = tpu.memref_squeeze %dma_wait3A_143 : memref<1x128x128xf32, #tpu.memory_space<vmem>> -> memref<128x128xf32, #tpu.memory_space<vmem>>
      %dma_wait3A_145 = arith.constant 0 : i32
      %dma_wait3A_146 = tpu.memref_slice %arg4[%mul3A_141, %dma_wait3A_145] : memref<32768x128xf32, #tpu.memory_space<hbm>> -> memref<128x128xf32, #tpu.memory_space<hbm>>
      %dma_wait3A_147 = tpu.memref_slice %run_scoped3A_9[%rem3A_139] : memref<2x!tpu.dma_semaphore, #tpu.memory_space<semaphore_mem>> -> memref<1x!tpu.dma_semaphore, #tpu.memory_space<semaphore_mem>>
      %dma_wait3A_148 = tpu.memref_squeeze %dma_wait3A_147 : memref<1x!tpu.dma_semaphore, #tpu.memory_space<semaphore_mem>> -> memref<!tpu.dma_semaphore, #tpu.memory_space<semaphore_mem>>
      %dma_wait3A_149 = arith.constant 0 : i32
      %dma_wait3A_150 = tpu.memref_slice %arg4[%mul3A_141, %dma_wait3A_149] : memref<32768x128xf32, #tpu.memory_space<hbm>> -> memref<128x128xf32, #tpu.memory_space<hbm>>
      %dma_wait3A_151 = arith.constant 0 : i32
      %dma_wait3A_152 = arith.constant 0 : i32
      %dma_wait3A_153 = tpu.memref_slice %run_scoped3A_8[%rem3A_139, %dma_wait3A_151, %dma_wait3A_152] : memref<2x128x128xf32, #tpu.memory_space<vmem>> -> memref<1x128x128xf32, #tpu.memory_space<vmem>>
      %dma_wait3A_154 = tpu.memref_squeeze %dma_wait3A_153 : memref<1x128x128xf32, #tpu.memory_space<vmem>> -> memref<128x128xf32, #tpu.memory_space<vmem>>
      tpu.wait_dma2 semaphore(%dma_wait3A_148 : memref<!tpu.dma_semaphore, #tpu.memory_space<semaphore_mem>>) src(%dma_wait3A_154 : memref<128x128xf32, #tpu.memory_space<vmem>>) dst(%dma_wait3A_150 : memref<128x128xf32, #tpu.memory_space<hbm>>)
      "tpu.trace_stop"() : () -> ()
      tpu.yield
    }) : () -> ()
    return
  }
}

module attributes {stable_mosaic.version = 14 : i64} {
  func.func @_lambda_(%arg0: i32, %arg1: memref<8x256x128xf32, #tpu.memory_space<vmem>>, %arg2: memref<8x256xi32, #tpu.memory_space<vmem>>, %arg3: memref<2x8x256xi32, #tpu.memory_space<vmem>>) attributes {dimension_semantics = [#tpu.dimension_semantics<arbitrary>], iteration_bounds = array<i64: 16>, scalar_prefetch = 0 : i64, scratch_operands = 0 : i64, tpu.core_type = #tpu.core_type<tc>, window_params = [{transform_indices = @transform_0, window_bounds = array<i64: 8, 256, 128>}, {transform_indices = @transform_1, window_bounds = array<i64: 8, 256>}, {transform_indices = @transform_2, window_bounds = array<i64: 2, 8, 256>}]} {
    %get3A = arith.constant 0 : index
    %get3A_0 = arith.constant 0 : index
    %get3A_1 = arith.constant 0 : index
    %get3A_2 = vector.load %arg1[%get3A, %get3A_0, %get3A_1] : memref<8x256x128xf32, #tpu.memory_space<vmem>>, vector<8x256x128xf32>
    %get3A_3 = arith.constant 0 : index
    %get3A_4 = arith.constant 0 : index
    %get3A_5 = vector.load %arg2[%get3A_3, %get3A_4] : memref<8x256xi32, #tpu.memory_space<vmem>>, vector<8x256xi32>
    %broadcast_in_dim3A = vector.shape_cast %get3A_5 : vector<8x256xi32> to vector<8x256x1xi32>
    %iota3A = tpu.iota {dimensions = array<i32: 2>} : vector<8x256x128xi32>
    %add3A = vector.broadcast %broadcast_in_dim3A : vector<8x256x1xi32> to vector<8x256x128xi32>
    %add3A_6 = arith.addi %add3A, %iota3A : vector<8x256x128xi32>
    %reduce_max3A = arith.constant dense<0xFF800000> : vector<256x128xf32>
    %reduce_max3A_7 = vector.multi_reduction <maximumf>, %get3A_2, %reduce_max3A [0] : vector<8x256x128xf32> to vector<256x128xf32>
    %reduce_max3A_8 = arith.constant dense<0xFF800000> : vector<256xf32>
    %reduce_max3A_9 = vector.multi_reduction <maximumf>, %reduce_max3A_7, %reduce_max3A_8 [1] : vector<256x128xf32> to vector<256xf32>
    %broadcast_in_dim3A_10 = vector.shape_cast %reduce_max3A_9 : vector<256xf32> to vector<1x256x1xf32>
    %eq3A = vector.broadcast %broadcast_in_dim3A_10 : vector<1x256x1xf32> to vector<8x256x128xf32>
    %eq3A_11 = arith.cmpf oeq, %get3A_2, %eq3A : vector<8x256x128xf32>
    %jit3A = arith.constant 4096 : i32
    %broadcast_in_dim3A_12 = vector.broadcast %jit3A : i32 to vector<8x256x128xi32>
    %select_n3A = arith.select %eq3A_11, %add3A_6, %broadcast_in_dim3A_12 : vector<8x256x128xi1>, vector<8x256x128xi32>
    %reduce_min3A = arith.constant dense<2147483647> : vector<256x128xi32>
    %reduce_min3A_13 = vector.multi_reduction <minsi>, %select_n3A, %reduce_min3A [0] : vector<8x256x128xi32> to vector<256x128xi32>
    %reduce_min3A_14 = arith.constant dense<2147483647> : vector<256xi32>
    %reduce_min3A_15 = vector.multi_reduction <minsi>, %reduce_min3A_13, %reduce_min3A_14 [1] : vector<256x128xi32> to vector<256xi32>
    %add3A_16 = arith.constant 0 : i32
    %add3A_17 = vector.broadcast %add3A_16 : i32 to vector<256xi32>
    %add3A_18 = arith.addi %reduce_min3A_15, %add3A_17 : vector<256xi32>
    %swap3A = arith.constant 0 : index
    %swap3A_19 = arith.constant 0 : index
    %swap3A_20 = arith.constant 0 : index
    %swap3A_21 = vector.load %arg3[%swap3A, %swap3A_19, %swap3A_20] : memref<2x8x256xi32, #tpu.memory_space<vmem>>, vector<1x1x256xi32>
    %swap3A_22 = vector.shape_cast %swap3A_21 : vector<1x1x256xi32> to vector<256xi32>
    %swap3A_23 = vector.shape_cast %add3A_18 : vector<256xi32> to vector<1x1x256xi32>
    tpu.vector_store %arg3[%swap3A, %swap3A_19, %swap3A_20], %swap3A_23 {strides = array<i32>} : memref<2x8x256xi32, #tpu.memory_space<vmem>>, vector<1x1x256xi32>,
    %add3A_24 = arith.constant 4096 : i32
    %add3A_25 = vector.broadcast %add3A_24 : i32 to vector<256xi32>
    %add3A_26 = arith.addi %reduce_min3A_15, %add3A_25 : vector<256xi32>
    %swap3A_27 = arith.constant 1 : index
    %swap3A_28 = arith.constant 0 : index
    %swap3A_29 = arith.constant 0 : index
    %swap3A_30 = vector.load %arg3[%swap3A_27, %swap3A_28, %swap3A_29] : memref<2x8x256xi32, #tpu.memory_space<vmem>>, vector<1x1x256xi32>
    %swap3A_31 = vector.shape_cast %swap3A_30 : vector<1x1x256xi32> to vector<256xi32>
    %swap3A_32 = vector.shape_cast %add3A_26 : vector<256xi32> to vector<1x1x256xi32>
    tpu.vector_store %arg3[%swap3A_27, %swap3A_28, %swap3A_29], %swap3A_32 {strides = array<i32>} : memref<2x8x256xi32, #tpu.memory_space<vmem>>, vector<1x1x256xi32>,
    %broadcast_in_dim3A_33 = vector.shape_cast %reduce_min3A_15 : vector<256xi32> to vector<1x256x1xi32>
    %eq3A_34 = vector.broadcast %broadcast_in_dim3A_33 : vector<1x256x1xi32> to vector<8x256x128xi32>
    %eq3A_35 = arith.cmpi eq, %add3A_6, %eq3A_34 : vector<8x256x128xi32>
    %jit3A_36 = arith.constant 0xFF800000 : f32
    %broadcast_in_dim3A_37 = vector.broadcast %jit3A_36 : f32 to vector<8x256x128xf32>
    %select_n3A_38 = arith.select %eq3A_35, %broadcast_in_dim3A_37, %get3A_2 : vector<8x256x128xi1>, vector<8x256x128xf32>
    %reduce_max3A_39 = arith.constant dense<0xFF800000> : vector<256x128xf32>
    %reduce_max3A_40 = vector.multi_reduction <maximumf>, %select_n3A_38, %reduce_max3A_39 [0] : vector<8x256x128xf32> to vector<256x128xf32>
    %reduce_max3A_41 = arith.constant dense<0xFF800000> : vector<256xf32>
    %reduce_max3A_42 = vector.multi_reduction <maximumf>, %reduce_max3A_40, %reduce_max3A_41 [1] : vector<256x128xf32> to vector<256xf32>
    %broadcast_in_dim3A_43 = vector.shape_cast %reduce_max3A_42 : vector<256xf32> to vector<1x256x1xf32>
    %eq3A_44 = vector.broadcast %broadcast_in_dim3A_43 : vector<1x256x1xf32> to vector<8x256x128xf32>
    %eq3A_45 = arith.cmpf oeq, %select_n3A_38, %eq3A_44 : vector<8x256x128xf32>
    %jit3A_46 = arith.constant 4096 : i32
    %broadcast_in_dim3A_47 = vector.broadcast %jit3A_46 : i32 to vector<8x256x128xi32>
    %select_n3A_48 = arith.select %eq3A_45, %add3A_6, %broadcast_in_dim3A_47 : vector<8x256x128xi1>, vector<8x256x128xi32>
    %reduce_min3A_49 = arith.constant dense<2147483647> : vector<256x128xi32>
    %reduce_min3A_50 = vector.multi_reduction <minsi>, %select_n3A_48, %reduce_min3A_49 [0] : vector<8x256x128xi32> to vector<256x128xi32>
    %reduce_min3A_51 = arith.constant dense<2147483647> : vector<256xi32>
    %reduce_min3A_52 = vector.multi_reduction <minsi>, %reduce_min3A_50, %reduce_min3A_51 [1] : vector<256x128xi32> to vector<256xi32>
    %add3A_53 = arith.constant 8192 : i32
    %add3A_54 = vector.broadcast %add3A_53 : i32 to vector<256xi32>
    %add3A_55 = arith.addi %reduce_min3A_52, %add3A_54 : vector<256xi32>
    %swap3A_56 = arith.constant 0 : index
    %swap3A_57 = arith.constant 1 : index
    %swap3A_58 = arith.constant 0 : index
    %swap3A_59 = vector.load %arg3[%swap3A_56, %swap3A_57, %swap3A_58] : memref<2x8x256xi32, #tpu.memory_space<vmem>>, vector<1x1x256xi32>
    %swap3A_60 = vector.shape_cast %swap3A_59 : vector<1x1x256xi32> to vector<256xi32>
    %swap3A_61 = vector.shape_cast %add3A_55 : vector<256xi32> to vector<1x1x256xi32>
    tpu.vector_store %arg3[%swap3A_56, %swap3A_57, %swap3A_58], %swap3A_61 {strides = array<i32>} : memref<2x8x256xi32, #tpu.memory_space<vmem>>, vector<1x1x256xi32>,
    %add3A_62 = arith.constant 12288 : i32
    %add3A_63 = vector.broadcast %add3A_62 : i32 to vector<256xi32>
    %add3A_64 = arith.addi %reduce_min3A_52, %add3A_63 : vector<256xi32>
    %swap3A_65 = arith.constant 1 : index
    %swap3A_66 = arith.constant 1 : index
    %swap3A_67 = arith.constant 0 : index
    %swap3A_68 = vector.load %arg3[%swap3A_65, %swap3A_66, %swap3A_67] : memref<2x8x256xi32, #tpu.memory_space<vmem>>, vector<1x1x256xi32>
    %swap3A_69 = vector.shape_cast %swap3A_68 : vector<1x1x256xi32> to vector<256xi32>
    %swap3A_70 = vector.shape_cast %add3A_64 : vector<256xi32> to vector<1x1x256xi32>
    tpu.vector_store %arg3[%swap3A_65, %swap3A_66, %swap3A_67], %swap3A_70 {strides = array<i32>} : memref<2x8x256xi32, #tpu.memory_space<vmem>>, vector<1x1x256xi32>,
    %broadcast_in_dim3A_71 = vector.shape_cast %reduce_min3A_52 : vector<256xi32> to vector<1x256x1xi32>
    %eq3A_72 = vector.broadcast %broadcast_in_dim3A_71 : vector<1x256x1xi32> to vector<8x256x128xi32>
    %eq3A_73 = arith.cmpi eq, %add3A_6, %eq3A_72 : vector<8x256x128xi32>
    %jit3A_74 = arith.constant 0xFF800000 : f32
    %broadcast_in_dim3A_75 = vector.broadcast %jit3A_74 : f32 to vector<8x256x128xf32>
    %select_n3A_76 = arith.select %eq3A_73, %broadcast_in_dim3A_75, %select_n3A_38 : vector<8x256x128xi1>, vector<8x256x128xf32>
    %reduce_max3A_77 = arith.constant dense<0xFF800000> : vector<256x128xf32>
    %reduce_max3A_78 = vector.multi_reduction <maximumf>, %select_n3A_76, %reduce_max3A_77 [0] : vector<8x256x128xf32> to vector<256x128xf32>
    %reduce_max3A_79 = arith.constant dense<0xFF800000> : vector<256xf32>
    %reduce_max3A_80 = vector.multi_reduction <maximumf>, %reduce_max3A_78, %reduce_max3A_79 [1] : vector<256x128xf32> to vector<256xf32>
    %broadcast_in_dim3A_81 = vector.shape_cast %reduce_max3A_80 : vector<256xf32> to vector<1x256x1xf32>
    %eq3A_82 = vector.broadcast %broadcast_in_dim3A_81 : vector<1x256x1xf32> to vector<8x256x128xf32>
    %eq3A_83 = arith.cmpf oeq, %select_n3A_76, %eq3A_82 : vector<8x256x128xf32>
    %jit3A_84 = arith.constant 4096 : i32
    %broadcast_in_dim3A_85 = vector.broadcast %jit3A_84 : i32 to vector<8x256x128xi32>
    %select_n3A_86 = arith.select %eq3A_83, %add3A_6, %broadcast_in_dim3A_85 : vector<8x256x128xi1>, vector<8x256x128xi32>
    %reduce_min3A_87 = arith.constant dense<2147483647> : vector<256x128xi32>
    %reduce_min3A_88 = vector.multi_reduction <minsi>, %select_n3A_86, %reduce_min3A_87 [0] : vector<8x256x128xi32> to vector<256x128xi32>
    %reduce_min3A_89 = arith.constant dense<2147483647> : vector<256xi32>
    %reduce_min3A_90 = vector.multi_reduction <minsi>, %reduce_min3A_88, %reduce_min3A_89 [1] : vector<256x128xi32> to vector<256xi32>
    %add3A_91 = arith.constant 16384 : i32
    %add3A_92 = vector.broadcast %add3A_91 : i32 to vector<256xi32>
    %add3A_93 = arith.addi %reduce_min3A_90, %add3A_92 : vector<256xi32>
    %swap3A_94 = arith.constant 0 : index
    %swap3A_95 = arith.constant 2 : index
    %swap3A_96 = arith.constant 0 : index
    %swap3A_97 = vector.load %arg3[%swap3A_94, %swap3A_95, %swap3A_96] : memref<2x8x256xi32, #tpu.memory_space<vmem>>, vector<1x1x256xi32>
    %swap3A_98 = vector.shape_cast %swap3A_97 : vector<1x1x256xi32> to vector<256xi32>
    %swap3A_99 = vector.shape_cast %add3A_93 : vector<256xi32> to vector<1x1x256xi32>
    tpu.vector_store %arg3[%swap3A_94, %swap3A_95, %swap3A_96], %swap3A_99 {strides = array<i32>} : memref<2x8x256xi32, #tpu.memory_space<vmem>>, vector<1x1x256xi32>,
    %add3A_100 = arith.constant 20480 : i32
    %add3A_101 = vector.broadcast %add3A_100 : i32 to vector<256xi32>
    %add3A_102 = arith.addi %reduce_min3A_90, %add3A_101 : vector<256xi32>
    %swap3A_103 = arith.constant 1 : index
    %swap3A_104 = arith.constant 2 : index
    %swap3A_105 = arith.constant 0 : index
    %swap3A_106 = vector.load %arg3[%swap3A_103, %swap3A_104, %swap3A_105] : memref<2x8x256xi32, #tpu.memory_space<vmem>>, vector<1x1x256xi32>
    %swap3A_107 = vector.shape_cast %swap3A_106 : vector<1x1x256xi32> to vector<256xi32>
    %swap3A_108 = vector.shape_cast %add3A_102 : vector<256xi32> to vector<1x1x256xi32>
    tpu.vector_store %arg3[%swap3A_103, %swap3A_104, %swap3A_105], %swap3A_108 {strides = array<i32>} : memref<2x8x256xi32, #tpu.memory_space<vmem>>, vector<1x1x256xi32>,
    %broadcast_in_dim3A_109 = vector.shape_cast %reduce_min3A_90 : vector<256xi32> to vector<1x256x1xi32>
    %eq3A_110 = vector.broadcast %broadcast_in_dim3A_109 : vector<1x256x1xi32> to vector<8x256x128xi32>
    %eq3A_111 = arith.cmpi eq, %add3A_6, %eq3A_110 : vector<8x256x128xi32>
    %jit3A_112 = arith.constant 0xFF800000 : f32
    %broadcast_in_dim3A_113 = vector.broadcast %jit3A_112 : f32 to vector<8x256x128xf32>
    %select_n3A_114 = arith.select %eq3A_111, %broadcast_in_dim3A_113, %select_n3A_76 : vector<8x256x128xi1>, vector<8x256x128xf32>
    %reduce_max3A_115 = arith.constant dense<0xFF800000> : vector<256x128xf32>
    %reduce_max3A_116 = vector.multi_reduction <maximumf>, %select_n3A_114, %reduce_max3A_115 [0] : vector<8x256x128xf32> to vector<256x128xf32>
    %reduce_max3A_117 = arith.constant dense<0xFF800000> : vector<256xf32>
    %reduce_max3A_118 = vector.multi_reduction <maximumf>, %reduce_max3A_116, %reduce_max3A_117 [1] : vector<256x128xf32> to vector<256xf32>
    %broadcast_in_dim3A_119 = vector.shape_cast %reduce_max3A_118 : vector<256xf32> to vector<1x256x1xf32>
    %eq3A_120 = vector.broadcast %broadcast_in_dim3A_119 : vector<1x256x1xf32> to vector<8x256x128xf32>
    %eq3A_121 = arith.cmpf oeq, %select_n3A_114, %eq3A_120 : vector<8x256x128xf32>
    %jit3A_122 = arith.constant 4096 : i32
    %broadcast_in_dim3A_123 = vector.broadcast %jit3A_122 : i32 to vector<8x256x128xi32>
    %select_n3A_124 = arith.select %eq3A_121, %add3A_6, %broadcast_in_dim3A_123 : vector<8x256x128xi1>, vector<8x256x128xi32>
    %reduce_min3A_125 = arith.constant dense<2147483647> : vector<256x128xi32>
    %reduce_min3A_126 = vector.multi_reduction <minsi>, %select_n3A_124, %reduce_min3A_125 [0] : vector<8x256x128xi32> to vector<256x128xi32>
    %reduce_min3A_127 = arith.constant dense<2147483647> : vector<256xi32>
    %reduce_min3A_128 = vector.multi_reduction <minsi>, %reduce_min3A_126, %reduce_min3A_127 [1] : vector<256x128xi32> to vector<256xi32>
    %add3A_129 = arith.constant 24576 : i32
    %add3A_130 = vector.broadcast %add3A_129 : i32 to vector<256xi32>
    %add3A_131 = arith.addi %reduce_min3A_128, %add3A_130 : vector<256xi32>
    %swap3A_132 = arith.constant 0 : index
    %swap3A_133 = arith.constant 3 : index
    %swap3A_134 = arith.constant 0 : index
    %swap3A_135 = vector.load %arg3[%swap3A_132, %swap3A_133, %swap3A_134] : memref<2x8x256xi32, #tpu.memory_space<vmem>>, vector<1x1x256xi32>
    %swap3A_136 = vector.shape_cast %swap3A_135 : vector<1x1x256xi32> to vector<256xi32>
    %swap3A_137 = vector.shape_cast %add3A_131 : vector<256xi32> to vector<1x1x256xi32>
    tpu.vector_store %arg3[%swap3A_132, %swap3A_133, %swap3A_134], %swap3A_137 {strides = array<i32>} : memref<2x8x256xi32, #tpu.memory_space<vmem>>, vector<1x1x256xi32>,
    %add3A_138 = arith.constant 28672 : i32
    %add3A_139 = vector.broadcast %add3A_138 : i32 to vector<256xi32>
    %add3A_140 = arith.addi %reduce_min3A_128, %add3A_139 : vector<256xi32>
    %swap3A_141 = arith.constant 1 : index
    %swap3A_142 = arith.constant 3 : index
    %swap3A_143 = arith.constant 0 : index
    %swap3A_144 = vector.load %arg3[%swap3A_141, %swap3A_142, %swap3A_143] : memref<2x8x256xi32, #tpu.memory_space<vmem>>, vector<1x1x256xi32>
    %swap3A_145 = vector.shape_cast %swap3A_144 : vector<1x1x256xi32> to vector<256xi32>
    %swap3A_146 = vector.shape_cast %add3A_140 : vector<256xi32> to vector<1x1x256xi32>
    tpu.vector_store %arg3[%swap3A_141, %swap3A_142, %swap3A_143], %swap3A_146 {strides = array<i32>} : memref<2x8x256xi32, #tpu.memory_space<vmem>>, vector<1x1x256xi32>,
    %broadcast_in_dim3A_147 = vector.shape_cast %reduce_min3A_128 : vector<256xi32> to vector<1x256x1xi32>
    %eq3A_148 = vector.broadcast %broadcast_in_dim3A_147 : vector<1x256x1xi32> to vector<8x256x128xi32>
    %eq3A_149 = arith.cmpi eq, %add3A_6, %eq3A_148 : vector<8x256x128xi32>
    %jit3A_150 = arith.constant 0xFF800000 : f32
    %broadcast_in_dim3A_151 = vector.broadcast %jit3A_150 : f32 to vector<8x256x128xf32>
    %select_n3A_152 = arith.select %eq3A_149, %broadcast_in_dim3A_151, %select_n3A_114 : vector<8x256x128xi1>, vector<8x256x128xf32>
    %reduce_max3A_153 = arith.constant dense<0xFF800000> : vector<256x128xf32>
    %reduce_max3A_154 = vector.multi_reduction <maximumf>, %select_n3A_152, %reduce_max3A_153 [0] : vector<8x256x128xf32> to vector<256x128xf32>
    %reduce_max3A_155 = arith.constant dense<0xFF800000> : vector<256xf32>
    %reduce_max3A_156 = vector.multi_reduction <maximumf>, %reduce_max3A_154, %reduce_max3A_155 [1] : vector<256x128xf32> to vector<256xf32>
    %broadcast_in_dim3A_157 = vector.shape_cast %reduce_max3A_156 : vector<256xf32> to vector<1x256x1xf32>
    %eq3A_158 = vector.broadcast %broadcast_in_dim3A_157 : vector<1x256x1xf32> to vector<8x256x128xf32>
    %eq3A_159 = arith.cmpf oeq, %select_n3A_152, %eq3A_158 : vector<8x256x128xf32>
    %jit3A_160 = arith.constant 4096 : i32
    %broadcast_in_dim3A_161 = vector.broadcast %jit3A_160 : i32 to vector<8x256x128xi32>
    %select_n3A_162 = arith.select %eq3A_159, %add3A_6, %broadcast_in_dim3A_161 : vector<8x256x128xi1>, vector<8x256x128xi32>
    %reduce_min3A_163 = arith.constant dense<2147483647> : vector<256x128xi32>
    %reduce_min3A_164 = vector.multi_reduction <minsi>, %select_n3A_162, %reduce_min3A_163 [0] : vector<8x256x128xi32> to vector<256x128xi32>
    %reduce_min3A_165 = arith.constant dense<2147483647> : vector<256xi32>
    %reduce_min3A_166 = vector.multi_reduction <minsi>, %reduce_min3A_164, %reduce_min3A_165 [1] : vector<256x128xi32> to vector<256xi32>
    %add3A_167 = arith.constant 32768 : i32
    %add3A_168 = vector.broadcast %add3A_167 : i32 to vector<256xi32>
    %add3A_169 = arith.addi %reduce_min3A_166, %add3A_168 : vector<256xi32>
    %swap3A_170 = arith.constant 0 : index
    %swap3A_171 = arith.constant 4 : index
    %swap3A_172 = arith.constant 0 : index
    %swap3A_173 = vector.load %arg3[%swap3A_170, %swap3A_171, %swap3A_172] : memref<2x8x256xi32, #tpu.memory_space<vmem>>, vector<1x1x256xi32>
    %swap3A_174 = vector.shape_cast %swap3A_173 : vector<1x1x256xi32> to vector<256xi32>
    %swap3A_175 = vector.shape_cast %add3A_169 : vector<256xi32> to vector<1x1x256xi32>
    tpu.vector_store %arg3[%swap3A_170, %swap3A_171, %swap3A_172], %swap3A_175 {strides = array<i32>} : memref<2x8x256xi32, #tpu.memory_space<vmem>>, vector<1x1x256xi32>,
    %add3A_176 = arith.constant 36864 : i32
    %add3A_177 = vector.broadcast %add3A_176 : i32 to vector<256xi32>
    %add3A_178 = arith.addi %reduce_min3A_166, %add3A_177 : vector<256xi32>
    %swap3A_179 = arith.constant 1 : index
    %swap3A_180 = arith.constant 4 : index
    %swap3A_181 = arith.constant 0 : index
    %swap3A_182 = vector.load %arg3[%swap3A_179, %swap3A_180, %swap3A_181] : memref<2x8x256xi32, #tpu.memory_space<vmem>>, vector<1x1x256xi32>
    %swap3A_183 = vector.shape_cast %swap3A_182 : vector<1x1x256xi32> to vector<256xi32>
    %swap3A_184 = vector.shape_cast %add3A_178 : vector<256xi32> to vector<1x1x256xi32>
    tpu.vector_store %arg3[%swap3A_179, %swap3A_180, %swap3A_181], %swap3A_184 {strides = array<i32>} : memref<2x8x256xi32, #tpu.memory_space<vmem>>, vector<1x1x256xi32>,
    %broadcast_in_dim3A_185 = vector.shape_cast %reduce_min3A_166 : vector<256xi32> to vector<1x256x1xi32>
    %eq3A_186 = vector.broadcast %broadcast_in_dim3A_185 : vector<1x256x1xi32> to vector<8x256x128xi32>
    %eq3A_187 = arith.cmpi eq, %add3A_6, %eq3A_186 : vector<8x256x128xi32>
    %jit3A_188 = arith.constant 0xFF800000 : f32
    %broadcast_in_dim3A_189 = vector.broadcast %jit3A_188 : f32 to vector<8x256x128xf32>
    %select_n3A_190 = arith.select %eq3A_187, %broadcast_in_dim3A_189, %select_n3A_152 : vector<8x256x128xi1>, vector<8x256x128xf32>
    %reduce_max3A_191 = arith.constant dense<0xFF800000> : vector<256x128xf32>
    %reduce_max3A_192 = vector.multi_reduction <maximumf>, %select_n3A_190, %reduce_max3A_191 [0] : vector<8x256x128xf32> to vector<256x128xf32>
    %reduce_max3A_193 = arith.constant dense<0xFF800000> : vector<256xf32>
    %reduce_max3A_194 = vector.multi_reduction <maximumf>, %reduce_max3A_192, %reduce_max3A_193 [1] : vector<256x128xf32> to vector<256xf32>
    %broadcast_in_dim3A_195 = vector.shape_cast %reduce_max3A_194 : vector<256xf32> to vector<1x256x1xf32>
    %eq3A_196 = vector.broadcast %broadcast_in_dim3A_195 : vector<1x256x1xf32> to vector<8x256x128xf32>
    %eq3A_197 = arith.cmpf oeq, %select_n3A_190, %eq3A_196 : vector<8x256x128xf32>
    %jit3A_198 = arith.constant 4096 : i32
    %broadcast_in_dim3A_199 = vector.broadcast %jit3A_198 : i32 to vector<8x256x128xi32>
    %select_n3A_200 = arith.select %eq3A_197, %add3A_6, %broadcast_in_dim3A_199 : vector<8x256x128xi1>, vector<8x256x128xi32>
    %reduce_min3A_201 = arith.constant dense<2147483647> : vector<256x128xi32>
    %reduce_min3A_202 = vector.multi_reduction <minsi>, %select_n3A_200, %reduce_min3A_201 [0] : vector<8x256x128xi32> to vector<256x128xi32>
    %reduce_min3A_203 = arith.constant dense<2147483647> : vector<256xi32>
    %reduce_min3A_204 = vector.multi_reduction <minsi>, %reduce_min3A_202, %reduce_min3A_203 [1] : vector<256x128xi32> to vector<256xi32>
    %add3A_205 = arith.constant 40960 : i32
    %add3A_206 = vector.broadcast %add3A_205 : i32 to vector<256xi32>
    %add3A_207 = arith.addi %reduce_min3A_204, %add3A_206 : vector<256xi32>
    %swap3A_208 = arith.constant 0 : index
    %swap3A_209 = arith.constant 5 : index
    %swap3A_210 = arith.constant 0 : index
    %swap3A_211 = vector.load %arg3[%swap3A_208, %swap3A_209, %swap3A_210] : memref<2x8x256xi32, #tpu.memory_space<vmem>>, vector<1x1x256xi32>
    %swap3A_212 = vector.shape_cast %swap3A_211 : vector<1x1x256xi32> to vector<256xi32>
    %swap3A_213 = vector.shape_cast %add3A_207 : vector<256xi32> to vector<1x1x256xi32>
    tpu.vector_store %arg3[%swap3A_208, %swap3A_209, %swap3A_210], %swap3A_213 {strides = array<i32>} : memref<2x8x256xi32, #tpu.memory_space<vmem>>, vector<1x1x256xi32>,
    %add3A_214 = arith.constant 45056 : i32
    %add3A_215 = vector.broadcast %add3A_214 : i32 to vector<256xi32>
    %add3A_216 = arith.addi %reduce_min3A_204, %add3A_215 : vector<256xi32>
    %swap3A_217 = arith.constant 1 : index
    %swap3A_218 = arith.constant 5 : index
    %swap3A_219 = arith.constant 0 : index
    %swap3A_220 = vector.load %arg3[%swap3A_217, %swap3A_218, %swap3A_219] : memref<2x8x256xi32, #tpu.memory_space<vmem>>, vector<1x1x256xi32>
    %swap3A_221 = vector.shape_cast %swap3A_220 : vector<1x1x256xi32> to vector<256xi32>
    %swap3A_222 = vector.shape_cast %add3A_216 : vector<256xi32> to vector<1x1x256xi32>
    tpu.vector_store %arg3[%swap3A_217, %swap3A_218, %swap3A_219], %swap3A_222 {strides = array<i32>} : memref<2x8x256xi32, #tpu.memory_space<vmem>>, vector<1x1x256xi32>,
    %broadcast_in_dim3A_223 = vector.shape_cast %reduce_min3A_204 : vector<256xi32> to vector<1x256x1xi32>
    %eq3A_224 = vector.broadcast %broadcast_in_dim3A_223 : vector<1x256x1xi32> to vector<8x256x128xi32>
    %eq3A_225 = arith.cmpi eq, %add3A_6, %eq3A_224 : vector<8x256x128xi32>
    %jit3A_226 = arith.constant 0xFF800000 : f32
    %broadcast_in_dim3A_227 = vector.broadcast %jit3A_226 : f32 to vector<8x256x128xf32>
    %select_n3A_228 = arith.select %eq3A_225, %broadcast_in_dim3A_227, %select_n3A_190 : vector<8x256x128xi1>, vector<8x256x128xf32>
    %reduce_max3A_229 = arith.constant dense<0xFF800000> : vector<256x128xf32>
    %reduce_max3A_230 = vector.multi_reduction <maximumf>, %select_n3A_228, %reduce_max3A_229 [0] : vector<8x256x128xf32> to vector<256x128xf32>
    %reduce_max3A_231 = arith.constant dense<0xFF800000> : vector<256xf32>
    %reduce_max3A_232 = vector.multi_reduction <maximumf>, %reduce_max3A_230, %reduce_max3A_231 [1] : vector<256x128xf32> to vector<256xf32>
    %broadcast_in_dim3A_233 = vector.shape_cast %reduce_max3A_232 : vector<256xf32> to vector<1x256x1xf32>
    %eq3A_234 = vector.broadcast %broadcast_in_dim3A_233 : vector<1x256x1xf32> to vector<8x256x128xf32>
    %eq3A_235 = arith.cmpf oeq, %select_n3A_228, %eq3A_234 : vector<8x256x128xf32>
    %jit3A_236 = arith.constant 4096 : i32
    %broadcast_in_dim3A_237 = vector.broadcast %jit3A_236 : i32 to vector<8x256x128xi32>
    %select_n3A_238 = arith.select %eq3A_235, %add3A_6, %broadcast_in_dim3A_237 : vector<8x256x128xi1>, vector<8x256x128xi32>
    %reduce_min3A_239 = arith.constant dense<2147483647> : vector<256x128xi32>
    %reduce_min3A_240 = vector.multi_reduction <minsi>, %select_n3A_238, %reduce_min3A_239 [0] : vector<8x256x128xi32> to vector<256x128xi32>
    %reduce_min3A_241 = arith.constant dense<2147483647> : vector<256xi32>
    %reduce_min3A_242 = vector.multi_reduction <minsi>, %reduce_min3A_240, %reduce_min3A_241 [1] : vector<256x128xi32> to vector<256xi32>
    %add3A_243 = arith.constant 49152 : i32
    %add3A_244 = vector.broadcast %add3A_243 : i32 to vector<256xi32>
    %add3A_245 = arith.addi %reduce_min3A_242, %add3A_244 : vector<256xi32>
    %swap3A_246 = arith.constant 0 : index
    %swap3A_247 = arith.constant 6 : index
    %swap3A_248 = arith.constant 0 : index
    %swap3A_249 = vector.load %arg3[%swap3A_246, %swap3A_247, %swap3A_248] : memref<2x8x256xi32, #tpu.memory_space<vmem>>, vector<1x1x256xi32>
    %swap3A_250 = vector.shape_cast %swap3A_249 : vector<1x1x256xi32> to vector<256xi32>
    %swap3A_251 = vector.shape_cast %add3A_245 : vector<256xi32> to vector<1x1x256xi32>
    tpu.vector_store %arg3[%swap3A_246, %swap3A_247, %swap3A_248], %swap3A_251 {strides = array<i32>} : memref<2x8x256xi32, #tpu.memory_space<vmem>>, vector<1x1x256xi32>,
    %add3A_252 = arith.constant 53248 : i32
    %add3A_253 = vector.broadcast %add3A_252 : i32 to vector<256xi32>
    %add3A_254 = arith.addi %reduce_min3A_242, %add3A_253 : vector<256xi32>
    %swap3A_255 = arith.constant 1 : index
    %swap3A_256 = arith.constant 6 : index
    %swap3A_257 = arith.constant 0 : index
    %swap3A_258 = vector.load %arg3[%swap3A_255, %swap3A_256, %swap3A_257] : memref<2x8x256xi32, #tpu.memory_space<vmem>>, vector<1x1x256xi32>
    %swap3A_259 = vector.shape_cast %swap3A_258 : vector<1x1x256xi32> to vector<256xi32>
    %swap3A_260 = vector.shape_cast %add3A_254 : vector<256xi32> to vector<1x1x256xi32>
    tpu.vector_store %arg3[%swap3A_255, %swap3A_256, %swap3A_257], %swap3A_260 {strides = array<i32>} : memref<2x8x256xi32, #tpu.memory_space<vmem>>, vector<1x1x256xi32>,
    %broadcast_in_dim3A_261 = vector.shape_cast %reduce_min3A_242 : vector<256xi32> to vector<1x256x1xi32>
    %eq3A_262 = vector.broadcast %broadcast_in_dim3A_261 : vector<1x256x1xi32> to vector<8x256x128xi32>
    %eq3A_263 = arith.cmpi eq, %add3A_6, %eq3A_262 : vector<8x256x128xi32>
    %jit3A_264 = arith.constant 0xFF800000 : f32
    %broadcast_in_dim3A_265 = vector.broadcast %jit3A_264 : f32 to vector<8x256x128xf32>
    %select_n3A_266 = arith.select %eq3A_263, %broadcast_in_dim3A_265, %select_n3A_228 : vector<8x256x128xi1>, vector<8x256x128xf32>
    %reduce_max3A_267 = arith.constant dense<0xFF800000> : vector<256x128xf32>
    %reduce_max3A_268 = vector.multi_reduction <maximumf>, %select_n3A_266, %reduce_max3A_267 [0] : vector<8x256x128xf32> to vector<256x128xf32>
    %reduce_max3A_269 = arith.constant dense<0xFF800000> : vector<256xf32>
    %reduce_max3A_270 = vector.multi_reduction <maximumf>, %reduce_max3A_268, %reduce_max3A_269 [1] : vector<256x128xf32> to vector<256xf32>
    %broadcast_in_dim3A_271 = vector.shape_cast %reduce_max3A_270 : vector<256xf32> to vector<1x256x1xf32>
    %eq3A_272 = vector.broadcast %broadcast_in_dim3A_271 : vector<1x256x1xf32> to vector<8x256x128xf32>
    %eq3A_273 = arith.cmpf oeq, %select_n3A_266, %eq3A_272 : vector<8x256x128xf32>
    %jit3A_274 = arith.constant 4096 : i32
    %broadcast_in_dim3A_275 = vector.broadcast %jit3A_274 : i32 to vector<8x256x128xi32>
    %select_n3A_276 = arith.select %eq3A_273, %add3A_6, %broadcast_in_dim3A_275 : vector<8x256x128xi1>, vector<8x256x128xi32>
    %reduce_min3A_277 = arith.constant dense<2147483647> : vector<256x128xi32>
    %reduce_min3A_278 = vector.multi_reduction <minsi>, %select_n3A_276, %reduce_min3A_277 [0] : vector<8x256x128xi32> to vector<256x128xi32>
    %reduce_min3A_279 = arith.constant dense<2147483647> : vector<256xi32>
    %reduce_min3A_280 = vector.multi_reduction <minsi>, %reduce_min3A_278, %reduce_min3A_279 [1] : vector<256x128xi32> to vector<256xi32>
    %add3A_281 = arith.constant 57344 : i32
    %add3A_282 = vector.broadcast %add3A_281 : i32 to vector<256xi32>
    %add3A_283 = arith.addi %reduce_min3A_280, %add3A_282 : vector<256xi32>
    %swap3A_284 = arith.constant 0 : index
    %swap3A_285 = arith.constant 7 : index
    %swap3A_286 = arith.constant 0 : index
    %swap3A_287 = vector.load %arg3[%swap3A_284, %swap3A_285, %swap3A_286] : memref<2x8x256xi32, #tpu.memory_space<vmem>>, vector<1x1x256xi32>
    %swap3A_288 = vector.shape_cast %swap3A_287 : vector<1x1x256xi32> to vector<256xi32>
    %swap3A_289 = vector.shape_cast %add3A_283 : vector<256xi32> to vector<1x1x256xi32>
    tpu.vector_store %arg3[%swap3A_284, %swap3A_285, %swap3A_286], %swap3A_289 {strides = array<i32>} : memref<2x8x256xi32, #tpu.memory_space<vmem>>, vector<1x1x256xi32>,
    %add3A_290 = arith.constant 61440 : i32
    %add3A_291 = vector.broadcast %add3A_290 : i32 to vector<256xi32>
    %add3A_292 = arith.addi %reduce_min3A_280, %add3A_291 : vector<256xi32>
    %swap3A_293 = arith.constant 1 : index
    %swap3A_294 = arith.constant 7 : index
    %swap3A_295 = arith.constant 0 : index
    %swap3A_296 = vector.load %arg3[%swap3A_293, %swap3A_294, %swap3A_295] : memref<2x8x256xi32, #tpu.memory_space<vmem>>, vector<1x1x256xi32>
    %swap3A_297 = vector.shape_cast %swap3A_296 : vector<1x1x256xi32> to vector<256xi32>
    %swap3A_298 = vector.shape_cast %add3A_292 : vector<256xi32> to vector<1x1x256xi32>
    tpu.vector_store %arg3[%swap3A_293, %swap3A_294, %swap3A_295], %swap3A_298 {strides = array<i32>} : memref<2x8x256xi32, #tpu.memory_space<vmem>>, vector<1x1x256xi32>,
    return
  }
  func.func @transform_0(%arg0: i32) -> (i32, i32, i32) {
    %c0_i32 = arith.constant 0 : i32
    %c0_i32_0 = arith.constant 0 : i32
    %c0_i32_1 = arith.constant 0 : i32
    return %c0_i32, %arg0, %c0_i32_0 : i32, i32, i32
  }
  func.func @transform_1(%arg0: i32) -> (i32, i32) {
    %c0_i32 = arith.constant 0 : i32
    %c0_i32_0 = arith.constant 0 : i32
    return %c0_i32, %arg0 : i32, i32
  }
  func.func @transform_2(%arg0: i32) -> (i32, i32, i32) {
    %c0_i32 = arith.constant 0 : i32
    %c0_i32_0 = arith.constant 0 : i32
    %c0_i32_1 = arith.constant 0 : i32
    return %c0_i32, %c0_i32_0, %arg0 : i32, i32, i32
  }
}

module attributes {stable_mosaic.version = 14 : i64} {
  func.func @_lambda_(%arg0: i32, %arg1: memref<256x4096xf32, #tpu.memory_space<vmem>>, %arg2: memref<2x256x256xf32, #tpu.memory_space<vmem>>, %arg3: memref<8x256x256xbf16, #tpu.memory_space<vmem>>, %arg4: memref<32x256x128xf32, #tpu.memory_space<vmem>>, %arg5: memref<8x256xi32, #tpu.memory_space<vmem>>, %arg6: memref<8x256xi32, #tpu.memory_space<vmem>>, %arg7: memref<16x256x256xf32, #tpu.memory_space<vmem>>) attributes {dimension_semantics = [#tpu.dimension_semantics<arbitrary>], iteration_bounds = array<i64: 16>, scalar_prefetch = 0 : i64, scratch_operands = 0 : i64, tpu.core_type = #tpu.core_type<tc>, window_params = [{transform_indices = @transform_0, window_bounds = array<i64: 256, 4096>}, {transform_indices = @transform_1, window_bounds = array<i64: 2, 256, 256>}, {pipeline_mode = #tpu.pipeline_mode<synchronous>, transform_indices = @transform_2, window_bounds = array<i64: 8, 256, 256>}, {transform_indices = @transform_3, window_bounds = array<i64: 32, 256, 128>}, {transform_indices = @transform_4, window_bounds = array<i64: 8, 256>}, {transform_indices = @transform_5, window_bounds = array<i64: 8, 256>}, {transform_indices = @transform_6, window_bounds = array<i64: 16, 256, 256>}]} {
    %get3A = arith.constant 0 : index
    %get3A_0 = arith.constant 0 : index
    %get3A_1 = arith.constant 0 : index
    %get3A_2 = vector.load %arg2[%get3A, %get3A_0, %get3A_1] : memref<2x256x256xf32, #tpu.memory_space<vmem>>, vector<2x256x256xf32>
    %convert_element_type3A = arith.truncf %get3A_2 : vector<2x256x256xf32> to vector<2x256x256xbf16>
    %get3A_3 = arith.constant 0 : index
    %get3A_4 = arith.constant 0 : index
    %get3A_5 = arith.constant 0 : index
    %get3A_6 = vector.load %arg3[%get3A_3, %get3A_4, %get3A_5] : memref<8x256x256xbf16, #tpu.memory_space<vmem>>, vector<8x256x256xbf16>
    %slice3A = vector.extract_strided_slice %convert_element_type3A {offsets = [0, 0, 0], sizes = [1, 256, 256], strides = [1, 1, 1]} : vector<2x256x256xbf16> to vector<1x256x256xbf16>
    %squeeze3A = vector.shape_cast %slice3A : vector<1x256x256xbf16> to vector<256x256xbf16>
    %slice3A_7 = vector.extract_strided_slice %get3A_6 {offsets = [0, 0, 0], sizes = [1, 256, 256], strides = [1, 1, 1]} : vector<8x256x256xbf16> to vector<1x256x256xbf16>
    %squeeze3A_8 = vector.shape_cast %slice3A_7 : vector<1x256x256xbf16> to vector<256x256xbf16>
    %dot_general3A = arith.constant dense<0.000000e+00> : vector<256x256xf32>
    %dot_general3A_9 = tpu.matmul %squeeze3A, %squeeze3A_8, %dot_general3A {dimension_numbers = #tpu.dot_dimension_numbers<[1], [0], [0], [1], [0, 0, 1, 1], [], []>, transpose_lhs_hint = false} : vector<256x256xbf16>, vector<256x256xbf16>, vector<256x256xf32> -> vector<256x256xf32>
    %swap3A = arith.constant 0 : index
    %swap3A_10 = arith.constant 0 : index
    %swap3A_11 = arith.constant 0 : index
    %swap3A_12 = vector.load %arg7[%swap3A, %swap3A_10, %swap3A_11] : memref<16x256x256xf32, #tpu.memory_space<vmem>>, vector<1x256x256xf32>
    %swap3A_13 = vector.shape_cast %swap3A_12 : vector<1x256x256xf32> to vector<256x256xf32>
    %swap3A_14 = vector.shape_cast %dot_general3A_9 : vector<256x256xf32> to vector<1x256x256xf32>
    tpu.vector_store %arg7[%swap3A, %swap3A_10, %swap3A_11], %swap3A_14 {strides = array<i32>} : memref<16x256x256xf32, #tpu.memory_space<vmem>>, vector<1x256x256xf32>,
    %slice3A_15 = vector.extract_strided_slice %convert_element_type3A {offsets = [1, 0, 0], sizes = [1, 256, 256], strides = [1, 1, 1]} : vector<2x256x256xbf16> to vector<1x256x256xbf16>
    %squeeze3A_16 = vector.shape_cast %slice3A_15 : vector<1x256x256xbf16> to vector<256x256xbf16>
    %slice3A_17 = vector.extract_strided_slice %get3A_6 {offsets = [0, 0, 0], sizes = [1, 256, 256], strides = [1, 1, 1]} : vector<8x256x256xbf16> to vector<1x256x256xbf16>
    %squeeze3A_18 = vector.shape_cast %slice3A_17 : vector<1x256x256xbf16> to vector<256x256xbf16>
    %dot_general3A_19 = arith.constant dense<0.000000e+00> : vector<256x256xf32>
    %dot_general3A_20 = tpu.matmul %squeeze3A_16, %squeeze3A_18, %dot_general3A_19 {dimension_numbers = #tpu.dot_dimension_numbers<[1], [0], [0], [1], [0, 0, 1, 1], [], []>, transpose_lhs_hint = false} : vector<256x256xbf16>, vector<256x256xbf16>, vector<256x256xf32> -> vector<256x256xf32>
    %swap3A_21 = arith.constant 1 : index
    %swap3A_22 = arith.constant 0 : index
    %swap3A_23 = arith.constant 0 : index
    %swap3A_24 = vector.load %arg7[%swap3A_21, %swap3A_22, %swap3A_23] : memref<16x256x256xf32, #tpu.memory_space<vmem>>, vector<1x256x256xf32>
    %swap3A_25 = vector.shape_cast %swap3A_24 : vector<1x256x256xf32> to vector<256x256xf32>
    %swap3A_26 = vector.shape_cast %dot_general3A_20 : vector<256x256xf32> to vector<1x256x256xf32>
    tpu.vector_store %arg7[%swap3A_21, %swap3A_22, %swap3A_23], %swap3A_26 {strides = array<i32>} : memref<16x256x256xf32, #tpu.memory_space<vmem>>, vector<1x256x256xf32>,
    %slice3A_27 = vector.extract_strided_slice %convert_element_type3A {offsets = [0, 0, 0], sizes = [1, 256, 256], strides = [1, 1, 1]} : vector<2x256x256xbf16> to vector<1x256x256xbf16>
    %squeeze3A_28 = vector.shape_cast %slice3A_27 : vector<1x256x256xbf16> to vector<256x256xbf16>
    %slice3A_29 = vector.extract_strided_slice %get3A_6 {offsets = [1, 0, 0], sizes = [1, 256, 256], strides = [1, 1, 1]} : vector<8x256x256xbf16> to vector<1x256x256xbf16>
    %squeeze3A_30 = vector.shape_cast %slice3A_29 : vector<1x256x256xbf16> to vector<256x256xbf16>
    %dot_general3A_31 = arith.constant dense<0.000000e+00> : vector<256x256xf32>
    %dot_general3A_32 = tpu.matmul %squeeze3A_28, %squeeze3A_30, %dot_general3A_31 {dimension_numbers = #tpu.dot_dimension_numbers<[1], [0], [0], [1], [0, 0, 1, 1], [], []>, transpose_lhs_hint = false} : vector<256x256xbf16>, vector<256x256xbf16>, vector<256x256xf32> -> vector<256x256xf32>
    %swap3A_33 = arith.constant 2 : index
    %swap3A_34 = arith.constant 0 : index
    %swap3A_35 = arith.constant 0 : index
    %swap3A_36 = vector.load %arg7[%swap3A_33, %swap3A_34, %swap3A_35] : memref<16x256x256xf32, #tpu.memory_space<vmem>>, vector<1x256x256xf32>
    %swap3A_37 = vector.shape_cast %swap3A_36 : vector<1x256x256xf32> to vector<256x256xf32>
    %swap3A_38 = vector.shape_cast %dot_general3A_32 : vector<256x256xf32> to vector<1x256x256xf32>
    tpu.vector_store %arg7[%swap3A_33, %swap3A_34, %swap3A_35], %swap3A_38 {strides = array<i32>} : memref<16x256x256xf32, #tpu.memory_space<vmem>>, vector<1x256x256xf32>,
    %slice3A_39 = vector.extract_strided_slice %convert_element_type3A {offsets = [1, 0, 0], sizes = [1, 256, 256], strides = [1, 1, 1]} : vector<2x256x256xbf16> to vector<1x256x256xbf16>
    %squeeze3A_40 = vector.shape_cast %slice3A_39 : vector<1x256x256xbf16> to vector<256x256xbf16>
    %slice3A_41 = vector.extract_strided_slice %get3A_6 {offsets = [1, 0, 0], sizes = [1, 256, 256], strides = [1, 1, 1]} : vector<8x256x256xbf16> to vector<1x256x256xbf16>
    %squeeze3A_42 = vector.shape_cast %slice3A_41 : vector<1x256x256xbf16> to vector<256x256xbf16>
    %dot_general3A_43 = arith.constant dense<0.000000e+00> : vector<256x256xf32>
    %dot_general3A_44 = tpu.matmul %squeeze3A_40, %squeeze3A_42, %dot_general3A_43 {dimension_numbers = #tpu.dot_dimension_numbers<[1], [0], [0], [1], [0, 0, 1, 1], [], []>, transpose_lhs_hint = false} : vector<256x256xbf16>, vector<256x256xbf16>, vector<256x256xf32> -> vector<256x256xf32>
    %swap3A_45 = arith.constant 3 : index
    %swap3A_46 = arith.constant 0 : index
    %swap3A_47 = arith.constant 0 : index
    %swap3A_48 = vector.load %arg7[%swap3A_45, %swap3A_46, %swap3A_47] : memref<16x256x256xf32, #tpu.memory_space<vmem>>, vector<1x256x256xf32>
    %swap3A_49 = vector.shape_cast %swap3A_48 : vector<1x256x256xf32> to vector<256x256xf32>
    %swap3A_50 = vector.shape_cast %dot_general3A_44 : vector<256x256xf32> to vector<1x256x256xf32>
    tpu.vector_store %arg7[%swap3A_45, %swap3A_46, %swap3A_47], %swap3A_50 {strides = array<i32>} : memref<16x256x256xf32, #tpu.memory_space<vmem>>, vector<1x256x256xf32>,
    %slice3A_51 = vector.extract_strided_slice %convert_element_type3A {offsets = [0, 0, 0], sizes = [1, 256, 256], strides = [1, 1, 1]} : vector<2x256x256xbf16> to vector<1x256x256xbf16>
    %squeeze3A_52 = vector.shape_cast %slice3A_51 : vector<1x256x256xbf16> to vector<256x256xbf16>
    %slice3A_53 = vector.extract_strided_slice %get3A_6 {offsets = [2, 0, 0], sizes = [1, 256, 256], strides = [1, 1, 1]} : vector<8x256x256xbf16> to vector<1x256x256xbf16>
    %squeeze3A_54 = vector.shape_cast %slice3A_53 : vector<1x256x256xbf16> to vector<256x256xbf16>
    %dot_general3A_55 = arith.constant dense<0.000000e+00> : vector<256x256xf32>
    %dot_general3A_56 = tpu.matmul %squeeze3A_52, %squeeze3A_54, %dot_general3A_55 {dimension_numbers = #tpu.dot_dimension_numbers<[1], [0], [0], [1], [0, 0, 1, 1], [], []>, transpose_lhs_hint = false} : vector<256x256xbf16>, vector<256x256xbf16>, vector<256x256xf32> -> vector<256x256xf32>
    %swap3A_57 = arith.constant 4 : index
    %swap3A_58 = arith.constant 0 : index
    %swap3A_59 = arith.constant 0 : index
    %swap3A_60 = vector.load %arg7[%swap3A_57, %swap3A_58, %swap3A_59] : memref<16x256x256xf32, #tpu.memory_space<vmem>>, vector<1x256x256xf32>
    %swap3A_61 = vector.shape_cast %swap3A_60 : vector<1x256x256xf32> to vector<256x256xf32>
    %swap3A_62 = vector.shape_cast %dot_general3A_56 : vector<256x256xf32> to vector<1x256x256xf32>
    tpu.vector_store %arg7[%swap3A_57, %swap3A_58, %swap3A_59], %swap3A_62 {strides = array<i32>} : memref<16x256x256xf32, #tpu.memory_space<vmem>>, vector<1x256x256xf32>,
    %slice3A_63 = vector.extract_strided_slice %convert_element_type3A {offsets = [1, 0, 0], sizes = [1, 256, 256], strides = [1, 1, 1]} : vector<2x256x256xbf16> to vector<1x256x256xbf16>
    %squeeze3A_64 = vector.shape_cast %slice3A_63 : vector<1x256x256xbf16> to vector<256x256xbf16>
    %slice3A_65 = vector.extract_strided_slice %get3A_6 {offsets = [2, 0, 0], sizes = [1, 256, 256], strides = [1, 1, 1]} : vector<8x256x256xbf16> to vector<1x256x256xbf16>
    %squeeze3A_66 = vector.shape_cast %slice3A_65 : vector<1x256x256xbf16> to vector<256x256xbf16>
    %dot_general3A_67 = arith.constant dense<0.000000e+00> : vector<256x256xf32>
    %dot_general3A_68 = tpu.matmul %squeeze3A_64, %squeeze3A_66, %dot_general3A_67 {dimension_numbers = #tpu.dot_dimension_numbers<[1], [0], [0], [1], [0, 0, 1, 1], [], []>, transpose_lhs_hint = false} : vector<256x256xbf16>, vector<256x256xbf16>, vector<256x256xf32> -> vector<256x256xf32>
    %swap3A_69 = arith.constant 5 : index
    %swap3A_70 = arith.constant 0 : index
    %swap3A_71 = arith.constant 0 : index
    %swap3A_72 = vector.load %arg7[%swap3A_69, %swap3A_70, %swap3A_71] : memref<16x256x256xf32, #tpu.memory_space<vmem>>, vector<1x256x256xf32>
    %swap3A_73 = vector.shape_cast %swap3A_72 : vector<1x256x256xf32> to vector<256x256xf32>
    %swap3A_74 = vector.shape_cast %dot_general3A_68 : vector<256x256xf32> to vector<1x256x256xf32>
    tpu.vector_store %arg7[%swap3A_69, %swap3A_70, %swap3A_71], %swap3A_74 {strides = array<i32>} : memref<16x256x256xf32, #tpu.memory_space<vmem>>, vector<1x256x256xf32>,
    %slice3A_75 = vector.extract_strided_slice %convert_element_type3A {offsets = [0, 0, 0], sizes = [1, 256, 256], strides = [1, 1, 1]} : vector<2x256x256xbf16> to vector<1x256x256xbf16>
    %squeeze3A_76 = vector.shape_cast %slice3A_75 : vector<1x256x256xbf16> to vector<256x256xbf16>
    %slice3A_77 = vector.extract_strided_slice %get3A_6 {offsets = [3, 0, 0], sizes = [1, 256, 256], strides = [1, 1, 1]} : vector<8x256x256xbf16> to vector<1x256x256xbf16>
    %squeeze3A_78 = vector.shape_cast %slice3A_77 : vector<1x256x256xbf16> to vector<256x256xbf16>
    %dot_general3A_79 = arith.constant dense<0.000000e+00> : vector<256x256xf32>
    %dot_general3A_80 = tpu.matmul %squeeze3A_76, %squeeze3A_78, %dot_general3A_79 {dimension_numbers = #tpu.dot_dimension_numbers<[1], [0], [0], [1], [0, 0, 1, 1], [], []>, transpose_lhs_hint = false} : vector<256x256xbf16>, vector<256x256xbf16>, vector<256x256xf32> -> vector<256x256xf32>
    %swap3A_81 = arith.constant 6 : index
    %swap3A_82 = arith.constant 0 : index
    %swap3A_83 = arith.constant 0 : index
    %swap3A_84 = vector.load %arg7[%swap3A_81, %swap3A_82, %swap3A_83] : memref<16x256x256xf32, #tpu.memory_space<vmem>>, vector<1x256x256xf32>
    %swap3A_85 = vector.shape_cast %swap3A_84 : vector<1x256x256xf32> to vector<256x256xf32>
    %swap3A_86 = vector.shape_cast %dot_general3A_80 : vector<256x256xf32> to vector<1x256x256xf32>
    tpu.vector_store %arg7[%swap3A_81, %swap3A_82, %swap3A_83], %swap3A_86 {strides = array<i32>} : memref<16x256x256xf32, #tpu.memory_space<vmem>>, vector<1x256x256xf32>,
    %slice3A_87 = vector.extract_strided_slice %convert_element_type3A {offsets = [1, 0, 0], sizes = [1, 256, 256], strides = [1, 1, 1]} : vector<2x256x256xbf16> to vector<1x256x256xbf16>
    %squeeze3A_88 = vector.shape_cast %slice3A_87 : vector<1x256x256xbf16> to vector<256x256xbf16>
    %slice3A_89 = vector.extract_strided_slice %get3A_6 {offsets = [3, 0, 0], sizes = [1, 256, 256], strides = [1, 1, 1]} : vector<8x256x256xbf16> to vector<1x256x256xbf16>
    %squeeze3A_90 = vector.shape_cast %slice3A_89 : vector<1x256x256xbf16> to vector<256x256xbf16>
    %dot_general3A_91 = arith.constant dense<0.000000e+00> : vector<256x256xf32>
    %dot_general3A_92 = tpu.matmul %squeeze3A_88, %squeeze3A_90, %dot_general3A_91 {dimension_numbers = #tpu.dot_dimension_numbers<[1], [0], [0], [1], [0, 0, 1, 1], [], []>, transpose_lhs_hint = false} : vector<256x256xbf16>, vector<256x256xbf16>, vector<256x256xf32> -> vector<256x256xf32>
    %swap3A_93 = arith.constant 7 : index
    %swap3A_94 = arith.constant 0 : index
    %swap3A_95 = arith.constant 0 : index
    %swap3A_96 = vector.load %arg7[%swap3A_93, %swap3A_94, %swap3A_95] : memref<16x256x256xf32, #tpu.memory_space<vmem>>, vector<1x256x256xf32>
    %swap3A_97 = vector.shape_cast %swap3A_96 : vector<1x256x256xf32> to vector<256x256xf32>
    %swap3A_98 = vector.shape_cast %dot_general3A_92 : vector<256x256xf32> to vector<1x256x256xf32>
    tpu.vector_store %arg7[%swap3A_93, %swap3A_94, %swap3A_95], %swap3A_98 {strides = array<i32>} : memref<16x256x256xf32, #tpu.memory_space<vmem>>, vector<1x256x256xf32>,
    %slice3A_99 = vector.extract_strided_slice %convert_element_type3A {offsets = [0, 0, 0], sizes = [1, 256, 256], strides = [1, 1, 1]} : vector<2x256x256xbf16> to vector<1x256x256xbf16>
    %squeeze3A_100 = vector.shape_cast %slice3A_99 : vector<1x256x256xbf16> to vector<256x256xbf16>
    %slice3A_101 = vector.extract_strided_slice %get3A_6 {offsets = [4, 0, 0], sizes = [1, 256, 256], strides = [1, 1, 1]} : vector<8x256x256xbf16> to vector<1x256x256xbf16>
    %squeeze3A_102 = vector.shape_cast %slice3A_101 : vector<1x256x256xbf16> to vector<256x256xbf16>
    %dot_general3A_103 = arith.constant dense<0.000000e+00> : vector<256x256xf32>
    %dot_general3A_104 = tpu.matmul %squeeze3A_100, %squeeze3A_102, %dot_general3A_103 {dimension_numbers = #tpu.dot_dimension_numbers<[1], [0], [0], [1], [0, 0, 1, 1], [], []>, transpose_lhs_hint = false} : vector<256x256xbf16>, vector<256x256xbf16>, vector<256x256xf32> -> vector<256x256xf32>
    %swap3A_105 = arith.constant 8 : index
    %swap3A_106 = arith.constant 0 : index
    %swap3A_107 = arith.constant 0 : index
    %swap3A_108 = vector.load %arg7[%swap3A_105, %swap3A_106, %swap3A_107] : memref<16x256x256xf32, #tpu.memory_space<vmem>>, vector<1x256x256xf32>
    %swap3A_109 = vector.shape_cast %swap3A_108 : vector<1x256x256xf32> to vector<256x256xf32>
    %swap3A_110 = vector.shape_cast %dot_general3A_104 : vector<256x256xf32> to vector<1x256x256xf32>
    tpu.vector_store %arg7[%swap3A_105, %swap3A_106, %swap3A_107], %swap3A_110 {strides = array<i32>} : memref<16x256x256xf32, #tpu.memory_space<vmem>>, vector<1x256x256xf32>,
    %slice3A_111 = vector.extract_strided_slice %convert_element_type3A {offsets = [1, 0, 0], sizes = [1, 256, 256], strides = [1, 1, 1]} : vector<2x256x256xbf16> to vector<1x256x256xbf16>
    %squeeze3A_112 = vector.shape_cast %slice3A_111 : vector<1x256x256xbf16> to vector<256x256xbf16>
    %slice3A_113 = vector.extract_strided_slice %get3A_6 {offsets = [4, 0, 0], sizes = [1, 256, 256], strides = [1, 1, 1]} : vector<8x256x256xbf16> to vector<1x256x256xbf16>
    %squeeze3A_114 = vector.shape_cast %slice3A_113 : vector<1x256x256xbf16> to vector<256x256xbf16>
    %dot_general3A_115 = arith.constant dense<0.000000e+00> : vector<256x256xf32>
    %dot_general3A_116 = tpu.matmul %squeeze3A_112, %squeeze3A_114, %dot_general3A_115 {dimension_numbers = #tpu.dot_dimension_numbers<[1], [0], [0], [1], [0, 0, 1, 1], [], []>, transpose_lhs_hint = false} : vector<256x256xbf16>, vector<256x256xbf16>, vector<256x256xf32> -> vector<256x256xf32>
    %swap3A_117 = arith.constant 9 : index
    %swap3A_118 = arith.constant 0 : index
    %swap3A_119 = arith.constant 0 : index
    %swap3A_120 = vector.load %arg7[%swap3A_117, %swap3A_118, %swap3A_119] : memref<16x256x256xf32, #tpu.memory_space<vmem>>, vector<1x256x256xf32>
    %swap3A_121 = vector.shape_cast %swap3A_120 : vector<1x256x256xf32> to vector<256x256xf32>
    %swap3A_122 = vector.shape_cast %dot_general3A_116 : vector<256x256xf32> to vector<1x256x256xf32>
    tpu.vector_store %arg7[%swap3A_117, %swap3A_118, %swap3A_119], %swap3A_122 {strides = array<i32>} : memref<16x256x256xf32, #tpu.memory_space<vmem>>, vector<1x256x256xf32>,
    %slice3A_123 = vector.extract_strided_slice %convert_element_type3A {offsets = [0, 0, 0], sizes = [1, 256, 256], strides = [1, 1, 1]} : vector<2x256x256xbf16> to vector<1x256x256xbf16>
    %squeeze3A_124 = vector.shape_cast %slice3A_123 : vector<1x256x256xbf16> to vector<256x256xbf16>
    %slice3A_125 = vector.extract_strided_slice %get3A_6 {offsets = [5, 0, 0], sizes = [1, 256, 256], strides = [1, 1, 1]} : vector<8x256x256xbf16> to vector<1x256x256xbf16>
    %squeeze3A_126 = vector.shape_cast %slice3A_125 : vector<1x256x256xbf16> to vector<256x256xbf16>
    %dot_general3A_127 = arith.constant dense<0.000000e+00> : vector<256x256xf32>
    %dot_general3A_128 = tpu.matmul %squeeze3A_124, %squeeze3A_126, %dot_general3A_127 {dimension_numbers = #tpu.dot_dimension_numbers<[1], [0], [0], [1], [0, 0, 1, 1], [], []>, transpose_lhs_hint = false} : vector<256x256xbf16>, vector<256x256xbf16>, vector<256x256xf32> -> vector<256x256xf32>
    %swap3A_129 = arith.constant 10 : index
    %swap3A_130 = arith.constant 0 : index
    %swap3A_131 = arith.constant 0 : index
    %swap3A_132 = vector.load %arg7[%swap3A_129, %swap3A_130, %swap3A_131] : memref<16x256x256xf32, #tpu.memory_space<vmem>>, vector<1x256x256xf32>
    %swap3A_133 = vector.shape_cast %swap3A_132 : vector<1x256x256xf32> to vector<256x256xf32>
    %swap3A_134 = vector.shape_cast %dot_general3A_128 : vector<256x256xf32> to vector<1x256x256xf32>
    tpu.vector_store %arg7[%swap3A_129, %swap3A_130, %swap3A_131], %swap3A_134 {strides = array<i32>} : memref<16x256x256xf32, #tpu.memory_space<vmem>>, vector<1x256x256xf32>,
    %slice3A_135 = vector.extract_strided_slice %convert_element_type3A {offsets = [1, 0, 0], sizes = [1, 256, 256], strides = [1, 1, 1]} : vector<2x256x256xbf16> to vector<1x256x256xbf16>
    %squeeze3A_136 = vector.shape_cast %slice3A_135 : vector<1x256x256xbf16> to vector<256x256xbf16>
    %slice3A_137 = vector.extract_strided_slice %get3A_6 {offsets = [5, 0, 0], sizes = [1, 256, 256], strides = [1, 1, 1]} : vector<8x256x256xbf16> to vector<1x256x256xbf16>
    %squeeze3A_138 = vector.shape_cast %slice3A_137 : vector<1x256x256xbf16> to vector<256x256xbf16>
    %dot_general3A_139 = arith.constant dense<0.000000e+00> : vector<256x256xf32>
    %dot_general3A_140 = tpu.matmul %squeeze3A_136, %squeeze3A_138, %dot_general3A_139 {dimension_numbers = #tpu.dot_dimension_numbers<[1], [0], [0], [1], [0, 0, 1, 1], [], []>, transpose_lhs_hint = false} : vector<256x256xbf16>, vector<256x256xbf16>, vector<256x256xf32> -> vector<256x256xf32>
    %swap3A_141 = arith.constant 11 : index
    %swap3A_142 = arith.constant 0 : index
    %swap3A_143 = arith.constant 0 : index
    %swap3A_144 = vector.load %arg7[%swap3A_141, %swap3A_142, %swap3A_143] : memref<16x256x256xf32, #tpu.memory_space<vmem>>, vector<1x256x256xf32>
    %swap3A_145 = vector.shape_cast %swap3A_144 : vector<1x256x256xf32> to vector<256x256xf32>
    %swap3A_146 = vector.shape_cast %dot_general3A_140 : vector<256x256xf32> to vector<1x256x256xf32>
    tpu.vector_store %arg7[%swap3A_141, %swap3A_142, %swap3A_143], %swap3A_146 {strides = array<i32>} : memref<16x256x256xf32, #tpu.memory_space<vmem>>, vector<1x256x256xf32>,
    %slice3A_147 = vector.extract_strided_slice %convert_element_type3A {offsets = [0, 0, 0], sizes = [1, 256, 256], strides = [1, 1, 1]} : vector<2x256x256xbf16> to vector<1x256x256xbf16>
    %squeeze3A_148 = vector.shape_cast %slice3A_147 : vector<1x256x256xbf16> to vector<256x256xbf16>
    %slice3A_149 = vector.extract_strided_slice %get3A_6 {offsets = [6, 0, 0], sizes = [1, 256, 256], strides = [1, 1, 1]} : vector<8x256x256xbf16> to vector<1x256x256xbf16>
    %squeeze3A_150 = vector.shape_cast %slice3A_149 : vector<1x256x256xbf16> to vector<256x256xbf16>
    %dot_general3A_151 = arith.constant dense<0.000000e+00> : vector<256x256xf32>
    %dot_general3A_152 = tpu.matmul %squeeze3A_148, %squeeze3A_150, %dot_general3A_151 {dimension_numbers = #tpu.dot_dimension_numbers<[1], [0], [0], [1], [0, 0, 1, 1], [], []>, transpose_lhs_hint = false} : vector<256x256xbf16>, vector<256x256xbf16>, vector<256x256xf32> -> vector<256x256xf32>
    %swap3A_153 = arith.constant 12 : index
    %swap3A_154 = arith.constant 0 : index
    %swap3A_155 = arith.constant 0 : index
    %swap3A_156 = vector.load %arg7[%swap3A_153, %swap3A_154, %swap3A_155] : memref<16x256x256xf32, #tpu.memory_space<vmem>>, vector<1x256x256xf32>
    %swap3A_157 = vector.shape_cast %swap3A_156 : vector<1x256x256xf32> to vector<256x256xf32>
    %swap3A_158 = vector.shape_cast %dot_general3A_152 : vector<256x256xf32> to vector<1x256x256xf32>
    tpu.vector_store %arg7[%swap3A_153, %swap3A_154, %swap3A_155], %swap3A_158 {strides = array<i32>} : memref<16x256x256xf32, #tpu.memory_space<vmem>>, vector<1x256x256xf32>,
    %slice3A_159 = vector.extract_strided_slice %convert_element_type3A {offsets = [1, 0, 0], sizes = [1, 256, 256], strides = [1, 1, 1]} : vector<2x256x256xbf16> to vector<1x256x256xbf16>
    %squeeze3A_160 = vector.shape_cast %slice3A_159 : vector<1x256x256xbf16> to vector<256x256xbf16>
    %slice3A_161 = vector.extract_strided_slice %get3A_6 {offsets = [6, 0, 0], sizes = [1, 256, 256], strides = [1, 1, 1]} : vector<8x256x256xbf16> to vector<1x256x256xbf16>
    %squeeze3A_162 = vector.shape_cast %slice3A_161 : vector<1x256x256xbf16> to vector<256x256xbf16>
    %dot_general3A_163 = arith.constant dense<0.000000e+00> : vector<256x256xf32>
    %dot_general3A_164 = tpu.matmul %squeeze3A_160, %squeeze3A_162, %dot_general3A_163 {dimension_numbers = #tpu.dot_dimension_numbers<[1], [0], [0], [1], [0, 0, 1, 1], [], []>, transpose_lhs_hint = false} : vector<256x256xbf16>, vector<256x256xbf16>, vector<256x256xf32> -> vector<256x256xf32>
    %swap3A_165 = arith.constant 13 : index
    %swap3A_166 = arith.constant 0 : index
    %swap3A_167 = arith.constant 0 : index
    %swap3A_168 = vector.load %arg7[%swap3A_165, %swap3A_166, %swap3A_167] : memref<16x256x256xf32, #tpu.memory_space<vmem>>, vector<1x256x256xf32>
    %swap3A_169 = vector.shape_cast %swap3A_168 : vector<1x256x256xf32> to vector<256x256xf32>
    %swap3A_170 = vector.shape_cast %dot_general3A_164 : vector<256x256xf32> to vector<1x256x256xf32>
    tpu.vector_store %arg7[%swap3A_165, %swap3A_166, %swap3A_167], %swap3A_170 {strides = array<i32>} : memref<16x256x256xf32, #tpu.memory_space<vmem>>, vector<1x256x256xf32>,
    %slice3A_171 = vector.extract_strided_slice %convert_element_type3A {offsets = [0, 0, 0], sizes = [1, 256, 256], strides = [1, 1, 1]} : vector<2x256x256xbf16> to vector<1x256x256xbf16>
    %squeeze3A_172 = vector.shape_cast %slice3A_171 : vector<1x256x256xbf16> to vector<256x256xbf16>
    %slice3A_173 = vector.extract_strided_slice %get3A_6 {offsets = [7, 0, 0], sizes = [1, 256, 256], strides = [1, 1, 1]} : vector<8x256x256xbf16> to vector<1x256x256xbf16>
    %squeeze3A_174 = vector.shape_cast %slice3A_173 : vector<1x256x256xbf16> to vector<256x256xbf16>
    %dot_general3A_175 = arith.constant dense<0.000000e+00> : vector<256x256xf32>
    %dot_general3A_176 = tpu.matmul %squeeze3A_172, %squeeze3A_174, %dot_general3A_175 {dimension_numbers = #tpu.dot_dimension_numbers<[1], [0], [0], [1], [0, 0, 1, 1], [], []>, transpose_lhs_hint = false} : vector<256x256xbf16>, vector<256x256xbf16>, vector<256x256xf32> -> vector<256x256xf32>
    %swap3A_177 = arith.constant 14 : index
    %swap3A_178 = arith.constant 0 : index
    %swap3A_179 = arith.constant 0 : index
    %swap3A_180 = vector.load %arg7[%swap3A_177, %swap3A_178, %swap3A_179] : memref<16x256x256xf32, #tpu.memory_space<vmem>>, vector<1x256x256xf32>
    %swap3A_181 = vector.shape_cast %swap3A_180 : vector<1x256x256xf32> to vector<256x256xf32>
    %swap3A_182 = vector.shape_cast %dot_general3A_176 : vector<256x256xf32> to vector<1x256x256xf32>
    tpu.vector_store %arg7[%swap3A_177, %swap3A_178, %swap3A_179], %swap3A_182 {strides = array<i32>} : memref<16x256x256xf32, #tpu.memory_space<vmem>>, vector<1x256x256xf32>,
    %slice3A_183 = vector.extract_strided_slice %convert_element_type3A {offsets = [1, 0, 0], sizes = [1, 256, 256], strides = [1, 1, 1]} : vector<2x256x256xbf16> to vector<1x256x256xbf16>
    %squeeze3A_184 = vector.shape_cast %slice3A_183 : vector<1x256x256xbf16> to vector<256x256xbf16>
    %slice3A_185 = vector.extract_strided_slice %get3A_6 {offsets = [7, 0, 0], sizes = [1, 256, 256], strides = [1, 1, 1]} : vector<8x256x256xbf16> to vector<1x256x256xbf16>
    %squeeze3A_186 = vector.shape_cast %slice3A_185 : vector<1x256x256xbf16> to vector<256x256xbf16>
    %dot_general3A_187 = arith.constant dense<0.000000e+00> : vector<256x256xf32>
    %dot_general3A_188 = tpu.matmul %squeeze3A_184, %squeeze3A_186, %dot_general3A_187 {dimension_numbers = #tpu.dot_dimension_numbers<[1], [0], [0], [1], [0, 0, 1, 1], [], []>, transpose_lhs_hint = false} : vector<256x256xbf16>, vector<256x256xbf16>, vector<256x256xf32> -> vector<256x256xf32>
    %swap3A_189 = arith.constant 15 : index
    %swap3A_190 = arith.constant 0 : index
    %swap3A_191 = arith.constant 0 : index
    %swap3A_192 = vector.load %arg7[%swap3A_189, %swap3A_190, %swap3A_191] : memref<16x256x256xf32, #tpu.memory_space<vmem>>, vector<1x256x256xf32>
    %swap3A_193 = vector.shape_cast %swap3A_192 : vector<1x256x256xf32> to vector<256x256xf32>
    %swap3A_194 = vector.shape_cast %dot_general3A_188 : vector<256x256xf32> to vector<1x256x256xf32>
    tpu.vector_store %arg7[%swap3A_189, %swap3A_190, %swap3A_191], %swap3A_194 {strides = array<i32>} : memref<16x256x256xf32, #tpu.memory_space<vmem>>, vector<1x256x256xf32>,
    %get3A_195 = arith.constant 0 : index
    %get3A_196 = arith.constant 0 : index
    %get3A_197 = vector.load %arg1[%get3A_195, %get3A_196] : memref<256x4096xf32, #tpu.memory_space<vmem>>, vector<256x4096xf32>
    %slice3A_198 = vector.extract_strided_slice %get3A_197 {offsets = [0, 0], sizes = [256, 128], strides = [1, 1]} : vector<256x4096xf32> to vector<256x128xf32>
    %swap3A_199 = arith.constant 0 : index
    %swap3A_200 = arith.constant 0 : index
    %swap3A_201 = arith.constant 0 : index
    %swap3A_202 = vector.load %arg4[%swap3A_199, %swap3A_200, %swap3A_201] : memref<32x256x128xf32, #tpu.memory_space<vmem>>, vector<1x256x128xf32>
    %swap3A_203 = vector.shape_cast %swap3A_202 : vector<1x256x128xf32> to vector<256x128xf32>
    %swap3A_204 = vector.shape_cast %slice3A_198 : vector<256x128xf32> to vector<1x256x128xf32>
    tpu.vector_store %arg4[%swap3A_199, %swap3A_200, %swap3A_201], %swap3A_204 {strides = array<i32>} : memref<32x256x128xf32, #tpu.memory_space<vmem>>, vector<1x256x128xf32>,
    %reduce_max3A = arith.constant dense<0xFF800000> : vector<256xf32>
    %reduce_max3A_205 = vector.multi_reduction <maximumf>, %slice3A_198, %reduce_max3A [1] : vector<256x128xf32> to vector<256xf32>
    %slice3A_206 = vector.extract_strided_slice %get3A_197 {offsets = [0, 128], sizes = [256, 128], strides = [1, 1]} : vector<256x4096xf32> to vector<256x128xf32>
    %swap3A_207 = arith.constant 1 : index
    %swap3A_208 = arith.constant 0 : index
    %swap3A_209 = arith.constant 0 : index
    %swap3A_210 = vector.load %arg4[%swap3A_207, %swap3A_208, %swap3A_209] : memref<32x256x128xf32, #tpu.memory_space<vmem>>, vector<1x256x128xf32>
    %swap3A_211 = vector.shape_cast %swap3A_210 : vector<1x256x128xf32> to vector<256x128xf32>
    %swap3A_212 = vector.shape_cast %slice3A_206 : vector<256x128xf32> to vector<1x256x128xf32>
    tpu.vector_store %arg4[%swap3A_207, %swap3A_208, %swap3A_209], %swap3A_212 {strides = array<i32>} : memref<32x256x128xf32, #tpu.memory_space<vmem>>, vector<1x256x128xf32>,
    %reduce_max3A_213 = arith.constant dense<0xFF800000> : vector<256xf32>
    %reduce_max3A_214 = vector.multi_reduction <maximumf>, %slice3A_206, %reduce_max3A_213 [1] : vector<256x128xf32> to vector<256xf32>
    %slice3A_215 = vector.extract_strided_slice %get3A_197 {offsets = [0, 256], sizes = [256, 128], strides = [1, 1]} : vector<256x4096xf32> to vector<256x128xf32>
    %swap3A_216 = arith.constant 2 : index
    %swap3A_217 = arith.constant 0 : index
    %swap3A_218 = arith.constant 0 : index
    %swap3A_219 = vector.load %arg4[%swap3A_216, %swap3A_217, %swap3A_218] : memref<32x256x128xf32, #tpu.memory_space<vmem>>, vector<1x256x128xf32>
    %swap3A_220 = vector.shape_cast %swap3A_219 : vector<1x256x128xf32> to vector<256x128xf32>
    %swap3A_221 = vector.shape_cast %slice3A_215 : vector<256x128xf32> to vector<1x256x128xf32>
    tpu.vector_store %arg4[%swap3A_216, %swap3A_217, %swap3A_218], %swap3A_221 {strides = array<i32>} : memref<32x256x128xf32, #tpu.memory_space<vmem>>, vector<1x256x128xf32>,
    %reduce_max3A_222 = arith.constant dense<0xFF800000> : vector<256xf32>
    %reduce_max3A_223 = vector.multi_reduction <maximumf>, %slice3A_215, %reduce_max3A_222 [1] : vector<256x128xf32> to vector<256xf32>
    %slice3A_224 = vector.extract_strided_slice %get3A_197 {offsets = [0, 384], sizes = [256, 128], strides = [1, 1]} : vector<256x4096xf32> to vector<256x128xf32>
    %swap3A_225 = arith.constant 3 : index
    %swap3A_226 = arith.constant 0 : index
    %swap3A_227 = arith.constant 0 : index
    %swap3A_228 = vector.load %arg4[%swap3A_225, %swap3A_226, %swap3A_227] : memref<32x256x128xf32, #tpu.memory_space<vmem>>, vector<1x256x128xf32>
    %swap3A_229 = vector.shape_cast %swap3A_228 : vector<1x256x128xf32> to vector<256x128xf32>
    %swap3A_230 = vector.shape_cast %slice3A_224 : vector<256x128xf32> to vector<1x256x128xf32>
    tpu.vector_store %arg4[%swap3A_225, %swap3A_226, %swap3A_227], %swap3A_230 {strides = array<i32>} : memref<32x256x128xf32, #tpu.memory_space<vmem>>, vector<1x256x128xf32>,
    %reduce_max3A_231 = arith.constant dense<0xFF800000> : vector<256xf32>
    %reduce_max3A_232 = vector.multi_reduction <maximumf>, %slice3A_224, %reduce_max3A_231 [1] : vector<256x128xf32> to vector<256xf32>
    %slice3A_233 = vector.extract_strided_slice %get3A_197 {offsets = [0, 512], sizes = [256, 128], strides = [1, 1]} : vector<256x4096xf32> to vector<256x128xf32>
    %swap3A_234 = arith.constant 4 : index
    %swap3A_235 = arith.constant 0 : index
    %swap3A_236 = arith.constant 0 : index
    %swap3A_237 = vector.load %arg4[%swap3A_234, %swap3A_235, %swap3A_236] : memref<32x256x128xf32, #tpu.memory_space<vmem>>, vector<1x256x128xf32>
    %swap3A_238 = vector.shape_cast %swap3A_237 : vector<1x256x128xf32> to vector<256x128xf32>
    %swap3A_239 = vector.shape_cast %slice3A_233 : vector<256x128xf32> to vector<1x256x128xf32>
    tpu.vector_store %arg4[%swap3A_234, %swap3A_235, %swap3A_236], %swap3A_239 {strides = array<i32>} : memref<32x256x128xf32, #tpu.memory_space<vmem>>, vector<1x256x128xf32>,
    %reduce_max3A_240 = arith.constant dense<0xFF800000> : vector<256xf32>
    %reduce_max3A_241 = vector.multi_reduction <maximumf>, %slice3A_233, %reduce_max3A_240 [1] : vector<256x128xf32> to vector<256xf32>
    %slice3A_242 = vector.extract_strided_slice %get3A_197 {offsets = [0, 640], sizes = [256, 128], strides = [1, 1]} : vector<256x4096xf32> to vector<256x128xf32>
    %swap3A_243 = arith.constant 5 : index
    %swap3A_244 = arith.constant 0 : index
    %swap3A_245 = arith.constant 0 : index
    %swap3A_246 = vector.load %arg4[%swap3A_243, %swap3A_244, %swap3A_245] : memref<32x256x128xf32, #tpu.memory_space<vmem>>, vector<1x256x128xf32>
    %swap3A_247 = vector.shape_cast %swap3A_246 : vector<1x256x128xf32> to vector<256x128xf32>
    %swap3A_248 = vector.shape_cast %slice3A_242 : vector<256x128xf32> to vector<1x256x128xf32>
    tpu.vector_store %arg4[%swap3A_243, %swap3A_244, %swap3A_245], %swap3A_248 {strides = array<i32>} : memref<32x256x128xf32, #tpu.memory_space<vmem>>, vector<1x256x128xf32>,
    %reduce_max3A_249 = arith.constant dense<0xFF800000> : vector<256xf32>
    %reduce_max3A_250 = vector.multi_reduction <maximumf>, %slice3A_242, %reduce_max3A_249 [1] : vector<256x128xf32> to vector<256xf32>
    %slice3A_251 = vector.extract_strided_slice %get3A_197 {offsets = [0, 768], sizes = [256, 128], strides = [1, 1]} : vector<256x4096xf32> to vector<256x128xf32>
    %swap3A_252 = arith.constant 6 : index
    %swap3A_253 = arith.constant 0 : index
    %swap3A_254 = arith.constant 0 : index
    %swap3A_255 = vector.load %arg4[%swap3A_252, %swap3A_253, %swap3A_254] : memref<32x256x128xf32, #tpu.memory_space<vmem>>, vector<1x256x128xf32>
    %swap3A_256 = vector.shape_cast %swap3A_255 : vector<1x256x128xf32> to vector<256x128xf32>
    %swap3A_257 = vector.shape_cast %slice3A_251 : vector<256x128xf32> to vector<1x256x128xf32>
    tpu.vector_store %arg4[%swap3A_252, %swap3A_253, %swap3A_254], %swap3A_257 {strides = array<i32>} : memref<32x256x128xf32, #tpu.memory_space<vmem>>, vector<1x256x128xf32>,
    %reduce_max3A_258 = arith.constant dense<0xFF800000> : vector<256xf32>
    %reduce_max3A_259 = vector.multi_reduction <maximumf>, %slice3A_251, %reduce_max3A_258 [1] : vector<256x128xf32> to vector<256xf32>
    %slice3A_260 = vector.extract_strided_slice %get3A_197 {offsets = [0, 896], sizes = [256, 128], strides = [1, 1]} : vector<256x4096xf32> to vector<256x128xf32>
    %swap3A_261 = arith.constant 7 : index
    %swap3A_262 = arith.constant 0 : index
    %swap3A_263 = arith.constant 0 : index
    %swap3A_264 = vector.load %arg4[%swap3A_261, %swap3A_262, %swap3A_263] : memref<32x256x128xf32, #tpu.memory_space<vmem>>, vector<1x256x128xf32>
    %swap3A_265 = vector.shape_cast %swap3A_264 : vector<1x256x128xf32> to vector<256x128xf32>
    %swap3A_266 = vector.shape_cast %slice3A_260 : vector<256x128xf32> to vector<1x256x128xf32>
    tpu.vector_store %arg4[%swap3A_261, %swap3A_262, %swap3A_263], %swap3A_266 {strides = array<i32>} : memref<32x256x128xf32, #tpu.memory_space<vmem>>, vector<1x256x128xf32>,
    %reduce_max3A_267 = arith.constant dense<0xFF800000> : vector<256xf32>
    %reduce_max3A_268 = vector.multi_reduction <maximumf>, %slice3A_260, %reduce_max3A_267 [1] : vector<256x128xf32> to vector<256xf32>
    %slice3A_269 = vector.extract_strided_slice %get3A_197 {offsets = [0, 1024], sizes = [256, 128], strides = [1, 1]} : vector<256x4096xf32> to vector<256x128xf32>
    %swap3A_270 = arith.constant 8 : index
    %swap3A_271 = arith.constant 0 : index
    %swap3A_272 = arith.constant 0 : index
    %swap3A_273 = vector.load %arg4[%swap3A_270, %swap3A_271, %swap3A_272] : memref<32x256x128xf32, #tpu.memory_space<vmem>>, vector<1x256x128xf32>
    %swap3A_274 = vector.shape_cast %swap3A_273 : vector<1x256x128xf32> to vector<256x128xf32>
    %swap3A_275 = vector.shape_cast %slice3A_269 : vector<256x128xf32> to vector<1x256x128xf32>
    tpu.vector_store %arg4[%swap3A_270, %swap3A_271, %swap3A_272], %swap3A_275 {strides = array<i32>} : memref<32x256x128xf32, #tpu.memory_space<vmem>>, vector<1x256x128xf32>,
    %reduce_max3A_276 = arith.constant dense<0xFF800000> : vector<256xf32>
    %reduce_max3A_277 = vector.multi_reduction <maximumf>, %slice3A_269, %reduce_max3A_276 [1] : vector<256x128xf32> to vector<256xf32>
    %slice3A_278 = vector.extract_strided_slice %get3A_197 {offsets = [0, 1152], sizes = [256, 128], strides = [1, 1]} : vector<256x4096xf32> to vector<256x128xf32>
    %swap3A_279 = arith.constant 9 : index
    %swap3A_280 = arith.constant 0 : index
    %swap3A_281 = arith.constant 0 : index
    %swap3A_282 = vector.load %arg4[%swap3A_279, %swap3A_280, %swap3A_281] : memref<32x256x128xf32, #tpu.memory_space<vmem>>, vector<1x256x128xf32>
    %swap3A_283 = vector.shape_cast %swap3A_282 : vector<1x256x128xf32> to vector<256x128xf32>
    %swap3A_284 = vector.shape_cast %slice3A_278 : vector<256x128xf32> to vector<1x256x128xf32>
    tpu.vector_store %arg4[%swap3A_279, %swap3A_280, %swap3A_281], %swap3A_284 {strides = array<i32>} : memref<32x256x128xf32, #tpu.memory_space<vmem>>, vector<1x256x128xf32>,
    %reduce_max3A_285 = arith.constant dense<0xFF800000> : vector<256xf32>
    %reduce_max3A_286 = vector.multi_reduction <maximumf>, %slice3A_278, %reduce_max3A_285 [1] : vector<256x128xf32> to vector<256xf32>
    %slice3A_287 = vector.extract_strided_slice %get3A_197 {offsets = [0, 1280], sizes = [256, 128], strides = [1, 1]} : vector<256x4096xf32> to vector<256x128xf32>
    %swap3A_288 = arith.constant 10 : index
    %swap3A_289 = arith.constant 0 : index
    %swap3A_290 = arith.constant 0 : index
    %swap3A_291 = vector.load %arg4[%swap3A_288, %swap3A_289, %swap3A_290] : memref<32x256x128xf32, #tpu.memory_space<vmem>>, vector<1x256x128xf32>
    %swap3A_292 = vector.shape_cast %swap3A_291 : vector<1x256x128xf32> to vector<256x128xf32>
    %swap3A_293 = vector.shape_cast %slice3A_287 : vector<256x128xf32> to vector<1x256x128xf32>
    tpu.vector_store %arg4[%swap3A_288, %swap3A_289, %swap3A_290], %swap3A_293 {strides = array<i32>} : memref<32x256x128xf32, #tpu.memory_space<vmem>>, vector<1x256x128xf32>,
    %reduce_max3A_294 = arith.constant dense<0xFF800000> : vector<256xf32>
    %reduce_max3A_295 = vector.multi_reduction <maximumf>, %slice3A_287, %reduce_max3A_294 [1] : vector<256x128xf32> to vector<256xf32>
    %slice3A_296 = vector.extract_strided_slice %get3A_197 {offsets = [0, 1408], sizes = [256, 128], strides = [1, 1]} : vector<256x4096xf32> to vector<256x128xf32>
    %swap3A_297 = arith.constant 11 : index
    %swap3A_298 = arith.constant 0 : index
    %swap3A_299 = arith.constant 0 : index
    %swap3A_300 = vector.load %arg4[%swap3A_297, %swap3A_298, %swap3A_299] : memref<32x256x128xf32, #tpu.memory_space<vmem>>, vector<1x256x128xf32>
    %swap3A_301 = vector.shape_cast %swap3A_300 : vector<1x256x128xf32> to vector<256x128xf32>
    %swap3A_302 = vector.shape_cast %slice3A_296 : vector<256x128xf32> to vector<1x256x128xf32>
    tpu.vector_store %arg4[%swap3A_297, %swap3A_298, %swap3A_299], %swap3A_302 {strides = array<i32>} : memref<32x256x128xf32, #tpu.memory_space<vmem>>, vector<1x256x128xf32>,
    %reduce_max3A_303 = arith.constant dense<0xFF800000> : vector<256xf32>
    %reduce_max3A_304 = vector.multi_reduction <maximumf>, %slice3A_296, %reduce_max3A_303 [1] : vector<256x128xf32> to vector<256xf32>
    %slice3A_305 = vector.extract_strided_slice %get3A_197 {offsets = [0, 1536], sizes = [256, 128], strides = [1, 1]} : vector<256x4096xf32> to vector<256x128xf32>
    %swap3A_306 = arith.constant 12 : index
    %swap3A_307 = arith.constant 0 : index
    %swap3A_308 = arith.constant 0 : index
    %swap3A_309 = vector.load %arg4[%swap3A_306, %swap3A_307, %swap3A_308] : memref<32x256x128xf32, #tpu.memory_space<vmem>>, vector<1x256x128xf32>
    %swap3A_310 = vector.shape_cast %swap3A_309 : vector<1x256x128xf32> to vector<256x128xf32>
    %swap3A_311 = vector.shape_cast %slice3A_305 : vector<256x128xf32> to vector<1x256x128xf32>
    tpu.vector_store %arg4[%swap3A_306, %swap3A_307, %swap3A_308], %swap3A_311 {strides = array<i32>} : memref<32x256x128xf32, #tpu.memory_space<vmem>>, vector<1x256x128xf32>,
    %reduce_max3A_312 = arith.constant dense<0xFF800000> : vector<256xf32>
    %reduce_max3A_313 = vector.multi_reduction <maximumf>, %slice3A_305, %reduce_max3A_312 [1] : vector<256x128xf32> to vector<256xf32>
    %slice3A_314 = vector.extract_strided_slice %get3A_197 {offsets = [0, 1664], sizes = [256, 128], strides = [1, 1]} : vector<256x4096xf32> to vector<256x128xf32>
    %swap3A_315 = arith.constant 13 : index
    %swap3A_316 = arith.constant 0 : index
    %swap3A_317 = arith.constant 0 : index
    %swap3A_318 = vector.load %arg4[%swap3A_315, %swap3A_316, %swap3A_317] : memref<32x256x128xf32, #tpu.memory_space<vmem>>, vector<1x256x128xf32>
    %swap3A_319 = vector.shape_cast %swap3A_318 : vector<1x256x128xf32> to vector<256x128xf32>
    %swap3A_320 = vector.shape_cast %slice3A_314 : vector<256x128xf32> to vector<1x256x128xf32>
    tpu.vector_store %arg4[%swap3A_315, %swap3A_316, %swap3A_317], %swap3A_320 {strides = array<i32>} : memref<32x256x128xf32, #tpu.memory_space<vmem>>, vector<1x256x128xf32>,
    %reduce_max3A_321 = arith.constant dense<0xFF800000> : vector<256xf32>
    %reduce_max3A_322 = vector.multi_reduction <maximumf>, %slice3A_314, %reduce_max3A_321 [1] : vector<256x128xf32> to vector<256xf32>
    %slice3A_323 = vector.extract_strided_slice %get3A_197 {offsets = [0, 1792], sizes = [256, 128], strides = [1, 1]} : vector<256x4096xf32> to vector<256x128xf32>
    %swap3A_324 = arith.constant 14 : index
    %swap3A_325 = arith.constant 0 : index
    %swap3A_326 = arith.constant 0 : index
    %swap3A_327 = vector.load %arg4[%swap3A_324, %swap3A_325, %swap3A_326] : memref<32x256x128xf32, #tpu.memory_space<vmem>>, vector<1x256x128xf32>
    %swap3A_328 = vector.shape_cast %swap3A_327 : vector<1x256x128xf32> to vector<256x128xf32>
    %swap3A_329 = vector.shape_cast %slice3A_323 : vector<256x128xf32> to vector<1x256x128xf32>
    tpu.vector_store %arg4[%swap3A_324, %swap3A_325, %swap3A_326], %swap3A_329 {strides = array<i32>} : memref<32x256x128xf32, #tpu.memory_space<vmem>>, vector<1x256x128xf32>,
    %reduce_max3A_330 = arith.constant dense<0xFF800000> : vector<256xf32>
    %reduce_max3A_331 = vector.multi_reduction <maximumf>, %slice3A_323, %reduce_max3A_330 [1] : vector<256x128xf32> to vector<256xf32>
    %slice3A_332 = vector.extract_strided_slice %get3A_197 {offsets = [0, 1920], sizes = [256, 128], strides = [1, 1]} : vector<256x4096xf32> to vector<256x128xf32>
    %swap3A_333 = arith.constant 15 : index
    %swap3A_334 = arith.constant 0 : index
    %swap3A_335 = arith.constant 0 : index
    %swap3A_336 = vector.load %arg4[%swap3A_333, %swap3A_334, %swap3A_335] : memref<32x256x128xf32, #tpu.memory_space<vmem>>, vector<1x256x128xf32>
    %swap3A_337 = vector.shape_cast %swap3A_336 : vector<1x256x128xf32> to vector<256x128xf32>
    %swap3A_338 = vector.shape_cast %slice3A_332 : vector<256x128xf32> to vector<1x256x128xf32>
    tpu.vector_store %arg4[%swap3A_333, %swap3A_334, %swap3A_335], %swap3A_338 {strides = array<i32>} : memref<32x256x128xf32, #tpu.memory_space<vmem>>, vector<1x256x128xf32>,
    %reduce_max3A_339 = arith.constant dense<0xFF800000> : vector<256xf32>
    %reduce_max3A_340 = vector.multi_reduction <maximumf>, %slice3A_332, %reduce_max3A_339 [1] : vector<256x128xf32> to vector<256xf32>
    %slice3A_341 = vector.extract_strided_slice %get3A_197 {offsets = [0, 2048], sizes = [256, 128], strides = [1, 1]} : vector<256x4096xf32> to vector<256x128xf32>
    %swap3A_342 = arith.constant 16 : index
    %swap3A_343 = arith.constant 0 : index
    %swap3A_344 = arith.constant 0 : index
    %swap3A_345 = vector.load %arg4[%swap3A_342, %swap3A_343, %swap3A_344] : memref<32x256x128xf32, #tpu.memory_space<vmem>>, vector<1x256x128xf32>
    %swap3A_346 = vector.shape_cast %swap3A_345 : vector<1x256x128xf32> to vector<256x128xf32>
    %swap3A_347 = vector.shape_cast %slice3A_341 : vector<256x128xf32> to vector<1x256x128xf32>
    tpu.vector_store %arg4[%swap3A_342, %swap3A_343, %swap3A_344], %swap3A_347 {strides = array<i32>} : memref<32x256x128xf32, #tpu.memory_space<vmem>>, vector<1x256x128xf32>,
    %reduce_max3A_348 = arith.constant dense<0xFF800000> : vector<256xf32>
    %reduce_max3A_349 = vector.multi_reduction <maximumf>, %slice3A_341, %reduce_max3A_348 [1] : vector<256x128xf32> to vector<256xf32>
    %slice3A_350 = vector.extract_strided_slice %get3A_197 {offsets = [0, 2176], sizes = [256, 128], strides = [1, 1]} : vector<256x4096xf32> to vector<256x128xf32>
    %swap3A_351 = arith.constant 17 : index
    %swap3A_352 = arith.constant 0 : index
    %swap3A_353 = arith.constant 0 : index
    %swap3A_354 = vector.load %arg4[%swap3A_351, %swap3A_352, %swap3A_353] : memref<32x256x128xf32, #tpu.memory_space<vmem>>, vector<1x256x128xf32>
    %swap3A_355 = vector.shape_cast %swap3A_354 : vector<1x256x128xf32> to vector<256x128xf32>
    %swap3A_356 = vector.shape_cast %slice3A_350 : vector<256x128xf32> to vector<1x256x128xf32>
    tpu.vector_store %arg4[%swap3A_351, %swap3A_352, %swap3A_353], %swap3A_356 {strides = array<i32>} : memref<32x256x128xf32, #tpu.memory_space<vmem>>, vector<1x256x128xf32>,
    %reduce_max3A_357 = arith.constant dense<0xFF800000> : vector<256xf32>
    %reduce_max3A_358 = vector.multi_reduction <maximumf>, %slice3A_350, %reduce_max3A_357 [1] : vector<256x128xf32> to vector<256xf32>
    %slice3A_359 = vector.extract_strided_slice %get3A_197 {offsets = [0, 2304], sizes = [256, 128], strides = [1, 1]} : vector<256x4096xf32> to vector<256x128xf32>
    %swap3A_360 = arith.constant 18 : index
    %swap3A_361 = arith.constant 0 : index
    %swap3A_362 = arith.constant 0 : index
    %swap3A_363 = vector.load %arg4[%swap3A_360, %swap3A_361, %swap3A_362] : memref<32x256x128xf32, #tpu.memory_space<vmem>>, vector<1x256x128xf32>
    %swap3A_364 = vector.shape_cast %swap3A_363 : vector<1x256x128xf32> to vector<256x128xf32>
    %swap3A_365 = vector.shape_cast %slice3A_359 : vector<256x128xf32> to vector<1x256x128xf32>
    tpu.vector_store %arg4[%swap3A_360, %swap3A_361, %swap3A_362], %swap3A_365 {strides = array<i32>} : memref<32x256x128xf32, #tpu.memory_space<vmem>>, vector<1x256x128xf32>,
    %reduce_max3A_366 = arith.constant dense<0xFF800000> : vector<256xf32>
    %reduce_max3A_367 = vector.multi_reduction <maximumf>, %slice3A_359, %reduce_max3A_366 [1] : vector<256x128xf32> to vector<256xf32>
    %slice3A_368 = vector.extract_strided_slice %get3A_197 {offsets = [0, 2432], sizes = [256, 128], strides = [1, 1]} : vector<256x4096xf32> to vector<256x128xf32>
    %swap3A_369 = arith.constant 19 : index
    %swap3A_370 = arith.constant 0 : index
    %swap3A_371 = arith.constant 0 : index
    %swap3A_372 = vector.load %arg4[%swap3A_369, %swap3A_370, %swap3A_371] : memref<32x256x128xf32, #tpu.memory_space<vmem>>, vector<1x256x128xf32>
    %swap3A_373 = vector.shape_cast %swap3A_372 : vector<1x256x128xf32> to vector<256x128xf32>
    %swap3A_374 = vector.shape_cast %slice3A_368 : vector<256x128xf32> to vector<1x256x128xf32>
    tpu.vector_store %arg4[%swap3A_369, %swap3A_370, %swap3A_371], %swap3A_374 {strides = array<i32>} : memref<32x256x128xf32, #tpu.memory_space<vmem>>, vector<1x256x128xf32>,
    %reduce_max3A_375 = arith.constant dense<0xFF800000> : vector<256xf32>
    %reduce_max3A_376 = vector.multi_reduction <maximumf>, %slice3A_368, %reduce_max3A_375 [1] : vector<256x128xf32> to vector<256xf32>
    %slice3A_377 = vector.extract_strided_slice %get3A_197 {offsets = [0, 2560], sizes = [256, 128], strides = [1, 1]} : vector<256x4096xf32> to vector<256x128xf32>
    %swap3A_378 = arith.constant 20 : index
    %swap3A_379 = arith.constant 0 : index
    %swap3A_380 = arith.constant 0 : index
    %swap3A_381 = vector.load %arg4[%swap3A_378, %swap3A_379, %swap3A_380] : memref<32x256x128xf32, #tpu.memory_space<vmem>>, vector<1x256x128xf32>
    %swap3A_382 = vector.shape_cast %swap3A_381 : vector<1x256x128xf32> to vector<256x128xf32>
    %swap3A_383 = vector.shape_cast %slice3A_377 : vector<256x128xf32> to vector<1x256x128xf32>
    tpu.vector_store %arg4[%swap3A_378, %swap3A_379, %swap3A_380], %swap3A_383 {strides = array<i32>} : memref<32x256x128xf32, #tpu.memory_space<vmem>>, vector<1x256x128xf32>,
    %reduce_max3A_384 = arith.constant dense<0xFF800000> : vector<256xf32>
    %reduce_max3A_385 = vector.multi_reduction <maximumf>, %slice3A_377, %reduce_max3A_384 [1] : vector<256x128xf32> to vector<256xf32>
    %slice3A_386 = vector.extract_strided_slice %get3A_197 {offsets = [0, 2688], sizes = [256, 128], strides = [1, 1]} : vector<256x4096xf32> to vector<256x128xf32>
    %swap3A_387 = arith.constant 21 : index
    %swap3A_388 = arith.constant 0 : index
    %swap3A_389 = arith.constant 0 : index
    %swap3A_390 = vector.load %arg4[%swap3A_387, %swap3A_388, %swap3A_389] : memref<32x256x128xf32, #tpu.memory_space<vmem>>, vector<1x256x128xf32>
    %swap3A_391 = vector.shape_cast %swap3A_390 : vector<1x256x128xf32> to vector<256x128xf32>
    %swap3A_392 = vector.shape_cast %slice3A_386 : vector<256x128xf32> to vector<1x256x128xf32>
    tpu.vector_store %arg4[%swap3A_387, %swap3A_388, %swap3A_389], %swap3A_392 {strides = array<i32>} : memref<32x256x128xf32, #tpu.memory_space<vmem>>, vector<1x256x128xf32>,
    %reduce_max3A_393 = arith.constant dense<0xFF800000> : vector<256xf32>
    %reduce_max3A_394 = vector.multi_reduction <maximumf>, %slice3A_386, %reduce_max3A_393 [1] : vector<256x128xf32> to vector<256xf32>
    %slice3A_395 = vector.extract_strided_slice %get3A_197 {offsets = [0, 2816], sizes = [256, 128], strides = [1, 1]} : vector<256x4096xf32> to vector<256x128xf32>
    %swap3A_396 = arith.constant 22 : index
    %swap3A_397 = arith.constant 0 : index
    %swap3A_398 = arith.constant 0 : index
    %swap3A_399 = vector.load %arg4[%swap3A_396, %swap3A_397, %swap3A_398] : memref<32x256x128xf32, #tpu.memory_space<vmem>>, vector<1x256x128xf32>
    %swap3A_400 = vector.shape_cast %swap3A_399 : vector<1x256x128xf32> to vector<256x128xf32>
    %swap3A_401 = vector.shape_cast %slice3A_395 : vector<256x128xf32> to vector<1x256x128xf32>
    tpu.vector_store %arg4[%swap3A_396, %swap3A_397, %swap3A_398], %swap3A_401 {strides = array<i32>} : memref<32x256x128xf32, #tpu.memory_space<vmem>>, vector<1x256x128xf32>,
    %reduce_max3A_402 = arith.constant dense<0xFF800000> : vector<256xf32>
    %reduce_max3A_403 = vector.multi_reduction <maximumf>, %slice3A_395, %reduce_max3A_402 [1] : vector<256x128xf32> to vector<256xf32>
    %slice3A_404 = vector.extract_strided_slice %get3A_197 {offsets = [0, 2944], sizes = [256, 128], strides = [1, 1]} : vector<256x4096xf32> to vector<256x128xf32>
    %swap3A_405 = arith.constant 23 : index
    %swap3A_406 = arith.constant 0 : index
    %swap3A_407 = arith.constant 0 : index
    %swap3A_408 = vector.load %arg4[%swap3A_405, %swap3A_406, %swap3A_407] : memref<32x256x128xf32, #tpu.memory_space<vmem>>, vector<1x256x128xf32>
    %swap3A_409 = vector.shape_cast %swap3A_408 : vector<1x256x128xf32> to vector<256x128xf32>
    %swap3A_410 = vector.shape_cast %slice3A_404 : vector<256x128xf32> to vector<1x256x128xf32>
    tpu.vector_store %arg4[%swap3A_405, %swap3A_406, %swap3A_407], %swap3A_410 {strides = array<i32>} : memref<32x256x128xf32, #tpu.memory_space<vmem>>, vector<1x256x128xf32>,
    %reduce_max3A_411 = arith.constant dense<0xFF800000> : vector<256xf32>
    %reduce_max3A_412 = vector.multi_reduction <maximumf>, %slice3A_404, %reduce_max3A_411 [1] : vector<256x128xf32> to vector<256xf32>
    %slice3A_413 = vector.extract_strided_slice %get3A_197 {offsets = [0, 3072], sizes = [256, 128], strides = [1, 1]} : vector<256x4096xf32> to vector<256x128xf32>
    %swap3A_414 = arith.constant 24 : index
    %swap3A_415 = arith.constant 0 : index
    %swap3A_416 = arith.constant 0 : index
    %swap3A_417 = vector.load %arg4[%swap3A_414, %swap3A_415, %swap3A_416] : memref<32x256x128xf32, #tpu.memory_space<vmem>>, vector<1x256x128xf32>
    %swap3A_418 = vector.shape_cast %swap3A_417 : vector<1x256x128xf32> to vector<256x128xf32>
    %swap3A_419 = vector.shape_cast %slice3A_413 : vector<256x128xf32> to vector<1x256x128xf32>
    tpu.vector_store %arg4[%swap3A_414, %swap3A_415, %swap3A_416], %swap3A_419 {strides = array<i32>} : memref<32x256x128xf32, #tpu.memory_space<vmem>>, vector<1x256x128xf32>,
    %reduce_max3A_420 = arith.constant dense<0xFF800000> : vector<256xf32>
    %reduce_max3A_421 = vector.multi_reduction <maximumf>, %slice3A_413, %reduce_max3A_420 [1] : vector<256x128xf32> to vector<256xf32>
    %slice3A_422 = vector.extract_strided_slice %get3A_197 {offsets = [0, 3200], sizes = [256, 128], strides = [1, 1]} : vector<256x4096xf32> to vector<256x128xf32>
    %swap3A_423 = arith.constant 25 : index
    %swap3A_424 = arith.constant 0 : index
    %swap3A_425 = arith.constant 0 : index
    %swap3A_426 = vector.load %arg4[%swap3A_423, %swap3A_424, %swap3A_425] : memref<32x256x128xf32, #tpu.memory_space<vmem>>, vector<1x256x128xf32>
    %swap3A_427 = vector.shape_cast %swap3A_426 : vector<1x256x128xf32> to vector<256x128xf32>
    %swap3A_428 = vector.shape_cast %slice3A_422 : vector<256x128xf32> to vector<1x256x128xf32>
    tpu.vector_store %arg4[%swap3A_423, %swap3A_424, %swap3A_425], %swap3A_428 {strides = array<i32>} : memref<32x256x128xf32, #tpu.memory_space<vmem>>, vector<1x256x128xf32>,
    %reduce_max3A_429 = arith.constant dense<0xFF800000> : vector<256xf32>
    %reduce_max3A_430 = vector.multi_reduction <maximumf>, %slice3A_422, %reduce_max3A_429 [1] : vector<256x128xf32> to vector<256xf32>
    %slice3A_431 = vector.extract_strided_slice %get3A_197 {offsets = [0, 3328], sizes = [256, 128], strides = [1, 1]} : vector<256x4096xf32> to vector<256x128xf32>
    %swap3A_432 = arith.constant 26 : index
    %swap3A_433 = arith.constant 0 : index
    %swap3A_434 = arith.constant 0 : index
    %swap3A_435 = vector.load %arg4[%swap3A_432, %swap3A_433, %swap3A_434] : memref<32x256x128xf32, #tpu.memory_space<vmem>>, vector<1x256x128xf32>
    %swap3A_436 = vector.shape_cast %swap3A_435 : vector<1x256x128xf32> to vector<256x128xf32>
    %swap3A_437 = vector.shape_cast %slice3A_431 : vector<256x128xf32> to vector<1x256x128xf32>
    tpu.vector_store %arg4[%swap3A_432, %swap3A_433, %swap3A_434], %swap3A_437 {strides = array<i32>} : memref<32x256x128xf32, #tpu.memory_space<vmem>>, vector<1x256x128xf32>,
    %reduce_max3A_438 = arith.constant dense<0xFF800000> : vector<256xf32>
    %reduce_max3A_439 = vector.multi_reduction <maximumf>, %slice3A_431, %reduce_max3A_438 [1] : vector<256x128xf32> to vector<256xf32>
    %slice3A_440 = vector.extract_strided_slice %get3A_197 {offsets = [0, 3456], sizes = [256, 128], strides = [1, 1]} : vector<256x4096xf32> to vector<256x128xf32>
    %swap3A_441 = arith.constant 27 : index
    %swap3A_442 = arith.constant 0 : index
    %swap3A_443 = arith.constant 0 : index
    %swap3A_444 = vector.load %arg4[%swap3A_441, %swap3A_442, %swap3A_443] : memref<32x256x128xf32, #tpu.memory_space<vmem>>, vector<1x256x128xf32>
    %swap3A_445 = vector.shape_cast %swap3A_444 : vector<1x256x128xf32> to vector<256x128xf32>
    %swap3A_446 = vector.shape_cast %slice3A_440 : vector<256x128xf32> to vector<1x256x128xf32>
    tpu.vector_store %arg4[%swap3A_441, %swap3A_442, %swap3A_443], %swap3A_446 {strides = array<i32>} : memref<32x256x128xf32, #tpu.memory_space<vmem>>, vector<1x256x128xf32>,
    %reduce_max3A_447 = arith.constant dense<0xFF800000> : vector<256xf32>
    %reduce_max3A_448 = vector.multi_reduction <maximumf>, %slice3A_440, %reduce_max3A_447 [1] : vector<256x128xf32> to vector<256xf32>
    %slice3A_449 = vector.extract_strided_slice %get3A_197 {offsets = [0, 3584], sizes = [256, 128], strides = [1, 1]} : vector<256x4096xf32> to vector<256x128xf32>
    %swap3A_450 = arith.constant 28 : index
    %swap3A_451 = arith.constant 0 : index
    %swap3A_452 = arith.constant 0 : index
    %swap3A_453 = vector.load %arg4[%swap3A_450, %swap3A_451, %swap3A_452] : memref<32x256x128xf32, #tpu.memory_space<vmem>>, vector<1x256x128xf32>
    %swap3A_454 = vector.shape_cast %swap3A_453 : vector<1x256x128xf32> to vector<256x128xf32>
    %swap3A_455 = vector.shape_cast %slice3A_449 : vector<256x128xf32> to vector<1x256x128xf32>
    tpu.vector_store %arg4[%swap3A_450, %swap3A_451, %swap3A_452], %swap3A_455 {strides = array<i32>} : memref<32x256x128xf32, #tpu.memory_space<vmem>>, vector<1x256x128xf32>,
    %reduce_max3A_456 = arith.constant dense<0xFF800000> : vector<256xf32>
    %reduce_max3A_457 = vector.multi_reduction <maximumf>, %slice3A_449, %reduce_max3A_456 [1] : vector<256x128xf32> to vector<256xf32>
    %slice3A_458 = vector.extract_strided_slice %get3A_197 {offsets = [0, 3712], sizes = [256, 128], strides = [1, 1]} : vector<256x4096xf32> to vector<256x128xf32>
    %swap3A_459 = arith.constant 29 : index
    %swap3A_460 = arith.constant 0 : index
    %swap3A_461 = arith.constant 0 : index
    %swap3A_462 = vector.load %arg4[%swap3A_459, %swap3A_460, %swap3A_461] : memref<32x256x128xf32, #tpu.memory_space<vmem>>, vector<1x256x128xf32>
    %swap3A_463 = vector.shape_cast %swap3A_462 : vector<1x256x128xf32> to vector<256x128xf32>
    %swap3A_464 = vector.shape_cast %slice3A_458 : vector<256x128xf32> to vector<1x256x128xf32>
    tpu.vector_store %arg4[%swap3A_459, %swap3A_460, %swap3A_461], %swap3A_464 {strides = array<i32>} : memref<32x256x128xf32, #tpu.memory_space<vmem>>, vector<1x256x128xf32>,
    %reduce_max3A_465 = arith.constant dense<0xFF800000> : vector<256xf32>
    %reduce_max3A_466 = vector.multi_reduction <maximumf>, %slice3A_458, %reduce_max3A_465 [1] : vector<256x128xf32> to vector<256xf32>
    %slice3A_467 = vector.extract_strided_slice %get3A_197 {offsets = [0, 3840], sizes = [256, 128], strides = [1, 1]} : vector<256x4096xf32> to vector<256x128xf32>
    %swap3A_468 = arith.constant 30 : index
    %swap3A_469 = arith.constant 0 : index
    %swap3A_470 = arith.constant 0 : index
    %swap3A_471 = vector.load %arg4[%swap3A_468, %swap3A_469, %swap3A_470] : memref<32x256x128xf32, #tpu.memory_space<vmem>>, vector<1x256x128xf32>
    %swap3A_472 = vector.shape_cast %swap3A_471 : vector<1x256x128xf32> to vector<256x128xf32>
    %swap3A_473 = vector.shape_cast %slice3A_467 : vector<256x128xf32> to vector<1x256x128xf32>
    tpu.vector_store %arg4[%swap3A_468, %swap3A_469, %swap3A_470], %swap3A_473 {strides = array<i32>} : memref<32x256x128xf32, #tpu.memory_space<vmem>>, vector<1x256x128xf32>,
    %reduce_max3A_474 = arith.constant dense<0xFF800000> : vector<256xf32>
    %reduce_max3A_475 = vector.multi_reduction <maximumf>, %slice3A_467, %reduce_max3A_474 [1] : vector<256x128xf32> to vector<256xf32>
    %slice3A_476 = vector.extract_strided_slice %get3A_197 {offsets = [0, 3968], sizes = [256, 128], strides = [1, 1]} : vector<256x4096xf32> to vector<256x128xf32>
    %swap3A_477 = arith.constant 31 : index
    %swap3A_478 = arith.constant 0 : index
    %swap3A_479 = arith.constant 0 : index
    %swap3A_480 = vector.load %arg4[%swap3A_477, %swap3A_478, %swap3A_479] : memref<32x256x128xf32, #tpu.memory_space<vmem>>, vector<1x256x128xf32>
    %swap3A_481 = vector.shape_cast %swap3A_480 : vector<1x256x128xf32> to vector<256x128xf32>
    %swap3A_482 = vector.shape_cast %slice3A_476 : vector<256x128xf32> to vector<1x256x128xf32>
    tpu.vector_store %arg4[%swap3A_477, %swap3A_478, %swap3A_479], %swap3A_482 {strides = array<i32>} : memref<32x256x128xf32, #tpu.memory_space<vmem>>, vector<1x256x128xf32>,
    %reduce_max3A_483 = arith.constant dense<0xFF800000> : vector<256xf32>
    %reduce_max3A_484 = vector.multi_reduction <maximumf>, %slice3A_476, %reduce_max3A_483 [1] : vector<256x128xf32> to vector<256xf32>
    %stack3A = vector.shape_cast %reduce_max3A_205 : vector<256xf32> to vector<256x1xf32>
    %stack3A_485 = vector.shape_cast %reduce_max3A_214 : vector<256xf32> to vector<256x1xf32>
    %stack3A_486 = vector.shape_cast %reduce_max3A_223 : vector<256xf32> to vector<256x1xf32>
    %stack3A_487 = vector.shape_cast %reduce_max3A_232 : vector<256xf32> to vector<256x1xf32>
    %stack3A_488 = vector.shape_cast %reduce_max3A_241 : vector<256xf32> to vector<256x1xf32>
    %stack3A_489 = vector.shape_cast %reduce_max3A_250 : vector<256xf32> to vector<256x1xf32>
    %stack3A_490 = vector.shape_cast %reduce_max3A_259 : vector<256xf32> to vector<256x1xf32>
    %stack3A_491 = vector.shape_cast %reduce_max3A_268 : vector<256xf32> to vector<256x1xf32>
    %stack3A_492 = vector.shape_cast %reduce_max3A_277 : vector<256xf32> to vector<256x1xf32>
    %stack3A_493 = vector.shape_cast %reduce_max3A_286 : vector<256xf32> to vector<256x1xf32>
    %stack3A_494 = vector.shape_cast %reduce_max3A_295 : vector<256xf32> to vector<256x1xf32>
    %stack3A_495 = vector.shape_cast %reduce_max3A_304 : vector<256xf32> to vector<256x1xf32>
    %stack3A_496 = vector.shape_cast %reduce_max3A_313 : vector<256xf32> to vector<256x1xf32>
    %stack3A_497 = vector.shape_cast %reduce_max3A_322 : vector<256xf32> to vector<256x1xf32>
    %stack3A_498 = vector.shape_cast %reduce_max3A_331 : vector<256xf32> to vector<256x1xf32>
    %stack3A_499 = vector.shape_cast %reduce_max3A_340 : vector<256xf32> to vector<256x1xf32>
    %stack3A_500 = vector.shape_cast %reduce_max3A_349 : vector<256xf32> to vector<256x1xf32>
    %stack3A_501 = vector.shape_cast %reduce_max3A_358 : vector<256xf32> to vector<256x1xf32>
    %stack3A_502 = vector.shape_cast %reduce_max3A_367 : vector<256xf32> to vector<256x1xf32>
    %stack3A_503 = vector.shape_cast %reduce_max3A_376 : vector<256xf32> to vector<256x1xf32>
    %stack3A_504 = vector.shape_cast %reduce_max3A_385 : vector<256xf32> to vector<256x1xf32>
    %stack3A_505 = vector.shape_cast %reduce_max3A_394 : vector<256xf32> to vector<256x1xf32>
    %stack3A_506 = vector.shape_cast %reduce_max3A_403 : vector<256xf32> to vector<256x1xf32>
    %stack3A_507 = vector.shape_cast %reduce_max3A_412 : vector<256xf32> to vector<256x1xf32>
    %stack3A_508 = vector.shape_cast %reduce_max3A_421 : vector<256xf32> to vector<256x1xf32>
    %stack3A_509 = vector.shape_cast %reduce_max3A_430 : vector<256xf32> to vector<256x1xf32>
    %stack3A_510 = vector.shape_cast %reduce_max3A_439 : vector<256xf32> to vector<256x1xf32>
    %stack3A_511 = vector.shape_cast %reduce_max3A_448 : vector<256xf32> to vector<256x1xf32>
    %stack3A_512 = vector.shape_cast %reduce_max3A_457 : vector<256xf32> to vector<256x1xf32>
    %stack3A_513 = vector.shape_cast %reduce_max3A_466 : vector<256xf32> to vector<256x1xf32>
    %stack3A_514 = vector.shape_cast %reduce_max3A_475 : vector<256xf32> to vector<256x1xf32>
    %stack3A_515 = vector.shape_cast %reduce_max3A_484 : vector<256xf32> to vector<256x1xf32>
    %stack3A_516 = tpu.concatenate %stack3A, %stack3A_485, %stack3A_486, %stack3A_487, %stack3A_488, %stack3A_489, %stack3A_490, %stack3A_491, %stack3A_492, %stack3A_493, %stack3A_494, %stack3A_495, %stack3A_496, %stack3A_497, %stack3A_498, %stack3A_499, %stack3A_500, %stack3A_501, %stack3A_502, %stack3A_503, %stack3A_504, %stack3A_505, %stack3A_506, %stack3A_507, %stack3A_508, %stack3A_509, %stack3A_510, %stack3A_511, %stack3A_512, %stack3A_513, %stack3A_514, %stack3A_515 in 1 : vector<256x1xf32>, vector<256x1xf32>, vector<256x1xf32>, vector<256x1xf32>, vector<256x1xf32>, vector<256x1xf32>, vector<256x1xf32>, vector<256x1xf32>, vector<256x1xf32>, vector<256x1xf32>, vector<256x1xf32>, vector<256x1xf32>, vector<256x1xf32>, vector<256x1xf32>, vector<256x1xf32>, vector<256x1xf32>, vector<256x1xf32>, vector<256x1xf32>, vector<256x1xf32>, vector<256x1xf32>, vector<256x1xf32>, vector<256x1xf32>, vector<256x1xf32>, vector<256x1xf32>, vector<256x1xf32>, vector<256x1xf32>, vector<256x1xf32>, vector<256x1xf32>, vector<256x1xf32>, vector<256x1xf32>, vector<256x1xf32>, vector<256x1xf32> -> vector<256x32xf32>
    %iota3A = tpu.iota {dimensions = array<i32: 1>} : vector<256x32xi32>
    %mul3A = arith.constant 256 : i32
    %mul3A_517 = arith.muli %arg0, %mul3A : i32
    %iota3A_518 = tpu.iota {dimensions = array<i32: 1>} : vector<1x256xi32>
    %iota3A_519 = vector.shape_cast %iota3A_518 : vector<1x256xi32> to vector<256xi32>
    %add3A = vector.broadcast %mul3A_517 : i32 to vector<256xi32>
    %add3A_520 = arith.addi %add3A, %iota3A_519 : vector<256xi32>
    %reduce_max3A_521 = arith.constant dense<0xFF800000> : vector<256xf32>
    %reduce_max3A_522 = vector.multi_reduction <maximumf>, %stack3A_516, %reduce_max3A_521 [1] : vector<256x32xf32> to vector<256xf32>
    %broadcast_in_dim3A = vector.shape_cast %reduce_max3A_522 : vector<256xf32> to vector<256x1xf32>
    %eq3A = vector.broadcast %broadcast_in_dim3A : vector<256x1xf32> to vector<256x32xf32>
    %eq3A_523 = arith.cmpf oeq, %stack3A_516, %eq3A : vector<256x32xf32>
    %jit3A = arith.constant 32 : i32
    %broadcast_in_dim3A_524 = vector.broadcast %jit3A : i32 to vector<256x32xi32>
    %select_n3A = arith.select %eq3A_523, %iota3A, %broadcast_in_dim3A_524 : vector<256x32xi1>, vector<256x32xi32>
    %reduce_min3A = arith.constant dense<2147483647> : vector<256xi32>
    %reduce_min3A_525 = vector.multi_reduction <minsi>, %select_n3A, %reduce_min3A [1] : vector<256x32xi32> to vector<256xi32>
    %mul3A_526 = arith.constant 4096 : i32
    %mul3A_527 = vector.broadcast %mul3A_526 : i32 to vector<256xi32>
    %mul3A_528 = arith.muli %reduce_min3A_525, %mul3A_527 : vector<256xi32>
    %add3A_529 = arith.addi %mul3A_528, %add3A_520 : vector<256xi32>
    %swap3A_530 = arith.constant 0 : index
    %swap3A_531 = arith.constant 0 : index
    %swap3A_532 = vector.load %arg5[%swap3A_530, %swap3A_531] : memref<8x256xi32, #tpu.memory_space<vmem>>, vector<1x256xi32>
    %swap3A_533 = vector.shape_cast %swap3A_532 : vector<1x256xi32> to vector<256xi32>
    %swap3A_534 = vector.shape_cast %add3A_529 : vector<256xi32> to vector<1x256xi32>
    tpu.vector_store %arg5[%swap3A_530, %swap3A_531], %swap3A_534 {strides = array<i32>} : memref<8x256xi32, #tpu.memory_space<vmem>>, vector<1x256xi32>,
    %mul3A_535 = arith.constant 128 : i32
    %mul3A_536 = vector.broadcast %mul3A_535 : i32 to vector<256xi32>
    %mul3A_537 = arith.muli %reduce_min3A_525, %mul3A_536 : vector<256xi32>
    %swap3A_538 = arith.constant 0 : index
    %swap3A_539 = arith.constant 0 : index
    %swap3A_540 = vector.load %arg6[%swap3A_538, %swap3A_539] : memref<8x256xi32, #tpu.memory_space<vmem>>, vector<1x256xi32>
    %swap3A_541 = vector.shape_cast %swap3A_540 : vector<1x256xi32> to vector<256xi32>
    %swap3A_542 = vector.shape_cast %mul3A_537 : vector<256xi32> to vector<1x256xi32>
    tpu.vector_store %arg6[%swap3A_538, %swap3A_539], %swap3A_542 {strides = array<i32>} : memref<8x256xi32, #tpu.memory_space<vmem>>, vector<1x256xi32>,
    %broadcast_in_dim3A_543 = vector.shape_cast %reduce_min3A_525 : vector<256xi32> to vector<256x1xi32>
    %eq3A_544 = vector.broadcast %broadcast_in_dim3A_543 : vector<256x1xi32> to vector<256x32xi32>
    %eq3A_545 = arith.cmpi eq, %iota3A, %eq3A_544 : vector<256x32xi32>
    %jit3A_546 = arith.constant 0xFF800000 : f32
    %broadcast_in_dim3A_547 = vector.broadcast %jit3A_546 : f32 to vector<256x32xf32>
    %select_n3A_548 = arith.select %eq3A_545, %broadcast_in_dim3A_547, %stack3A_516 : vector<256x32xi1>, vector<256x32xf32>
    %reduce_max3A_549 = arith.constant dense<0xFF800000> : vector<256xf32>
    %reduce_max3A_550 = vector.multi_reduction <maximumf>, %select_n3A_548, %reduce_max3A_549 [1] : vector<256x32xf32> to vector<256xf32>
    %broadcast_in_dim3A_551 = vector.shape_cast %reduce_max3A_550 : vector<256xf32> to vector<256x1xf32>
    %eq3A_552 = vector.broadcast %broadcast_in_dim3A_551 : vector<256x1xf32> to vector<256x32xf32>
    %eq3A_553 = arith.cmpf oeq, %select_n3A_548, %eq3A_552 : vector<256x32xf32>
    %jit3A_554 = arith.constant 32 : i32
    %broadcast_in_dim3A_555 = vector.broadcast %jit3A_554 : i32 to vector<256x32xi32>
    %select_n3A_556 = arith.select %eq3A_553, %iota3A, %broadcast_in_dim3A_555 : vector<256x32xi1>, vector<256x32xi32>
    %reduce_min3A_557 = arith.constant dense<2147483647> : vector<256xi32>
    %reduce_min3A_558 = vector.multi_reduction <minsi>, %select_n3A_556, %reduce_min3A_557 [1] : vector<256x32xi32> to vector<256xi32>
    %mul3A_559 = arith.constant 4096 : i32
    %mul3A_560 = vector.broadcast %mul3A_559 : i32 to vector<256xi32>
    %mul3A_561 = arith.muli %reduce_min3A_558, %mul3A_560 : vector<256xi32>
    %add3A_562 = arith.addi %mul3A_561, %add3A_520 : vector<256xi32>
    %swap3A_563 = arith.constant 1 : index
    %swap3A_564 = arith.constant 0 : index
    %swap3A_565 = vector.load %arg5[%swap3A_563, %swap3A_564] : memref<8x256xi32, #tpu.memory_space<vmem>>, vector<1x256xi32>
    %swap3A_566 = vector.shape_cast %swap3A_565 : vector<1x256xi32> to vector<256xi32>
    %swap3A_567 = vector.shape_cast %add3A_562 : vector<256xi32> to vector<1x256xi32>
    tpu.vector_store %arg5[%swap3A_563, %swap3A_564], %swap3A_567 {strides = array<i32>} : memref<8x256xi32, #tpu.memory_space<vmem>>, vector<1x256xi32>,
    %mul3A_568 = arith.constant 128 : i32
    %mul3A_569 = vector.broadcast %mul3A_568 : i32 to vector<256xi32>
    %mul3A_570 = arith.muli %reduce_min3A_558, %mul3A_569 : vector<256xi32>
    %swap3A_571 = arith.constant 1 : index
    %swap3A_572 = arith.constant 0 : index
    %swap3A_573 = vector.load %arg6[%swap3A_571, %swap3A_572] : memref<8x256xi32, #tpu.memory_space<vmem>>, vector<1x256xi32>
    %swap3A_574 = vector.shape_cast %swap3A_573 : vector<1x256xi32> to vector<256xi32>
    %swap3A_575 = vector.shape_cast %mul3A_570 : vector<256xi32> to vector<1x256xi32>
    tpu.vector_store %arg6[%swap3A_571, %swap3A_572], %swap3A_575 {strides = array<i32>} : memref<8x256xi32, #tpu.memory_space<vmem>>, vector<1x256xi32>,
    %broadcast_in_dim3A_576 = vector.shape_cast %reduce_min3A_558 : vector<256xi32> to vector<256x1xi32>
    %eq3A_577 = vector.broadcast %broadcast_in_dim3A_576 : vector<256x1xi32> to vector<256x32xi32>
    %eq3A_578 = arith.cmpi eq, %iota3A, %eq3A_577 : vector<256x32xi32>
    %jit3A_579 = arith.constant 0xFF800000 : f32
    %broadcast_in_dim3A_580 = vector.broadcast %jit3A_579 : f32 to vector<256x32xf32>
    %select_n3A_581 = arith.select %eq3A_578, %broadcast_in_dim3A_580, %select_n3A_548 : vector<256x32xi1>, vector<256x32xf32>
    %reduce_max3A_582 = arith.constant dense<0xFF800000> : vector<256xf32>
    %reduce_max3A_583 = vector.multi_reduction <maximumf>, %select_n3A_581, %reduce_max3A_582 [1] : vector<256x32xf32> to vector<256xf32>
    %broadcast_in_dim3A_584 = vector.shape_cast %reduce_max3A_583 : vector<256xf32> to vector<256x1xf32>
    %eq3A_585 = vector.broadcast %broadcast_in_dim3A_584 : vector<256x1xf32> to vector<256x32xf32>
    %eq3A_586 = arith.cmpf oeq, %select_n3A_581, %eq3A_585 : vector<256x32xf32>
    %jit3A_587 = arith.constant 32 : i32
    %broadcast_in_dim3A_588 = vector.broadcast %jit3A_587 : i32 to vector<256x32xi32>
    %select_n3A_589 = arith.select %eq3A_586, %iota3A, %broadcast_in_dim3A_588 : vector<256x32xi1>, vector<256x32xi32>
    %reduce_min3A_590 = arith.constant dense<2147483647> : vector<256xi32>
    %reduce_min3A_591 = vector.multi_reduction <minsi>, %select_n3A_589, %reduce_min3A_590 [1] : vector<256x32xi32> to vector<256xi32>
    %mul3A_592 = arith.constant 4096 : i32
    %mul3A_593 = vector.broadcast %mul3A_592 : i32 to vector<256xi32>
    %mul3A_594 = arith.muli %reduce_min3A_591, %mul3A_593 : vector<256xi32>
    %add3A_595 = arith.addi %mul3A_594, %add3A_520 : vector<256xi32>
    %swap3A_596 = arith.constant 2 : index
    %swap3A_597 = arith.constant 0 : index
    %swap3A_598 = vector.load %arg5[%swap3A_596, %swap3A_597] : memref<8x256xi32, #tpu.memory_space<vmem>>, vector<1x256xi32>
    %swap3A_599 = vector.shape_cast %swap3A_598 : vector<1x256xi32> to vector<256xi32>
    %swap3A_600 = vector.shape_cast %add3A_595 : vector<256xi32> to vector<1x256xi32>
    tpu.vector_store %arg5[%swap3A_596, %swap3A_597], %swap3A_600 {strides = array<i32>} : memref<8x256xi32, #tpu.memory_space<vmem>>, vector<1x256xi32>,
    %mul3A_601 = arith.constant 128 : i32
    %mul3A_602 = vector.broadcast %mul3A_601 : i32 to vector<256xi32>
    %mul3A_603 = arith.muli %reduce_min3A_591, %mul3A_602 : vector<256xi32>
    %swap3A_604 = arith.constant 2 : index
    %swap3A_605 = arith.constant 0 : index
    %swap3A_606 = vector.load %arg6[%swap3A_604, %swap3A_605] : memref<8x256xi32, #tpu.memory_space<vmem>>, vector<1x256xi32>
    %swap3A_607 = vector.shape_cast %swap3A_606 : vector<1x256xi32> to vector<256xi32>
    %swap3A_608 = vector.shape_cast %mul3A_603 : vector<256xi32> to vector<1x256xi32>
    tpu.vector_store %arg6[%swap3A_604, %swap3A_605], %swap3A_608 {strides = array<i32>} : memref<8x256xi32, #tpu.memory_space<vmem>>, vector<1x256xi32>,
    %broadcast_in_dim3A_609 = vector.shape_cast %reduce_min3A_591 : vector<256xi32> to vector<256x1xi32>
    %eq3A_610 = vector.broadcast %broadcast_in_dim3A_609 : vector<256x1xi32> to vector<256x32xi32>
    %eq3A_611 = arith.cmpi eq, %iota3A, %eq3A_610 : vector<256x32xi32>
    %jit3A_612 = arith.constant 0xFF800000 : f32
    %broadcast_in_dim3A_613 = vector.broadcast %jit3A_612 : f32 to vector<256x32xf32>
    %select_n3A_614 = arith.select %eq3A_611, %broadcast_in_dim3A_613, %select_n3A_581 : vector<256x32xi1>, vector<256x32xf32>
    %reduce_max3A_615 = arith.constant dense<0xFF800000> : vector<256xf32>
    %reduce_max3A_616 = vector.multi_reduction <maximumf>, %select_n3A_614, %reduce_max3A_615 [1] : vector<256x32xf32> to vector<256xf32>
    %broadcast_in_dim3A_617 = vector.shape_cast %reduce_max3A_616 : vector<256xf32> to vector<256x1xf32>
    %eq3A_618 = vector.broadcast %broadcast_in_dim3A_617 : vector<256x1xf32> to vector<256x32xf32>
    %eq3A_619 = arith.cmpf oeq, %select_n3A_614, %eq3A_618 : vector<256x32xf32>
    %jit3A_620 = arith.constant 32 : i32
    %broadcast_in_dim3A_621 = vector.broadcast %jit3A_620 : i32 to vector<256x32xi32>
    %select_n3A_622 = arith.select %eq3A_619, %iota3A, %broadcast_in_dim3A_621 : vector<256x32xi1>, vector<256x32xi32>
    %reduce_min3A_623 = arith.constant dense<2147483647> : vector<256xi32>
    %reduce_min3A_624 = vector.multi_reduction <minsi>, %select_n3A_622, %reduce_min3A_623 [1] : vector<256x32xi32> to vector<256xi32>
    %mul3A_625 = arith.constant 4096 : i32
    %mul3A_626 = vector.broadcast %mul3A_625 : i32 to vector<256xi32>
    %mul3A_627 = arith.muli %reduce_min3A_624, %mul3A_626 : vector<256xi32>
    %add3A_628 = arith.addi %mul3A_627, %add3A_520 : vector<256xi32>
    %swap3A_629 = arith.constant 3 : index
    %swap3A_630 = arith.constant 0 : index
    %swap3A_631 = vector.load %arg5[%swap3A_629, %swap3A_630] : memref<8x256xi32, #tpu.memory_space<vmem>>, vector<1x256xi32>
    %swap3A_632 = vector.shape_cast %swap3A_631 : vector<1x256xi32> to vector<256xi32>
    %swap3A_633 = vector.shape_cast %add3A_628 : vector<256xi32> to vector<1x256xi32>
    tpu.vector_store %arg5[%swap3A_629, %swap3A_630], %swap3A_633 {strides = array<i32>} : memref<8x256xi32, #tpu.memory_space<vmem>>, vector<1x256xi32>,
    %mul3A_634 = arith.constant 128 : i32
    %mul3A_635 = vector.broadcast %mul3A_634 : i32 to vector<256xi32>
    %mul3A_636 = arith.muli %reduce_min3A_624, %mul3A_635 : vector<256xi32>
    %swap3A_637 = arith.constant 3 : index
    %swap3A_638 = arith.constant 0 : index
    %swap3A_639 = vector.load %arg6[%swap3A_637, %swap3A_638] : memref<8x256xi32, #tpu.memory_space<vmem>>, vector<1x256xi32>
    %swap3A_640 = vector.shape_cast %swap3A_639 : vector<1x256xi32> to vector<256xi32>
    %swap3A_641 = vector.shape_cast %mul3A_636 : vector<256xi32> to vector<1x256xi32>
    tpu.vector_store %arg6[%swap3A_637, %swap3A_638], %swap3A_641 {strides = array<i32>} : memref<8x256xi32, #tpu.memory_space<vmem>>, vector<1x256xi32>,
    %broadcast_in_dim3A_642 = vector.shape_cast %reduce_min3A_624 : vector<256xi32> to vector<256x1xi32>
    %eq3A_643 = vector.broadcast %broadcast_in_dim3A_642 : vector<256x1xi32> to vector<256x32xi32>
    %eq3A_644 = arith.cmpi eq, %iota3A, %eq3A_643 : vector<256x32xi32>
    %jit3A_645 = arith.constant 0xFF800000 : f32
    %broadcast_in_dim3A_646 = vector.broadcast %jit3A_645 : f32 to vector<256x32xf32>
    %select_n3A_647 = arith.select %eq3A_644, %broadcast_in_dim3A_646, %select_n3A_614 : vector<256x32xi1>, vector<256x32xf32>
    %reduce_max3A_648 = arith.constant dense<0xFF800000> : vector<256xf32>
    %reduce_max3A_649 = vector.multi_reduction <maximumf>, %select_n3A_647, %reduce_max3A_648 [1] : vector<256x32xf32> to vector<256xf32>
    %broadcast_in_dim3A_650 = vector.shape_cast %reduce_max3A_649 : vector<256xf32> to vector<256x1xf32>
    %eq3A_651 = vector.broadcast %broadcast_in_dim3A_650 : vector<256x1xf32> to vector<256x32xf32>
    %eq3A_652 = arith.cmpf oeq, %select_n3A_647, %eq3A_651 : vector<256x32xf32>
    %jit3A_653 = arith.constant 32 : i32
    %broadcast_in_dim3A_654 = vector.broadcast %jit3A_653 : i32 to vector<256x32xi32>
    %select_n3A_655 = arith.select %eq3A_652, %iota3A, %broadcast_in_dim3A_654 : vector<256x32xi1>, vector<256x32xi32>
    %reduce_min3A_656 = arith.constant dense<2147483647> : vector<256xi32>
    %reduce_min3A_657 = vector.multi_reduction <minsi>, %select_n3A_655, %reduce_min3A_656 [1] : vector<256x32xi32> to vector<256xi32>
    %mul3A_658 = arith.constant 4096 : i32
    %mul3A_659 = vector.broadcast %mul3A_658 : i32 to vector<256xi32>
    %mul3A_660 = arith.muli %reduce_min3A_657, %mul3A_659 : vector<256xi32>
    %add3A_661 = arith.addi %mul3A_660, %add3A_520 : vector<256xi32>
    %swap3A_662 = arith.constant 4 : index
    %swap3A_663 = arith.constant 0 : index
    %swap3A_664 = vector.load %arg5[%swap3A_662, %swap3A_663] : memref<8x256xi32, #tpu.memory_space<vmem>>, vector<1x256xi32>
    %swap3A_665 = vector.shape_cast %swap3A_664 : vector<1x256xi32> to vector<256xi32>
    %swap3A_666 = vector.shape_cast %add3A_661 : vector<256xi32> to vector<1x256xi32>
    tpu.vector_store %arg5[%swap3A_662, %swap3A_663], %swap3A_666 {strides = array<i32>} : memref<8x256xi32, #tpu.memory_space<vmem>>, vector<1x256xi32>,
    %mul3A_667 = arith.constant 128 : i32
    %mul3A_668 = vector.broadcast %mul3A_667 : i32 to vector<256xi32>
    %mul3A_669 = arith.muli %reduce_min3A_657, %mul3A_668 : vector<256xi32>
    %swap3A_670 = arith.constant 4 : index
    %swap3A_671 = arith.constant 0 : index
    %swap3A_672 = vector.load %arg6[%swap3A_670, %swap3A_671] : memref<8x256xi32, #tpu.memory_space<vmem>>, vector<1x256xi32>
    %swap3A_673 = vector.shape_cast %swap3A_672 : vector<1x256xi32> to vector<256xi32>
    %swap3A_674 = vector.shape_cast %mul3A_669 : vector<256xi32> to vector<1x256xi32>
    tpu.vector_store %arg6[%swap3A_670, %swap3A_671], %swap3A_674 {strides = array<i32>} : memref<8x256xi32, #tpu.memory_space<vmem>>, vector<1x256xi32>,
    %broadcast_in_dim3A_675 = vector.shape_cast %reduce_min3A_657 : vector<256xi32> to vector<256x1xi32>
    %eq3A_676 = vector.broadcast %broadcast_in_dim3A_675 : vector<256x1xi32> to vector<256x32xi32>
    %eq3A_677 = arith.cmpi eq, %iota3A, %eq3A_676 : vector<256x32xi32>
    %jit3A_678 = arith.constant 0xFF800000 : f32
    %broadcast_in_dim3A_679 = vector.broadcast %jit3A_678 : f32 to vector<256x32xf32>
    %select_n3A_680 = arith.select %eq3A_677, %broadcast_in_dim3A_679, %select_n3A_647 : vector<256x32xi1>, vector<256x32xf32>
    %reduce_max3A_681 = arith.constant dense<0xFF800000> : vector<256xf32>
    %reduce_max3A_682 = vector.multi_reduction <maximumf>, %select_n3A_680, %reduce_max3A_681 [1] : vector<256x32xf32> to vector<256xf32>
    %broadcast_in_dim3A_683 = vector.shape_cast %reduce_max3A_682 : vector<256xf32> to vector<256x1xf32>
    %eq3A_684 = vector.broadcast %broadcast_in_dim3A_683 : vector<256x1xf32> to vector<256x32xf32>
    %eq3A_685 = arith.cmpf oeq, %select_n3A_680, %eq3A_684 : vector<256x32xf32>
    %jit3A_686 = arith.constant 32 : i32
    %broadcast_in_dim3A_687 = vector.broadcast %jit3A_686 : i32 to vector<256x32xi32>
    %select_n3A_688 = arith.select %eq3A_685, %iota3A, %broadcast_in_dim3A_687 : vector<256x32xi1>, vector<256x32xi32>
    %reduce_min3A_689 = arith.constant dense<2147483647> : vector<256xi32>
    %reduce_min3A_690 = vector.multi_reduction <minsi>, %select_n3A_688, %reduce_min3A_689 [1] : vector<256x32xi32> to vector<256xi32>
    %mul3A_691 = arith.constant 4096 : i32
    %mul3A_692 = vector.broadcast %mul3A_691 : i32 to vector<256xi32>
    %mul3A_693 = arith.muli %reduce_min3A_690, %mul3A_692 : vector<256xi32>
    %add3A_694 = arith.addi %mul3A_693, %add3A_520 : vector<256xi32>
    %swap3A_695 = arith.constant 5 : index
    %swap3A_696 = arith.constant 0 : index
    %swap3A_697 = vector.load %arg5[%swap3A_695, %swap3A_696] : memref<8x256xi32, #tpu.memory_space<vmem>>, vector<1x256xi32>
    %swap3A_698 = vector.shape_cast %swap3A_697 : vector<1x256xi32> to vector<256xi32>
    %swap3A_699 = vector.shape_cast %add3A_694 : vector<256xi32> to vector<1x256xi32>
    tpu.vector_store %arg5[%swap3A_695, %swap3A_696], %swap3A_699 {strides = array<i32>} : memref<8x256xi32, #tpu.memory_space<vmem>>, vector<1x256xi32>,
    %mul3A_700 = arith.constant 128 : i32
    %mul3A_701 = vector.broadcast %mul3A_700 : i32 to vector<256xi32>
    %mul3A_702 = arith.muli %reduce_min3A_690, %mul3A_701 : vector<256xi32>
    %swap3A_703 = arith.constant 5 : index
    %swap3A_704 = arith.constant 0 : index
    %swap3A_705 = vector.load %arg6[%swap3A_703, %swap3A_704] : memref<8x256xi32, #tpu.memory_space<vmem>>, vector<1x256xi32>
    %swap3A_706 = vector.shape_cast %swap3A_705 : vector<1x256xi32> to vector<256xi32>
    %swap3A_707 = vector.shape_cast %mul3A_702 : vector<256xi32> to vector<1x256xi32>
    tpu.vector_store %arg6[%swap3A_703, %swap3A_704], %swap3A_707 {strides = array<i32>} : memref<8x256xi32, #tpu.memory_space<vmem>>, vector<1x256xi32>,
    %broadcast_in_dim3A_708 = vector.shape_cast %reduce_min3A_690 : vector<256xi32> to vector<256x1xi32>
    %eq3A_709 = vector.broadcast %broadcast_in_dim3A_708 : vector<256x1xi32> to vector<256x32xi32>
    %eq3A_710 = arith.cmpi eq, %iota3A, %eq3A_709 : vector<256x32xi32>
    %jit3A_711 = arith.constant 0xFF800000 : f32
    %broadcast_in_dim3A_712 = vector.broadcast %jit3A_711 : f32 to vector<256x32xf32>
    %select_n3A_713 = arith.select %eq3A_710, %broadcast_in_dim3A_712, %select_n3A_680 : vector<256x32xi1>, vector<256x32xf32>
    %reduce_max3A_714 = arith.constant dense<0xFF800000> : vector<256xf32>
    %reduce_max3A_715 = vector.multi_reduction <maximumf>, %select_n3A_713, %reduce_max3A_714 [1] : vector<256x32xf32> to vector<256xf32>
    %broadcast_in_dim3A_716 = vector.shape_cast %reduce_max3A_715 : vector<256xf32> to vector<256x1xf32>
    %eq3A_717 = vector.broadcast %broadcast_in_dim3A_716 : vector<256x1xf32> to vector<256x32xf32>
    %eq3A_718 = arith.cmpf oeq, %select_n3A_713, %eq3A_717 : vector<256x32xf32>
    %jit3A_719 = arith.constant 32 : i32
    %broadcast_in_dim3A_720 = vector.broadcast %jit3A_719 : i32 to vector<256x32xi32>
    %select_n3A_721 = arith.select %eq3A_718, %iota3A, %broadcast_in_dim3A_720 : vector<256x32xi1>, vector<256x32xi32>
    %reduce_min3A_722 = arith.constant dense<2147483647> : vector<256xi32>
    %reduce_min3A_723 = vector.multi_reduction <minsi>, %select_n3A_721, %reduce_min3A_722 [1] : vector<256x32xi32> to vector<256xi32>
    %mul3A_724 = arith.constant 4096 : i32
    %mul3A_725 = vector.broadcast %mul3A_724 : i32 to vector<256xi32>
    %mul3A_726 = arith.muli %reduce_min3A_723, %mul3A_725 : vector<256xi32>
    %add3A_727 = arith.addi %mul3A_726, %add3A_520 : vector<256xi32>
    %swap3A_728 = arith.constant 6 : index
    %swap3A_729 = arith.constant 0 : index
    %swap3A_730 = vector.load %arg5[%swap3A_728, %swap3A_729] : memref<8x256xi32, #tpu.memory_space<vmem>>, vector<1x256xi32>
    %swap3A_731 = vector.shape_cast %swap3A_730 : vector<1x256xi32> to vector<256xi32>
    %swap3A_732 = vector.shape_cast %add3A_727 : vector<256xi32> to vector<1x256xi32>
    tpu.vector_store %arg5[%swap3A_728, %swap3A_729], %swap3A_732 {strides = array<i32>} : memref<8x256xi32, #tpu.memory_space<vmem>>, vector<1x256xi32>,
    %mul3A_733 = arith.constant 128 : i32
    %mul3A_734 = vector.broadcast %mul3A_733 : i32 to vector<256xi32>
    %mul3A_735 = arith.muli %reduce_min3A_723, %mul3A_734 : vector<256xi32>
    %swap3A_736 = arith.constant 6 : index
    %swap3A_737 = arith.constant 0 : index
    %swap3A_738 = vector.load %arg6[%swap3A_736, %swap3A_737] : memref<8x256xi32, #tpu.memory_space<vmem>>, vector<1x256xi32>
    %swap3A_739 = vector.shape_cast %swap3A_738 : vector<1x256xi32> to vector<256xi32>
    %swap3A_740 = vector.shape_cast %mul3A_735 : vector<256xi32> to vector<1x256xi32>
    tpu.vector_store %arg6[%swap3A_736, %swap3A_737], %swap3A_740 {strides = array<i32>} : memref<8x256xi32, #tpu.memory_space<vmem>>, vector<1x256xi32>,
    %broadcast_in_dim3A_741 = vector.shape_cast %reduce_min3A_723 : vector<256xi32> to vector<256x1xi32>
    %eq3A_742 = vector.broadcast %broadcast_in_dim3A_741 : vector<256x1xi32> to vector<256x32xi32>
    %eq3A_743 = arith.cmpi eq, %iota3A, %eq3A_742 : vector<256x32xi32>
    %jit3A_744 = arith.constant 0xFF800000 : f32
    %broadcast_in_dim3A_745 = vector.broadcast %jit3A_744 : f32 to vector<256x32xf32>
    %select_n3A_746 = arith.select %eq3A_743, %broadcast_in_dim3A_745, %select_n3A_713 : vector<256x32xi1>, vector<256x32xf32>
    %reduce_max3A_747 = arith.constant dense<0xFF800000> : vector<256xf32>
    %reduce_max3A_748 = vector.multi_reduction <maximumf>, %select_n3A_746, %reduce_max3A_747 [1] : vector<256x32xf32> to vector<256xf32>
    %broadcast_in_dim3A_749 = vector.shape_cast %reduce_max3A_748 : vector<256xf32> to vector<256x1xf32>
    %eq3A_750 = vector.broadcast %broadcast_in_dim3A_749 : vector<256x1xf32> to vector<256x32xf32>
    %eq3A_751 = arith.cmpf oeq, %select_n3A_746, %eq3A_750 : vector<256x32xf32>
    %jit3A_752 = arith.constant 32 : i32
    %broadcast_in_dim3A_753 = vector.broadcast %jit3A_752 : i32 to vector<256x32xi32>
    %select_n3A_754 = arith.select %eq3A_751, %iota3A, %broadcast_in_dim3A_753 : vector<256x32xi1>, vector<256x32xi32>
    %reduce_min3A_755 = arith.constant dense<2147483647> : vector<256xi32>
    %reduce_min3A_756 = vector.multi_reduction <minsi>, %select_n3A_754, %reduce_min3A_755 [1] : vector<256x32xi32> to vector<256xi32>
    %mul3A_757 = arith.constant 4096 : i32
    %mul3A_758 = vector.broadcast %mul3A_757 : i32 to vector<256xi32>
    %mul3A_759 = arith.muli %reduce_min3A_756, %mul3A_758 : vector<256xi32>
    %add3A_760 = arith.addi %mul3A_759, %add3A_520 : vector<256xi32>
    %swap3A_761 = arith.constant 7 : index
    %swap3A_762 = arith.constant 0 : index
    %swap3A_763 = vector.load %arg5[%swap3A_761, %swap3A_762] : memref<8x256xi32, #tpu.memory_space<vmem>>, vector<1x256xi32>
    %swap3A_764 = vector.shape_cast %swap3A_763 : vector<1x256xi32> to vector<256xi32>
    %swap3A_765 = vector.shape_cast %add3A_760 : vector<256xi32> to vector<1x256xi32>
    tpu.vector_store %arg5[%swap3A_761, %swap3A_762], %swap3A_765 {strides = array<i32>} : memref<8x256xi32, #tpu.memory_space<vmem>>, vector<1x256xi32>,
    %mul3A_766 = arith.constant 128 : i32
    %mul3A_767 = vector.broadcast %mul3A_766 : i32 to vector<256xi32>
    %mul3A_768 = arith.muli %reduce_min3A_756, %mul3A_767 : vector<256xi32>
    %swap3A_769 = arith.constant 7 : index
    %swap3A_770 = arith.constant 0 : index
    %swap3A_771 = vector.load %arg6[%swap3A_769, %swap3A_770] : memref<8x256xi32, #tpu.memory_space<vmem>>, vector<1x256xi32>
    %swap3A_772 = vector.shape_cast %swap3A_771 : vector<1x256xi32> to vector<256xi32>
    %swap3A_773 = vector.shape_cast %mul3A_768 : vector<256xi32> to vector<1x256xi32>
    tpu.vector_store %arg6[%swap3A_769, %swap3A_770], %swap3A_773 {strides = array<i32>} : memref<8x256xi32, #tpu.memory_space<vmem>>, vector<1x256xi32>,
    return
  }
  func.func @transform_0(%arg0: i32) -> (i32, i32) {
    %c0_i32 = arith.constant 0 : i32
    %c0_i32_0 = arith.constant 0 : i32
    return %arg0, %c0_i32 : i32, i32
  }
  func.func @transform_1(%arg0: i32) -> (i32, i32, i32) {
    %c0_i32 = arith.constant 0 : i32
    %c0_i32_0 = arith.constant 0 : i32
    %c0_i32_1 = arith.constant 0 : i32
    return %c0_i32, %arg0, %c0_i32_0 : i32, i32, i32
  }
  func.func @transform_2(%arg0: i32) -> (i32, i32, i32) {
    %c0_i32 = arith.constant 0 : i32
    %c0_i32_0 = arith.constant 0 : i32
    %c0_i32_1 = arith.constant 0 : i32
    %c0_i32_2 = arith.constant 0 : i32
    return %c0_i32, %c0_i32_0, %c0_i32_1 : i32, i32, i32
  }
  func.func @transform_3(%arg0: i32) -> (i32, i32, i32) {
    %c0_i32 = arith.constant 0 : i32
    %c0_i32_0 = arith.constant 0 : i32
    %c0_i32_1 = arith.constant 0 : i32
    return %c0_i32, %arg0, %c0_i32_0 : i32, i32, i32
  }
  func.func @transform_4(%arg0: i32) -> (i32, i32) {
    %c0_i32 = arith.constant 0 : i32
    %c0_i32_0 = arith.constant 0 : i32
    return %c0_i32, %arg0 : i32, i32
  }
  func.func @transform_5(%arg0: i32) -> (i32, i32) {
    %c0_i32 = arith.constant 0 : i32
    %c0_i32_0 = arith.constant 0 : i32
    return %c0_i32, %arg0 : i32, i32
  }
  func.func @transform_6(%arg0: i32) -> (i32, i32, i32) {
    %c0_i32 = arith.constant 0 : i32
    %c0_i32_0 = arith.constant 0 : i32
    %c0_i32_1 = arith.constant 0 : i32
    return %c0_i32, %arg0, %c0_i32_0 : i32, i32, i32
  }
}

module attributes {stable_mosaic.version = 14 : i64} {
  func.func @_lambda_(%arg0: i32, %arg1: i32, %arg2: memref<1x8x256x256xf32, #tpu.memory_space<vmem>>, %arg3: memref<256x8xf32, #tpu.memory_space<vmem>>, %arg4: memref<1x256x256xf32, #tpu.memory_space<vmem>>) attributes {dimension_semantics = [#tpu.dimension_semantics<arbitrary>, #tpu.dimension_semantics<arbitrary>], iteration_bounds = array<i64: 2, 16>, scalar_prefetch = 0 : i64, scratch_operands = 0 : i64, tpu.core_type = #tpu.core_type<tc>, window_params = [{transform_indices = @transform_0, window_bounds = array<i64: 1, 8, 256, 256>}, {transform_indices = @transform_1, window_bounds = array<i64: 256, 8>}, {transform_indices = @transform_2, window_bounds = array<i64: 1, 256, 256>}]} {
    %get3A = arith.constant 0 : index
    %get3A_0 = arith.constant 0 : index
    %get3A_1 = vector.load %arg3[%get3A, %get3A_0] : memref<256x8xf32, #tpu.memory_space<vmem>>, vector<256x8xf32>
    %slice3A = vector.extract_strided_slice %get3A_1 {offsets = [0, 0], sizes = [256, 1], strides = [1, 1]} : vector<256x8xf32> to vector<256x1xf32>
    %get3A_2 = arith.constant 0 : index
    %get3A_3 = arith.constant 0 : index
    %get3A_4 = arith.constant 0 : index
    %get3A_5 = arith.constant 0 : index
    %get3A_6 = vector.load %arg2[%get3A_2, %get3A_3, %get3A_4, %get3A_5] : memref<1x8x256x256xf32, #tpu.memory_space<vmem>>, vector<1x1x256x256xf32>
    %get3A_7 = vector.shape_cast %get3A_6 : vector<1x1x256x256xf32> to vector<256x256xf32>
    %mul3A = vector.broadcast %slice3A : vector<256x1xf32> to vector<256x256xf32>
    %mul3A_8 = arith.mulf %mul3A, %get3A_7 : vector<256x256xf32>
    %slice3A_9 = vector.extract_strided_slice %get3A_1 {offsets = [0, 1], sizes = [256, 1], strides = [1, 1]} : vector<256x8xf32> to vector<256x1xf32>
    %get3A_10 = arith.constant 0 : index
    %get3A_11 = arith.constant 1 : index
    %get3A_12 = arith.constant 0 : index
    %get3A_13 = arith.constant 0 : index
    %get3A_14 = vector.load %arg2[%get3A_10, %get3A_11, %get3A_12, %get3A_13] : memref<1x8x256x256xf32, #tpu.memory_space<vmem>>, vector<1x1x256x256xf32>
    %get3A_15 = vector.shape_cast %get3A_14 : vector<1x1x256x256xf32> to vector<256x256xf32>
    %mul3A_16 = vector.broadcast %slice3A_9 : vector<256x1xf32> to vector<256x256xf32>
    %mul3A_17 = arith.mulf %mul3A_16, %get3A_15 : vector<256x256xf32>
    %add3A = arith.addf %mul3A_8, %mul3A_17 : vector<256x256xf32>
    %slice3A_18 = vector.extract_strided_slice %get3A_1 {offsets = [0, 2], sizes = [256, 1], strides = [1, 1]} : vector<256x8xf32> to vector<256x1xf32>
    %get3A_19 = arith.constant 0 : index
    %get3A_20 = arith.constant 2 : index
    %get3A_21 = arith.constant 0 : index
    %get3A_22 = arith.constant 0 : index
    %get3A_23 = vector.load %arg2[%get3A_19, %get3A_20, %get3A_21, %get3A_22] : memref<1x8x256x256xf32, #tpu.memory_space<vmem>>, vector<1x1x256x256xf32>
    %get3A_24 = vector.shape_cast %get3A_23 : vector<1x1x256x256xf32> to vector<256x256xf32>
    %mul3A_25 = vector.broadcast %slice3A_18 : vector<256x1xf32> to vector<256x256xf32>
    %mul3A_26 = arith.mulf %mul3A_25, %get3A_24 : vector<256x256xf32>
    %add3A_27 = arith.addf %add3A, %mul3A_26 : vector<256x256xf32>
    %slice3A_28 = vector.extract_strided_slice %get3A_1 {offsets = [0, 3], sizes = [256, 1], strides = [1, 1]} : vector<256x8xf32> to vector<256x1xf32>
    %get3A_29 = arith.constant 0 : index
    %get3A_30 = arith.constant 3 : index
    %get3A_31 = arith.constant 0 : index
    %get3A_32 = arith.constant 0 : index
    %get3A_33 = vector.load %arg2[%get3A_29, %get3A_30, %get3A_31, %get3A_32] : memref<1x8x256x256xf32, #tpu.memory_space<vmem>>, vector<1x1x256x256xf32>
    %get3A_34 = vector.shape_cast %get3A_33 : vector<1x1x256x256xf32> to vector<256x256xf32>
    %mul3A_35 = vector.broadcast %slice3A_28 : vector<256x1xf32> to vector<256x256xf32>
    %mul3A_36 = arith.mulf %mul3A_35, %get3A_34 : vector<256x256xf32>
    %add3A_37 = arith.addf %add3A_27, %mul3A_36 : vector<256x256xf32>
    %slice3A_38 = vector.extract_strided_slice %get3A_1 {offsets = [0, 4], sizes = [256, 1], strides = [1, 1]} : vector<256x8xf32> to vector<256x1xf32>
    %get3A_39 = arith.constant 0 : index
    %get3A_40 = arith.constant 4 : index
    %get3A_41 = arith.constant 0 : index
    %get3A_42 = arith.constant 0 : index
    %get3A_43 = vector.load %arg2[%get3A_39, %get3A_40, %get3A_41, %get3A_42] : memref<1x8x256x256xf32, #tpu.memory_space<vmem>>, vector<1x1x256x256xf32>
    %get3A_44 = vector.shape_cast %get3A_43 : vector<1x1x256x256xf32> to vector<256x256xf32>
    %mul3A_45 = vector.broadcast %slice3A_38 : vector<256x1xf32> to vector<256x256xf32>
    %mul3A_46 = arith.mulf %mul3A_45, %get3A_44 : vector<256x256xf32>
    %add3A_47 = arith.addf %add3A_37, %mul3A_46 : vector<256x256xf32>
    %slice3A_48 = vector.extract_strided_slice %get3A_1 {offsets = [0, 5], sizes = [256, 1], strides = [1, 1]} : vector<256x8xf32> to vector<256x1xf32>
    %get3A_49 = arith.constant 0 : index
    %get3A_50 = arith.constant 5 : index
    %get3A_51 = arith.constant 0 : index
    %get3A_52 = arith.constant 0 : index
    %get3A_53 = vector.load %arg2[%get3A_49, %get3A_50, %get3A_51, %get3A_52] : memref<1x8x256x256xf32, #tpu.memory_space<vmem>>, vector<1x1x256x256xf32>
    %get3A_54 = vector.shape_cast %get3A_53 : vector<1x1x256x256xf32> to vector<256x256xf32>
    %mul3A_55 = vector.broadcast %slice3A_48 : vector<256x1xf32> to vector<256x256xf32>
    %mul3A_56 = arith.mulf %mul3A_55, %get3A_54 : vector<256x256xf32>
    %add3A_57 = arith.addf %add3A_47, %mul3A_56 : vector<256x256xf32>
    %slice3A_58 = vector.extract_strided_slice %get3A_1 {offsets = [0, 6], sizes = [256, 1], strides = [1, 1]} : vector<256x8xf32> to vector<256x1xf32>
    %get3A_59 = arith.constant 0 : index
    %get3A_60 = arith.constant 6 : index
    %get3A_61 = arith.constant 0 : index
    %get3A_62 = arith.constant 0 : index
    %get3A_63 = vector.load %arg2[%get3A_59, %get3A_60, %get3A_61, %get3A_62] : memref<1x8x256x256xf32, #tpu.memory_space<vmem>>, vector<1x1x256x256xf32>
    %get3A_64 = vector.shape_cast %get3A_63 : vector<1x1x256x256xf32> to vector<256x256xf32>
    %mul3A_65 = vector.broadcast %slice3A_58 : vector<256x1xf32> to vector<256x256xf32>
    %mul3A_66 = arith.mulf %mul3A_65, %get3A_64 : vector<256x256xf32>
    %add3A_67 = arith.addf %add3A_57, %mul3A_66 : vector<256x256xf32>
    %slice3A_68 = vector.extract_strided_slice %get3A_1 {offsets = [0, 7], sizes = [256, 1], strides = [1, 1]} : vector<256x8xf32> to vector<256x1xf32>
    %get3A_69 = arith.constant 0 : index
    %get3A_70 = arith.constant 7 : index
    %get3A_71 = arith.constant 0 : index
    %get3A_72 = arith.constant 0 : index
    %get3A_73 = vector.load %arg2[%get3A_69, %get3A_70, %get3A_71, %get3A_72] : memref<1x8x256x256xf32, #tpu.memory_space<vmem>>, vector<1x1x256x256xf32>
    %get3A_74 = vector.shape_cast %get3A_73 : vector<1x1x256x256xf32> to vector<256x256xf32>
    %mul3A_75 = vector.broadcast %slice3A_68 : vector<256x1xf32> to vector<256x256xf32>
    %mul3A_76 = arith.mulf %mul3A_75, %get3A_74 : vector<256x256xf32>
    %add3A_77 = arith.addf %add3A_67, %mul3A_76 : vector<256x256xf32>
    %swap3A = arith.constant 0 : index
    %swap3A_78 = arith.constant 0 : index
    %swap3A_79 = arith.constant 0 : index
    %swap3A_80 = vector.load %arg4[%swap3A, %swap3A_78, %swap3A_79] : memref<1x256x256xf32, #tpu.memory_space<vmem>>, vector<1x256x256xf32>
    %swap3A_81 = vector.shape_cast %swap3A_80 : vector<1x256x256xf32> to vector<256x256xf32>
    %swap3A_82 = vector.shape_cast %add3A_77 : vector<256x256xf32> to vector<1x256x256xf32>
    tpu.vector_store %arg4[%swap3A, %swap3A_78, %swap3A_79], %swap3A_82 {strides = array<i32>} : memref<1x256x256xf32, #tpu.memory_space<vmem>>, vector<1x256x256xf32>,
    return
  }
  func.func @transform_0(%arg0: i32, %arg1: i32) -> (i32, i32, i32, i32) {
    %c0_i32 = arith.constant 0 : i32
    %c0_i32_0 = arith.constant 0 : i32
    %c0_i32_1 = arith.constant 0 : i32
    return %arg0, %c0_i32, %arg1, %c0_i32_0 : i32, i32, i32, i32
  }
  func.func @transform_1(%arg0: i32, %arg1: i32) -> (i32, i32) {
    %c0_i32 = arith.constant 0 : i32
    %c0_i32_0 = arith.constant 0 : i32
    return %arg1, %c0_i32 : i32, i32
  }
  func.func @transform_2(%arg0: i32, %arg1: i32) -> (i32, i32, i32) {
    %c0_i32 = arith.constant 0 : i32
    %c0_i32_0 = arith.constant 0 : i32
    return %arg0, %arg1, %c0_i32 : i32, i32, i32
  }
}

</mosaic_0001>

<sc_bundles>
// kernel: kernel.10.cloned.1.call-start
scs
__scs_entry_jumppad:
0x0: {  	(pc) =	sbr.rel $0x88, $3  }
0x1: {  	(tag) =	ssettag $0x0;
	lr =	simm.s32 $0x1  }
0x2: {  	[smem:$0x3F9D] =	sst lr;
	_ =	strace $0xD0000000  }
0x3: {  	_ = 	snop  }
0x4: {  	_ = 	snop  }
0x5: {  	_ = 	snop  }
0x6: {  	_ = 	snop  }
0x7: {  	_ = 	snop  }
__scs_overlays_trampoline_lowered:
0x8: {  	[smem:$0x3FAC] =	sst s0  }
0x9: {  	[smem:$0x3FAD] =	sst s1  }
0xa: {  	[smem:$0x3FAE] =	sst s2  }
0xb: {  	[smem:$0x3FAF] =	sst s3  }
0xc: {  	[smem:$0x3FB0] =	sst s4  }
0xd: {  	[smem:$0x3FB1] =	sst s5  }
0xe: {  	[smem:$0x3FB2] =	sst s6  }
0xf: {  	[smem:$0x3FB3] =	sst s7  }
0x10: {  	[smem:$0x3FB4] =	sst s8  }
0x11: {  	[smem:$0x3FB5] =	sst s9;
	s0 =	simm.s32 @!p0 $0x0  }
0x12: {  	s1 =	sld [smem:$0x3F9B];
	s0 =	simm.s32 @p0 $0x1  }
0x13: {  	[smem:$0x3FB6] =	sst s0;
	s0 =	simm.s32 @!p1 $0x0  }
0x14: {  	s2 =	sld [smem:$0x3F9A];
	s0 =	simm.s32 @p1 $0x1  }
0x15: {  	[smem:$0x3FB7] =	sst s0;
	s0 =	simm.s32 @!p2 $0x0  }
0x16: {  	s3 =	sld [smem:$0x3FDB];
	s0 =	simm.s32 @p2 $0x1  }
0x17: {  	s4 =	simm.s32 $0x1BF5;
	[smem:$0x3FB9] =	sst s0  }
0x18: {  	s0 =	sld [smem:$0x3F9C];
	_ =	swait.ge [sflag:s4], $0x0  }
0x19: {  	s7 =	sld [smem:$0x3F9D]  }
0x1a: {  	s8 =	sadd.s32 $0xFFFFE003, lr  }
0x1b: {  	s9 =	sadd.s32 $0xFFFFFEF7, lr;
	s5 =	simm.s32 $0xFFFFFFFF;
	p2 =	slt.u32 s8, $0xFFFFF086  }
0x1c: {  	p1 =	slt.u32 s9, $0xF7A;
	s5 =	simm.s32 @!p2 $0x0  }
0x1d: {  	s5 =	simm.s32 @p1 $0x1;
	p0 =	seq.s32 s7, s2  }
0x1e: {  	s7 =	smul.u32 @!p0 $0xF7A, s2;
	p2 =	seq.s32 @!p0 s5, $0x0  }
0x1f: {  	s9 =	smul.u32 $0xF7A, s1;
	s8 =	simm.s32 @!p0 $0x1BF5;
	p2 =	por !p2, p0  }
0x20: {  	[sflag:s8] =	ssyncset.s32 @!p0 $0xFFFFF086;
	s6 =	sadd.s32 @!p0 s3, s7;
	s7 =	simm.s32 @!p0 $0x108  }
0x21: {  	s3 =	sadd.s32 s3, s9;
	s6 =	sadd.s32 @!p0 $0x88, s6;
	s7 =	simm.s32 @p2 $0x1082  }
0x22: {  	[simem:s7], [sflag:s8] =	dma.local @!p0 [hbm:s6], $0xF7A  }
0x23: {  	s9 =	sor.u32 $0xD0000000, s2;
	s6 =	simm.s32 $0x108;
	_ =	swait.ge @!p0 [sflag:s8], $0x0  }
0x24: {  	s3 =	sadd.s32 $0x88, s3;
	s6 =	simm.s32 @!p1 $0x1082;
	[sflag:s4] =	ssyncset.s32 $0xFFFFF086  }
0x25: {  	[simem:s6], [sflag:s4] =	dma.local [hbm:s3], $0xF7A  }
0x26: {  	[smem:$0x3F9D] =	sst s1;
	(tag) =	ssettag s2;
	_ =	strace s9  }
0x27: {  	s1 =	sld [smem:$0x3FAD]  }
0x28: {  	s2 =	sld [smem:$0x3FAE]  }
0x29: {  	s4 =	sld [smem:$0x3FB0]  }
0x2a: {  	p0 =	seq.s32 s5, $0x0;
	s5 =	sld [smem:$0x3FB1]  }
0x2b: {  	s6 =	sld [smem:$0x3FB2]  }
0x2c: {  	s7 =	sld [smem:$0x3FB3]  }
0x2d: {  	s3 =	simm.s32 $0x108;
	s8 =	sld [smem:$0x3FB4]  }
0x2e: {  	s3 =	simm.s32 @!p0 $0x1082;
	s9 =	sld [smem:$0x3FB5]  }
0x2f: {  	lr =	sadd.s32 s0, s3;
	s0 =	sld [smem:$0x3FAC]  }
0x30: {  	s3 =	sld [smem:$0x3FAF]  }
0x31: {  	[smem:$0x3FB8] =	sst s10  }
0x32: {  	s10 =	sld [smem:$0x3FB6];
	_ =	sdelay $0x3  }
0x33: {  	p0 =	seq.s32 s10, $0x1;
	s10 =	sld [smem:$0x3FB8];
	_ =	sdelay $0x3  }
0x34: {  	[smem:$0x3FB8] =	sst s10  }
0x35: {  	s10 =	sld [smem:$0x3FB7];
	_ =	sdelay $0x3  }
0x36: {  	p1 =	seq.s32 s10, $0x1;
	s10 =	sld [smem:$0x3FB8];
	_ =	sdelay $0x3  }
0x37: {  	[smem:$0x3FB8] =	sst s10  }
0x38: {  	s10 =	sld [smem:$0x3FB9]  }
0x39: {  	_ = 	snop;
	(pc) =	sbr.ind lr, $3  }
0x3a: {  	_ = 	snop  }
0x3b: {  	_ = 	snop  }
0x3c: {  	p2 =	seq.s32 s10, $0x1;
	s10 =	sld [smem:$0x3FB8]  }
0x3d: {  	_ =	shalt  }
0x3e: {  	_ =	shalt  }
0x3f: {  	_ =	shalt  }
0x40: {  	_ =	shalt  }
0x41: {  	_ =	shalt  }
0x42: {  	_ =	shalt  }
0x43: {  	_ =	shalt  }
0x44: {  	_ =	shalt  }
0x45: {  	_ =	shalt  }
0x46: {  	_ =	shalt  }
0x47: {  	_ =	shalt  }
0x48: {  	_ =	shalt  }
0x49: {  	_ =	shalt  }
0x4a: {  	_ =	shalt  }
0x4b: {  	_ =	shalt  }
0x4c: {  	_ =	shalt  }
0x4d: {  	_ =	shalt  }
0x4e: {  	_ =	shalt  }
0x4f: {  	_ =	shalt  }
0x50: {  	_ =	shalt  }
0x51: {  	_ =	shalt  }
0x52: {  	_ =	shalt  }
0x53: {  	_ =	shalt  }
0x54: {  	_ =	shalt  }
0x55: {  	_ =	shalt  }
0x56: {  	_ =	shalt  }
0x57: {  	_ =	shalt  }
0x58: {  	_ =	shalt  }
0x59: {  	_ =	shalt  }
0x5a: {  	_ =	shalt  }
0x5b: {  	_ =	shalt  }
0x5c: {  	_ =	shalt  }
0x5d: {  	_ =	shalt  }
0x5e: {  	_ =	shalt  }
0x5f: {  	_ =	shalt  }
0x60: {  	_ =	shalt  }
0x61: {  	_ =	shalt  }
0x62: {  	_ =	shalt  }
0x63: {  	_ =	shalt  }
0x64: {  	_ =	shalt  }
0x65: {  	_ =	shalt  }
0x66: {  	_ =	shalt  }
0x67: {  	_ =	shalt  }
0x68: {  	_ =	shalt  }
0x69: {  	_ =	shalt  }
0x6a: {  	_ =	shalt  }
0x6b: {  	_ =	shalt  }
0x6c: {  	_ =	shalt  }
0x6d: {  	_ =	shalt  }
0x6e: {  	_ =	shalt  }
0x6f: {  	_ =	shalt  }
0x70: {  	_ =	shalt  }
0x71: {  	_ =	shalt  }
0x72: {  	_ =	shalt  }
0x73: {  	_ =	shalt  }
0x74: {  	_ =	shalt  }
0x75: {  	_ =	shalt  }
0x76: {  	_ =	shalt  }
0x77: {  	_ =	shalt  }
0x78: {  	_ =	shalt  }
0x79: {  	_ =	shalt  }
0x7a: {  	_ =	shalt  }
0x7b: {  	_ =	shalt  }
0x7c: {  	_ =	shalt  }
0x7d: {  	_ =	shalt  }
0x7e: {  	_ =	shalt  }
0x7f: {  	_ =	shalt  }
0x80: {  	_ =	shalt  }
0x81: {  	_ =	shalt  }
0x82: {  	_ =	shalt  }
0x83: {  	_ =	shalt  }
0x84: {  	_ =	shalt  }
0x85: {  	_ =	shalt  }
0x86: {  	_ =	shalt  }
0x87: {  	_ =	shalt  }
.Lfunc_end0:
.L_simem_size_0:
called_computation.1_lowered:
.L_overlay_start_0:
0x88: {  	s2 =	sld [smem:$0x3FD9]  }
0x89: {  	s3 =	sld [smem:$0x3FFE];
	_ =	sdelay $0x1  }
0x8a: {  	s1 =	srdreg.scid  }
0x8b: {  	s0 =	sand.u32 $0x1, s1  }
0x8c: {  	s17 =	sshll.u32 s0, $0xA;
	s2 =	sadd.s32 s3, s2  }
0x8d: {  	s2 =	sadd.s32 s2, s17  }
0x8e: {  	[smem:$0x3FC4] =	sst s2  }
0x8f: {  	_ = 	snop  }
0x90: {  	s2 =	sld [smem:$0x3FD0];
	(tm) =	ssettm $0x1  }
0x91: {  	s18 =	sld [smem:$0x3FFB];
	_ =	sdelay $0x3  }
0x92: {  	_ =	strace s18  }
0x93: {  	s3 =	sld [smem:$0x3FFC];
	_ =	sdelay $0x3  }
0x94: {  	_ =	strace s3  }
0x95: {  	s3 =	sld [smem:$0x3FFD];
	_ =	sdelay $0x3  }
0x96: {  	_ =	strace s3  }
0x97: {  	_ =	strace $0x8FFFFFFF  }
0x98: {  	s19 =	sld [smem:$0x3FDB];
	_ =	sdelay $0x1  }
0x99: {  	s4 =	simm.s32 $_scs_section_size  }
0x9a: {  	s5 =	simm.s32 $_size__tile_overlayer_lowered;
	s6 =	simm.s32 $_tile_overlayer_lowered  }
0x9b: {  	s22 =	simm.s32 $0x1BFF;
	s21 =	sshll.u32 s6, $0x1;
	s3 =	sadd.s32 s4, s19  }
0x9c: {  	s7 =	simm.s32 $0x0;
	s20 =	sshll.u32 s5, $0x1;
	s5 =	sadd.s32 s21, s3  }
0x9d: {  	[timem:s7], [sflag:s22] =	dma.local [hbm:s5], s20  }
0x9e: {  	_ =	swait.ge [sflag:s22], s20  }
0x9f: {  	s4 =	ssub.s32 $0x0, s20;
	[sflag:s22] =	ssyncset.done $0x0  }
0xa0: {  	[sflag:s22] =	ssyncadd.s32 s4;
	_ =	sdelay $0x1  }
0xa1: {  	s23 =	simm.s32 $0x1B8B  }
0xa2: {  	_ =	swait.ge [sflag:s23], $0x1  }
0xa3: {  	[sflag:s23] =	ssyncset.done $0x0  }
0xa4: {  	s25 =	simm.s32 $0x1B8E;
	s24 =	sld [smem:$0x3FFE];
	[sflag:s23] =	ssyncadd.s32 $0xFFFFFFFF  }
0xa5: {  	s26 =	simm.s32 $execute0_lowered;
	[smem:$0x3FD2] =	sst s25  }
0xa6: {  	s5 =	sshll.u32 s26, $0x1;
	_ =	strace $0x80000050;
	[dreg:$0x1] =	wrdreg $0xFFFFFFFF  }
0xa7: {  	s28 =	simm.s32 $_size_execute0_lowered;
	s3 =	sadd.s32 s3, s5;
	[dreg:$0x0] =	wrdreg $0x0  }
0xa8: {  	s5 =	sshll.u32 s28, $0x1;
	[dreg:$0x2] =	wrdreg s3  }
0xa9: {  	[dreg:$0x3] =	wrdreg s5  }
0xaa: {  	[dreg:$0x4] =	wrdreg $0xC0  }
0xab: {  	_ =	task [dreg:s7], $0x5FFFF  }
0xac: {  	[dreg:$0x1] =	wrdreg $0xFFFFFFFF  }
0xad: {  	[dreg:$0x0] =	wrdreg $0x60  }
0xae: {  	[dreg:$0x2] =	wrdreg s24  }
0xaf: {  	[dreg:$0x3] =	wrdreg s2  }
0xb0: {  	[dreg:$0x4] =	wrdreg $0x9  }
0xb1: {  	_ =	task.clear_ibuf [dreg:s7], $0x5FFFF;
	_ =	strace $0x90000050  }
0xb2: {  	s29 =	simm.s32 $0x9;
	_ =	strace $0x80000059  }
0xb3: {  	_ =	swait.ge [sflag:s29], $0x1  }
0xb4: {  	[sflag:s29] =	ssyncadd.s32 $0xFFFFFFFF  }
0xb5: {  	_ =	strace $0x90000059  }
0xb6: {  	_ =	sfence  }
0xb7: {  	s30 =	sld [smem:$0x0];
	_ =	sdelay $0x2  }
0xb8: {  	s31 =	sshll.u32 s1, $0xD;
	s1 =	sshrl.u32 s1, $0x2  }
0xb9: {  	s3 =	sand.u32 $0x4000, s31;
	s1 =	sadd.s32 s1, s30  }
0xba: {  	s0 =	sor.u32 s3, s0;
	s1 =	sshll.u32 s1, $0x11  }
0xbb: {  	s0 =	sor.u32 s1, s0  }
0xbc: {  	s0 =	sadd.s32 $0x8F2B, s0  }
0xbd: {  	[sflag:s0] =	ssyncadd.remote.s32 $0x1  }
0xbe: {  	_ =	sfence.sel $0xFFFF  }
0xbf: {  	[dreg:$0x0] =	wrdreg $0xFFFFFFFF;
	(pc) =	sbr.abs _section_cstart, $3  }
0xc0: {  	[dreg:$0x1] =	wrdreg $0xFFFFFFFF  }
0xc1: {  	_ =	task.clear_ibuf [dreg:s7], $0x2FFFF;
	_ =	strace $0x9FFFFFFF  }
0xc2: {  	(tm) =	ssettm $0x7FFFFFFF  }
0xc3: {  	_ =	shalt  }
tec
execute0_lowered:
.L_overlay_start_1:
0x0: {  	(tag) =	ssettag $0x1  }
0x1: {  	s1 =	srdreg.scid  }
0x2: {  	s0 =	stileid.u32;
	s5 =	sand.u32 $0x1, s1  }
0x3: {  	s6 =	rddreg [dreg:$0x0];
	s2 =	sshll.u32 s0, $0x4;
	s1 =	sshll.u32 s5, $0x8  }
0x4: {  	s3 =	rddreg [dreg:$0x1];
	s28 =	sand.u32 $0x1, s0;
	s1 =	sor.u32 s2, s1  }
0x5: {  	s7 =	simm.s32 $0x1;
	p1 =	seq.s32 s28, $0x1;
	p0 =	seq.s32 s1, $0x0  }
0x6: {  	s4 =	simm.s32 $0x0;
	s11 =	simm.s32 $0x0;
	p0 =	por !p0, !p1  }
0x7: {  	s8 =	sshrl.u32 s0, $0x1;
	[smem:$0x7FF] =	sst s4;
	p0 =	por !p0, !p0  }
0x8: {  	s9 =	sshll.u32 s0, $0xE;
	s29 =	sshll.u32 s5, $0xF;
	s7 =	simm.s32 @!p0 $0x0  }
0x9: {  	s9 =	sand.u32 $0x4000, s9;
	s10 =	ssub.s32 $0x2, s5;
	s7 =	ssub.s32 s8, s7  }
0xa: {  	s5 =	sadd.s32 $0x201400, s6;
	s6 =	sadd.s32 $0x1400, s6;
	s7 =	sshll.u32 s7, $0x7  }
0xb: {  	s2 =	rddreg [dreg:$0x2];
	s30 =	sor.u32 s9, s29;
	s7 =	sand.u32 $0x380, s7  }
0xc: {  	v2 =	vlaneseq.u32;
	_ =	strace $0x80000051;
	s31 =	sshrl.u32 s10, $0x1;
	s7 =	sor.u32 s7, s30  }
0xd: {  	vm0 =	vmmov $0xffff;
	v1 =	vshrl.u32 v2, $0x3;
	s9 =	simm.s32 $0x5;
	s8 =	ssub.s32 s10, s31;
	s7 =	sshrl.u32 s7, $0x3  }
0xe: {  	v0 =	vand.u32 $0x7, v2;
	v2 =	vor.u32 $0x8, v2;
	v1 =	vmul.u32 $0x8, v1;
	s10 =	simm.s32 $0x4;
	s8 =	smax.u32 s8, $0x1;
	s7 =	sadd.s32 s3, s7  }
.LBB2_1:
0xf: {  	_ =	strace $0x80000052;
	s12 =	simm.s32 $0x10  }
0x10: {  	s18 =	simm.s32 $0x0;
	s13 =	simm.s32 $0x0;
	s14 =	simm.s32 $0x0  }
0x11: {  	[tilespmem:s4], [sflag:$0x1] =	stream.linear.gather [hbm4b:s7+s4], $0x80, $0x200038;
	[tilespmem:$0x10100] =	vst v63  }
0x12: {  	s15 =	simm.s32 $0x0;
	s16 =	simm.s32 $0x1;
	_ =	strace $0x90000052  }
.LBB2_2:
0x13: {  	s17 =	sadd.s32 $0x1, s18  }
0x14: {  	s19 =	sadd.s32 s1, s18;
	s24 =	simm.s32 $0x1;
	p0 =	seq.s32 s17, $0x10  }
0x15: {  	s20 =	sshra.s32 s19, $0x1F;
	s23 =	sand.u32 $0xFF, s19;
	p3 =	slt.s32 s19, $0x1  }
0x16: {  	s17 =	simm.s32 @p0 $0x0;
	s21 =	sshrl.u32 s20, $0x1B;
	s20 =	sshrl.u32 s20, $0x18  }
0x17: {  	p1 =	sne.s32 s23, $0x0;
	s23 =	simm.s32 $0x1;
	s22 =	sadd.s32 s1, s17  }
0x18: {  	s21 =	sadd.s32 s21, s19;
	s20 =	sadd.s32 s20, s19;
	p1 =	por !p3, !p1  }
0x19: {  	s28 =	sand.u32 $0xFFFFFFE0, s21;
	s20 =	sshra.s32 s20, $0x8;
	p1 =	por !p1, !p1  }
0x1a: {  	s21 =	sshrl.u32 s21, $0x5;
	s25 =	sshra.s32 s22, $0x1F;
	s31 =	sand.u32 $0xFF, s22  }
0x1b: {  	p4 =	slt.s32 s22, $0x1;
	p2 =	sne.s32 s19, s28;
	s23 =	simm.s32 @!p1 $0x0  }
0x1c: {  	s26 =	sshrl.u32 s25, $0x1B;
	s30 =	sshrl.u32 s25, $0x18;
	p5 =	sne.s32 s31, $0x0  }
0x1d: {  	s25 =	simm.s32 $0x1;
	p0 =	por !p3, !p2;
	s29 =	sadd.s32 s26, s22  }
0x1e: {  	p1 =	por !p4, !p5;
	p0 =	por !p0, !p0;
	s26 =	sand.u32 $0xFFFFFFE0, s29  }
0x1f: {  	p1 =	por !p1, !p1;
	s24 =	simm.s32 @!p0 $0x0;
	p6 =	sne.s32 s22, s26  }
0x20: {  	s26 =	simm.s32 $0x1;
	s24 =	ssub.s32 s21, s24;
	p0 =	por !p4, !p6  }
0x21: {  	s21 =	ssub.s32 s20, s23;
	s23 =	sshrl.u32 s29, $0x5;
	p0 =	por !p0, !p0  }
0x22: {  	s20 =	sand.u32 $0x7, s24;
	s24 =	sadd.s32 s30, s22;
	s25 =	simm.s32 @!p0 $0x0  }
0x23: {  	s26 =	simm.s32 @!p1 $0x0;
	s24 =	sshra.s32 s24, $0x8;
	s23 =	ssub.s32 s23, s25  }
0x24: {  	s22 =	sand.u32 $0x1F, s22;
	s24 =	ssub.s32 s24, s26;
	s23 =	sand.u32 $0x7, s23  }
0x25: {  	s25 =	sand.u32 $0x1F, s19;
	p2 =	sne.s32 s21, s24;
	p3 =	sne.s32 s20, s23  }
0x26: {  	p4 =	sne.s32 s25, s22;
	p0 =	por p2, p3  }
0x27: {  	p5 =	sne.s32 s12, $0x1;
	p0 =	por p4, p0  }
0x28: {  	p1 =	por !p5, !p0  }
0x29: {  	s26 =	sadd.s32 $0xFFFFFFFF, s18;
	p2 =	seq.s32 s18, $0x0;
	p1 =	por !p1, !p1  }
0x2a: {  	s26 =	simm.s32 @p2 $0xF;
	s24 =	sshll.u32 @p1 s24, $0xF;
	s22 =	sshll.u32 @p1 s22, $0xA  }
0x2b: {  	s23 =	sshll.u32 @p1 s23, $0x7;
	_ =	strace @p1 $0x80000053;
	s22 =	sor.u32 @p1 s22, s24  }
0x2c: {  	s28 =	simm.s32 @p1 $0x0;
	s24 =	sadd.s32 s1, s26;
	s22 =	sor.u32 @p1 s23, s22  }
0x2d: {  	s23 =	sand.u32 @p1 $0x1, s16;
	s30 =	sand.u32 $0xFF, s24;
	s22 =	sshrl.u32 @p1 s22, $0x3  }
0x2e: {  	s26 =	sshll.u32 @p1 s23, $0x7;
	s23 =	sadd.s32 @p1 $0x1, s23;
	s22 =	sadd.s32 @p1 s3, s22  }
0x2f: {  	[tilespmem:s26], [sflag:s23] =	stream.linear.gather @p1 [hbm4b:s22+s28], $0x80, $0x200038;
	[tilespmem:$0x10100] =	vst v63  }
0x30: {  	p3 =	slt.s32 s24, $0x1;
	p4 =	sne.s32 s30, $0x0;
	s28 =	sshra.s32 s24, $0x1F  }
0x31: {  	p2 =	seq.s32 s12, $0x10;
	p4 =	por !p3, !p4;
	s22 =	sshrl.u32 s28, $0x1B  }
0x32: {  	p4 =	por !p4, !p4;
	s29 =	sshrl.u32 s28, $0x18;
	s22 =	sadd.s32 s22, s24  }
0x33: {  	s26 =	simm.s32 $0x1;
	s23 =	sadd.s32 s29, s24;
	s31 =	sand.u32 $0xFFFFFFE0, s22  }
0x34: {  	s26 =	simm.s32 @!p4 $0x0;
	s23 =	sshra.s32 s23, $0x8;
	p6 =	sne.s32 s24, s31  }
0x35: {  	s23 =	ssub.s32 s23, s26;
	s24 =	sand.u32 $0x1F, s24;
	p3 =	por !p3, !p6  }
0x36: {  	s26 =	simm.s32 $0x1;
	p4 =	sne.s32 @!p2 s25, s24;
	p3 =	por !p3, !p3  }
0x37: {  	s22 =	sshrl.u32 s22, $0x5;
	s26 =	simm.s32 @!p3 $0x0;
	p3 =	por p2, p4  }
0x38: {  	s22 =	ssub.s32 s22, s26;
	p4 =	sne.s32 @!p3 s21, s23  }
0x39: {  	s21 =	sand.u32 $0x7, s22;
	p3 =	por p3, p4  }
0x3a: {  	p4 =	seq.s32 @!p3 s20, s21  }
0x3b: {  	p3 =	por p3, !p4  }
0x3c: {  	_ =	strace @p1 $0x90000053;
	s20 =	sand.u32 @p3 $0x1, s15  }
0x3d: {  	_ =	strace @p3 $0x80000054;
	s20 =	sadd.s32 @p3 $0x1, s20  }
0x3e: {  	_ =	swait.ge @p3 [sflag:s20], $0x80  }
0x3f: {  	[sflag:s20] =	ssyncset.done @p3 $0x0  }
0x40: {  	[sflag:s20] =	ssyncadd.s32 @p3 $0xFFFFFF80  }
0x41: {  	s29 =	sshll.u32 s15, $0x7;
	_ =	strace @p3 $0x90000054  }
0x42: {  	s23 =	sand.u32 $0x80, s29;
	_ =	strace $0x80000055  }
0x43: {  	v3 =	vld [tilespmem:s23+$0x0];
	_ =	sdelay $0x4  }
0x44: {  	v4 =	vshll.u32 v3, $0x1  }
0x45: {  	v3 =	vand.u32 $0x7, v3;
	v4 =	vand.u32 $0xFFFFFFF0, v4  }
0x46: {  	v3 =	vor.u32 v3, v4  }
0x47: {  	v4 =	vperm.xlane v3, v0;
	_ =	sdelay $0x1  }
0x48: {  	v3 =	vperm.xlane v3, v2;
	v4 =	vadd.s32 v1, v4;
	_ =	sdelay $0x1  }
0x49: {  	s20 =	sand.u32 $0x1, s14;
	v3 =	vadd.s32 v1, v3  }
0x4a: {  	s22 =	sshll.u32 s20, $0xF  }
0x4b: {  	s21 =	sor.u32 $0x100, s22  }
0x4c: {  	[tilespmem:s21], [sflag:$0x5] =	stream.indirect_vreg.gather [hbm4b:s5+s4], $0x80, v4, vm0, $0x2000b8;
	[tilespmem:$0x10100] =	vst v63  }
0x4d: {  	s30 =	sor.u32 $0x900, s22  }
0x4e: {  	[tilespmem:s30], [sflag:$0x5] =	stream.indirect_vreg.gather [hbm4b:s5+s4], $0x80, v3, vm0, $0x2000b8;
	[tilespmem:$0x10100] =	vst v63  }
0x4f: {  	v3 =	vld [tilespmem:s23+$0x10];
	_ =	sdelay $0x4  }
0x50: {  	v57 =	vshll.u32 v3, $0x1  }
0x51: {  	v3 =	vand.u32 $0x7, v3;
	v4 =	vand.u32 $0xFFFFFFF0, v57  }
0x52: {  	v3 =	vor.u32 v3, v4  }
0x53: {  	v4 =	vperm.xlane v3, v0;
	_ =	sdelay $0x1  }
0x54: {  	v3 =	vperm.xlane v3, v2;
	v4 =	vadd.s32 v1, v4;
	_ =	sdelay $0x1  }
0x55: {  	v3 =	vadd.s32 v1, v3;
	_ =	sdelay $0x1  }
0x56: {  	s31 =	sor.u32 $0x1100, s22  }
0x57: {  	[tilespmem:s31], [sflag:$0x5] =	stream.indirect_vreg.gather [hbm4b:s5+s4], $0x80, v4, vm0, $0x2000b8;
	[tilespmem:$0x10100] =	vst v63  }
0x58: {  	s25 =	sor.u32 $0x1900, s22  }
0x59: {  	[tilespmem:s25], [sflag:$0x5] =	stream.indirect_vreg.gather [hbm4b:s5+s4], $0x80, v3, vm0, $0x2000b8;
	[tilespmem:$0x10100] =	vst v63  }
0x5a: {  	v3 =	vld [tilespmem:s23+$0x20];
	_ =	sdelay $0x4  }
0x5b: {  	v58 =	vshll.u32 v3, $0x1  }
0x5c: {  	v3 =	vand.u32 $0x7, v3;
	v4 =	vand.u32 $0xFFFFFFF0, v58  }
0x5d: {  	v3 =	vor.u32 v3, v4  }
0x5e: {  	v4 =	vperm.xlane v3, v0;
	_ =	sdelay $0x1  }
0x5f: {  	v3 =	vperm.xlane v3, v2;
	v4 =	vadd.s32 v1, v4;
	_ =	sdelay $0x1  }
0x60: {  	v3 =	vadd.s32 v1, v3;
	_ =	sdelay $0x1  }
0x61: {  	s26 =	sor.u32 $0x2100, s22  }
0x62: {  	[tilespmem:s26], [sflag:$0x5] =	stream.indirect_vreg.gather [hbm4b:s5+s4], $0x80, v4, vm0, $0x2000b8;
	[tilespmem:$0x10100] =	vst v63  }
0x63: {  	s28 =	sor.u32 $0x2900, s22  }
0x64: {  	[tilespmem:s28], [sflag:$0x5] =	stream.indirect_vreg.gather [hbm4b:s5+s4], $0x80, v3, vm0, $0x2000b8;
	[tilespmem:$0x10100] =	vst v63  }
0x65: {  	v3 =	vld [tilespmem:s23+$0x30];
	_ =	sdelay $0x4  }
0x66: {  	v59 =	vshll.u32 v3, $0x1  }
0x67: {  	v3 =	vand.u32 $0x7, v3;
	v4 =	vand.u32 $0xFFFFFFF0, v59  }
0x68: {  	v3 =	vor.u32 v3, v4  }
0x69: {  	v4 =	vperm.xlane v3, v0;
	_ =	sdelay $0x1  }
0x6a: {  	v3 =	vperm.xlane v3, v2;
	v4 =	vadd.s32 v1, v4;
	_ =	sdelay $0x1  }
0x6b: {  	v3 =	vadd.s32 v1, v3;
	_ =	sdelay $0x1  }
0x6c: {  	s29 =	sor.u32 $0x3100, s22  }
0x6d: {  	[tilespmem:s29], [sflag:$0x5] =	stream.indirect_vreg.gather [hbm4b:s5+s4], $0x80, v4, vm0, $0x2000b8;
	[tilespmem:$0x10100] =	vst v63  }
0x6e: {  	s30 =	sor.u32 $0x3900, s22  }
0x6f: {  	[tilespmem:s30], [sflag:$0x5] =	stream.indirect_vreg.gather [hbm4b:s5+s4], $0x80, v3, vm0, $0x2000b8;
	[tilespmem:$0x10100] =	vst v63  }
0x70: {  	v3 =	vld [tilespmem:s23+$0x40];
	_ =	sdelay $0x4  }
0x71: {  	v60 =	vshll.u32 v3, $0x1  }
0x72: {  	v3 =	vand.u32 $0x7, v3;
	v4 =	vand.u32 $0xFFFFFFF0, v60  }
0x73: {  	v3 =	vor.u32 v3, v4  }
0x74: {  	v4 =	vperm.xlane v3, v0;
	_ =	sdelay $0x1  }
0x75: {  	v3 =	vperm.xlane v3, v2;
	v4 =	vadd.s32 v1, v4;
	_ =	sdelay $0x1  }
0x76: {  	v3 =	vadd.s32 v1, v3;
	_ =	sdelay $0x1  }
0x77: {  	s31 =	sor.u32 $0x4100, s22  }
0x78: {  	[tilespmem:s31], [sflag:$0x5] =	stream.indirect_vreg.gather [hbm4b:s5+s4], $0x80, v4, vm0, $0x2000b8;
	[tilespmem:$0x10100] =	vst v63  }
0x79: {  	s25 =	sor.u32 $0x4900, s22  }
0x7a: {  	[tilespmem:s25], [sflag:$0x5] =	stream.indirect_vreg.gather [hbm4b:s5+s4], $0x80, v3, vm0, $0x2000b8;
	[tilespmem:$0x10100] =	vst v63  }
0x7b: {  	v3 =	vld [tilespmem:s23+$0x50];
	_ =	sdelay $0x4  }
0x7c: {  	v61 =	vshll.u32 v3, $0x1  }
0x7d: {  	v3 =	vand.u32 $0x7, v3;
	v4 =	vand.u32 $0xFFFFFFF0, v61  }
0x7e: {  	v3 =	vor.u32 v3, v4  }
0x7f: {  	v4 =	vperm.xlane v3, v0;
	_ =	sdelay $0x1  }
0x80: {  	v3 =	vperm.xlane v3, v2;
	v4 =	vadd.s32 v1, v4;
	_ =	sdelay $0x1  }
0x81: {  	v3 =	vadd.s32 v1, v3;
	_ =	sdelay $0x1  }
0x82: {  	s26 =	sor.u32 $0x5100, s22  }
0x83: {  	[tilespmem:s26], [sflag:$0x5] =	stream.indirect_vreg.gather [hbm4b:s5+s4], $0x80, v4, vm0, $0x2000b8;
	[tilespmem:$0x10100] =	vst v63  }
0x84: {  	s28 =	sor.u32 $0x5900, s22  }
0x85: {  	[tilespmem:s28], [sflag:$0x5] =	stream.indirect_vreg.gather [hbm4b:s5+s4], $0x80, v3, vm0, $0x2000b8;
	[tilespmem:$0x10100] =	vst v63  }
0x86: {  	v3 =	vld [tilespmem:s23+$0x60];
	_ =	sdelay $0x4  }
0x87: {  	v62 =	vshll.u32 v3, $0x1  }
0x88: {  	v3 =	vand.u32 $0x7, v3;
	v4 =	vand.u32 $0xFFFFFFF0, v62  }
0x89: {  	v3 =	vor.u32 v3, v4  }
0x8a: {  	v4 =	vperm.xlane v3, v0;
	_ =	sdelay $0x1  }
0x8b: {  	v3 =	vperm.xlane v3, v2;
	v4 =	vadd.s32 v1, v4;
	_ =	sdelay $0x1  }
0x8c: {  	v3 =	vadd.s32 v1, v3;
	_ =	sdelay $0x1  }
0x8d: {  	s29 =	sor.u32 $0x6100, s22  }
0x8e: {  	[tilespmem:s29], [sflag:$0x5] =	stream.indirect_vreg.gather [hbm4b:s5+s4], $0x80, v4, vm0, $0x2000b8;
	[tilespmem:$0x10100] =	vst v63  }
0x8f: {  	s30 =	sor.u32 $0x6900, s22  }
0x90: {  	[tilespmem:s30], [sflag:$0x5] =	stream.indirect_vreg.gather [hbm4b:s5+s4], $0x80, v3, vm0, $0x2000b8;
	[tilespmem:$0x10100] =	vst v63  }
0x91: {  	v3 =	vld [tilespmem:s23+$0x70];
	_ =	sdelay $0x4  }
0x92: {  	v63 =	vshll.u32 v3, $0x1  }
0x93: {  	v3 =	vand.u32 $0x7, v3;
	v4 =	vand.u32 $0xFFFFFFF0, v63  }
0x94: {  	v3 =	vor.u32 v3, v4  }
0x95: {  	v4 =	vperm.xlane v3, v0;
	_ =	sdelay $0x1  }
0x96: {  	v3 =	vperm.xlane v3, v2;
	v4 =	vadd.s32 v1, v4;
	_ =	sdelay $0x1  }
0x97: {  	v3 =	vadd.s32 v1, v3;
	_ =	sdelay $0x1  }
0x98: {  	s31 =	sor.u32 $0x7100, s22  }
0x99: {  	[tilespmem:s31], [sflag:$0x5] =	stream.indirect_vreg.gather [hbm4b:s5+s4], $0x80, v4, vm0, $0x2000b8;
	[tilespmem:$0x10100] =	vst v63  }
0x9a: {  	p5 =	seq.s32 s12, $0x1;
	p6 =	sne.s32 s18, s17;
	s22 =	sor.u32 $0x7900, s22  }
0x9b: {  	[tilespmem:s22], [sflag:$0x5] =	stream.indirect_vreg.gather [hbm4b:s5+s4], $0x80, v3, vm0, $0x2000b8;
	[tilespmem:$0x10100] =	vst v63  }
0x9c: {  	p4 =	por p5, p6;
	_ =	swait.ge [sflag:s9], $0x8000  }
0x9d: {  	s18 =	sshll.u32 @p4 s19, $0xC;
	[sflag:s9] =	ssyncset.done $0x0  }
0x9e: {  	s18 =	sand.u32 @p4 $0x1FFFF000, s18;
	[sflag:s9] =	ssyncadd.s32 $0xFFFF8000  }
0x9f: {  	s18 =	sadd.s32 @p4 s6, s18;
	_ =	strace $0x90000055  }
0xa0: {  	s19 =	sadd.s32 @p4 $0x3, s20;
	s20 =	simm.s32 @p4 $0x0;
	_ =	strace @p4 $0x80000056  }
0xa1: {  	[hbm4b:s18+s20] =	stream.linear.scatter @p4 [tilespmem:s21], [sflag:s19], $0x8000, $0x200038;
	[tilespmem:$0x10100] =	vst v63  }
0xa2: {  	s19 =	sand.u32 @!p2 $0x1, s13;
	_ =	strace @p4 $0x90000056  }
0xa3: {  	s19 =	sadd.s32 @!p2 $0x3, s19;
	_ =	strace @!p2 $0x80000057  }
0xa4: {  	p0 =	por p5, p0;
	s18 =	simm.s32 $0x1;
	_ =	swait.ge @!p2 [sflag:s19], $0x8000  }
0xa5: {  	s18 =	simm.s32 @!p1 $0x0;
	p1 =	sne.s32 s12, $0x10;
	[sflag:s19] =	ssyncset.done @!p2 $0x0  }
0xa6: {  	s12 =	sadd.s32 $0xFFFFFFFF, s12;
	[sflag:s19] =	ssyncadd.s32 @!p2 $0xFFFF8000;
	s19 =	simm.s32 $0x1  }
0xa7: {  	s19 =	simm.s32 @!p0 $0x0;
	p0 =	sne.s32 s12, $0x0  }
.Ltmp0:
0xa8: {  	_ = 	snop;
	(pc) =	sbr.rel @p0 .LBB2_2-.Ltmp0, $4  }
0xa9: {  	s20 =	simm.s32 $0x1;
	s16 =	sadd.s32 s18, s16;
	s18 =	simm.s32 $0x1  }
0xaa: {  	s20 =	simm.s32 @!p4 $0x0;
	s18 =	simm.s32 @!p1 $0x0  }
0xab: {  	s14 =	sadd.s32 s20, s14;
	s13 =	sadd.s32 s18, s13  }
0xac: {  	s18 =	smov.u32 s17;
	_ =	strace @!p2 $0x90000057;
	s15 =	sadd.s32 s19, s15  }
0xad: {  	s11 =	sadd.s32 $0x1, s11  }
0xae: {  	p0 =	sne.s32 s11, s8  }
.Ltmp1:
0xaf: {  	_ =	strace $0x80000058;
	(pc) =	sbr.rel @p0 .LBB2_1-.Ltmp1, $4  }
0xb0: {  	_ =	swait.ge [sflag:s10], $0x8000  }
0xb1: {  	[sflag:s10] =	ssyncset.done $0x0  }
0xb2: {  	[sflag:s10] =	ssyncadd.s32 $0xFFFF8000  }
0xb3: {  	_ =	strace $0x90000058  }
0xb4: {  	_ =	sfence.sel $0x180000  }
0xb5: {  	[bflag:$0x0] =	sbarrier.arrive $0xFFFF  }
0xb6: {  	p0 =	sne.s32 s0, $0x0;
	_ =	strace $0x90000051  }
0xb7: {  	s0 =	sadd.s32 @!p0 $0x100000, s2;
	[bflag:$0x2] =	sbarrier.arrive $0xFFFF  }
0xb8: {  	[sflag:s0] =	ssyncadd.tile.s32 @!p0 $0x1;
	_ =	shalt  }
.Lfunc_end2:
_tile_overlayer_lowered:
.L_overlay_start_2:
0xb9: {  	(tag) =	ssettag $0x2  }
0xba: {  	s0 =	rddreg [dreg:$0x0];
	s2 =	stileid.u32  }
0xbb: {  	s1 =	rddreg [dreg:$0x1];
	p0 =	sne.s32 s2, $0x0  }
0xbc: {  	s3 =	rddreg [dreg:$0x2];
	[bflag:$0x3] =	sbarrier.arrive $0xFFFF;
	s2 =	simm.s32 @!p0 $0x1C01  }
0xbd: {  	[timem:s3], [sflag:s2] =	dma.local @!p0 [hbm:s0], s1  }
0xbe: {  	s0 =	simm.s32 @!p0 $0x1  }
0xbf: {  	_ =	swait.ge @!p0 [sflag:s0], s1  }
0xc0: {  	s1 =	ssub.s32 @!p0 $0x0, s1;
	[sflag:s0] =	ssyncset.done @!p0 $0x0  }
0xc1: {  	[sflag:s0] =	ssyncadd.s32 @!p0 s1  }
0xc2: {  	[bflag:$0x3] =	sbarrier.arrive $0xFFFF  }
0xc3: {  	_ =	shalt  }

// kernel: kernel.7.cloned.1.call-start
scs
__scs_entry_jumppad:
0x0: {  	(pc) =	sbr.rel $0x88, $3  }
0x1: {  	(tag) =	ssettag $0x0;
	lr =	simm.s32 $0x1  }
0x2: {  	[smem:$0x3F9D] =	sst lr;
	_ =	strace $0xD0000000  }
0x3: {  	_ = 	snop  }
0x4: {  	_ = 	snop  }
0x5: {  	_ = 	snop  }
0x6: {  	_ = 	snop  }
0x7: {  	_ = 	snop  }
__scs_overlays_trampoline_lowered:
0x8: {  	[smem:$0x3FAC] =	sst s0  }
0x9: {  	[smem:$0x3FAD] =	sst s1  }
0xa: {  	[smem:$0x3FAE] =	sst s2  }
0xb: {  	[smem:$0x3FAF] =	sst s3  }
0xc: {  	[smem:$0x3FB0] =	sst s4  }
0xd: {  	[smem:$0x3FB1] =	sst s5  }
0xe: {  	[smem:$0x3FB2] =	sst s6  }
0xf: {  	[smem:$0x3FB3] =	sst s7  }
0x10: {  	[smem:$0x3FB4] =	sst s8  }
0x11: {  	[smem:$0x3FB5] =	sst s9;
	s0 =	simm.s32 @!p0 $0x0  }
0x12: {  	s1 =	sld [smem:$0x3F9B];
	s0 =	simm.s32 @p0 $0x1  }
0x13: {  	[smem:$0x3FB6] =	sst s0;
	s0 =	simm.s32 @!p1 $0x0  }
0x14: {  	s2 =	sld [smem:$0x3F9A];
	s0 =	simm.s32 @p1 $0x1  }
0x15: {  	[smem:$0x3FB7] =	sst s0;
	s0 =	simm.s32 @!p2 $0x0  }
0x16: {  	s3 =	sld [smem:$0x3FDB];
	s0 =	simm.s32 @p2 $0x1  }
0x17: {  	s4 =	simm.s32 $0x1BF5;
	[smem:$0x3FB9] =	sst s0  }
0x18: {  	s0 =	sld [smem:$0x3F9C];
	_ =	swait.ge [sflag:s4], $0x0  }
0x19: {  	s7 =	sld [smem:$0x3F9D]  }
0x1a: {  	s8 =	sadd.s32 $0xFFFFE003, lr  }
0x1b: {  	s9 =	sadd.s32 $0xFFFFFEF7, lr;
	s5 =	simm.s32 $0xFFFFFFFF;
	p2 =	slt.u32 s8, $0xFFFFF086  }
0x1c: {  	p1 =	slt.u32 s9, $0xF7A;
	s5 =	simm.s32 @!p2 $0x0  }
0x1d: {  	s5 =	simm.s32 @p1 $0x1;
	p0 =	seq.s32 s7, s2  }
0x1e: {  	s7 =	smul.u32 @!p0 $0xF7A, s2;
	p2 =	seq.s32 @!p0 s5, $0x0  }
0x1f: {  	s9 =	smul.u32 $0xF7A, s1;
	s8 =	simm.s32 @!p0 $0x1BF5;
	p2 =	por !p2, p0  }
0x20: {  	[sflag:s8] =	ssyncset.s32 @!p0 $0xFFFFF086;
	s6 =	sadd.s32 @!p0 s3, s7;
	s7 =	simm.s32 @!p0 $0x108  }
0x21: {  	s3 =	sadd.s32 s3, s9;
	s6 =	sadd.s32 @!p0 $0x88, s6;
	s7 =	simm.s32 @p2 $0x1082  }
0x22: {  	[simem:s7], [sflag:s8] =	dma.local @!p0 [hbm:s6], $0xF7A  }
0x23: {  	s9 =	sor.u32 $0xD0000000, s2;
	s6 =	simm.s32 $0x108;
	_ =	swait.ge @!p0 [sflag:s8], $0x0  }
0x24: {  	s3 =	sadd.s32 $0x88, s3;
	s6 =	simm.s32 @!p1 $0x1082;
	[sflag:s4] =	ssyncset.s32 $0xFFFFF086  }
0x25: {  	[simem:s6], [sflag:s4] =	dma.local [hbm:s3], $0xF7A  }
0x26: {  	[smem:$0x3F9D] =	sst s1;
	(tag) =	ssettag s2;
	_ =	strace s9  }
0x27: {  	s1 =	sld [smem:$0x3FAD]  }
0x28: {  	s2 =	sld [smem:$0x3FAE]  }
0x29: {  	s4 =	sld [smem:$0x3FB0]  }
0x2a: {  	p0 =	seq.s32 s5, $0x0;
	s5 =	sld [smem:$0x3FB1]  }
0x2b: {  	s6 =	sld [smem:$0x3FB2]  }
0x2c: {  	s7 =	sld [smem:$0x3FB3]  }
0x2d: {  	s3 =	simm.s32 $0x108;
	s8 =	sld [smem:$0x3FB4]  }
0x2e: {  	s3 =	simm.s32 @!p0 $0x1082;
	s9 =	sld [smem:$0x3FB5]  }
0x2f: {  	lr =	sadd.s32 s0, s3;
	s0 =	sld [smem:$0x3FAC]  }
0x30: {  	s3 =	sld [smem:$0x3FAF]  }
0x31: {  	[smem:$0x3FB8] =	sst s10  }
0x32: {  	s10 =	sld [smem:$0x3FB6];
	_ =	sdelay $0x3  }
0x33: {  	p0 =	seq.s32 s10, $0x1;
	s10 =	sld [smem:$0x3FB8];
	_ =	sdelay $0x3  }
0x34: {  	[smem:$0x3FB8] =	sst s10  }
0x35: {  	s10 =	sld [smem:$0x3FB7];
	_ =	sdelay $0x3  }
0x36: {  	p1 =	seq.s32 s10, $0x1;
	s10 =	sld [smem:$0x3FB8];
	_ =	sdelay $0x3  }
0x37: {  	[smem:$0x3FB8] =	sst s10  }
0x38: {  	s10 =	sld [smem:$0x3FB9]  }
0x39: {  	_ = 	snop;
	(pc) =	sbr.ind lr, $3  }
0x3a: {  	_ = 	snop  }
0x3b: {  	_ = 	snop  }
0x3c: {  	p2 =	seq.s32 s10, $0x1;
	s10 =	sld [smem:$0x3FB8]  }
0x3d: {  	_ =	shalt  }
0x3e: {  	_ =	shalt  }
0x3f: {  	_ =	shalt  }
0x40: {  	_ =	shalt  }
0x41: {  	_ =	shalt  }
0x42: {  	_ =	shalt  }
0x43: {  	_ =	shalt  }
0x44: {  	_ =	shalt  }
0x45: {  	_ =	shalt  }
0x46: {  	_ =	shalt  }
0x47: {  	_ =	shalt  }
0x48: {  	_ =	shalt  }
0x49: {  	_ =	shalt  }
0x4a: {  	_ =	shalt  }
0x4b: {  	_ =	shalt  }
0x4c: {  	_ =	shalt  }
0x4d: {  	_ =	shalt  }
0x4e: {  	_ =	shalt  }
0x4f: {  	_ =	shalt  }
0x50: {  	_ =	shalt  }
0x51: {  	_ =	shalt  }
0x52: {  	_ =	shalt  }
0x53: {  	_ =	shalt  }
0x54: {  	_ =	shalt  }
0x55: {  	_ =	shalt  }
0x56: {  	_ =	shalt  }
0x57: {  	_ =	shalt  }
0x58: {  	_ =	shalt  }
0x59: {  	_ =	shalt  }
0x5a: {  	_ =	shalt  }
0x5b: {  	_ =	shalt  }
0x5c: {  	_ =	shalt  }
0x5d: {  	_ =	shalt  }
0x5e: {  	_ =	shalt  }
0x5f: {  	_ =	shalt  }
0x60: {  	_ =	shalt  }
0x61: {  	_ =	shalt  }
0x62: {  	_ =	shalt  }
0x63: {  	_ =	shalt  }
0x64: {  	_ =	shalt  }
0x65: {  	_ =	shalt  }
0x66: {  	_ =	shalt  }
0x67: {  	_ =	shalt  }
0x68: {  	_ =	shalt  }
0x69: {  	_ =	shalt  }
0x6a: {  	_ =	shalt  }
0x6b: {  	_ =	shalt  }
0x6c: {  	_ =	shalt  }
0x6d: {  	_ =	shalt  }
0x6e: {  	_ =	shalt  }
0x6f: {  	_ =	shalt  }
0x70: {  	_ =	shalt  }
0x71: {  	_ =	shalt  }
0x72: {  	_ =	shalt  }
0x73: {  	_ =	shalt  }
0x74: {  	_ =	shalt  }
0x75: {  	_ =	shalt  }
0x76: {  	_ =	shalt  }
0x77: {  	_ =	shalt  }
0x78: {  	_ =	shalt  }
0x79: {  	_ =	shalt  }
0x7a: {  	_ =	shalt  }
0x7b: {  	_ =	shalt  }
0x7c: {  	_ =	shalt  }
0x7d: {  	_ =	shalt  }
0x7e: {  	_ =	shalt  }
0x7f: {  	_ =	shalt  }
0x80: {  	_ =	shalt  }
0x81: {  	_ =	shalt  }
0x82: {  	_ =	shalt  }
0x83: {  	_ =	shalt  }
0x84: {  	_ =	shalt  }
0x85: {  	_ =	shalt  }
0x86: {  	_ =	shalt  }
0x87: {  	_ =	shalt  }
.Lfunc_end0:
.L_simem_size_0:
called_computation_lowered:
.L_overlay_start_0:
0x88: {  	s2 =	sld [smem:$0x3FD9]  }
0x89: {  	s3 =	sld [smem:$0x3FFE];
	_ =	sdelay $0x1  }
0x8a: {  	s1 =	srdreg.scid  }
0x8b: {  	s0 =	sand.u32 $0x1, s1  }
0x8c: {  	s17 =	sshll.u32 s0, $0xA;
	s2 =	sadd.s32 s3, s2  }
0x8d: {  	s2 =	sadd.s32 s2, s17  }
0x8e: {  	[smem:$0x3FC4] =	sst s2  }
0x8f: {  	_ = 	snop  }
0x90: {  	s2 =	sld [smem:$0x3FD0];
	(tm) =	ssettm $0x1  }
0x91: {  	s18 =	sld [smem:$0x3FFB];
	_ =	sdelay $0x3  }
0x92: {  	_ =	strace s18  }
0x93: {  	s3 =	sld [smem:$0x3FFC];
	_ =	sdelay $0x3  }
0x94: {  	_ =	strace s3  }
0x95: {  	s3 =	sld [smem:$0x3FFD];
	_ =	sdelay $0x3  }
0x96: {  	_ =	strace s3  }
0x97: {  	_ =	strace $0x8FFFFFFF  }
0x98: {  	s19 =	sld [smem:$0x3FDB];
	_ =	sdelay $0x1  }
0x99: {  	s4 =	simm.s32 $_scs_section_size  }
0x9a: {  	s5 =	simm.s32 $_size__tile_overlayer_lowered;
	s6 =	simm.s32 $_tile_overlayer_lowered  }
0x9b: {  	s22 =	simm.s32 $0x1BFF;
	s21 =	sshll.u32 s6, $0x1;
	s3 =	sadd.s32 s4, s19  }
0x9c: {  	s7 =	simm.s32 $0x0;
	s20 =	sshll.u32 s5, $0x1;
	s5 =	sadd.s32 s21, s3  }
0x9d: {  	[timem:s7], [sflag:s22] =	dma.local [hbm:s5], s20  }
0x9e: {  	_ =	swait.ge [sflag:s22], s20  }
0x9f: {  	s4 =	ssub.s32 $0x0, s20;
	[sflag:s22] =	ssyncset.done $0x0  }
0xa0: {  	[sflag:s22] =	ssyncadd.s32 s4;
	_ =	sdelay $0x1  }
0xa1: {  	s23 =	simm.s32 $0x1B8B  }
0xa2: {  	_ =	swait.ge [sflag:s23], $0x1  }
0xa3: {  	[sflag:s23] =	ssyncset.done $0x0  }
0xa4: {  	s25 =	simm.s32 $0x1B8E;
	s24 =	sld [smem:$0x3FFE];
	[sflag:s23] =	ssyncadd.s32 $0xFFFFFFFF  }
0xa5: {  	s26 =	simm.s32 $execute0_lowered;
	[smem:$0x3FD2] =	sst s25  }
0xa6: {  	s5 =	sshll.u32 s26, $0x1;
	_ =	strace $0x80000046;
	[dreg:$0x1] =	wrdreg $0xFFFFFFFF  }
0xa7: {  	s28 =	simm.s32 $_size_execute0_lowered;
	s3 =	sadd.s32 s3, s5;
	[dreg:$0x0] =	wrdreg $0x0  }
0xa8: {  	s5 =	sshll.u32 s28, $0x1;
	[dreg:$0x2] =	wrdreg s3  }
0xa9: {  	[dreg:$0x3] =	wrdreg s5  }
0xaa: {  	[dreg:$0x4] =	wrdreg $0xC0  }
0xab: {  	_ =	task [dreg:s7], $0x5FFFF  }
0xac: {  	[dreg:$0x1] =	wrdreg $0xFFFFFFFF  }
0xad: {  	[dreg:$0x0] =	wrdreg $0x60  }
0xae: {  	[dreg:$0x2] =	wrdreg s24  }
0xaf: {  	[dreg:$0x3] =	wrdreg s2  }
0xb0: {  	[dreg:$0x4] =	wrdreg $0x9  }
0xb1: {  	_ =	task.clear_ibuf [dreg:s7], $0x5FFFF;
	_ =	strace $0x90000046  }
0xb2: {  	s29 =	simm.s32 $0x9;
	_ =	strace $0x8000004F  }
0xb3: {  	_ =	swait.ge [sflag:s29], $0x1  }
0xb4: {  	[sflag:s29] =	ssyncadd.s32 $0xFFFFFFFF  }
0xb5: {  	_ =	strace $0x9000004F  }
0xb6: {  	_ =	sfence  }
0xb7: {  	s30 =	sld [smem:$0x0];
	_ =	sdelay $0x2  }
0xb8: {  	s31 =	sshll.u32 s1, $0xD;
	s1 =	sshrl.u32 s1, $0x2  }
0xb9: {  	s3 =	sand.u32 $0x4000, s31;
	s1 =	sadd.s32 s1, s30  }
0xba: {  	s0 =	sor.u32 s3, s0;
	s1 =	sshll.u32 s1, $0x11  }
0xbb: {  	s0 =	sor.u32 s1, s0  }
0xbc: {  	s0 =	sadd.s32 $0x8F2B, s0  }
0xbd: {  	[sflag:s0] =	ssyncadd.remote.s32 $0x1  }
0xbe: {  	_ =	sfence.sel $0xFFFF  }
0xbf: {  	[dreg:$0x0] =	wrdreg $0xFFFFFFFF;
	(pc) =	sbr.abs _section_cstart, $3  }
0xc0: {  	[dreg:$0x1] =	wrdreg $0xFFFFFFFF  }
0xc1: {  	_ =	task.clear_ibuf [dreg:s7], $0x2FFFF;
	_ =	strace $0x9FFFFFFF  }
0xc2: {  	(tm) =	ssettm $0x7FFFFFFF  }
0xc3: {  	_ =	shalt  }
tec
execute0_lowered:
.L_overlay_start_1:
0x0: {  	(tag) =	ssettag $0x1  }
0x1: {  	s1 =	srdreg.scid  }
0x2: {  	s0 =	stileid.u32;
	s5 =	sand.u32 $0x1, s1  }
0x3: {  	s2 =	sshll.u32 s0, $0x3;
	s1 =	sshll.u32 s5, $0x7  }
0x4: {  	s6 =	sand.u32 $0x18, s2;
	s1 =	sor.u32 s2, s1  }
0x5: {  	s7 =	rddreg [dreg:$0x0];
	p1 =	sne.s32 s6, $0x0;
	p0 =	seq.s32 s1, $0x0  }
0x6: {  	s3 =	rddreg [dreg:$0x1];
	s8 =	simm.s32 $0x1;
	p0 =	por !p0, !p1  }
0x7: {  	s4 =	simm.s32 $0x0;
	s11 =	simm.s32 $0x4;
	p0 =	por !p0, !p0  }
0x8: {  	s12 =	simm.s32 $0x0;
	s9 =	sshrl.u32 s1, $0x5;
	s8 =	simm.s32 @!p0 $0x0  }
0x9: {  	[smem:$0x7FF] =	sst s4;
	s10 =	ssub.s32 $0x2, s5;
	s8 =	ssub.s32 s9, s8  }
0xa: {  	s5 =	sadd.s32 $0x1400, s7;
	s2 =	rddreg [dreg:$0x2];
	s9 =	sshll.u32 s8, $0xC  }
0xb: {  	s6 =	sshll.u32 s6, $0xA;
	s8 =	sshll.u32 s8, $0x7;
	s9 =	sand.u32 $0xFFFF8000, s9  }
0xc: {  	s30 =	sshrl.u32 s10, $0x1;
	s8 =	sand.u32 $0x380, s8;
	s6 =	sor.u32 s6, s9  }
0xd: {  	_ =	strace $0x80000047;
	s9 =	ssub.s32 s10, s30;
	s8 =	sor.u32 s8, s6  }
0xe: {  	s10 =	simm.s32 $0x5;
	s6 =	sadd.s32 $0x401400, s7;
	s31 =	sshrl.u32 s8, $0x3  }
0xf: {  	s8 =	smax.u32 s9, $0x1;
	s9 =	simm.s32 $0x80;
	s7 =	sadd.s32 s3, s31  }
.LBB2_1:
0x10: {  	_ =	strace $0x80000048;
	s13 =	simm.s32 $0x8  }
0x11: {  	s19 =	simm.s32 $0x0;
	s14 =	simm.s32 $0x0;
	s15 =	simm.s32 $0x0  }
0x12: {  	[tilespmem:s4], [sflag:$0x1] =	stream.linear.gather [hbm4b:s7+s4], $0x80, $0x200038;
	[tilespmem:$0x8100] =	vst v63  }
0x13: {  	s16 =	simm.s32 $0x0;
	s17 =	simm.s32 $0x1;
	_ =	strace $0x90000048  }
.LBB2_2:
0x14: {  	s18 =	sadd.s32 $0x1, s19  }
0x15: {  	p0 =	seq.s32 s18, $0x8  }
0x16: {  	s20 =	sadd.s32 s1, s19;
	s18 =	simm.s32 @p0 $0x0  }
0x17: {  	s22 =	sshra.s32 s20, $0x1F;
	s21 =	sadd.s32 s1, s18  }
0x18: {  	s22 =	sshrl.u32 s22, $0x1B;
	s23 =	sshra.s32 s21, $0x1F  }
0x19: {  	s22 =	sadd.s32 s22, s20;
	s23 =	sshrl.u32 s23, $0x1B  }
0x1a: {  	s24 =	sshra.s32 s22, $0x5;
	s22 =	sand.u32 $0xFFFFFFE0, s22;
	s23 =	sadd.s32 s23, s21  }
0x1b: {  	p5 =	slt.s32 s20, $0x1;
	p1 =	sne.s32 s20, s22;
	s26 =	sand.u32 $0xFFFFFFE0, s23  }
0x1c: {  	p6 =	slt.s32 s21, $0x1;
	p0 =	por !p5, !p1;
	p2 =	sne.s32 s21, s26  }
0x1d: {  	s22 =	simm.s32 $0x1;
	p0 =	por !p0, !p0;
	p1 =	por !p6, !p2  }
0x1e: {  	s25 =	simm.s32 $0x1;
	s22 =	simm.s32 @!p0 $0x0;
	p0 =	por !p1, !p1  }
0x1f: {  	s23 =	sshra.s32 s23, $0x5;
	s21 =	sand.u32 $0x1F, s21;
	s25 =	simm.s32 @!p0 $0x0  }
0x20: {  	s22 =	ssub.s32 s24, s22;
	s24 =	sand.u32 $0x1F, s20;
	s23 =	ssub.s32 s23, s25  }
0x21: {  	p3 =	sne.s32 s24, s21;
	p2 =	sne.s32 s22, s23  }
0x22: {  	p4 =	sne.s32 s13, $0x1;
	p0 =	por p3, p2  }
0x23: {  	p1 =	por !p4, !p0  }
0x24: {  	p1 =	por !p1, !p1  }
0x25: {  	s25 =	sadd.s32 $0xFFFFFFFF, s19;
	p2 =	seq.s32 s19, $0x0;
	s26 =	sshll.u32 @p1 s23, $0xC  }
0x26: {  	s21 =	sshll.u32 @p1 s21, $0xA;
	s23 =	sshll.u32 @p1 s23, $0x7;
	s26 =	sand.u32 @p1 $0xFFFF8000, s26  }
0x27: {  	s25 =	simm.s32 @p2 $0x7;
	s23 =	sand.u32 @p1 $0x380, s23;
	s21 =	sor.u32 @p1 s21, s26  }
0x28: {  	s25 =	sadd.s32 s1, s25;
	_ =	strace @p1 $0x80000049;
	s21 =	sor.u32 @p1 s23, s21  }
0x29: {  	s28 =	simm.s32 @p1 $0x0;
	s23 =	sand.u32 @p1 $0x1, s17;
	s21 =	sshrl.u32 @p1 s21, $0x3  }
0x2a: {  	s26 =	sshll.u32 @p1 s23, $0x7;
	s23 =	sadd.s32 @p1 $0x1, s23;
	s21 =	sadd.s32 @p1 s3, s21  }
0x2b: {  	[tilespmem:s26], [sflag:s23] =	stream.linear.gather @p1 [hbm4b:s21+s28], $0x80, $0x200038;
	[tilespmem:$0x8100] =	vst v63  }
0x2c: {  	s28 =	sshra.s32 s25, $0x1F  }
0x2d: {  	s21 =	sshrl.u32 s28, $0x1B  }
0x2e: {  	s21 =	sadd.s32 s21, s25  }
0x2f: {  	s29 =	sand.u32 $0xFFFFFFE0, s21  }
0x30: {  	p3 =	slt.s32 s25, $0x1;
	p4 =	sne.s32 s25, s29  }
0x31: {  	p2 =	seq.s32 s13, $0x8;
	p3 =	por !p3, !p4  }
0x32: {  	s23 =	simm.s32 $0x1;
	s25 =	sand.u32 $0x1F, s25;
	p3 =	por !p3, !p3  }
0x33: {  	s21 =	sshra.s32 s21, $0x5;
	s23 =	simm.s32 @!p3 $0x0;
	p3 =	sne.s32 @!p2 s24, s25  }
0x34: {  	s21 =	ssub.s32 s21, s23;
	p3 =	por p2, p3  }
0x35: {  	p4 =	seq.s32 @!p3 s22, s21  }
0x36: {  	p3 =	por p3, !p4  }
0x37: {  	_ =	strace @p1 $0x90000049;
	s21 =	sand.u32 @p3 $0x1, s16  }
0x38: {  	_ =	strace @p3 $0x8000004A;
	s21 =	sadd.s32 @p3 $0x1, s21  }
0x39: {  	_ =	swait.ge @p3 [sflag:s21], $0x80  }
0x3a: {  	s31 =	sshll.u32 s16, $0x7;
	[sflag:s21] =	ssyncset.done @p3 $0x0  }
0x3b: {  	p5 =	seq.s32 s13, $0x1;
	[sflag:s21] =	ssyncadd.s32 @p3 $0xFFFFFF80;
	s21 =	sand.u32 $0x1, s15  }
0x3c: {  	p6 =	sne.s32 s19, s18;
	_ =	strace @p3 $0x9000004A;
	s30 =	sshll.u32 s21, $0xE  }
0x3d: {  	s23 =	sand.u32 $0x80, s31;
	_ =	strace $0x8000004B;
	s22 =	sor.u32 $0x100, s30  }
0x3e: {  	[tilespmem:s22], [sflag:$0x5] =	stream.indirect.gather [hbm4b:s5+s9], $0x80, s23, s9, $0x2000b8;
	[tilespmem:$0x8100] =	vst v63  }
0x3f: {  	p4 =	por p5, p6;
	_ =	swait.ge [sflag:s10], $0x4000  }
0x40: {  	s19 =	sshll.u32 @p4 s20, $0xB;
	[sflag:s10] =	ssyncset.done $0x0  }
0x41: {  	s19 =	sand.u32 @p4 $0x1FFFF800, s19;
	[sflag:s10] =	ssyncadd.s32 $0xFFFFC000  }
0x42: {  	s19 =	sadd.s32 @p4 s6, s19;
	_ =	strace $0x9000004B  }
0x43: {  	s20 =	sadd.s32 @p4 $0x3, s21;
	s21 =	simm.s32 @p4 $0x0;
	_ =	strace @p4 $0x8000004C  }
0x44: {  	[hbm4b:s19+s21] =	stream.linear.scatter @p4 [tilespmem:s22], [sflag:s20], $0x4000, $0x200038;
	[tilespmem:$0x8100] =	vst v63  }
0x45: {  	s20 =	sand.u32 @!p2 $0x1, s14;
	_ =	strace @p4 $0x9000004C  }
0x46: {  	s20 =	sadd.s32 @!p2 $0x3, s20;
	_ =	strace @!p2 $0x8000004D  }
0x47: {  	p0 =	por p5, p0;
	s19 =	simm.s32 $0x1;
	_ =	swait.ge @!p2 [sflag:s20], $0x4000  }
0x48: {  	s19 =	simm.s32 @!p1 $0x0;
	p1 =	sne.s32 s13, $0x8;
	[sflag:s20] =	ssyncset.done @!p2 $0x0  }
0x49: {  	s13 =	sadd.s32 $0xFFFFFFFF, s13;
	[sflag:s20] =	ssyncadd.s32 @!p2 $0xFFFFC000;
	s20 =	simm.s32 $0x1  }
0x4a: {  	s20 =	simm.s32 @!p0 $0x0;
	p0 =	sne.s32 s13, $0x0  }
.Ltmp0:
0x4b: {  	_ = 	snop;
	(pc) =	sbr.rel @p0 .LBB2_2-.Ltmp0, $4  }
0x4c: {  	s21 =	simm.s32 $0x1;
	s17 =	sadd.s32 s19, s17;
	s19 =	simm.s32 $0x1  }
0x4d: {  	s21 =	simm.s32 @!p4 $0x0;
	s19 =	simm.s32 @!p1 $0x0  }
0x4e: {  	s15 =	sadd.s32 s21, s15;
	s14 =	sadd.s32 s19, s14  }
0x4f: {  	s19 =	smov.u32 s18;
	_ =	strace @!p2 $0x9000004D;
	s16 =	sadd.s32 s20, s16  }
0x50: {  	s12 =	sadd.s32 $0x1, s12  }
0x51: {  	p0 =	sne.s32 s12, s8  }
.Ltmp1:
0x52: {  	_ =	strace $0x8000004E;
	(pc) =	sbr.rel @p0 .LBB2_1-.Ltmp1, $4  }
0x53: {  	_ =	swait.ge [sflag:s11], $0x4000  }
0x54: {  	[sflag:s11] =	ssyncset.done $0x0  }
0x55: {  	[sflag:s11] =	ssyncadd.s32 $0xFFFFC000  }
0x56: {  	_ =	strace $0x9000004E  }
0x57: {  	_ =	sfence.sel $0x180000  }
0x58: {  	[bflag:$0x0] =	sbarrier.arrive $0xFFFF  }
0x59: {  	p0 =	sne.s32 s0, $0x0;
	_ =	strace $0x90000047  }
0x5a: {  	s0 =	sadd.s32 @!p0 $0x100000, s2;
	[bflag:$0x2] =	sbarrier.arrive $0xFFFF  }
0x5b: {  	[sflag:s0] =	ssyncadd.tile.s32 @!p0 $0x1;
	_ =	shalt  }
.Lfunc_end2:
_tile_overlayer_lowered:
.L_overlay_start_2:
0x5c: {  	(tag) =	ssettag $0x2  }
0x5d: {  	s0 =	rddreg [dreg:$0x0];
	s2 =	stileid.u32  }
0x5e: {  	s1 =	rddreg [dreg:$0x1];
	p0 =	sne.s32 s2, $0x0  }
0x5f: {  	s3 =	rddreg [dreg:$0x2];
	[bflag:$0x3] =	sbarrier.arrive $0xFFFF;
	s2 =	simm.s32 @!p0 $0x1C01  }
0x60: {  	[timem:s3], [sflag:s2] =	dma.local @!p0 [hbm:s0], s1  }
0x61: {  	s0 =	simm.s32 @!p0 $0x1  }
0x62: {  	_ =	swait.ge @!p0 [sflag:s0], s1  }
0x63: {  	s1 =	ssub.s32 @!p0 $0x0, s1;
	[sflag:s0] =	ssyncset.done @!p0 $0x0  }
0x64: {  	[sflag:s0] =	ssyncadd.s32 @!p0 s1  }
0x65: {  	[bflag:$0x3] =	sbarrier.arrive $0xFFFF  }
0x66: {  	_ =	shalt  }

</sc_bundles>
